<compile_context>
chip_gen: v7x
topology: tpu7x:2x2x1
jax: 0.10.2.dev20260603
libtpu: 0.0.44.dev20260713+nightly
codegen_flags: <defaults>
</compile_context>

<pallas_src>
import functools
import jax
import jax.numpy as jnp
from jax import lax
from jax.experimental import pallas as pl
from jax.experimental.pallas import tpu as pltpu
from jax.experimental.pallas import tpu_sc as plsc

_EPS = 1e-08
_B, _S, _D = 4, 2048, 768
_NUM_CLASSES_SEEN = 10
_TOP_K = 3
_N_DESC = 5

_SC_BATCH0 = 2
_N_SC_B = _B - _SC_BATCH0
_NW = 32
_WPB = _NW // _N_SC_B
_ROWS_PER_W = _S // _WPB
_SC_CHUNK = 32
_SC_NCHUNK = _ROWS_PER_W // _SC_CHUNK
_VECS = _D // 16

_NSTEPS = _SC_BATCH0


def _sc_body(x_hbm, out_hbm, buf0, buf1, acc, sem0, sem1):
    wid = lax.axis_index("s") * 2 + lax.axis_index("c")
    batch = _SC_BATCH0 + wid // _WPB
    row0 = (wid % _WPB) * _ROWS_PER_W

    bufs = (buf0, buf1)
    sems = (sem0, sem1)

    cps = {}
    for k in range(2):
        cps[k] = pltpu.async_copy(
            x_hbm.at[batch, pl.ds(row0 + k * _SC_CHUNK, _SC_CHUNK)],
            bufs[k], sems[k])

    vals = tuple(jnp.zeros((16,), jnp.float32) for _ in range(_VECS))

    for k in range(_SC_NCHUNK):
        b = k % 2
        cps[k].wait()

        def _row(r, carry, buf=bufs[b]):
            return tuple(carry[j] + buf[r, pl.ds(16 * j, 16)]
                         for j in range(_VECS))

        vals = lax.fori_loop(0, _SC_CHUNK, _row, vals, unroll=2)
        if k + 2 < _SC_NCHUNK:
            cps[k + 2] = pltpu.async_copy(
                x_hbm.at[batch, pl.ds(row0 + (k + 2) * _SC_CHUNK, _SC_CHUNK)],
                bufs[b], sems[b])

    for j in range(_VECS):
        acc[0, pl.ds(16 * j, 16)] = vals[j]

    pltpu.sync_copy(acc, out_hbm.at[pl.ds(wid, 1)])


@functools.partial(
    pl.kernel,
    out_type=jax.ShapeDtypeStruct((_NW, _D), jnp.float32),
    mesh=plsc.VectorSubcoreMesh(core_axis_name="c", subcore_axis_name="s"),
    scratch_types=[
        pltpu.VMEM((_SC_CHUNK, _D), jnp.float32),
        pltpu.VMEM((_SC_CHUNK, _D), jnp.float32),
        pltpu.VMEM((1, _D), jnp.float32),
        pltpu.SemaphoreType.DMA,
        pltpu.SemaphoreType.DMA,
    ],
)
def _sc_partial_sums(x_hbm, out_hbm, buf0, buf1, acc, sem0, sem1):
    _sc_body(x_hbm, out_hbm, buf0, buf1, acc, sem0, sem1)


def _tc_main_body(x_ref, desc_ref, w_ref, sums_ref, dp_ref):
    i = pl.program_id(0)
    partial = jnp.sum(x_ref[0], axis=0, keepdims=True)
    sums_ref[pl.ds(i, 1), :] = partial

    @pl.when(i == 0)
    def _dprime():
        dp_ref[0:_N_DESC, :] = jax.lax.dot_general(
            desc_ref[...], w_ref[...], (((1,), (1,)), ((), ())),
            preferred_element_type=jnp.float32)


def _tc_tail_body(sums_ref, sc_ref, dp_ref, ck_ref, g_ref, b_ref, t_ref,
                  out_ref):
    parts = [sums_ref[0:_SC_BATCH0, :]]
    for sb in range(_N_SC_B):
        parts.append(jnp.sum(sc_ref[sb * _WPB:(sb + 1) * _WPB, :],
                             axis=0, keepdims=True))
    total = jnp.concatenate(parts, axis=0)

    mean = total * (1.0 / _S)
    xnorm = jnp.sqrt(jnp.sum(mean * mean, axis=1, keepdims=True))
    xn = mean / jnp.maximum(xnorm, _EPS)

    ck = ck_ref[0:_NUM_CLASSES_SEEN, :]
    cknorm = jnp.sqrt(jnp.sum(ck * ck, axis=1, keepdims=True))
    ckn = ck / jnp.maximum(cknorm, _EPS)

    sims = jax.lax.dot_general(
        xn, ckn, (((1,), (1,)), ((), ())),
        preferred_element_type=jnp.float32)

    t = t_ref[0]

    col = jax.lax.broadcasted_iota(jnp.int32, (_B, _NUM_CLASSES_SEEN), 1)
    s = sims
    vals = []
    idxs = []
    for _ in range(_TOP_K):
        m = jnp.max(s, axis=1, keepdims=True)
        idx = jnp.min(jnp.where(s >= m, col, _NUM_CLASSES_SEEN + 1),
                      axis=1, keepdims=True)
        vals.append(m)
        idxs.append(idx)
        s = jnp.where(col == idx, -jnp.inf, s)

    exps = [jnp.exp((v - vals[0]) * t) for v in vals]
    denom = exps[0] + exps[1] + exps[2]
    ws = [e / denom for e in exps]

    dcol = jax.lax.broadcasted_iota(jnp.int32, (_B, _N_DESC), 1)
    dw = jnp.zeros((_B, _N_DESC), jnp.float32)
    for k in range(_TOP_K):
        didx = jax.lax.rem(idxs[k], _N_DESC)
        dw = dw + jnp.where(dcol == didx, ws[k], 0.0)

    proj = jax.lax.dot_general(
        dw, dp_ref[0:_N_DESC, :], (((1,), (0,)), ((), ())),
        preferred_element_type=jnp.float32)

    mu = jnp.mean(proj, axis=1, keepdims=True)
    ctr = proj - mu
    var = jnp.mean(ctr * ctr, axis=1, keepdims=True)
    ln = (ctr * jax.lax.rsqrt(var + 1e-05) * g_ref[...].reshape(1, _D)
          + b_ref[...].reshape(1, _D))

    out_ref[:, 0, :] = ln


@jax.jit
def kernel(x_embed, prompt_key, task_key, desc_emb, W_proj, ln_gamma,
           ln_beta, temperature):
    del task_key

    sc_part = _sc_partial_sums(x_embed)

    sums, dp = pl.pallas_call(
        _tc_main_body,
        grid=(_NSTEPS,),
        in_specs=[
            pl.BlockSpec((1, _S, _D), lambda i: (i, 0, 0)),
            pl.BlockSpec((_N_DESC, _D), lambda i: (0, 0)),
            pl.BlockSpec((_D, _D), lambda i: (0, 0)),
        ],
        out_specs=[pl.BlockSpec((8, _D), lambda i: (0, 0)),
                   pl.BlockSpec((8, _D), lambda i: (0, 0))],
        out_shape=[jax.ShapeDtypeStruct((8, _D), jnp.float32),
                   jax.ShapeDtypeStruct((8, _D), jnp.float32)],
    )(x_embed, desc_emb, W_proj)

    out = pl.pallas_call(
        _tc_tail_body,
        in_specs=[
            pl.BlockSpec((8, _D), lambda: (0, 0)),
            pl.BlockSpec((_NW, _D), lambda: (0, 0)),
            pl.BlockSpec((8, _D), lambda: (0, 0)),
            pl.BlockSpec((100, _D), lambda: (0, 0)),
            pl.BlockSpec((_D,), lambda: (0,)),
            pl.BlockSpec((_D,), lambda: (0,)),
            pl.BlockSpec(memory_space=pltpu.SMEM),
        ],
        out_specs=pl.BlockSpec((_B, 1, _D), lambda: (0, 0, 0)),
        out_shape=jax.ShapeDtypeStruct((_B, 1, _D), jnp.float32),
    )(sums, sc_part, dp, prompt_key, ln_gamma, ln_beta, temperature)
    return out

# --- scband reference (transcript-rebuilt; emitter-appended) ---
"""Pipeline reference for scband-lprompt-29738353558130 (READ-ONLY COPY).

The authoritative reference and input builder live on the scoring server;
editing this copy changes nothing except your own understanding.
"""

import jax, jax.numpy as jnp
import numpy as np

EPS = 1e-08

def l2_normalize(x, axis=-1):
    # torch F.normalize: x / max(||x||_2, eps)
    n = jnp.sqrt(jnp.sum(x * x, axis=axis, keepdims=True))
    return x / jnp.maximum(n, EPS)

def layernorm(x, gamma, beta, eps=1e-05):
    mu = jnp.mean(x, axis=-1, keepdims=True)
    var = jnp.var(x, axis=-1, keepdims=True)
    return (x - mu) / jnp.sqrt(var + eps) * gamma + beta

def setup_inputs(seed: int = 0) -> dict:
    key = jax.random.key(seed)
    ks = jax.random.split(key, 8)
    B, S, D = 4, 2048, 768
    num_classes, num_tasks, n_desc = 100, 10, 5
    x_embed = jax.random.normal(ks[0], (B, S, D), dtype=jnp.float32)
    prompt_key = jax.random.uniform(ks[1], (num_classes, D), minval=-0.5, maxval=0.5, dtype=jnp.float32)
    task_key = jax.random.uniform(ks[2], (num_tasks, D), minval=-0.5, maxval=0.5, dtype=jnp.float32)
    # projected descriptor embeddings for task 0 (as produced by add_task's text_proj)
    desc_emb = jax.random.normal(ks[3], (n_desc, D), dtype=jnp.float32) * 0.05
    # prompt_proj = Linear(D, D, bias=False) -> LayerNorm(D) -> Dropout (identity in eval)
    W_proj = jax.random.normal(ks[4], (D, D), dtype=jnp.float32) * (1.0 / np.sqrt(D))
    ln_gamma = jnp.ones((D,), dtype=jnp.float32)
    ln_beta = jnp.zeros((D,), dtype=jnp.float32)
    temperature = jnp.ones((1,), dtype=jnp.float32) * 10.0
    return {"x_embed": x_embed, "prompt_key": prompt_key, "task_key": task_key,
            "desc_emb": desc_emb, "W_proj": W_proj, "ln_gamma": ln_gamma,
            "ln_beta": ln_beta, "temperature": temperature}

def reference(x_embed, prompt_key, task_key, desc_emb, W_proj, ln_gamma, ln_beta, temperature):
    # Eval-mode forward with one registered task:
    # task_boundaries = [(0, 10, 0, 5)], numclasses_per_task = 10, top_k_l = 3
    top_k_l = 3
    n_tasks_seen = 1
    max_seen_class = 10
    n_desc = desc_emb.shape[0]
    # embedding_key == 'mean'
    x_embed_mean = jnp.mean(x_embed, axis=1)
    x_embed_norm = l2_normalize(x_embed_mean, axis=-1)
    # predict_task (eval path): argmax over seen task keys, then batch mode
    task_keys_norm = l2_normalize(task_key[:n_tasks_seen], axis=-1)
    task_sims = jnp.matmul(x_embed_norm, task_keys_norm.T) * temperature
    pred_tasks = jnp.argmax(task_sims, axis=1)
    pred_task_id = jnp.argmax(jnp.bincount(pred_tasks, length=n_tasks_seen))  # == 0 with one task
    # class keys up to max seen class
    class_keys = prompt_key[:max_seen_class]
    class_keys_norm = l2_normalize(class_keys, axis=-1)
    class_similarities = jnp.matmul(x_embed_norm, class_keys_norm.T)
    actual_k = min(top_k_l, max_seen_class, 3)  # end_prompt - start_prompt = min(5, 0+3) = 3
    top_k_sim, top_k_idx = jax.lax.top_k(class_similarities, actual_k)
    top_k_weights = jax.nn.softmax(top_k_sim * temperature, axis=1)
    # gather descriptors for predicted task and form weighted prompt
    selected_desc_idx = top_k_idx % n_desc
    selected_desc = desc_emb[selected_desc_idx]  # [B, k, D]
    weighted_prompts = jnp.sum(selected_desc * top_k_weights[..., None], axis=1)  # [B, D]
    # prompt_proj: Linear(no bias) -> LayerNorm -> Dropout(eval identity), on [B, 1, D]
    proj = jnp.matmul(weighted_prompts[:, None, :], W_proj.T)
    batched_prompt = layernorm(proj, ln_gamma, ln_beta)
    return batched_prompt

if __name__ == "__main__":
    import jax
    _d = setup_inputs()
    print(jax.jit(kernel)(*tuple(_d.values())))

</pallas_src>

<mosaic_0001>
#map = affine_map<(d0, d1) -> (0, 0, 0)>
#map1 = affine_map<(d0, d1) -> (0, 0)>
module attributes {stable_mosaic.version = 14 : i64} {
  func.func @_sc_partial_sums(%arg0: i32, %arg1: i32, %arg2: memref<4x2048x768xf32, #tpu.memory_space<hbm>>, %arg3: memref<32x768xf32, #tpu.memory_space<hbm>>, %arg4: memref<32x768xf32, #tpu.memory_space<vmem>>, %arg5: memref<32x768xf32, #tpu.memory_space<vmem>>, %arg6: memref<1x768xf32, #tpu.memory_space<vmem>>, %arg7: memref<!tpu.dma_semaphore, #tpu.memory_space<semaphore_mem>>, %arg8: memref<!tpu.dma_semaphore, #tpu.memory_space<semaphore_mem>>) attributes {dimension_semantics = [#tpu.dimension_semantics<core_parallel>, #tpu.dimension_semantics<subcore_parallel>], iteration_bounds = array<i64: 2, 16>, scalar_prefetch = 0 : i64, scratch_operands = 5 : i64, tpu.core_type = #tpu.core_type<sc_vector_subcore>, window_params = [{transform_indices = #map}, {transform_indices = #map1}]} {
    %mul3A = arith.constant 2 : i32
    %mul3A_0 = arith.muli %arg1, %mul3A : i32
    %add3A = arith.addi %mul3A_0, %arg0 : i32
    %jit3A = arith.constant 16 : i32
    %div3A = arith.divsi %add3A, %jit3A : i32
    %sign3A = arith.constant 0 : i32
    %sign3A_1 = arith.cmpi sgt, %add3A, %sign3A : i32
    %sign3A_2 = arith.extui %sign3A_1 : i1 to i32
    %sign3A_3 = arith.constant 0 : i32
    %sign3A_4 = arith.cmpi slt, %add3A, %sign3A_3 : i32
    %sign3A_5 = arith.extui %sign3A_4 : i1 to i32
    %sign3A_6 = arith.subi %sign3A_2, %sign3A_5 : i32
    %sign3A_7 = arith.constant 0 : i32
    %sign3A_8 = arith.cmpi sgt, %jit3A, %sign3A_7 : i32
    %sign3A_9 = arith.extui %sign3A_8 : i1 to i32
    %sign3A_10 = arith.constant 0 : i32
    %sign3A_11 = arith.cmpi slt, %jit3A, %sign3A_10 : i32
    %sign3A_12 = arith.extui %sign3A_11 : i1 to i32
    %sign3A_13 = arith.subi %sign3A_9, %sign3A_12 : i32
    %ne3A = arith.cmpi ne, %sign3A_6, %sign3A_13 : i32
    %rem3A = arith.remsi %add3A, %jit3A : i32
    %ne3A_14 = arith.constant 0 : i32
    %ne3A_15 = arith.cmpi ne, %rem3A, %ne3A_14 : i32
    %and3A = arith.andi %ne3A, %ne3A_15 : i1
    %sub3A = arith.constant 1 : i32
    %sub3A_16 = arith.subi %div3A, %sub3A : i32
    %select_n3A = arith.select %and3A, %sub3A_16, %div3A : i32
    %add3A_17 = arith.constant 2 : i32
    %add3A_18 = arith.addi %add3A_17, %select_n3A : i32
    %jit3A_19 = arith.constant 16 : i32
    %eq3A = arith.constant 0 : i32
    %eq3A_20 = arith.cmpi eq, %jit3A_19, %eq3A : i32
    %jit3A_21 = arith.constant 1 : i32
    %select_n3A_22 = arith.select %eq3A_20, %jit3A_21, %jit3A_19 : i32
    %rem3A_23 = arith.remsi %add3A, %select_n3A_22 : i32
    %ne3A_24 = arith.constant 0 : i32
    %ne3A_25 = arith.cmpi ne, %rem3A_23, %ne3A_24 : i32
    %lt3A = arith.constant 0 : i32
    %lt3A_26 = arith.cmpi slt, %rem3A_23, %lt3A : i32
    %lt3A_27 = arith.constant 0 : i32
    %lt3A_28 = arith.cmpi slt, %select_n3A_22, %lt3A_27 : i32
    %ne3A_29 = arith.xori %lt3A_26, %lt3A_28 : i1
    %and3A_30 = arith.andi %ne3A_29, %ne3A_25 : i1
    %add3A_31 = arith.addi %rem3A_23, %select_n3A_22 : i32
    %select_n3A_32 = arith.select %and3A_30, %add3A_31, %rem3A_23 : i32
    %mul3A_33 = arith.constant 128 : i32
    %mul3A_34 = arith.muli %select_n3A_32, %mul3A_33 : i32
    %add3A_35 = arith.constant 0 : i32
    %add3A_36 = arith.addi %mul3A_34, %add3A_35 : i32
    %dma_start3A = arith.constant 0 : i32
    %dma_start3A_37 = tpu.memref_slice %arg2[%add3A_18, %add3A_36, %dma_start3A] : memref<4x2048x768xf32, #tpu.memory_space<hbm>> -> memref<1x32x768xf32, #tpu.memory_space<hbm>>
    %dma_start3A_38 = tpu.memref_squeeze %dma_start3A_37 : memref<1x32x768xf32, #tpu.memory_space<hbm>> -> memref<32x768xf32, #tpu.memory_space<hbm>>
    %dma_start3A_39 = arith.constant 0 : i32
    %dma_start3A_40 = tpu.memref_slice %arg2[%add3A_18, %add3A_36, %dma_start3A_39] : memref<4x2048x768xf32, #tpu.memory_space<hbm>> -> memref<1x32x768xf32, #tpu.memory_space<hbm>>
    %dma_start3A_41 = tpu.memref_squeeze %dma_start3A_40 : memref<1x32x768xf32, #tpu.memory_space<hbm>> -> memref<32x768xf32, #tpu.memory_space<hbm>>
    tpu.enqueue_dma source(%dma_start3A_41 : memref<32x768xf32, #tpu.memory_space<hbm>>) target(%arg4 : memref<32x768xf32, #tpu.memory_space<vmem>>) target_semaphore(%arg7 : memref<!tpu.dma_semaphore, #tpu.memory_space<semaphore_mem>>)
    %add3A_42 = arith.constant 32 : i32
    %add3A_43 = arith.addi %mul3A_34, %add3A_42 : i32
    %dma_start3A_44 = arith.constant 0 : i32
    %dma_start3A_45 = tpu.memref_slice %arg2[%add3A_18, %add3A_43, %dma_start3A_44] : memref<4x2048x768xf32, #tpu.memory_space<hbm>> -> memref<1x32x768xf32, #tpu.memory_space<hbm>>
    %dma_start3A_46 = tpu.memref_squeeze %dma_start3A_45 : memref<1x32x768xf32, #tpu.memory_space<hbm>> -> memref<32x768xf32, #tpu.memory_space<hbm>>
    %dma_start3A_47 = arith.constant 0 : i32
    %dma_start3A_48 = tpu.memref_slice %arg2[%add3A_18, %add3A_43, %dma_start3A_47] : memref<4x2048x768xf32, #tpu.memory_space<hbm>> -> memref<1x32x768xf32, #tpu.memory_space<hbm>>
    %dma_start3A_49 = tpu.memref_squeeze %dma_start3A_48 : memref<1x32x768xf32, #tpu.memory_space<hbm>> -> memref<32x768xf32, #tpu.memory_space<hbm>>
    tpu.enqueue_dma source(%dma_start3A_49 : memref<32x768xf32, #tpu.memory_space<hbm>>) target(%arg5 : memref<32x768xf32, #tpu.memory_space<vmem>>) target_semaphore(%arg8 : memref<!tpu.dma_semaphore, #tpu.memory_space<semaphore_mem>>)
    %broadcast_in_dim3A = arith.constant 0.000000e+00 : f32
    %broadcast_in_dim3A_50 = vector.broadcast %broadcast_in_dim3A : f32 to vector<16xf32>
    %broadcast_in_dim3A_51 = arith.constant 0.000000e+00 : f32
    %broadcast_in_dim3A_52 = vector.broadcast %broadcast_in_dim3A_51 : f32 to vector<16xf32>
    %broadcast_in_dim3A_53 = arith.constant 0.000000e+00 : f32
    %broadcast_in_dim3A_54 = vector.broadcast %broadcast_in_dim3A_53 : f32 to vector<16xf32>
    %broadcast_in_dim3A_55 = arith.constant 0.000000e+00 : f32
    %broadcast_in_dim3A_56 = vector.broadcast %broadcast_in_dim3A_55 : f32 to vector<16xf32>
    %broadcast_in_dim3A_57 = arith.constant 0.000000e+00 : f32
    %broadcast_in_dim3A_58 = vector.broadcast %broadcast_in_dim3A_57 : f32 to vector<16xf32>
    %broadcast_in_dim3A_59 = arith.constant 0.000000e+00 : f32
    %broadcast_in_dim3A_60 = vector.broadcast %broadcast_in_dim3A_59 : f32 to vector<16xf32>
    %broadcast_in_dim3A_61 = arith.constant 0.000000e+00 : f32
    %broadcast_in_dim3A_62 = vector.broadcast %broadcast_in_dim3A_61 : f32 to vector<16xf32>
    %broadcast_in_dim3A_63 = arith.constant 0.000000e+00 : f32
    %broadcast_in_dim3A_64 = vector.broadcast %broadcast_in_dim3A_63 : f32 to vector<16xf32>
    %broadcast_in_dim3A_65 = arith.constant 0.000000e+00 : f32
    %broadcast_in_dim3A_66 = vector.broadcast %broadcast_in_dim3A_65 : f32 to vector<16xf32>
    %broadcast_in_dim3A_67 = arith.constant 0.000000e+00 : f32
    %broadcast_in_dim3A_68 = vector.broadcast %broadcast_in_dim3A_67 : f32 to vector<16xf32>
    %broadcast_in_dim3A_69 = arith.constant 0.000000e+00 : f32
    %broadcast_in_dim3A_70 = vector.broadcast %broadcast_in_dim3A_69 : f32 to vector<16xf32>
    %broadcast_in_dim3A_71 = arith.constant 0.000000e+00 : f32
    %broadcast_in_dim3A_72 = vector.broadcast %broadcast_in_dim3A_71 : f32 to vector<16xf32>
    %broadcast_in_dim3A_73 = arith.constant 0.000000e+00 : f32
    %broadcast_in_dim3A_74 = vector.broadcast %broadcast_in_dim3A_73 : f32 to vector<16xf32>
    %broadcast_in_dim3A_75 = arith.constant 0.000000e+00 : f32
    %broadcast_in_dim3A_76 = vector.broadcast %broadcast_in_dim3A_75 : f32 to vector<16xf32>
    %broadcast_in_dim3A_77 = arith.constant 0.000000e+00 : f32
    %broadcast_in_dim3A_78 = vector.broadcast %broadcast_in_dim3A_77 : f32 to vector<16xf32>
    %broadcast_in_dim3A_79 = arith.constant 0.000000e+00 : f32
    %broadcast_in_dim3A_80 = vector.broadcast %broadcast_in_dim3A_79 : f32 to vector<16xf32>
    %broadcast_in_dim3A_81 = arith.constant 0.000000e+00 : f32
    %broadcast_in_dim3A_82 = vector.broadcast %broadcast_in_dim3A_81 : f32 to vector<16xf32>
    %broadcast_in_dim3A_83 = arith.constant 0.000000e+00 : f32
    %broadcast_in_dim3A_84 = vector.broadcast %broadcast_in_dim3A_83 : f32 to vector<16xf32>
    %broadcast_in_dim3A_85 = arith.constant 0.000000e+00 : f32
    %broadcast_in_dim3A_86 = vector.broadcast %broadcast_in_dim3A_85 : f32 to vector<16xf32>
    %broadcast_in_dim3A_87 = arith.constant 0.000000e+00 : f32
    %broadcast_in_dim3A_88 = vector.broadcast %broadcast_in_dim3A_87 : f32 to vector<16xf32>
    %broadcast_in_dim3A_89 = arith.constant 0.000000e+00 : f32
    %broadcast_in_dim3A_90 = vector.broadcast %broadcast_in_dim3A_89 : f32 to vector<16xf32>
    %broadcast_in_dim3A_91 = arith.constant 0.000000e+00 : f32
    %broadcast_in_dim3A_92 = vector.broadcast %broadcast_in_dim3A_91 : f32 to vector<16xf32>
    %broadcast_in_dim3A_93 = arith.constant 0.000000e+00 : f32
    %broadcast_in_dim3A_94 = vector.broadcast %broadcast_in_dim3A_93 : f32 to vector<16xf32>
    %broadcast_in_dim3A_95 = arith.constant 0.000000e+00 : f32
    %broadcast_in_dim3A_96 = vector.broadcast %broadcast_in_dim3A_95 : f32 to vector<16xf32>
    %broadcast_in_dim3A_97 = arith.constant 0.000000e+00 : f32
    %broadcast_in_dim3A_98 = vector.broadcast %broadcast_in_dim3A_97 : f32 to vector<16xf32>
    %broadcast_in_dim3A_99 = arith.constant 0.000000e+00 : f32
    %broadcast_in_dim3A_100 = vector.broadcast %broadcast_in_dim3A_99 : f32 to vector<16xf32>
    %broadcast_in_dim3A_101 = arith.constant 0.000000e+00 : f32
    %broadcast_in_dim3A_102 = vector.broadcast %broadcast_in_dim3A_101 : f32 to vector<16xf32>
    %broadcast_in_dim3A_103 = arith.constant 0.000000e+00 : f32
    %broadcast_in_dim3A_104 = vector.broadcast %broadcast_in_dim3A_103 : f32 to vector<16xf32>
    %broadcast_in_dim3A_105 = arith.constant 0.000000e+00 : f32
    %broadcast_in_dim3A_106 = vector.broadcast %broadcast_in_dim3A_105 : f32 to vector<16xf32>
    %broadcast_in_dim3A_107 = arith.constant 0.000000e+00 : f32
    %broadcast_in_dim3A_108 = vector.broadcast %broadcast_in_dim3A_107 : f32 to vector<16xf32>
    %broadcast_in_dim3A_109 = arith.constant 0.000000e+00 : f32
    %broadcast_in_dim3A_110 = vector.broadcast %broadcast_in_dim3A_109 : f32 to vector<16xf32>
    %broadcast_in_dim3A_111 = arith.constant 0.000000e+00 : f32
    %broadcast_in_dim3A_112 = vector.broadcast %broadcast_in_dim3A_111 : f32 to vector<16xf32>
    %broadcast_in_dim3A_113 = arith.constant 0.000000e+00 : f32
    %broadcast_in_dim3A_114 = vector.broadcast %broadcast_in_dim3A_113 : f32 to vector<16xf32>
    %broadcast_in_dim3A_115 = arith.constant 0.000000e+00 : f32
    %broadcast_in_dim3A_116 = vector.broadcast %broadcast_in_dim3A_115 : f32 to vector<16xf32>
    %broadcast_in_dim3A_117 = arith.constant 0.000000e+00 : f32
    %broadcast_in_dim3A_118 = vector.broadcast %broadcast_in_dim3A_117 : f32 to vector<16xf32>
    %broadcast_in_dim3A_119 = arith.constant 0.000000e+00 : f32
    %broadcast_in_dim3A_120 = vector.broadcast %broadcast_in_dim3A_119 : f32 to vector<16xf32>
    %broadcast_in_dim3A_121 = arith.constant 0.000000e+00 : f32
    %broadcast_in_dim3A_122 = vector.broadcast %broadcast_in_dim3A_121 : f32 to vector<16xf32>
    %broadcast_in_dim3A_123 = arith.constant 0.000000e+00 : f32
    %broadcast_in_dim3A_124 = vector.broadcast %broadcast_in_dim3A_123 : f32 to vector<16xf32>
    %broadcast_in_dim3A_125 = arith.constant 0.000000e+00 : f32
    %broadcast_in_dim3A_126 = vector.broadcast %broadcast_in_dim3A_125 : f32 to vector<16xf32>
    %broadcast_in_dim3A_127 = arith.constant 0.000000e+00 : f32
    %broadcast_in_dim3A_128 = vector.broadcast %broadcast_in_dim3A_127 : f32 to vector<16xf32>
    %broadcast_in_dim3A_129 = arith.constant 0.000000e+00 : f32
    %broadcast_in_dim3A_130 = vector.broadcast %broadcast_in_dim3A_129 : f32 to vector<16xf32>
    %broadcast_in_dim3A_131 = arith.constant 0.000000e+00 : f32
    %broadcast_in_dim3A_132 = vector.broadcast %broadcast_in_dim3A_131 : f32 to vector<16xf32>
    %broadcast_in_dim3A_133 = arith.constant 0.000000e+00 : f32
    %broadcast_in_dim3A_134 = vector.broadcast %broadcast_in_dim3A_133 : f32 to vector<16xf32>
    %broadcast_in_dim3A_135 = arith.constant 0.000000e+00 : f32
    %broadcast_in_dim3A_136 = vector.broadcast %broadcast_in_dim3A_135 : f32 to vector<16xf32>
    %broadcast_in_dim3A_137 = arith.constant 0.000000e+00 : f32
    %broadcast_in_dim3A_138 = vector.broadcast %broadcast_in_dim3A_137 : f32 to vector<16xf32>
    %broadcast_in_dim3A_139 = arith.constant 0.000000e+00 : f32
    %broadcast_in_dim3A_140 = vector.broadcast %broadcast_in_dim3A_139 : f32 to vector<16xf32>
    %broadcast_in_dim3A_141 = arith.constant 0.000000e+00 : f32
    %broadcast_in_dim3A_142 = vector.broadcast %broadcast_in_dim3A_141 : f32 to vector<16xf32>
    %broadcast_in_dim3A_143 = arith.constant 0.000000e+00 : f32
    %broadcast_in_dim3A_144 = vector.broadcast %broadcast_in_dim3A_143 : f32 to vector<16xf32>
    %dma_wait3A = arith.constant 0 : i32
    %dma_wait3A_145 = tpu.memref_slice %arg2[%add3A_18, %add3A_36, %dma_wait3A] : memref<4x2048x768xf32, #tpu.memory_space<hbm>> -> memref<1x32x768xf32, #tpu.memory_space<hbm>>
    %dma_wait3A_146 = tpu.memref_squeeze %dma_wait3A_145 : memref<1x32x768xf32, #tpu.memory_space<hbm>> -> memref<32x768xf32, #tpu.memory_space<hbm>>
    %dma_wait3A_147 = arith.constant 0 : i32
    %dma_wait3A_148 = tpu.memref_slice %arg2[%add3A_18, %add3A_36, %dma_wait3A_147] : memref<4x2048x768xf32, #tpu.memory_space<hbm>> -> memref<1x32x768xf32, #tpu.memory_space<hbm>>
    %dma_wait3A_149 = tpu.memref_squeeze %dma_wait3A_148 : memref<1x32x768xf32, #tpu.memory_space<hbm>> -> memref<32x768xf32, #tpu.memory_space<hbm>>
    tpu.wait_dma2 semaphore(%arg7 : memref<!tpu.dma_semaphore, #tpu.memory_space<semaphore_mem>>) src(%dma_wait3A_149 : memref<32x768xf32, #tpu.memory_space<hbm>>) dst(%arg4 : memref<32x768xf32, #tpu.memory_space<vmem>>)
    %scan3A = arith.constant 0 : i32
    %scan3A_150 = arith.constant 32 : i32
    %scan3A_151 = arith.addi %scan3A, %scan3A_150 : i32
    %scan3A_152 = arith.constant 2 : i32
    %scan3A_153:48 = scf.for %scan3A_494 = %scan3A to %scan3A_151 step %scan3A_152 iter_args(%scan3A_495 = %broadcast_in_dim3A_50, %scan3A_496 = %broadcast_in_dim3A_52, %scan3A_497 = %broadcast_in_dim3A_54, %scan3A_498 = %broadcast_in_dim3A_56, %scan3A_499 = %broadcast_in_dim3A_58, %scan3A_500 = %broadcast_in_dim3A_60, %scan3A_501 = %broadcast_in_dim3A_62, %scan3A_502 = %broadcast_in_dim3A_64, %scan3A_503 = %broadcast_in_dim3A_66, %scan3A_504 = %broadcast_in_dim3A_68, %scan3A_505 = %broadcast_in_dim3A_70, %scan3A_506 = %broadcast_in_dim3A_72, %scan3A_507 = %broadcast_in_dim3A_74, %scan3A_508 = %broadcast_in_dim3A_76, %scan3A_509 = %broadcast_in_dim3A_78, %scan3A_510 = %broadcast_in_dim3A_80, %scan3A_511 = %broadcast_in_dim3A_82, %scan3A_512 = %broadcast_in_dim3A_84, %scan3A_513 = %broadcast_in_dim3A_86, %scan3A_514 = %broadcast_in_dim3A_88, %scan3A_515 = %broadcast_in_dim3A_90, %scan3A_516 = %broadcast_in_dim3A_92, %scan3A_517 = %broadcast_in_dim3A_94, %scan3A_518 = %broadcast_in_dim3A_96, %scan3A_519 = %broadcast_in_dim3A_98, %scan3A_520 = %broadcast_in_dim3A_100, %scan3A_521 = %broadcast_in_dim3A_102, %scan3A_522 = %broadcast_in_dim3A_104, %scan3A_523 = %broadcast_in_dim3A_106, %scan3A_524 = %broadcast_in_dim3A_108, %scan3A_525 = %broadcast_in_dim3A_110, %scan3A_526 = %broadcast_in_dim3A_112, %scan3A_527 = %broadcast_in_dim3A_114, %scan3A_528 = %broadcast_in_dim3A_116, %scan3A_529 = %broadcast_in_dim3A_118, %scan3A_530 = %broadcast_in_dim3A_120, %scan3A_531 = %broadcast_in_dim3A_122, %scan3A_532 = %broadcast_in_dim3A_124, %scan3A_533 = %broadcast_in_dim3A_126, %scan3A_534 = %broadcast_in_dim3A_128, %scan3A_535 = %broadcast_in_dim3A_130, %scan3A_536 = %broadcast_in_dim3A_132, %scan3A_537 = %broadcast_in_dim3A_134, %scan3A_538 = %broadcast_in_dim3A_136, %scan3A_539 = %broadcast_in_dim3A_138, %scan3A_540 = %broadcast_in_dim3A_140, %scan3A_541 = %broadcast_in_dim3A_142, %scan3A_542 = %broadcast_in_dim3A_144) -> (vector<16xf32>, vector<16xf32>, vector<16xf32>, vector<16xf32>, vector<16xf32>, vector<16xf32>, vector<16xf32>, vector<16xf32>, vector<16xf32>, vector<16xf32>, vector<16xf32>, vector<16xf32>, vector<16xf32>, vector<16xf32>, vector<16xf32>, vector<16xf32>, vector<16xf32>, vector<16xf32>, vector<16xf32>, vector<16xf32>, vector<16xf32>, vector<16xf32>, vector<16xf32>, vector<16xf32>, vector<16xf32>, vector<16xf32>, vector<16xf32>, vector<16xf32>, vector<16xf32>, vector<16xf32>, vector<16xf32>, vector<16xf32>, vector<16xf32>, vector<16xf32>, vector<16xf32>, vector<16xf32>, vector<16xf32>, vector<16xf32>, vector<16xf32>, vector<16xf32>, vector<16xf32>, vector<16xf32>, vector<16xf32>, vector<16xf32>, vector<16xf32>, vector<16xf32>, vector<16xf32>, vector<16xf32>)  : i32 {
      %get3A = arith.index_cast %scan3A_494 : i32 to index
      %get3A_543 = arith.constant 0 : index
      %get3A_544 = tpu.vector_load %arg4[%get3A, %get3A_543] {strides = array<i32>} : memref<32x768xf32, #tpu.memory_space<vmem>>, vector<1x16xf32>,
      %get3A_545 = vector.shape_cast %get3A_544 : vector<1x16xf32> to vector<16xf32>
      %add3A_546 = arith.addf %scan3A_495, %get3A_545 : vector<16xf32>
      %get3A_547 = arith.index_cast %scan3A_494 : i32 to index
      %get3A_548 = arith.constant 16 : index
      %get3A_549 = tpu.vector_load %arg4[%get3A_547, %get3A_548] {strides = array<i32>} : memref<32x768xf32, #tpu.memory_space<vmem>>, vector<1x16xf32>,
      %get3A_550 = vector.shape_cast %get3A_549 : vector<1x16xf32> to vector<16xf32>
      %add3A_551 = arith.addf %scan3A_496, %get3A_550 : vector<16xf32>
      %get3A_552 = arith.index_cast %scan3A_494 : i32 to index
      %get3A_553 = arith.constant 32 : index
      %get3A_554 = tpu.vector_load %arg4[%get3A_552, %get3A_553] {strides = array<i32>} : memref<32x768xf32, #tpu.memory_space<vmem>>, vector<1x16xf32>,
      %get3A_555 = vector.shape_cast %get3A_554 : vector<1x16xf32> to vector<16xf32>
      %add3A_556 = arith.addf %scan3A_497, %get3A_555 : vector<16xf32>
      %get3A_557 = arith.index_cast %scan3A_494 : i32 to index
      %get3A_558 = arith.constant 48 : index
      %get3A_559 = tpu.vector_load %arg4[%get3A_557, %get3A_558] {strides = array<i32>} : memref<32x768xf32, #tpu.memory_space<vmem>>, vector<1x16xf32>,
      %get3A_560 = vector.shape_cast %get3A_559 : vector<1x16xf32> to vector<16xf32>
      %add3A_561 = arith.addf %scan3A_498, %get3A_560 : vector<16xf32>
      %get3A_562 = arith.index_cast %scan3A_494 : i32 to index
      %get3A_563 = arith.constant 64 : index
      %get3A_564 = tpu.vector_load %arg4[%get3A_562, %get3A_563] {strides = array<i32>} : memref<32x768xf32, #tpu.memory_space<vmem>>, vector<1x16xf32>,
      %get3A_565 = vector.shape_cast %get3A_564 : vector<1x16xf32> to vector<16xf32>
      %add3A_566 = arith.addf %scan3A_499, %get3A_565 : vector<16xf32>
      %get3A_567 = arith.index_cast %scan3A_494 : i32 to index
      %get3A_568 = arith.constant 80 : index
      %get3A_569 = tpu.vector_load %arg4[%get3A_567, %get3A_568] {strides = array<i32>} : memref<32x768xf32, #tpu.memory_space<vmem>>, vector<1x16xf32>,
      %get3A_570 = vector.shape_cast %get3A_569 : vector<1x16xf32> to vector<16xf32>
      %add3A_571 = arith.addf %scan3A_500, %get3A_570 : vector<16xf32>
      %get3A_572 = arith.index_cast %scan3A_494 : i32 to index
      %get3A_573 = arith.constant 96 : index
      %get3A_574 = tpu.vector_load %arg4[%get3A_572, %get3A_573] {strides = array<i32>} : memref<32x768xf32, #tpu.memory_space<vmem>>, vector<1x16xf32>,
      %get3A_575 = vector.shape_cast %get3A_574 : vector<1x16xf32> to vector<16xf32>
      %add3A_576 = arith.addf %scan3A_501, %get3A_575 : vector<16xf32>
      %get3A_577 = arith.index_cast %scan3A_494 : i32 to index
      %get3A_578 = arith.constant 112 : index
      %get3A_579 = tpu.vector_load %arg4[%get3A_577, %get3A_578] {strides = array<i32>} : memref<32x768xf32, #tpu.memory_space<vmem>>, vector<1x16xf32>,
      %get3A_580 = vector.shape_cast %get3A_579 : vector<1x16xf32> to vector<16xf32>
      %add3A_581 = arith.addf %scan3A_502, %get3A_580 : vector<16xf32>
      %get3A_582 = arith.index_cast %scan3A_494 : i32 to index
      %get3A_583 = arith.constant 128 : index
      %get3A_584 = tpu.vector_load %arg4[%get3A_582, %get3A_583] {strides = array<i32>} : memref<32x768xf32, #tpu.memory_space<vmem>>, vector<1x16xf32>,
      %get3A_585 = vector.shape_cast %get3A_584 : vector<1x16xf32> to vector<16xf32>
      %add3A_586 = arith.addf %scan3A_503, %get3A_585 : vector<16xf32>
      %get3A_587 = arith.index_cast %scan3A_494 : i32 to index
      %get3A_588 = arith.constant 144 : index
      %get3A_589 = tpu.vector_load %arg4[%get3A_587, %get3A_588] {strides = array<i32>} : memref<32x768xf32, #tpu.memory_space<vmem>>, vector<1x16xf32>,
      %get3A_590 = vector.shape_cast %get3A_589 : vector<1x16xf32> to vector<16xf32>
      %add3A_591 = arith.addf %scan3A_504, %get3A_590 : vector<16xf32>
      %get3A_592 = arith.index_cast %scan3A_494 : i32 to index
      %get3A_593 = arith.constant 160 : index
      %get3A_594 = tpu.vector_load %arg4[%get3A_592, %get3A_593] {strides = array<i32>} : memref<32x768xf32, #tpu.memory_space<vmem>>, vector<1x16xf32>,
      %get3A_595 = vector.shape_cast %get3A_594 : vector<1x16xf32> to vector<16xf32>
      %add3A_596 = arith.addf %scan3A_505, %get3A_595 : vector<16xf32>
      %get3A_597 = arith.index_cast %scan3A_494 : i32 to index
      %get3A_598 = arith.constant 176 : index
      %get3A_599 = tpu.vector_load %arg4[%get3A_597, %get3A_598] {strides = array<i32>} : memref<32x768xf32, #tpu.memory_space<vmem>>, vector<1x16xf32>,
      %get3A_600 = vector.shape_cast %get3A_599 : vector<1x16xf32> to vector<16xf32>
      %add3A_601 = arith.addf %scan3A_506, %get3A_600 : vector<16xf32>
      %get3A_602 = arith.index_cast %scan3A_494 : i32 to index
      %get3A_603 = arith.constant 192 : index
      %get3A_604 = tpu.vector_load %arg4[%get3A_602, %get3A_603] {strides = array<i32>} : memref<32x768xf32, #tpu.memory_space<vmem>>, vector<1x16xf32>,
      %get3A_605 = vector.shape_cast %get3A_604 : vector<1x16xf32> to vector<16xf32>
      %add3A_606 = arith.addf %scan3A_507, %get3A_605 : vector<16xf32>
      %get3A_607 = arith.index_cast %scan3A_494 : i32 to index
      %get3A_608 = arith.constant 208 : index
      %get3A_609 = tpu.vector_load %arg4[%get3A_607, %get3A_608] {strides = array<i32>} : memref<32x768xf32, #tpu.memory_space<vmem>>, vector<1x16xf32>,
      %get3A_610 = vector.shape_cast %get3A_609 : vector<1x16xf32> to vector<16xf32>
      %add3A_611 = arith.addf %scan3A_508, %get3A_610 : vector<16xf32>
      %get3A_612 = arith.index_cast %scan3A_494 : i32 to index
      %get3A_613 = arith.constant 224 : index
      %get3A_614 = tpu.vector_load %arg4[%get3A_612, %get3A_613] {strides = array<i32>} : memref<32x768xf32, #tpu.memory_space<vmem>>, vector<1x16xf32>,
      %get3A_615 = vector.shape_cast %get3A_614 : vector<1x16xf32> to vector<16xf32>
      %add3A_616 = arith.addf %scan3A_509, %get3A_615 : vector<16xf32>
      %get3A_617 = arith.index_cast %scan3A_494 : i32 to index
      %get3A_618 = arith.constant 240 : index
      %get3A_619 = tpu.vector_load %arg4[%get3A_617, %get3A_618] {strides = array<i32>} : memref<32x768xf32, #tpu.memory_space<vmem>>, vector<1x16xf32>,
      %get3A_620 = vector.shape_cast %get3A_619 : vector<1x16xf32> to vector<16xf32>
      %add3A_621 = arith.addf %scan3A_510, %get3A_620 : vector<16xf32>
      %get3A_622 = arith.index_cast %scan3A_494 : i32 to index
      %get3A_623 = arith.constant 256 : index
      %get3A_624 = tpu.vector_load %arg4[%get3A_622, %get3A_623] {strides = array<i32>} : memref<32x768xf32, #tpu.memory_space<vmem>>, vector<1x16xf32>,
      %get3A_625 = vector.shape_cast %get3A_624 : vector<1x16xf32> to vector<16xf32>
      %add3A_626 = arith.addf %scan3A_511, %get3A_625 : vector<16xf32>
      %get3A_627 = arith.index_cast %scan3A_494 : i32 to index
      %get3A_628 = arith.constant 272 : index
      %get3A_629 = tpu.vector_load %arg4[%get3A_627, %get3A_628] {strides = array<i32>} : memref<32x768xf32, #tpu.memory_space<vmem>>, vector<1x16xf32>,
      %get3A_630 = vector.shape_cast %get3A_629 : vector<1x16xf32> to vector<16xf32>
      %add3A_631 = arith.addf %scan3A_512, %get3A_630 : vector<16xf32>
      %get3A_632 = arith.index_cast %scan3A_494 : i32 to index
      %get3A_633 = arith.constant 288 : index
      %get3A_634 = tpu.vector_load %arg4[%get3A_632, %get3A_633] {strides = array<i32>} : memref<32x768xf32, #tpu.memory_space<vmem>>, vector<1x16xf32>,
      %get3A_635 = vector.shape_cast %get3A_634 : vector<1x16xf32> to vector<16xf32>
      %add3A_636 = arith.addf %scan3A_513, %get3A_635 : vector<16xf32>
      %get3A_637 = arith.index_cast %scan3A_494 : i32 to index
      %get3A_638 = arith.constant 304 : index
      %get3A_639 = tpu.vector_load %arg4[%get3A_637, %get3A_638] {strides = array<i32>} : memref<32x768xf32, #tpu.memory_space<vmem>>, vector<1x16xf32>,
      %get3A_640 = vector.shape_cast %get3A_639 : vector<1x16xf32> to vector<16xf32>
      %add3A_641 = arith.addf %scan3A_514, %get3A_640 : vector<16xf32>
      %get3A_642 = arith.index_cast %scan3A_494 : i32 to index
      %get3A_643 = arith.constant 320 : index
      %get3A_644 = tpu.vector_load %arg4[%get3A_642, %get3A_643] {strides = array<i32>} : memref<32x768xf32, #tpu.memory_space<vmem>>, vector<1x16xf32>,
      %get3A_645 = vector.shape_cast %get3A_644 : vector<1x16xf32> to vector<16xf32>
      %add3A_646 = arith.addf %scan3A_515, %get3A_645 : vector<16xf32>
      %get3A_647 = arith.index_cast %scan3A_494 : i32 to index
      %get3A_648 = arith.constant 336 : index
      %get3A_649 = tpu.vector_load %arg4[%get3A_647, %get3A_648] {strides = array<i32>} : memref<32x768xf32, #tpu.memory_space<vmem>>, vector<1x16xf32>,
      %get3A_650 = vector.shape_cast %get3A_649 : vector<1x16xf32> to vector<16xf32>
      %add3A_651 = arith.addf %scan3A_516, %get3A_650 : vector<16xf32>
      %get3A_652 = arith.index_cast %scan3A_494 : i32 to index
      %get3A_653 = arith.constant 352 : index
      %get3A_654 = tpu.vector_load %arg4[%get3A_652, %get3A_653] {strides = array<i32>} : memref<32x768xf32, #tpu.memory_space<vmem>>, vector<1x16xf32>,
      %get3A_655 = vector.shape_cast %get3A_654 : vector<1x16xf32> to vector<16xf32>
      %add3A_656 = arith.addf %scan3A_517, %get3A_655 : vector<16xf32>
      %get3A_657 = arith.index_cast %scan3A_494 : i32 to index
      %get3A_658 = arith.constant 368 : index
      %get3A_659 = tpu.vector_load %arg4[%get3A_657, %get3A_658] {strides = array<i32>} : memref<32x768xf32, #tpu.memory_space<vmem>>, vector<1x16xf32>,
      %get3A_660 = vector.shape_cast %get3A_659 : vector<1x16xf32> to vector<16xf32>
      %add3A_661 = arith.addf %scan3A_518, %get3A_660 : vector<16xf32>
      %get3A_662 = arith.index_cast %scan3A_494 : i32 to index
      %get3A_663 = arith.constant 384 : index
      %get3A_664 = tpu.vector_load %arg4[%get3A_662, %get3A_663] {strides = array<i32>} : memref<32x768xf32, #tpu.memory_space<vmem>>, vector<1x16xf32>,
      %get3A_665 = vector.shape_cast %get3A_664 : vector<1x16xf32> to vector<16xf32>
      %add3A_666 = arith.addf %scan3A_519, %get3A_665 : vector<16xf32>
      %get3A_667 = arith.index_cast %scan3A_494 : i32 to index
      %get3A_668 = arith.constant 400 : index
      %get3A_669 = tpu.vector_load %arg4[%get3A_667, %get3A_668] {strides = array<i32>} : memref<32x768xf32, #tpu.memory_space<vmem>>, vector<1x16xf32>,
      %get3A_670 = vector.shape_cast %get3A_669 : vector<1x16xf32> to vector<16xf32>
      %add3A_671 = arith.addf %scan3A_520, %get3A_670 : vector<16xf32>
      %get3A_672 = arith.index_cast %scan3A_494 : i32 to index
      %get3A_673 = arith.constant 416 : index
      %get3A_674 = tpu.vector_load %arg4[%get3A_672, %get3A_673] {strides = array<i32>} : memref<32x768xf32, #tpu.memory_space<vmem>>, vector<1x16xf32>,
      %get3A_675 = vector.shape_cast %get3A_674 : vector<1x16xf32> to vector<16xf32>
      %add3A_676 = arith.addf %scan3A_521, %get3A_675 : vector<16xf32>
      %get3A_677 = arith.index_cast %scan3A_494 : i32 to index
      %get3A_678 = arith.constant 432 : index
      %get3A_679 = tpu.vector_load %arg4[%get3A_677, %get3A_678] {strides = array<i32>} : memref<32x768xf32, #tpu.memory_space<vmem>>, vector<1x16xf32>,
      %get3A_680 = vector.shape_cast %get3A_679 : vector<1x16xf32> to vector<16xf32>
      %add3A_681 = arith.addf %scan3A_522, %get3A_680 : vector<16xf32>
      %get3A_682 = arith.index_cast %scan3A_494 : i32 to index
      %get3A_683 = arith.constant 448 : index
      %get3A_684 = tpu.vector_load %arg4[%get3A_682, %get3A_683] {strides = array<i32>} : memref<32x768xf32, #tpu.memory_space<vmem>>, vector<1x16xf32>,
      %get3A_685 = vector.shape_cast %get3A_684 : vector<1x16xf32> to vector<16xf32>
      %add3A_686 = arith.addf %scan3A_523, %get3A_685 : vector<16xf32>
      %get3A_687 = arith.index_cast %scan3A_494 : i32 to index
      %get3A_688 = arith.constant 464 : index
      %get3A_689 = tpu.vector_load %arg4[%get3A_687, %get3A_688] {strides = array<i32>} : memref<32x768xf32, #tpu.memory_space<vmem>>, vector<1x16xf32>,
      %get3A_690 = vector.shape_cast %get3A_689 : vector<1x16xf32> to vector<16xf32>
      %add3A_691 = arith.addf %scan3A_524, %get3A_690 : vector<16xf32>
      %get3A_692 = arith.index_cast %scan3A_494 : i32 to index
      %get3A_693 = arith.constant 480 : index
      %get3A_694 = tpu.vector_load %arg4[%get3A_692, %get3A_693] {strides = array<i32>} : memref<32x768xf32, #tpu.memory_space<vmem>>, vector<1x16xf32>,
      %get3A_695 = vector.shape_cast %get3A_694 : vector<1x16xf32> to vector<16xf32>
      %add3A_696 = arith.addf %scan3A_525, %get3A_695 : vector<16xf32>
      %get3A_697 = arith.index_cast %scan3A_494 : i32 to index
      %get3A_698 = arith.constant 496 : index
      %get3A_699 = tpu.vector_load %arg4[%get3A_697, %get3A_698] {strides = array<i32>} : memref<32x768xf32, #tpu.memory_space<vmem>>, vector<1x16xf32>,
      %get3A_700 = vector.shape_cast %get3A_699 : vector<1x16xf32> to vector<16xf32>
      %add3A_701 = arith.addf %scan3A_526, %get3A_700 : vector<16xf32>
      %get3A_702 = arith.index_cast %scan3A_494 : i32 to index
      %get3A_703 = arith.constant 512 : index
      %get3A_704 = tpu.vector_load %arg4[%get3A_702, %get3A_703] {strides = array<i32>} : memref<32x768xf32, #tpu.memory_space<vmem>>, vector<1x16xf32>,
      %get3A_705 = vector.shape_cast %get3A_704 : vector<1x16xf32> to vector<16xf32>
      %add3A_706 = arith.addf %scan3A_527, %get3A_705 : vector<16xf32>
      %get3A_707 = arith.index_cast %scan3A_494 : i32 to index
      %get3A_708 = arith.constant 528 : index
      %get3A_709 = tpu.vector_load %arg4[%get3A_707, %get3A_708] {strides = array<i32>} : memref<32x768xf32, #tpu.memory_space<vmem>>, vector<1x16xf32>,
      %get3A_710 = vector.shape_cast %get3A_709 : vector<1x16xf32> to vector<16xf32>
      %add3A_711 = arith.addf %scan3A_528, %get3A_710 : vector<16xf32>
      %get3A_712 = arith.index_cast %scan3A_494 : i32 to index
      %get3A_713 = arith.constant 544 : index
      %get3A_714 = tpu.vector_load %arg4[%get3A_712, %get3A_713] {strides = array<i32>} : memref<32x768xf32, #tpu.memory_space<vmem>>, vector<1x16xf32>,
      %get3A_715 = vector.shape_cast %get3A_714 : vector<1x16xf32> to vector<16xf32>
      %add3A_716 = arith.addf %scan3A_529, %get3A_715 : vector<16xf32>
      %get3A_717 = arith.index_cast %scan3A_494 : i32 to index
      %get3A_718 = arith.constant 560 : index
      %get3A_719 = tpu.vector_load %arg4[%get3A_717, %get3A_718] {strides = array<i32>} : memref<32x768xf32, #tpu.memory_space<vmem>>, vector<1x16xf32>,
      %get3A_720 = vector.shape_cast %get3A_719 : vector<1x16xf32> to vector<16xf32>
      %add3A_721 = arith.addf %scan3A_530, %get3A_720 : vector<16xf32>
      %get3A_722 = arith.index_cast %scan3A_494 : i32 to index
      %get3A_723 = arith.constant 576 : index
      %get3A_724 = tpu.vector_load %arg4[%get3A_722, %get3A_723] {strides = array<i32>} : memref<32x768xf32, #tpu.memory_space<vmem>>, vector<1x16xf32>,
      %get3A_725 = vector.shape_cast %get3A_724 : vector<1x16xf32> to vector<16xf32>
      %add3A_726 = arith.addf %scan3A_531, %get3A_725 : vector<16xf32>
      %get3A_727 = arith.index_cast %scan3A_494 : i32 to index
      %get3A_728 = arith.constant 592 : index
      %get3A_729 = tpu.vector_load %arg4[%get3A_727, %get3A_728] {strides = array<i32>} : memref<32x768xf32, #tpu.memory_space<vmem>>, vector<1x16xf32>,
      %get3A_730 = vector.shape_cast %get3A_729 : vector<1x16xf32> to vector<16xf32>
      %add3A_731 = arith.addf %scan3A_532, %get3A_730 : vector<16xf32>
      %get3A_732 = arith.index_cast %scan3A_494 : i32 to index
      %get3A_733 = arith.constant 608 : index
      %get3A_734 = tpu.vector_load %arg4[%get3A_732, %get3A_733] {strides = array<i32>} : memref<32x768xf32, #tpu.memory_space<vmem>>, vector<1x16xf32>,
      %get3A_735 = vector.shape_cast %get3A_734 : vector<1x16xf32> to vector<16xf32>
      %add3A_736 = arith.addf %scan3A_533, %get3A_735 : vector<16xf32>
      %get3A_737 = arith.index_cast %scan3A_494 : i32 to index
      %get3A_738 = arith.constant 624 : index
      %get3A_739 = tpu.vector_load %arg4[%get3A_737, %get3A_738] {strides = array<i32>} : memref<32x768xf32, #tpu.memory_space<vmem>>, vector<1x16xf32>,
      %get3A_740 = vector.shape_cast %get3A_739 : vector<1x16xf32> to vector<16xf32>
      %add3A_741 = arith.addf %scan3A_534, %get3A_740 : vector<16xf32>
      %get3A_742 = arith.index_cast %scan3A_494 : i32 to index
      %get3A_743 = arith.constant 640 : index
      %get3A_744 = tpu.vector_load %arg4[%get3A_742, %get3A_743] {strides = array<i32>} : memref<32x768xf32, #tpu.memory_space<vmem>>, vector<1x16xf32>,
      %get3A_745 = vector.shape_cast %get3A_744 : vector<1x16xf32> to vector<16xf32>
      %add3A_746 = arith.addf %scan3A_535, %get3A_745 : vector<16xf32>
      %get3A_747 = arith.index_cast %scan3A_494 : i32 to index
      %get3A_748 = arith.constant 656 : index
      %get3A_749 = tpu.vector_load %arg4[%get3A_747, %get3A_748] {strides = array<i32>} : memref<32x768xf32, #tpu.memory_space<vmem>>, vector<1x16xf32>,
      %get3A_750 = vector.shape_cast %get3A_749 : vector<1x16xf32> to vector<16xf32>
      %add3A_751 = arith.addf %scan3A_536, %get3A_750 : vector<16xf32>
      %get3A_752 = arith.index_cast %scan3A_494 : i32 to index
      %get3A_753 = arith.constant 672 : index
      %get3A_754 = tpu.vector_load %arg4[%get3A_752, %get3A_753] {strides = array<i32>} : memref<32x768xf32, #tpu.memory_space<vmem>>, vector<1x16xf32>,
      %get3A_755 = vector.shape_cast %get3A_754 : vector<1x16xf32> to vector<16xf32>
      %add3A_756 = arith.addf %scan3A_537, %get3A_755 : vector<16xf32>
      %get3A_757 = arith.index_cast %scan3A_494 : i32 to index
      %get3A_758 = arith.constant 688 : index
      %get3A_759 = tpu.vector_load %arg4[%get3A_757, %get3A_758] {strides = array<i32>} : memref<32x768xf32, #tpu.memory_space<vmem>>, vector<1x16xf32>,
      %get3A_760 = vector.shape_cast %get3A_759 : vector<1x16xf32> to vector<16xf32>
      %add3A_761 = arith.addf %scan3A_538, %get3A_760 : vector<16xf32>
      %get3A_762 = arith.index_cast %scan3A_494 : i32 to index
      %get3A_763 = arith.constant 704 : index
      %get3A_764 = tpu.vector_load %arg4[%get3A_762, %get3A_763] {strides = array<i32>} : memref<32x768xf32, #tpu.memory_space<vmem>>, vector<1x16xf32>,
      %get3A_765 = vector.shape_cast %get3A_764 : vector<1x16xf32> to vector<16xf32>
      %add3A_766 = arith.addf %scan3A_539, %get3A_765 : vector<16xf32>
      %get3A_767 = arith.index_cast %scan3A_494 : i32 to index
      %get3A_768 = arith.constant 720 : index
      %get3A_769 = tpu.vector_load %arg4[%get3A_767, %get3A_768] {strides = array<i32>} : memref<32x768xf32, #tpu.memory_space<vmem>>, vector<1x16xf32>,
      %get3A_770 = vector.shape_cast %get3A_769 : vector<1x16xf32> to vector<16xf32>
      %add3A_771 = arith.addf %scan3A_540, %get3A_770 : vector<16xf32>
      %get3A_772 = arith.index_cast %scan3A_494 : i32 to index
      %get3A_773 = arith.constant 736 : index
      %get3A_774 = tpu.vector_load %arg4[%get3A_772, %get3A_773] {strides = array<i32>} : memref<32x768xf32, #tpu.memory_space<vmem>>, vector<1x16xf32>,
      %get3A_775 = vector.shape_cast %get3A_774 : vector<1x16xf32> to vector<16xf32>
      %add3A_776 = arith.addf %scan3A_541, %get3A_775 : vector<16xf32>
      %get3A_777 = arith.index_cast %scan3A_494 : i32 to index
      %get3A_778 = arith.constant 752 : index
      %get3A_779 = tpu.vector_load %arg4[%get3A_777, %get3A_778] {strides = array<i32>} : memref<32x768xf32, #tpu.memory_space<vmem>>, vector<1x16xf32>,
      %get3A_780 = vector.shape_cast %get3A_779 : vector<1x16xf32> to vector<16xf32>
      %add3A_781 = arith.addf %scan3A_542, %get3A_780 : vector<16xf32>
      %scan3A_782 = arith.constant 1 : i32
      %scan3A_783 = arith.addi %scan3A_494, %scan3A_782 : i32
      %get3A_784 = arith.index_cast %scan3A_783 : i32 to index
      %get3A_785 = arith.constant 0 : index
      %get3A_786 = tpu.vector_load %arg4[%get3A_784, %get3A_785] {strides = array<i32>} : memref<32x768xf32, #tpu.memory_space<vmem>>, vector<1x16xf32>,
      %get3A_787 = vector.shape_cast %get3A_786 : vector<1x16xf32> to vector<16xf32>
      %add3A_788 = arith.addf %add3A_546, %get3A_787 : vector<16xf32>
      %get3A_789 = arith.index_cast %scan3A_783 : i32 to index
      %get3A_790 = arith.constant 16 : index
      %get3A_791 = tpu.vector_load %arg4[%get3A_789, %get3A_790] {strides = array<i32>} : memref<32x768xf32, #tpu.memory_space<vmem>>, vector<1x16xf32>,
      %get3A_792 = vector.shape_cast %get3A_791 : vector<1x16xf32> to vector<16xf32>
      %add3A_793 = arith.addf %add3A_551, %get3A_792 : vector<16xf32>
      %get3A_794 = arith.index_cast %scan3A_783 : i32 to index
      %get3A_795 = arith.constant 32 : index
      %get3A_796 = tpu.vector_load %arg4[%get3A_794, %get3A_795] {strides = array<i32>} : memref<32x768xf32, #tpu.memory_space<vmem>>, vector<1x16xf32>,
      %get3A_797 = vector.shape_cast %get3A_796 : vector<1x16xf32> to vector<16xf32>
      %add3A_798 = arith.addf %add3A_556, %get3A_797 : vector<16xf32>
      %get3A_799 = arith.index_cast %scan3A_783 : i32 to index
      %get3A_800 = arith.constant 48 : index
      %get3A_801 = tpu.vector_load %arg4[%get3A_799, %get3A_800] {strides = array<i32>} : memref<32x768xf32, #tpu.memory_space<vmem>>, vector<1x16xf32>,
      %get3A_802 = vector.shape_cast %get3A_801 : vector<1x16xf32> to vector<16xf32>
      %add3A_803 = arith.addf %add3A_561, %get3A_802 : vector<16xf32>
      %get3A_804 = arith.index_cast %scan3A_783 : i32 to index
      %get3A_805 = arith.constant 64 : index
      %get3A_806 = tpu.vector_load %arg4[%get3A_804, %get3A_805] {strides = array<i32>} : memref<32x768xf32, #tpu.memory_space<vmem>>, vector<1x16xf32>,
      %get3A_807 = vector.shape_cast %get3A_806 : vector<1x16xf32> to vector<16xf32>
      %add3A_808 = arith.addf %add3A_566, %get3A_807 : vector<16xf32>
      %get3A_809 = arith.index_cast %scan3A_783 : i32 to index
      %get3A_810 = arith.constant 80 : index
      %get3A_811 = tpu.vector_load %arg4[%get3A_809, %get3A_810] {strides = array<i32>} : memref<32x768xf32, #tpu.memory_space<vmem>>, vector<1x16xf32>,
      %get3A_812 = vector.shape_cast %get3A_811 : vector<1x16xf32> to vector<16xf32>
      %add3A_813 = arith.addf %add3A_571, %get3A_812 : vector<16xf32>
      %get3A_814 = arith.index_cast %scan3A_783 : i32 to index
      %get3A_815 = arith.constant 96 : index
      %get3A_816 = tpu.vector_load %arg4[%get3A_814, %get3A_815] {strides = array<i32>} : memref<32x768xf32, #tpu.memory_space<vmem>>, vector<1x16xf32>,
      %get3A_817 = vector.shape_cast %get3A_816 : vector<1x16xf32> to vector<16xf32>
      %add3A_818 = arith.addf %add3A_576, %get3A_817 : vector<16xf32>
      %get3A_819 = arith.index_cast %scan3A_783 : i32 to index
      %get3A_820 = arith.constant 112 : index
      %get3A_821 = tpu.vector_load %arg4[%get3A_819, %get3A_820] {strides = array<i32>} : memref<32x768xf32, #tpu.memory_space<vmem>>, vector<1x16xf32>,
      %get3A_822 = vector.shape_cast %get3A_821 : vector<1x16xf32> to vector<16xf32>
      %add3A_823 = arith.addf %add3A_581, %get3A_822 : vector<16xf32>
      %get3A_824 = arith.index_cast %scan3A_783 : i32 to index
      %get3A_825 = arith.constant 128 : index
      %get3A_826 = tpu.vector_load %arg4[%get3A_824, %get3A_825] {strides = array<i32>} : memref<32x768xf32, #tpu.memory_space<vmem>>, vector<1x16xf32>,
      %get3A_827 = vector.shape_cast %get3A_826 : vector<1x16xf32> to vector<16xf32>
      %add3A_828 = arith.addf %add3A_586, %get3A_827 : vector<16xf32>
      %get3A_829 = arith.index_cast %scan3A_783 : i32 to index
      %get3A_830 = arith.constant 144 : index
      %get3A_831 = tpu.vector_load %arg4[%get3A_829, %get3A_830] {strides = array<i32>} : memref<32x768xf32, #tpu.memory_space<vmem>>, vector<1x16xf32>,
      %get3A_832 = vector.shape_cast %get3A_831 : vector<1x16xf32> to vector<16xf32>
      %add3A_833 = arith.addf %add3A_591, %get3A_832 : vector<16xf32>
      %get3A_834 = arith.index_cast %scan3A_783 : i32 to index
      %get3A_835 = arith.constant 160 : index
      %get3A_836 = tpu.vector_load %arg4[%get3A_834, %get3A_835] {strides = array<i32>} : memref<32x768xf32, #tpu.memory_space<vmem>>, vector<1x16xf32>,
      %get3A_837 = vector.shape_cast %get3A_836 : vector<1x16xf32> to vector<16xf32>
      %add3A_838 = arith.addf %add3A_596, %get3A_837 : vector<16xf32>
      %get3A_839 = arith.index_cast %scan3A_783 : i32 to index
      %get3A_840 = arith.constant 176 : index
      %get3A_841 = tpu.vector_load %arg4[%get3A_839, %get3A_840] {strides = array<i32>} : memref<32x768xf32, #tpu.memory_space<vmem>>, vector<1x16xf32>,
      %get3A_842 = vector.shape_cast %get3A_841 : vector<1x16xf32> to vector<16xf32>
      %add3A_843 = arith.addf %add3A_601, %get3A_842 : vector<16xf32>
      %get3A_844 = arith.index_cast %scan3A_783 : i32 to index
      %get3A_845 = arith.constant 192 : index
      %get3A_846 = tpu.vector_load %arg4[%get3A_844, %get3A_845] {strides = array<i32>} : memref<32x768xf32, #tpu.memory_space<vmem>>, vector<1x16xf32>,
      %get3A_847 = vector.shape_cast %get3A_846 : vector<1x16xf32> to vector<16xf32>
      %add3A_848 = arith.addf %add3A_606, %get3A_847 : vector<16xf32>
      %get3A_849 = arith.index_cast %scan3A_783 : i32 to index
      %get3A_850 = arith.constant 208 : index
      %get3A_851 = tpu.vector_load %arg4[%get3A_849, %get3A_850] {strides = array<i32>} : memref<32x768xf32, #tpu.memory_space<vmem>>, vector<1x16xf32>,
      %get3A_852 = vector.shape_cast %get3A_851 : vector<1x16xf32> to vector<16xf32>
      %add3A_853 = arith.addf %add3A_611, %get3A_852 : vector<16xf32>
      %get3A_854 = arith.index_cast %scan3A_783 : i32 to index
      %get3A_855 = arith.constant 224 : index
      %get3A_856 = tpu.vector_load %arg4[%get3A_854, %get3A_855] {strides = array<i32>} : memref<32x768xf32, #tpu.memory_space<vmem>>, vector<1x16xf32>,
      %get3A_857 = vector.shape_cast %get3A_856 : vector<1x16xf32> to vector<16xf32>
      %add3A_858 = arith.addf %add3A_616, %get3A_857 : vector<16xf32>
      %get3A_859 = arith.index_cast %scan3A_783 : i32 to index
      %get3A_860 = arith.constant 240 : index
      %get3A_861 = tpu.vector_load %arg4[%get3A_859, %get3A_860] {strides = array<i32>} : memref<32x768xf32, #tpu.memory_space<vmem>>, vector<1x16xf32>,
      %get3A_862 = vector.shape_cast %get3A_861 : vector<1x16xf32> to vector<16xf32>
      %add3A_863 = arith.addf %add3A_621, %get3A_862 : vector<16xf32>
      %get3A_864 = arith.index_cast %scan3A_783 : i32 to index
      %get3A_865 = arith.constant 256 : index
      %get3A_866 = tpu.vector_load %arg4[%get3A_864, %get3A_865] {strides = array<i32>} : memref<32x768xf32, #tpu.memory_space<vmem>>, vector<1x16xf32>,
      %get3A_867 = vector.shape_cast %get3A_866 : vector<1x16xf32> to vector<16xf32>
      %add3A_868 = arith.addf %add3A_626, %get3A_867 : vector<16xf32>
      %get3A_869 = arith.index_cast %scan3A_783 : i32 to index
      %get3A_870 = arith.constant 272 : index
      %get3A_871 = tpu.vector_load %arg4[%get3A_869, %get3A_870] {strides = array<i32>} : memref<32x768xf32, #tpu.memory_space<vmem>>, vector<1x16xf32>,
      %get3A_872 = vector.shape_cast %get3A_871 : vector<1x16xf32> to vector<16xf32>
      %add3A_873 = arith.addf %add3A_631, %get3A_872 : vector<16xf32>
      %get3A_874 = arith.index_cast %scan3A_783 : i32 to index
      %get3A_875 = arith.constant 288 : index
      %get3A_876 = tpu.vector_load %arg4[%get3A_874, %get3A_875] {strides = array<i32>} : memref<32x768xf32, #tpu.memory_space<vmem>>, vector<1x16xf32>,
      %get3A_877 = vector.shape_cast %get3A_876 : vector<1x16xf32> to vector<16xf32>
      %add3A_878 = arith.addf %add3A_636, %get3A_877 : vector<16xf32>
      %get3A_879 = arith.index_cast %scan3A_783 : i32 to index
      %get3A_880 = arith.constant 304 : index
      %get3A_881 = tpu.vector_load %arg4[%get3A_879, %get3A_880] {strides = array<i32>} : memref<32x768xf32, #tpu.memory_space<vmem>>, vector<1x16xf32>,
      %get3A_882 = vector.shape_cast %get3A_881 : vector<1x16xf32> to vector<16xf32>
      %add3A_883 = arith.addf %add3A_641, %get3A_882 : vector<16xf32>
      %get3A_884 = arith.index_cast %scan3A_783 : i32 to index
      %get3A_885 = arith.constant 320 : index
      %get3A_886 = tpu.vector_load %arg4[%get3A_884, %get3A_885] {strides = array<i32>} : memref<32x768xf32, #tpu.memory_space<vmem>>, vector<1x16xf32>,
      %get3A_887 = vector.shape_cast %get3A_886 : vector<1x16xf32> to vector<16xf32>
      %add3A_888 = arith.addf %add3A_646, %get3A_887 : vector<16xf32>
      %get3A_889 = arith.index_cast %scan3A_783 : i32 to index
      %get3A_890 = arith.constant 336 : index
      %get3A_891 = tpu.vector_load %arg4[%get3A_889, %get3A_890] {strides = array<i32>} : memref<32x768xf32, #tpu.memory_space<vmem>>, vector<1x16xf32>,
      %get3A_892 = vector.shape_cast %get3A_891 : vector<1x16xf32> to vector<16xf32>
      %add3A_893 = arith.addf %add3A_651, %get3A_892 : vector<16xf32>
      %get3A_894 = arith.index_cast %scan3A_783 : i32 to index
      %get3A_895 = arith.constant 352 : index
      %get3A_896 = tpu.vector_load %arg4[%get3A_894, %get3A_895] {strides = array<i32>} : memref<32x768xf32, #tpu.memory_space<vmem>>, vector<1x16xf32>,
      %get3A_897 = vector.shape_cast %get3A_896 : vector<1x16xf32> to vector<16xf32>
      %add3A_898 = arith.addf %add3A_656, %get3A_897 : vector<16xf32>
      %get3A_899 = arith.index_cast %scan3A_783 : i32 to index
      %get3A_900 = arith.constant 368 : index
      %get3A_901 = tpu.vector_load %arg4[%get3A_899, %get3A_900] {strides = array<i32>} : memref<32x768xf32, #tpu.memory_space<vmem>>, vector<1x16xf32>,
      %get3A_902 = vector.shape_cast %get3A_901 : vector<1x16xf32> to vector<16xf32>
      %add3A_903 = arith.addf %add3A_661, %get3A_902 : vector<16xf32>
      %get3A_904 = arith.index_cast %scan3A_783 : i32 to index
      %get3A_905 = arith.constant 384 : index
      %get3A_906 = tpu.vector_load %arg4[%get3A_904, %get3A_905] {strides = array<i32>} : memref<32x768xf32, #tpu.memory_space<vmem>>, vector<1x16xf32>,
      %get3A_907 = vector.shape_cast %get3A_906 : vector<1x16xf32> to vector<16xf32>
      %add3A_908 = arith.addf %add3A_666, %get3A_907 : vector<16xf32>
      %get3A_909 = arith.index_cast %scan3A_783 : i32 to index
      %get3A_910 = arith.constant 400 : index
      %get3A_911 = tpu.vector_load %arg4[%get3A_909, %get3A_910] {strides = array<i32>} : memref<32x768xf32, #tpu.memory_space<vmem>>, vector<1x16xf32>,
      %get3A_912 = vector.shape_cast %get3A_911 : vector<1x16xf32> to vector<16xf32>
      %add3A_913 = arith.addf %add3A_671, %get3A_912 : vector<16xf32>
      %get3A_914 = arith.index_cast %scan3A_783 : i32 to index
      %get3A_915 = arith.constant 416 : index
      %get3A_916 = tpu.vector_load %arg4[%get3A_914, %get3A_915] {strides = array<i32>} : memref<32x768xf32, #tpu.memory_space<vmem>>, vector<1x16xf32>,
      %get3A_917 = vector.shape_cast %get3A_916 : vector<1x16xf32> to vector<16xf32>
      %add3A_918 = arith.addf %add3A_676, %get3A_917 : vector<16xf32>
      %get3A_919 = arith.index_cast %scan3A_783 : i32 to index
      %get3A_920 = arith.constant 432 : index
      %get3A_921 = tpu.vector_load %arg4[%get3A_919, %get3A_920] {strides = array<i32>} : memref<32x768xf32, #tpu.memory_space<vmem>>, vector<1x16xf32>,
      %get3A_922 = vector.shape_cast %get3A_921 : vector<1x16xf32> to vector<16xf32>
      %add3A_923 = arith.addf %add3A_681, %get3A_922 : vector<16xf32>
      %get3A_924 = arith.index_cast %scan3A_783 : i32 to index
      %get3A_925 = arith.constant 448 : index
      %get3A_926 = tpu.vector_load %arg4[%get3A_924, %get3A_925] {strides = array<i32>} : memref<32x768xf32, #tpu.memory_space<vmem>>, vector<1x16xf32>,
      %get3A_927 = vector.shape_cast %get3A_926 : vector<1x16xf32> to vector<16xf32>
      %add3A_928 = arith.addf %add3A_686, %get3A_927 : vector<16xf32>
      %get3A_929 = arith.index_cast %scan3A_783 : i32 to index
      %get3A_930 = arith.constant 464 : index
      %get3A_931 = tpu.vector_load %arg4[%get3A_929, %get3A_930] {strides = array<i32>} : memref<32x768xf32, #tpu.memory_space<vmem>>, vector<1x16xf32>,
      %get3A_932 = vector.shape_cast %get3A_931 : vector<1x16xf32> to vector<16xf32>
      %add3A_933 = arith.addf %add3A_691, %get3A_932 : vector<16xf32>
      %get3A_934 = arith.index_cast %scan3A_783 : i32 to index
      %get3A_935 = arith.constant 480 : index
      %get3A_936 = tpu.vector_load %arg4[%get3A_934, %get3A_935] {strides = array<i32>} : memref<32x768xf32, #tpu.memory_space<vmem>>, vector<1x16xf32>,
      %get3A_937 = vector.shape_cast %get3A_936 : vector<1x16xf32> to vector<16xf32>
      %add3A_938 = arith.addf %add3A_696, %get3A_937 : vector<16xf32>
      %get3A_939 = arith.index_cast %scan3A_783 : i32 to index
      %get3A_940 = arith.constant 496 : index
      %get3A_941 = tpu.vector_load %arg4[%get3A_939, %get3A_940] {strides = array<i32>} : memref<32x768xf32, #tpu.memory_space<vmem>>, vector<1x16xf32>,
      %get3A_942 = vector.shape_cast %get3A_941 : vector<1x16xf32> to vector<16xf32>
      %add3A_943 = arith.addf %add3A_701, %get3A_942 : vector<16xf32>
      %get3A_944 = arith.index_cast %scan3A_783 : i32 to index
      %get3A_945 = arith.constant 512 : index
      %get3A_946 = tpu.vector_load %arg4[%get3A_944, %get3A_945] {strides = array<i32>} : memref<32x768xf32, #tpu.memory_space<vmem>>, vector<1x16xf32>,
      %get3A_947 = vector.shape_cast %get3A_946 : vector<1x16xf32> to vector<16xf32>
      %add3A_948 = arith.addf %add3A_706, %get3A_947 : vector<16xf32>
      %get3A_949 = arith.index_cast %scan3A_783 : i32 to index
      %get3A_950 = arith.constant 528 : index
      %get3A_951 = tpu.vector_load %arg4[%get3A_949, %get3A_950] {strides = array<i32>} : memref<32x768xf32, #tpu.memory_space<vmem>>, vector<1x16xf32>,
      %get3A_952 = vector.shape_cast %get3A_951 : vector<1x16xf32> to vector<16xf32>
      %add3A_953 = arith.addf %add3A_711, %get3A_952 : vector<16xf32>
      %get3A_954 = arith.index_cast %scan3A_783 : i32 to index
      %get3A_955 = arith.constant 544 : index
      %get3A_956 = tpu.vector_load %arg4[%get3A_954, %get3A_955] {strides = array<i32>} : memref<32x768xf32, #tpu.memory_space<vmem>>, vector<1x16xf32>,
      %get3A_957 = vector.shape_cast %get3A_956 : vector<1x16xf32> to vector<16xf32>
      %add3A_958 = arith.addf %add3A_716, %get3A_957 : vector<16xf32>
      %get3A_959 = arith.index_cast %scan3A_783 : i32 to index
      %get3A_960 = arith.constant 560 : index
      %get3A_961 = tpu.vector_load %arg4[%get3A_959, %get3A_960] {strides = array<i32>} : memref<32x768xf32, #tpu.memory_space<vmem>>, vector<1x16xf32>,
      %get3A_962 = vector.shape_cast %get3A_961 : vector<1x16xf32> to vector<16xf32>
      %add3A_963 = arith.addf %add3A_721, %get3A_962 : vector<16xf32>
      %get3A_964 = arith.index_cast %scan3A_783 : i32 to index
      %get3A_965 = arith.constant 576 : index
      %get3A_966 = tpu.vector_load %arg4[%get3A_964, %get3A_965] {strides = array<i32>} : memref<32x768xf32, #tpu.memory_space<vmem>>, vector<1x16xf32>,
      %get3A_967 = vector.shape_cast %get3A_966 : vector<1x16xf32> to vector<16xf32>
      %add3A_968 = arith.addf %add3A_726, %get3A_967 : vector<16xf32>
      %get3A_969 = arith.index_cast %scan3A_783 : i32 to index
      %get3A_970 = arith.constant 592 : index
      %get3A_971 = tpu.vector_load %arg4[%get3A_969, %get3A_970] {strides = array<i32>} : memref<32x768xf32, #tpu.memory_space<vmem>>, vector<1x16xf32>,
      %get3A_972 = vector.shape_cast %get3A_971 : vector<1x16xf32> to vector<16xf32>
      %add3A_973 = arith.addf %add3A_731, %get3A_972 : vector<16xf32>
      %get3A_974 = arith.index_cast %scan3A_783 : i32 to index
      %get3A_975 = arith.constant 608 : index
      %get3A_976 = tpu.vector_load %arg4[%get3A_974, %get3A_975] {strides = array<i32>} : memref<32x768xf32, #tpu.memory_space<vmem>>, vector<1x16xf32>,
      %get3A_977 = vector.shape_cast %get3A_976 : vector<1x16xf32> to vector<16xf32>
      %add3A_978 = arith.addf %add3A_736, %get3A_977 : vector<16xf32>
      %get3A_979 = arith.index_cast %scan3A_783 : i32 to index
      %get3A_980 = arith.constant 624 : index
      %get3A_981 = tpu.vector_load %arg4[%get3A_979, %get3A_980] {strides = array<i32>} : memref<32x768xf32, #tpu.memory_space<vmem>>, vector<1x16xf32>,
      %get3A_982 = vector.shape_cast %get3A_981 : vector<1x16xf32> to vector<16xf32>
      %add3A_983 = arith.addf %add3A_741, %get3A_982 : vector<16xf32>
      %get3A_984 = arith.index_cast %scan3A_783 : i32 to index
      %get3A_985 = arith.constant 640 : index
      %get3A_986 = tpu.vector_load %arg4[%get3A_984, %get3A_985] {strides = array<i32>} : memref<32x768xf32, #tpu.memory_space<vmem>>, vector<1x16xf32>,
      %get3A_987 = vector.shape_cast %get3A_986 : vector<1x16xf32> to vector<16xf32>
      %add3A_988 = arith.addf %add3A_746, %get3A_987 : vector<16xf32>
      %get3A_989 = arith.index_cast %scan3A_783 : i32 to index
      %get3A_990 = arith.constant 656 : index
      %get3A_991 = tpu.vector_load %arg4[%get3A_989, %get3A_990] {strides = array<i32>} : memref<32x768xf32, #tpu.memory_space<vmem>>, vector<1x16xf32>,
      %get3A_992 = vector.shape_cast %get3A_991 : vector<1x16xf32> to vector<16xf32>
      %add3A_993 = arith.addf %add3A_751, %get3A_992 : vector<16xf32>
      %get3A_994 = arith.index_cast %scan3A_783 : i32 to index
      %get3A_995 = arith.constant 672 : index
      %get3A_996 = tpu.vector_load %arg4[%get3A_994, %get3A_995] {strides = array<i32>} : memref<32x768xf32, #tpu.memory_space<vmem>>, vector<1x16xf32>,
      %get3A_997 = vector.shape_cast %get3A_996 : vector<1x16xf32> to vector<16xf32>
      %add3A_998 = arith.addf %add3A_756, %get3A_997 : vector<16xf32>
      %get3A_999 = arith.index_cast %scan3A_783 : i32 to index
      %get3A_1000 = arith.constant 688 : index
      %get3A_1001 = tpu.vector_load %arg4[%get3A_999, %get3A_1000] {strides = array<i32>} : memref<32x768xf32, #tpu.memory_space<vmem>>, vector<1x16xf32>,
      %get3A_1002 = vector.shape_cast %get3A_1001 : vector<1x16xf32> to vector<16xf32>
      %add3A_1003 = arith.addf %add3A_761, %get3A_1002 : vector<16xf32>
      %get3A_1004 = arith.index_cast %scan3A_783 : i32 to index
      %get3A_1005 = arith.constant 704 : index
      %get3A_1006 = tpu.vector_load %arg4[%get3A_1004, %get3A_1005] {strides = array<i32>} : memref<32x768xf32, #tpu.memory_space<vmem>>, vector<1x16xf32>,
      %get3A_1007 = vector.shape_cast %get3A_1006 : vector<1x16xf32> to vector<16xf32>
      %add3A_1008 = arith.addf %add3A_766, %get3A_1007 : vector<16xf32>
      %get3A_1009 = arith.index_cast %scan3A_783 : i32 to index
      %get3A_1010 = arith.constant 720 : index
      %get3A_1011 = tpu.vector_load %arg4[%get3A_1009, %get3A_1010] {strides = array<i32>} : memref<32x768xf32, #tpu.memory_space<vmem>>, vector<1x16xf32>,
      %get3A_1012 = vector.shape_cast %get3A_1011 : vector<1x16xf32> to vector<16xf32>
      %add3A_1013 = arith.addf %add3A_771, %get3A_1012 : vector<16xf32>
      %get3A_1014 = arith.index_cast %scan3A_783 : i32 to index
      %get3A_1015 = arith.constant 736 : index
      %get3A_1016 = tpu.vector_load %arg4[%get3A_1014, %get3A_1015] {strides = array<i32>} : memref<32x768xf32, #tpu.memory_space<vmem>>, vector<1x16xf32>,
      %get3A_1017 = vector.shape_cast %get3A_1016 : vector<1x16xf32> to vector<16xf32>
      %add3A_1018 = arith.addf %add3A_776, %get3A_1017 : vector<16xf32>
      %get3A_1019 = arith.index_cast %scan3A_783 : i32 to index
      %get3A_1020 = arith.constant 752 : index
      %get3A_1021 = tpu.vector_load %arg4[%get3A_1019, %get3A_1020] {strides = array<i32>} : memref<32x768xf32, #tpu.memory_space<vmem>>, vector<1x16xf32>,
      %get3A_1022 = vector.shape_cast %get3A_1021 : vector<1x16xf32> to vector<16xf32>
      %add3A_1023 = arith.addf %add3A_781, %get3A_1022 : vector<16xf32>
      scf.yield %add3A_788, %add3A_793, %add3A_798, %add3A_803, %add3A_808, %add3A_813, %add3A_818, %add3A_823, %add3A_828, %add3A_833, %add3A_838, %add3A_843, %add3A_848, %add3A_853, %add3A_858, %add3A_863, %add3A_868, %add3A_873, %add3A_878, %add3A_883, %add3A_888, %add3A_893, %add3A_898, %add3A_903, %add3A_908, %add3A_913, %add3A_918, %add3A_923, %add3A_928, %add3A_933, %add3A_938, %add3A_943, %add3A_948, %add3A_953, %add3A_958, %add3A_963, %add3A_968, %add3A_973, %add3A_978, %add3A_983, %add3A_988, %add3A_993, %add3A_998, %add3A_1003, %add3A_1008, %add3A_1013, %add3A_1018, %add3A_1023 : vector<16xf32>, vector<16xf32>, vector<16xf32>, vector<16xf32>, vector<16xf32>, vector<16xf32>, vector<16xf32>, vector<16xf32>, vector<16xf32>, vector<16xf32>, vector<16xf32>, vector<16xf32>, vector<16xf32>, vector<16xf32>, vector<16xf32>, vector<16xf32>, vector<16xf32>, vector<16xf32>, vector<16xf32>, vector<16xf32>, vector<16xf32>, vector<16xf32>, vector<16xf32>, vector<16xf32>, vector<16xf32>, vector<16xf32>, vector<16xf32>, vector<16xf32>, vector<16xf32>, vector<16xf32>, vector<16xf32>, vector<16xf32>, vector<16xf32>, vector<16xf32>, vector<16xf32>, vector<16xf32>, vector<16xf32>, vector<16xf32>, vector<16xf32>, vector<16xf32>, vector<16xf32>, vector<16xf32>, vector<16xf32>, vector<16xf32>, vector<16xf32>, vector<16xf32>, vector<16xf32>, vector<16xf32>
    }
    %scan3A_154 = arith.constant 32 : i32
    %add3A_155 = arith.constant 64 : i32
    %add3A_156 = arith.addi %mul3A_34, %add3A_155 : i32
    %dma_start3A_157 = arith.constant 0 : i32
    %dma_start3A_158 = tpu.memref_slice %arg2[%add3A_18, %add3A_156, %dma_start3A_157] : memref<4x2048x768xf32, #tpu.memory_space<hbm>> -> memref<1x32x768xf32, #tpu.memory_space<hbm>>
    %dma_start3A_159 = tpu.memref_squeeze %dma_start3A_158 : memref<1x32x768xf32, #tpu.memory_space<hbm>> -> memref<32x768xf32, #tpu.memory_space<hbm>>
    %dma_start3A_160 = arith.constant 0 : i32
    %dma_start3A_161 = tpu.memref_slice %arg2[%add3A_18, %add3A_156, %dma_start3A_160] : memref<4x2048x768xf32, #tpu.memory_space<hbm>> -> memref<1x32x768xf32, #tpu.memory_space<hbm>>
    %dma_start3A_162 = tpu.memref_squeeze %dma_start3A_161 : memref<1x32x768xf32, #tpu.memory_space<hbm>> -> memref<32x768xf32, #tpu.memory_space<hbm>>
    tpu.enqueue_dma source(%dma_start3A_162 : memref<32x768xf32, #tpu.memory_space<hbm>>) target(%arg4 : memref<32x768xf32, #tpu.memory_space<vmem>>) target_semaphore(%arg7 : memref<!tpu.dma_semaphore, #tpu.memory_space<semaphore_mem>>)
    %dma_wait3A_163 = arith.constant 0 : i32
    %dma_wait3A_164 = tpu.memref_slice %arg2[%add3A_18, %add3A_43, %dma_wait3A_163] : memref<4x2048x768xf32, #tpu.memory_space<hbm>> -> memref<1x32x768xf32, #tpu.memory_space<hbm>>
    %dma_wait3A_165 = tpu.memref_squeeze %dma_wait3A_164 : memref<1x32x768xf32, #tpu.memory_space<hbm>> -> memref<32x768xf32, #tpu.memory_space<hbm>>
    %dma_wait3A_166 = arith.constant 0 : i32
    %dma_wait3A_167 = tpu.memref_slice %arg2[%add3A_18, %add3A_43, %dma_wait3A_166] : memref<4x2048x768xf32, #tpu.memory_space<hbm>> -> memref<1x32x768xf32, #tpu.memory_space<hbm>>
    %dma_wait3A_168 = tpu.memref_squeeze %dma_wait3A_167 : memref<1x32x768xf32, #tpu.memory_space<hbm>> -> memref<32x768xf32, #tpu.memory_space<hbm>>
    tpu.wait_dma2 semaphore(%arg8 : memref<!tpu.dma_semaphore, #tpu.memory_space<semaphore_mem>>) src(%dma_wait3A_168 : memref<32x768xf32, #tpu.memory_space<hbm>>) dst(%arg5 : memref<32x768xf32, #tpu.memory_space<vmem>>)
    %scan3A_169 = arith.constant 0 : i32
    %scan3A_170 = arith.constant 32 : i32
    %scan3A_171 = arith.addi %scan3A_169, %scan3A_170 : i32
    %scan3A_172 = arith.constant 2 : i32
    %scan3A_173:48 = scf.for %scan3A_494 = %scan3A_169 to %scan3A_171 step %scan3A_172 iter_args(%scan3A_495 = %scan3A_153#0, %scan3A_496 = %scan3A_153#1, %scan3A_497 = %scan3A_153#2, %scan3A_498 = %scan3A_153#3, %scan3A_499 = %scan3A_153#4, %scan3A_500 = %scan3A_153#5, %scan3A_501 = %scan3A_153#6, %scan3A_502 = %scan3A_153#7, %scan3A_503 = %scan3A_153#8, %scan3A_504 = %scan3A_153#9, %scan3A_505 = %scan3A_153#10, %scan3A_506 = %scan3A_153#11, %scan3A_507 = %scan3A_153#12, %scan3A_508 = %scan3A_153#13, %scan3A_509 = %scan3A_153#14, %scan3A_510 = %scan3A_153#15, %scan3A_511 = %scan3A_153#16, %scan3A_512 = %scan3A_153#17, %scan3A_513 = %scan3A_153#18, %scan3A_514 = %scan3A_153#19, %scan3A_515 = %scan3A_153#20, %scan3A_516 = %scan3A_153#21, %scan3A_517 = %scan3A_153#22, %scan3A_518 = %scan3A_153#23, %scan3A_519 = %scan3A_153#24, %scan3A_520 = %scan3A_153#25, %scan3A_521 = %scan3A_153#26, %scan3A_522 = %scan3A_153#27, %scan3A_523 = %scan3A_153#28, %scan3A_524 = %scan3A_153#29, %scan3A_525 = %scan3A_153#30, %scan3A_526 = %scan3A_153#31, %scan3A_527 = %scan3A_153#32, %scan3A_528 = %scan3A_153#33, %scan3A_529 = %scan3A_153#34, %scan3A_530 = %scan3A_153#35, %scan3A_531 = %scan3A_153#36, %scan3A_532 = %scan3A_153#37, %scan3A_533 = %scan3A_153#38, %scan3A_534 = %scan3A_153#39, %scan3A_535 = %scan3A_153#40, %scan3A_536 = %scan3A_153#41, %scan3A_537 = %scan3A_153#42, %scan3A_538 = %scan3A_153#43, %scan3A_539 = %scan3A_153#44, %scan3A_540 = %scan3A_153#45, %scan3A_541 = %scan3A_153#46, %scan3A_542 = %scan3A_153#47) -> (vector<16xf32>, vector<16xf32>, vector<16xf32>, vector<16xf32>, vector<16xf32>, vector<16xf32>, vector<16xf32>, vector<16xf32>, vector<16xf32>, vector<16xf32>, vector<16xf32>, vector<16xf32>, vector<16xf32>, vector<16xf32>, vector<16xf32>, vector<16xf32>, vector<16xf32>, vector<16xf32>, vector<16xf32>, vector<16xf32>, vector<16xf32>, vector<16xf32>, vector<16xf32>, vector<16xf32>, vector<16xf32>, vector<16xf32>, vector<16xf32>, vector<16xf32>, vector<16xf32>, vector<16xf32>, vector<16xf32>, vector<16xf32>, vector<16xf32>, vector<16xf32>, vector<16xf32>, vector<16xf32>, vector<16xf32>, vector<16xf32>, vector<16xf32>, vector<16xf32>, vector<16xf32>, vector<16xf32>, vector<16xf32>, vector<16xf32>, vector<16xf32>, vector<16xf32>, vector<16xf32>, vector<16xf32>)  : i32 {
      %get3A = arith.index_cast %scan3A_494 : i32 to index
      %get3A_543 = arith.constant 0 : index
      %get3A_544 = tpu.vector_load %arg5[%get3A, %get3A_543] {strides = array<i32>} : memref<32x768xf32, #tpu.memory_space<vmem>>, vector<1x16xf32>,
      %get3A_545 = vector.shape_cast %get3A_544 : vector<1x16xf32> to vector<16xf32>
      %add3A_546 = arith.addf %scan3A_495, %get3A_545 : vector<16xf32>
      %get3A_547 = arith.index_cast %scan3A_494 : i32 to index
      %get3A_548 = arith.constant 16 : index
      %get3A_549 = tpu.vector_load %arg5[%get3A_547, %get3A_548] {strides = array<i32>} : memref<32x768xf32, #tpu.memory_space<vmem>>, vector<1x16xf32>,
      %get3A_550 = vector.shape_cast %get3A_549 : vector<1x16xf32> to vector<16xf32>
      %add3A_551 = arith.addf %scan3A_496, %get3A_550 : vector<16xf32>
      %get3A_552 = arith.index_cast %scan3A_494 : i32 to index
      %get3A_553 = arith.constant 32 : index
      %get3A_554 = tpu.vector_load %arg5[%get3A_552, %get3A_553] {strides = array<i32>} : memref<32x768xf32, #tpu.memory_space<vmem>>, vector<1x16xf32>,
      %get3A_555 = vector.shape_cast %get3A_554 : vector<1x16xf32> to vector<16xf32>
      %add3A_556 = arith.addf %scan3A_497, %get3A_555 : vector<16xf32>
      %get3A_557 = arith.index_cast %scan3A_494 : i32 to index
      %get3A_558 = arith.constant 48 : index
      %get3A_559 = tpu.vector_load %arg5[%get3A_557, %get3A_558] {strides = array<i32>} : memref<32x768xf32, #tpu.memory_space<vmem>>, vector<1x16xf32>,
      %get3A_560 = vector.shape_cast %get3A_559 : vector<1x16xf32> to vector<16xf32>
      %add3A_561 = arith.addf %scan3A_498, %get3A_560 : vector<16xf32>
      %get3A_562 = arith.index_cast %scan3A_494 : i32 to index
      %get3A_563 = arith.constant 64 : index
      %get3A_564 = tpu.vector_load %arg5[%get3A_562, %get3A_563] {strides = array<i32>} : memref<32x768xf32, #tpu.memory_space<vmem>>, vector<1x16xf32>,
      %get3A_565 = vector.shape_cast %get3A_564 : vector<1x16xf32> to vector<16xf32>
      %add3A_566 = arith.addf %scan3A_499, %get3A_565 : vector<16xf32>
      %get3A_567 = arith.index_cast %scan3A_494 : i32 to index
      %get3A_568 = arith.constant 80 : index
      %get3A_569 = tpu.vector_load %arg5[%get3A_567, %get3A_568] {strides = array<i32>} : memref<32x768xf32, #tpu.memory_space<vmem>>, vector<1x16xf32>,
      %get3A_570 = vector.shape_cast %get3A_569 : vector<1x16xf32> to vector<16xf32>
      %add3A_571 = arith.addf %scan3A_500, %get3A_570 : vector<16xf32>
      %get3A_572 = arith.index_cast %scan3A_494 : i32 to index
      %get3A_573 = arith.constant 96 : index
      %get3A_574 = tpu.vector_load %arg5[%get3A_572, %get3A_573] {strides = array<i32>} : memref<32x768xf32, #tpu.memory_space<vmem>>, vector<1x16xf32>,
      %get3A_575 = vector.shape_cast %get3A_574 : vector<1x16xf32> to vector<16xf32>
      %add3A_576 = arith.addf %scan3A_501, %get3A_575 : vector<16xf32>
      %get3A_577 = arith.index_cast %scan3A_494 : i32 to index
      %get3A_578 = arith.constant 112 : index
      %get3A_579 = tpu.vector_load %arg5[%get3A_577, %get3A_578] {strides = array<i32>} : memref<32x768xf32, #tpu.memory_space<vmem>>, vector<1x16xf32>,
      %get3A_580 = vector.shape_cast %get3A_579 : vector<1x16xf32> to vector<16xf32>
      %add3A_581 = arith.addf %scan3A_502, %get3A_580 : vector<16xf32>
      %get3A_582 = arith.index_cast %scan3A_494 : i32 to index
      %get3A_583 = arith.constant 128 : index
      %get3A_584 = tpu.vector_load %arg5[%get3A_582, %get3A_583] {strides = array<i32>} : memref<32x768xf32, #tpu.memory_space<vmem>>, vector<1x16xf32>,
      %get3A_585 = vector.shape_cast %get3A_584 : vector<1x16xf32> to vector<16xf32>
      %add3A_586 = arith.addf %scan3A_503, %get3A_585 : vector<16xf32>
      %get3A_587 = arith.index_cast %scan3A_494 : i32 to index
      %get3A_588 = arith.constant 144 : index
      %get3A_589 = tpu.vector_load %arg5[%get3A_587, %get3A_588] {strides = array<i32>} : memref<32x768xf32, #tpu.memory_space<vmem>>, vector<1x16xf32>,
      %get3A_590 = vector.shape_cast %get3A_589 : vector<1x16xf32> to vector<16xf32>
      %add3A_591 = arith.addf %scan3A_504, %get3A_590 : vector<16xf32>
      %get3A_592 = arith.index_cast %scan3A_494 : i32 to index
      %get3A_593 = arith.constant 160 : index
      %get3A_594 = tpu.vector_load %arg5[%get3A_592, %get3A_593] {strides = array<i32>} : memref<32x768xf32, #tpu.memory_space<vmem>>, vector<1x16xf32>,
      %get3A_595 = vector.shape_cast %get3A_594 : vector<1x16xf32> to vector<16xf32>
      %add3A_596 = arith.addf %scan3A_505, %get3A_595 : vector<16xf32>
      %get3A_597 = arith.index_cast %scan3A_494 : i32 to index
      %get3A_598 = arith.constant 176 : index
      %get3A_599 = tpu.vector_load %arg5[%get3A_597, %get3A_598] {strides = array<i32>} : memref<32x768xf32, #tpu.memory_space<vmem>>, vector<1x16xf32>,
      %get3A_600 = vector.shape_cast %get3A_599 : vector<1x16xf32> to vector<16xf32>
      %add3A_601 = arith.addf %scan3A_506, %get3A_600 : vector<16xf32>
      %get3A_602 = arith.index_cast %scan3A_494 : i32 to index
      %get3A_603 = arith.constant 192 : index
      %get3A_604 = tpu.vector_load %arg5[%get3A_602, %get3A_603] {strides = array<i32>} : memref<32x768xf32, #tpu.memory_space<vmem>>, vector<1x16xf32>,
      %get3A_605 = vector.shape_cast %get3A_604 : vector<1x16xf32> to vector<16xf32>
      %add3A_606 = arith.addf %scan3A_507, %get3A_605 : vector<16xf32>
      %get3A_607 = arith.index_cast %scan3A_494 : i32 to index
      %get3A_608 = arith.constant 208 : index
      %get3A_609 = tpu.vector_load %arg5[%get3A_607, %get3A_608] {strides = array<i32>} : memref<32x768xf32, #tpu.memory_space<vmem>>, vector<1x16xf32>,
      %get3A_610 = vector.shape_cast %get3A_609 : vector<1x16xf32> to vector<16xf32>
      %add3A_611 = arith.addf %scan3A_508, %get3A_610 : vector<16xf32>
      %get3A_612 = arith.index_cast %scan3A_494 : i32 to index
      %get3A_613 = arith.constant 224 : index
      %get3A_614 = tpu.vector_load %arg5[%get3A_612, %get3A_613] {strides = array<i32>} : memref<32x768xf32, #tpu.memory_space<vmem>>, vector<1x16xf32>,
      %get3A_615 = vector.shape_cast %get3A_614 : vector<1x16xf32> to vector<16xf32>
      %add3A_616 = arith.addf %scan3A_509, %get3A_615 : vector<16xf32>
      %get3A_617 = arith.index_cast %scan3A_494 : i32 to index
      %get3A_618 = arith.constant 240 : index
      %get3A_619 = tpu.vector_load %arg5[%get3A_617, %get3A_618] {strides = array<i32>} : memref<32x768xf32, #tpu.memory_space<vmem>>, vector<1x16xf32>,
      %get3A_620 = vector.shape_cast %get3A_619 : vector<1x16xf32> to vector<16xf32>
      %add3A_621 = arith.addf %scan3A_510, %get3A_620 : vector<16xf32>
      %get3A_622 = arith.index_cast %scan3A_494 : i32 to index
      %get3A_623 = arith.constant 256 : index
      %get3A_624 = tpu.vector_load %arg5[%get3A_622, %get3A_623] {strides = array<i32>} : memref<32x768xf32, #tpu.memory_space<vmem>>, vector<1x16xf32>,
      %get3A_625 = vector.shape_cast %get3A_624 : vector<1x16xf32> to vector<16xf32>
      %add3A_626 = arith.addf %scan3A_511, %get3A_625 : vector<16xf32>
      %get3A_627 = arith.index_cast %scan3A_494 : i32 to index
      %get3A_628 = arith.constant 272 : index
      %get3A_629 = tpu.vector_load %arg5[%get3A_627, %get3A_628] {strides = array<i32>} : memref<32x768xf32, #tpu.memory_space<vmem>>, vector<1x16xf32>,
      %get3A_630 = vector.shape_cast %get3A_629 : vector<1x16xf32> to vector<16xf32>
      %add3A_631 = arith.addf %scan3A_512, %get3A_630 : vector<16xf32>
      %get3A_632 = arith.index_cast %scan3A_494 : i32 to index
      %get3A_633 = arith.constant 288 : index
      %get3A_634 = tpu.vector_load %arg5[%get3A_632, %get3A_633] {strides = array<i32>} : memref<32x768xf32, #tpu.memory_space<vmem>>, vector<1x16xf32>,
      %get3A_635 = vector.shape_cast %get3A_634 : vector<1x16xf32> to vector<16xf32>
      %add3A_636 = arith.addf %scan3A_513, %get3A_635 : vector<16xf32>
      %get3A_637 = arith.index_cast %scan3A_494 : i32 to index
      %get3A_638 = arith.constant 304 : index
      %get3A_639 = tpu.vector_load %arg5[%get3A_637, %get3A_638] {strides = array<i32>} : memref<32x768xf32, #tpu.memory_space<vmem>>, vector<1x16xf32>,
      %get3A_640 = vector.shape_cast %get3A_639 : vector<1x16xf32> to vector<16xf32>
      %add3A_641 = arith.addf %scan3A_514, %get3A_640 : vector<16xf32>
      %get3A_642 = arith.index_cast %scan3A_494 : i32 to index
      %get3A_643 = arith.constant 320 : index
      %get3A_644 = tpu.vector_load %arg5[%get3A_642, %get3A_643] {strides = array<i32>} : memref<32x768xf32, #tpu.memory_space<vmem>>, vector<1x16xf32>,
      %get3A_645 = vector.shape_cast %get3A_644 : vector<1x16xf32> to vector<16xf32>
      %add3A_646 = arith.addf %scan3A_515, %get3A_645 : vector<16xf32>
      %get3A_647 = arith.index_cast %scan3A_494 : i32 to index
      %get3A_648 = arith.constant 336 : index
      %get3A_649 = tpu.vector_load %arg5[%get3A_647, %get3A_648] {strides = array<i32>} : memref<32x768xf32, #tpu.memory_space<vmem>>, vector<1x16xf32>,
      %get3A_650 = vector.shape_cast %get3A_649 : vector<1x16xf32> to vector<16xf32>
      %add3A_651 = arith.addf %scan3A_516, %get3A_650 : vector<16xf32>
      %get3A_652 = arith.index_cast %scan3A_494 : i32 to index
      %get3A_653 = arith.constant 352 : index
      %get3A_654 = tpu.vector_load %arg5[%get3A_652, %get3A_653] {strides = array<i32>} : memref<32x768xf32, #tpu.memory_space<vmem>>, vector<1x16xf32>,
      %get3A_655 = vector.shape_cast %get3A_654 : vector<1x16xf32> to vector<16xf32>
      %add3A_656 = arith.addf %scan3A_517, %get3A_655 : vector<16xf32>
      %get3A_657 = arith.index_cast %scan3A_494 : i32 to index
      %get3A_658 = arith.constant 368 : index
      %get3A_659 = tpu.vector_load %arg5[%get3A_657, %get3A_658] {strides = array<i32>} : memref<32x768xf32, #tpu.memory_space<vmem>>, vector<1x16xf32>,
      %get3A_660 = vector.shape_cast %get3A_659 : vector<1x16xf32> to vector<16xf32>
      %add3A_661 = arith.addf %scan3A_518, %get3A_660 : vector<16xf32>
      %get3A_662 = arith.index_cast %scan3A_494 : i32 to index
      %get3A_663 = arith.constant 384 : index
      %get3A_664 = tpu.vector_load %arg5[%get3A_662, %get3A_663] {strides = array<i32>} : memref<32x768xf32, #tpu.memory_space<vmem>>, vector<1x16xf32>,
      %get3A_665 = vector.shape_cast %get3A_664 : vector<1x16xf32> to vector<16xf32>
      %add3A_666 = arith.addf %scan3A_519, %get3A_665 : vector<16xf32>
      %get3A_667 = arith.index_cast %scan3A_494 : i32 to index
      %get3A_668 = arith.constant 400 : index
      %get3A_669 = tpu.vector_load %arg5[%get3A_667, %get3A_668] {strides = array<i32>} : memref<32x768xf32, #tpu.memory_space<vmem>>, vector<1x16xf32>,
      %get3A_670 = vector.shape_cast %get3A_669 : vector<1x16xf32> to vector<16xf32>
      %add3A_671 = arith.addf %scan3A_520, %get3A_670 : vector<16xf32>
      %get3A_672 = arith.index_cast %scan3A_494 : i32 to index
      %get3A_673 = arith.constant 416 : index
      %get3A_674 = tpu.vector_load %arg5[%get3A_672, %get3A_673] {strides = array<i32>} : memref<32x768xf32, #tpu.memory_space<vmem>>, vector<1x16xf32>,
      %get3A_675 = vector.shape_cast %get3A_674 : vector<1x16xf32> to vector<16xf32>
      %add3A_676 = arith.addf %scan3A_521, %get3A_675 : vector<16xf32>
      %get3A_677 = arith.index_cast %scan3A_494 : i32 to index
      %get3A_678 = arith.constant 432 : index
      %get3A_679 = tpu.vector_load %arg5[%get3A_677, %get3A_678] {strides = array<i32>} : memref<32x768xf32, #tpu.memory_space<vmem>>, vector<1x16xf32>,
      %get3A_680 = vector.shape_cast %get3A_679 : vector<1x16xf32> to vector<16xf32>
      %add3A_681 = arith.addf %scan3A_522, %get3A_680 : vector<16xf32>
      %get3A_682 = arith.index_cast %scan3A_494 : i32 to index
      %get3A_683 = arith.constant 448 : index
      %get3A_684 = tpu.vector_load %arg5[%get3A_682, %get3A_683] {strides = array<i32>} : memref<32x768xf32, #tpu.memory_space<vmem>>, vector<1x16xf32>,
      %get3A_685 = vector.shape_cast %get3A_684 : vector<1x16xf32> to vector<16xf32>
      %add3A_686 = arith.addf %scan3A_523, %get3A_685 : vector<16xf32>
      %get3A_687 = arith.index_cast %scan3A_494 : i32 to index
      %get3A_688 = arith.constant 464 : index
      %get3A_689 = tpu.vector_load %arg5[%get3A_687, %get3A_688] {strides = array<i32>} : memref<32x768xf32, #tpu.memory_space<vmem>>, vector<1x16xf32>,
      %get3A_690 = vector.shape_cast %get3A_689 : vector<1x16xf32> to vector<16xf32>
      %add3A_691 = arith.addf %scan3A_524, %get3A_690 : vector<16xf32>
      %get3A_692 = arith.index_cast %scan3A_494 : i32 to index
      %get3A_693 = arith.constant 480 : index
      %get3A_694 = tpu.vector_load %arg5[%get3A_692, %get3A_693] {strides = array<i32>} : memref<32x768xf32, #tpu.memory_space<vmem>>, vector<1x16xf32>,
      %get3A_695 = vector.shape_cast %get3A_694 : vector<1x16xf32> to vector<16xf32>
      %add3A_696 = arith.addf %scan3A_525, %get3A_695 : vector<16xf32>
      %get3A_697 = arith.index_cast %scan3A_494 : i32 to index
      %get3A_698 = arith.constant 496 : index
      %get3A_699 = tpu.vector_load %arg5[%get3A_697, %get3A_698] {strides = array<i32>} : memref<32x768xf32, #tpu.memory_space<vmem>>, vector<1x16xf32>,
      %get3A_700 = vector.shape_cast %get3A_699 : vector<1x16xf32> to vector<16xf32>
      %add3A_701 = arith.addf %scan3A_526, %get3A_700 : vector<16xf32>
      %get3A_702 = arith.index_cast %scan3A_494 : i32 to index
      %get3A_703 = arith.constant 512 : index
      %get3A_704 = tpu.vector_load %arg5[%get3A_702, %get3A_703] {strides = array<i32>} : memref<32x768xf32, #tpu.memory_space<vmem>>, vector<1x16xf32>,
      %get3A_705 = vector.shape_cast %get3A_704 : vector<1x16xf32> to vector<16xf32>
      %add3A_706 = arith.addf %scan3A_527, %get3A_705 : vector<16xf32>
      %get3A_707 = arith.index_cast %scan3A_494 : i32 to index
      %get3A_708 = arith.constant 528 : index
      %get3A_709 = tpu.vector_load %arg5[%get3A_707, %get3A_708] {strides = array<i32>} : memref<32x768xf32, #tpu.memory_space<vmem>>, vector<1x16xf32>,
      %get3A_710 = vector.shape_cast %get3A_709 : vector<1x16xf32> to vector<16xf32>
      %add3A_711 = arith.addf %scan3A_528, %get3A_710 : vector<16xf32>
      %get3A_712 = arith.index_cast %scan3A_494 : i32 to index
      %get3A_713 = arith.constant 544 : index
      %get3A_714 = tpu.vector_load %arg5[%get3A_712, %get3A_713] {strides = array<i32>} : memref<32x768xf32, #tpu.memory_space<vmem>>, vector<1x16xf32>,
      %get3A_715 = vector.shape_cast %get3A_714 : vector<1x16xf32> to vector<16xf32>
      %add3A_716 = arith.addf %scan3A_529, %get3A_715 : vector<16xf32>
      %get3A_717 = arith.index_cast %scan3A_494 : i32 to index
      %get3A_718 = arith.constant 560 : index
      %get3A_719 = tpu.vector_load %arg5[%get3A_717, %get3A_718] {strides = array<i32>} : memref<32x768xf32, #tpu.memory_space<vmem>>, vector<1x16xf32>,
      %get3A_720 = vector.shape_cast %get3A_719 : vector<1x16xf32> to vector<16xf32>
      %add3A_721 = arith.addf %scan3A_530, %get3A_720 : vector<16xf32>
      %get3A_722 = arith.index_cast %scan3A_494 : i32 to index
      %get3A_723 = arith.constant 576 : index
      %get3A_724 = tpu.vector_load %arg5[%get3A_722, %get3A_723] {strides = array<i32>} : memref<32x768xf32, #tpu.memory_space<vmem>>, vector<1x16xf32>,
      %get3A_725 = vector.shape_cast %get3A_724 : vector<1x16xf32> to vector<16xf32>
      %add3A_726 = arith.addf %scan3A_531, %get3A_725 : vector<16xf32>
      %get3A_727 = arith.index_cast %scan3A_494 : i32 to index
      %get3A_728 = arith.constant 592 : index
      %get3A_729 = tpu.vector_load %arg5[%get3A_727, %get3A_728] {strides = array<i32>} : memref<32x768xf32, #tpu.memory_space<vmem>>, vector<1x16xf32>,
      %get3A_730 = vector.shape_cast %get3A_729 : vector<1x16xf32> to vector<16xf32>
      %add3A_731 = arith.addf %scan3A_532, %get3A_730 : vector<16xf32>
      %get3A_732 = arith.index_cast %scan3A_494 : i32 to index
      %get3A_733 = arith.constant 608 : index
      %get3A_734 = tpu.vector_load %arg5[%get3A_732, %get3A_733] {strides = array<i32>} : memref<32x768xf32, #tpu.memory_space<vmem>>, vector<1x16xf32>,
      %get3A_735 = vector.shape_cast %get3A_734 : vector<1x16xf32> to vector<16xf32>
      %add3A_736 = arith.addf %scan3A_533, %get3A_735 : vector<16xf32>
      %get3A_737 = arith.index_cast %scan3A_494 : i32 to index
      %get3A_738 = arith.constant 624 : index
      %get3A_739 = tpu.vector_load %arg5[%get3A_737, %get3A_738] {strides = array<i32>} : memref<32x768xf32, #tpu.memory_space<vmem>>, vector<1x16xf32>,
      %get3A_740 = vector.shape_cast %get3A_739 : vector<1x16xf32> to vector<16xf32>
      %add3A_741 = arith.addf %scan3A_534, %get3A_740 : vector<16xf32>
      %get3A_742 = arith.index_cast %scan3A_494 : i32 to index
      %get3A_743 = arith.constant 640 : index
      %get3A_744 = tpu.vector_load %arg5[%get3A_742, %get3A_743] {strides = array<i32>} : memref<32x768xf32, #tpu.memory_space<vmem>>, vector<1x16xf32>,
      %get3A_745 = vector.shape_cast %get3A_744 : vector<1x16xf32> to vector<16xf32>
      %add3A_746 = arith.addf %scan3A_535, %get3A_745 : vector<16xf32>
      %get3A_747 = arith.index_cast %scan3A_494 : i32 to index
      %get3A_748 = arith.constant 656 : index
      %get3A_749 = tpu.vector_load %arg5[%get3A_747, %get3A_748] {strides = array<i32>} : memref<32x768xf32, #tpu.memory_space<vmem>>, vector<1x16xf32>,
      %get3A_750 = vector.shape_cast %get3A_749 : vector<1x16xf32> to vector<16xf32>
      %add3A_751 = arith.addf %scan3A_536, %get3A_750 : vector<16xf32>
      %get3A_752 = arith.index_cast %scan3A_494 : i32 to index
      %get3A_753 = arith.constant 672 : index
      %get3A_754 = tpu.vector_load %arg5[%get3A_752, %get3A_753] {strides = array<i32>} : memref<32x768xf32, #tpu.memory_space<vmem>>, vector<1x16xf32>,
      %get3A_755 = vector.shape_cast %get3A_754 : vector<1x16xf32> to vector<16xf32>
      %add3A_756 = arith.addf %scan3A_537, %get3A_755 : vector<16xf32>
      %get3A_757 = arith.index_cast %scan3A_494 : i32 to index
      %get3A_758 = arith.constant 688 : index
      %get3A_759 = tpu.vector_load %arg5[%get3A_757, %get3A_758] {strides = array<i32>} : memref<32x768xf32, #tpu.memory_space<vmem>>, vector<1x16xf32>,
      %get3A_760 = vector.shape_cast %get3A_759 : vector<1x16xf32> to vector<16xf32>
      %add3A_761 = arith.addf %scan3A_538, %get3A_760 : vector<16xf32>
      %get3A_762 = arith.index_cast %scan3A_494 : i32 to index
      %get3A_763 = arith.constant 704 : index
      %get3A_764 = tpu.vector_load %arg5[%get3A_762, %get3A_763] {strides = array<i32>} : memref<32x768xf32, #tpu.memory_space<vmem>>, vector<1x16xf32>,
      %get3A_765 = vector.shape_cast %get3A_764 : vector<1x16xf32> to vector<16xf32>
      %add3A_766 = arith.addf %scan3A_539, %get3A_765 : vector<16xf32>
      %get3A_767 = arith.index_cast %scan3A_494 : i32 to index
      %get3A_768 = arith.constant 720 : index
      %get3A_769 = tpu.vector_load %arg5[%get3A_767, %get3A_768] {strides = array<i32>} : memref<32x768xf32, #tpu.memory_space<vmem>>, vector<1x16xf32>,
      %get3A_770 = vector.shape_cast %get3A_769 : vector<1x16xf32> to vector<16xf32>
      %add3A_771 = arith.addf %scan3A_540, %get3A_770 : vector<16xf32>
      %get3A_772 = arith.index_cast %scan3A_494 : i32 to index
      %get3A_773 = arith.constant 736 : index
      %get3A_774 = tpu.vector_load %arg5[%get3A_772, %get3A_773] {strides = array<i32>} : memref<32x768xf32, #tpu.memory_space<vmem>>, vector<1x16xf32>,
      %get3A_775 = vector.shape_cast %get3A_774 : vector<1x16xf32> to vector<16xf32>
      %add3A_776 = arith.addf %scan3A_541, %get3A_775 : vector<16xf32>
      %get3A_777 = arith.index_cast %scan3A_494 : i32 to index
      %get3A_778 = arith.constant 752 : index
      %get3A_779 = tpu.vector_load %arg5[%get3A_777, %get3A_778] {strides = array<i32>} : memref<32x768xf32, #tpu.memory_space<vmem>>, vector<1x16xf32>,
      %get3A_780 = vector.shape_cast %get3A_779 : vector<1x16xf32> to vector<16xf32>
      %add3A_781 = arith.addf %scan3A_542, %get3A_780 : vector<16xf32>
      %scan3A_782 = arith.constant 1 : i32
      %scan3A_783 = arith.addi %scan3A_494, %scan3A_782 : i32
      %get3A_784 = arith.index_cast %scan3A_783 : i32 to index
      %get3A_785 = arith.constant 0 : index
      %get3A_786 = tpu.vector_load %arg5[%get3A_784, %get3A_785] {strides = array<i32>} : memref<32x768xf32, #tpu.memory_space<vmem>>, vector<1x16xf32>,
      %get3A_787 = vector.shape_cast %get3A_786 : vector<1x16xf32> to vector<16xf32>
      %add3A_788 = arith.addf %add3A_546, %get3A_787 : vector<16xf32>
      %get3A_789 = arith.index_cast %scan3A_783 : i32 to index
      %get3A_790 = arith.constant 16 : index
      %get3A_791 = tpu.vector_load %arg5[%get3A_789, %get3A_790] {strides = array<i32>} : memref<32x768xf32, #tpu.memory_space<vmem>>, vector<1x16xf32>,
      %get3A_792 = vector.shape_cast %get3A_791 : vector<1x16xf32> to vector<16xf32>
      %add3A_793 = arith.addf %add3A_551, %get3A_792 : vector<16xf32>
      %get3A_794 = arith.index_cast %scan3A_783 : i32 to index
      %get3A_795 = arith.constant 32 : index
      %get3A_796 = tpu.vector_load %arg5[%get3A_794, %get3A_795] {strides = array<i32>} : memref<32x768xf32, #tpu.memory_space<vmem>>, vector<1x16xf32>,
      %get3A_797 = vector.shape_cast %get3A_796 : vector<1x16xf32> to vector<16xf32>
      %add3A_798 = arith.addf %add3A_556, %get3A_797 : vector<16xf32>
      %get3A_799 = arith.index_cast %scan3A_783 : i32 to index
      %get3A_800 = arith.constant 48 : index
      %get3A_801 = tpu.vector_load %arg5[%get3A_799, %get3A_800] {strides = array<i32>} : memref<32x768xf32, #tpu.memory_space<vmem>>, vector<1x16xf32>,
      %get3A_802 = vector.shape_cast %get3A_801 : vector<1x16xf32> to vector<16xf32>
      %add3A_803 = arith.addf %add3A_561, %get3A_802 : vector<16xf32>
      %get3A_804 = arith.index_cast %scan3A_783 : i32 to index
      %get3A_805 = arith.constant 64 : index
      %get3A_806 = tpu.vector_load %arg5[%get3A_804, %get3A_805] {strides = array<i32>} : memref<32x768xf32, #tpu.memory_space<vmem>>, vector<1x16xf32>,
      %get3A_807 = vector.shape_cast %get3A_806 : vector<1x16xf32> to vector<16xf32>
      %add3A_808 = arith.addf %add3A_566, %get3A_807 : vector<16xf32>
      %get3A_809 = arith.index_cast %scan3A_783 : i32 to index
      %get3A_810 = arith.constant 80 : index
      %get3A_811 = tpu.vector_load %arg5[%get3A_809, %get3A_810] {strides = array<i32>} : memref<32x768xf32, #tpu.memory_space<vmem>>, vector<1x16xf32>,
      %get3A_812 = vector.shape_cast %get3A_811 : vector<1x16xf32> to vector<16xf32>
      %add3A_813 = arith.addf %add3A_571, %get3A_812 : vector<16xf32>
      %get3A_814 = arith.index_cast %scan3A_783 : i32 to index
      %get3A_815 = arith.constant 96 : index
      %get3A_816 = tpu.vector_load %arg5[%get3A_814, %get3A_815] {strides = array<i32>} : memref<32x768xf32, #tpu.memory_space<vmem>>, vector<1x16xf32>,
      %get3A_817 = vector.shape_cast %get3A_816 : vector<1x16xf32> to vector<16xf32>
      %add3A_818 = arith.addf %add3A_576, %get3A_817 : vector<16xf32>
      %get3A_819 = arith.index_cast %scan3A_783 : i32 to index
      %get3A_820 = arith.constant 112 : index
      %get3A_821 = tpu.vector_load %arg5[%get3A_819, %get3A_820] {strides = array<i32>} : memref<32x768xf32, #tpu.memory_space<vmem>>, vector<1x16xf32>,
      %get3A_822 = vector.shape_cast %get3A_821 : vector<1x16xf32> to vector<16xf32>
      %add3A_823 = arith.addf %add3A_581, %get3A_822 : vector<16xf32>
      %get3A_824 = arith.index_cast %scan3A_783 : i32 to index
      %get3A_825 = arith.constant 128 : index
      %get3A_826 = tpu.vector_load %arg5[%get3A_824, %get3A_825] {strides = array<i32>} : memref<32x768xf32, #tpu.memory_space<vmem>>, vector<1x16xf32>,
      %get3A_827 = vector.shape_cast %get3A_826 : vector<1x16xf32> to vector<16xf32>
      %add3A_828 = arith.addf %add3A_586, %get3A_827 : vector<16xf32>
      %get3A_829 = arith.index_cast %scan3A_783 : i32 to index
      %get3A_830 = arith.constant 144 : index
      %get3A_831 = tpu.vector_load %arg5[%get3A_829, %get3A_830] {strides = array<i32>} : memref<32x768xf32, #tpu.memory_space<vmem>>, vector<1x16xf32>,
      %get3A_832 = vector.shape_cast %get3A_831 : vector<1x16xf32> to vector<16xf32>
      %add3A_833 = arith.addf %add3A_591, %get3A_832 : vector<16xf32>
      %get3A_834 = arith.index_cast %scan3A_783 : i32 to index
      %get3A_835 = arith.constant 160 : index
      %get3A_836 = tpu.vector_load %arg5[%get3A_834, %get3A_835] {strides = array<i32>} : memref<32x768xf32, #tpu.memory_space<vmem>>, vector<1x16xf32>,
      %get3A_837 = vector.shape_cast %get3A_836 : vector<1x16xf32> to vector<16xf32>
      %add3A_838 = arith.addf %add3A_596, %get3A_837 : vector<16xf32>
      %get3A_839 = arith.index_cast %scan3A_783 : i32 to index
      %get3A_840 = arith.constant 176 : index
      %get3A_841 = tpu.vector_load %arg5[%get3A_839, %get3A_840] {strides = array<i32>} : memref<32x768xf32, #tpu.memory_space<vmem>>, vector<1x16xf32>,
      %get3A_842 = vector.shape_cast %get3A_841 : vector<1x16xf32> to vector<16xf32>
      %add3A_843 = arith.addf %add3A_601, %get3A_842 : vector<16xf32>
      %get3A_844 = arith.index_cast %scan3A_783 : i32 to index
      %get3A_845 = arith.constant 192 : index
      %get3A_846 = tpu.vector_load %arg5[%get3A_844, %get3A_845] {strides = array<i32>} : memref<32x768xf32, #tpu.memory_space<vmem>>, vector<1x16xf32>,
      %get3A_847 = vector.shape_cast %get3A_846 : vector<1x16xf32> to vector<16xf32>
      %add3A_848 = arith.addf %add3A_606, %get3A_847 : vector<16xf32>
      %get3A_849 = arith.index_cast %scan3A_783 : i32 to index
      %get3A_850 = arith.constant 208 : index
      %get3A_851 = tpu.vector_load %arg5[%get3A_849, %get3A_850] {strides = array<i32>} : memref<32x768xf32, #tpu.memory_space<vmem>>, vector<1x16xf32>,
      %get3A_852 = vector.shape_cast %get3A_851 : vector<1x16xf32> to vector<16xf32>
      %add3A_853 = arith.addf %add3A_611, %get3A_852 : vector<16xf32>
      %get3A_854 = arith.index_cast %scan3A_783 : i32 to index
      %get3A_855 = arith.constant 224 : index
      %get3A_856 = tpu.vector_load %arg5[%get3A_854, %get3A_855] {strides = array<i32>} : memref<32x768xf32, #tpu.memory_space<vmem>>, vector<1x16xf32>,
      %get3A_857 = vector.shape_cast %get3A_856 : vector<1x16xf32> to vector<16xf32>
      %add3A_858 = arith.addf %add3A_616, %get3A_857 : vector<16xf32>
      %get3A_859 = arith.index_cast %scan3A_783 : i32 to index
      %get3A_860 = arith.constant 240 : index
      %get3A_861 = tpu.vector_load %arg5[%get3A_859, %get3A_860] {strides = array<i32>} : memref<32x768xf32, #tpu.memory_space<vmem>>, vector<1x16xf32>,
      %get3A_862 = vector.shape_cast %get3A_861 : vector<1x16xf32> to vector<16xf32>
      %add3A_863 = arith.addf %add3A_621, %get3A_862 : vector<16xf32>
      %get3A_864 = arith.index_cast %scan3A_783 : i32 to index
      %get3A_865 = arith.constant 256 : index
      %get3A_866 = tpu.vector_load %arg5[%get3A_864, %get3A_865] {strides = array<i32>} : memref<32x768xf32, #tpu.memory_space<vmem>>, vector<1x16xf32>,
      %get3A_867 = vector.shape_cast %get3A_866 : vector<1x16xf32> to vector<16xf32>
      %add3A_868 = arith.addf %add3A_626, %get3A_867 : vector<16xf32>
      %get3A_869 = arith.index_cast %scan3A_783 : i32 to index
      %get3A_870 = arith.constant 272 : index
      %get3A_871 = tpu.vector_load %arg5[%get3A_869, %get3A_870] {strides = array<i32>} : memref<32x768xf32, #tpu.memory_space<vmem>>, vector<1x16xf32>,
      %get3A_872 = vector.shape_cast %get3A_871 : vector<1x16xf32> to vector<16xf32>
      %add3A_873 = arith.addf %add3A_631, %get3A_872 : vector<16xf32>
      %get3A_874 = arith.index_cast %scan3A_783 : i32 to index
      %get3A_875 = arith.constant 288 : index
      %get3A_876 = tpu.vector_load %arg5[%get3A_874, %get3A_875] {strides = array<i32>} : memref<32x768xf32, #tpu.memory_space<vmem>>, vector<1x16xf32>,
      %get3A_877 = vector.shape_cast %get3A_876 : vector<1x16xf32> to vector<16xf32>
      %add3A_878 = arith.addf %add3A_636, %get3A_877 : vector<16xf32>
      %get3A_879 = arith.index_cast %scan3A_783 : i32 to index
      %get3A_880 = arith.constant 304 : index
      %get3A_881 = tpu.vector_load %arg5[%get3A_879, %get3A_880] {strides = array<i32>} : memref<32x768xf32, #tpu.memory_space<vmem>>, vector<1x16xf32>,
      %get3A_882 = vector.shape_cast %get3A_881 : vector<1x16xf32> to vector<16xf32>
      %add3A_883 = arith.addf %add3A_641, %get3A_882 : vector<16xf32>
      %get3A_884 = arith.index_cast %scan3A_783 : i32 to index
      %get3A_885 = arith.constant 320 : index
      %get3A_886 = tpu.vector_load %arg5[%get3A_884, %get3A_885] {strides = array<i32>} : memref<32x768xf32, #tpu.memory_space<vmem>>, vector<1x16xf32>,
      %get3A_887 = vector.shape_cast %get3A_886 : vector<1x16xf32> to vector<16xf32>
      %add3A_888 = arith.addf %add3A_646, %get3A_887 : vector<16xf32>
      %get3A_889 = arith.index_cast %scan3A_783 : i32 to index
      %get3A_890 = arith.constant 336 : index
      %get3A_891 = tpu.vector_load %arg5[%get3A_889, %get3A_890] {strides = array<i32>} : memref<32x768xf32, #tpu.memory_space<vmem>>, vector<1x16xf32>,
      %get3A_892 = vector.shape_cast %get3A_891 : vector<1x16xf32> to vector<16xf32>
      %add3A_893 = arith.addf %add3A_651, %get3A_892 : vector<16xf32>
      %get3A_894 = arith.index_cast %scan3A_783 : i32 to index
      %get3A_895 = arith.constant 352 : index
      %get3A_896 = tpu.vector_load %arg5[%get3A_894, %get3A_895] {strides = array<i32>} : memref<32x768xf32, #tpu.memory_space<vmem>>, vector<1x16xf32>,
      %get3A_897 = vector.shape_cast %get3A_896 : vector<1x16xf32> to vector<16xf32>
      %add3A_898 = arith.addf %add3A_656, %get3A_897 : vector<16xf32>
      %get3A_899 = arith.index_cast %scan3A_783 : i32 to index
      %get3A_900 = arith.constant 368 : index
      %get3A_901 = tpu.vector_load %arg5[%get3A_899, %get3A_900] {strides = array<i32>} : memref<32x768xf32, #tpu.memory_space<vmem>>, vector<1x16xf32>,
      %get3A_902 = vector.shape_cast %get3A_901 : vector<1x16xf32> to vector<16xf32>
      %add3A_903 = arith.addf %add3A_661, %get3A_902 : vector<16xf32>
      %get3A_904 = arith.index_cast %scan3A_783 : i32 to index
      %get3A_905 = arith.constant 384 : index
      %get3A_906 = tpu.vector_load %arg5[%get3A_904, %get3A_905] {strides = array<i32>} : memref<32x768xf32, #tpu.memory_space<vmem>>, vector<1x16xf32>,
      %get3A_907 = vector.shape_cast %get3A_906 : vector<1x16xf32> to vector<16xf32>
      %add3A_908 = arith.addf %add3A_666, %get3A_907 : vector<16xf32>
      %get3A_909 = arith.index_cast %scan3A_783 : i32 to index
      %get3A_910 = arith.constant 400 : index
      %get3A_911 = tpu.vector_load %arg5[%get3A_909, %get3A_910] {strides = array<i32>} : memref<32x768xf32, #tpu.memory_space<vmem>>, vector<1x16xf32>,
      %get3A_912 = vector.shape_cast %get3A_911 : vector<1x16xf32> to vector<16xf32>
      %add3A_913 = arith.addf %add3A_671, %get3A_912 : vector<16xf32>
      %get3A_914 = arith.index_cast %scan3A_783 : i32 to index
      %get3A_915 = arith.constant 416 : index
      %get3A_916 = tpu.vector_load %arg5[%get3A_914, %get3A_915] {strides = array<i32>} : memref<32x768xf32, #tpu.memory_space<vmem>>, vector<1x16xf32>,
      %get3A_917 = vector.shape_cast %get3A_916 : vector<1x16xf32> to vector<16xf32>
      %add3A_918 = arith.addf %add3A_676, %get3A_917 : vector<16xf32>
      %get3A_919 = arith.index_cast %scan3A_783 : i32 to index
      %get3A_920 = arith.constant 432 : index
      %get3A_921 = tpu.vector_load %arg5[%get3A_919, %get3A_920] {strides = array<i32>} : memref<32x768xf32, #tpu.memory_space<vmem>>, vector<1x16xf32>,
      %get3A_922 = vector.shape_cast %get3A_921 : vector<1x16xf32> to vector<16xf32>
      %add3A_923 = arith.addf %add3A_681, %get3A_922 : vector<16xf32>
      %get3A_924 = arith.index_cast %scan3A_783 : i32 to index
      %get3A_925 = arith.constant 448 : index
      %get3A_926 = tpu.vector_load %arg5[%get3A_924, %get3A_925] {strides = array<i32>} : memref<32x768xf32, #tpu.memory_space<vmem>>, vector<1x16xf32>,
      %get3A_927 = vector.shape_cast %get3A_926 : vector<1x16xf32> to vector<16xf32>
      %add3A_928 = arith.addf %add3A_686, %get3A_927 : vector<16xf32>
      %get3A_929 = arith.index_cast %scan3A_783 : i32 to index
      %get3A_930 = arith.constant 464 : index
      %get3A_931 = tpu.vector_load %arg5[%get3A_929, %get3A_930] {strides = array<i32>} : memref<32x768xf32, #tpu.memory_space<vmem>>, vector<1x16xf32>,
      %get3A_932 = vector.shape_cast %get3A_931 : vector<1x16xf32> to vector<16xf32>
      %add3A_933 = arith.addf %add3A_691, %get3A_932 : vector<16xf32>
      %get3A_934 = arith.index_cast %scan3A_783 : i32 to index
      %get3A_935 = arith.constant 480 : index
      %get3A_936 = tpu.vector_load %arg5[%get3A_934, %get3A_935] {strides = array<i32>} : memref<32x768xf32, #tpu.memory_space<vmem>>, vector<1x16xf32>,
      %get3A_937 = vector.shape_cast %get3A_936 : vector<1x16xf32> to vector<16xf32>
      %add3A_938 = arith.addf %add3A_696, %get3A_937 : vector<16xf32>
      %get3A_939 = arith.index_cast %scan3A_783 : i32 to index
      %get3A_940 = arith.constant 496 : index
      %get3A_941 = tpu.vector_load %arg5[%get3A_939, %get3A_940] {strides = array<i32>} : memref<32x768xf32, #tpu.memory_space<vmem>>, vector<1x16xf32>,
      %get3A_942 = vector.shape_cast %get3A_941 : vector<1x16xf32> to vector<16xf32>
      %add3A_943 = arith.addf %add3A_701, %get3A_942 : vector<16xf32>
      %get3A_944 = arith.index_cast %scan3A_783 : i32 to index
      %get3A_945 = arith.constant 512 : index
      %get3A_946 = tpu.vector_load %arg5[%get3A_944, %get3A_945] {strides = array<i32>} : memref<32x768xf32, #tpu.memory_space<vmem>>, vector<1x16xf32>,
      %get3A_947 = vector.shape_cast %get3A_946 : vector<1x16xf32> to vector<16xf32>
      %add3A_948 = arith.addf %add3A_706, %get3A_947 : vector<16xf32>
      %get3A_949 = arith.index_cast %scan3A_783 : i32 to index
      %get3A_950 = arith.constant 528 : index
      %get3A_951 = tpu.vector_load %arg5[%get3A_949, %get3A_950] {strides = array<i32>} : memref<32x768xf32, #tpu.memory_space<vmem>>, vector<1x16xf32>,
      %get3A_952 = vector.shape_cast %get3A_951 : vector<1x16xf32> to vector<16xf32>
      %add3A_953 = arith.addf %add3A_711, %get3A_952 : vector<16xf32>
      %get3A_954 = arith.index_cast %scan3A_783 : i32 to index
      %get3A_955 = arith.constant 544 : index
      %get3A_956 = tpu.vector_load %arg5[%get3A_954, %get3A_955] {strides = array<i32>} : memref<32x768xf32, #tpu.memory_space<vmem>>, vector<1x16xf32>,
      %get3A_957 = vector.shape_cast %get3A_956 : vector<1x16xf32> to vector<16xf32>
      %add3A_958 = arith.addf %add3A_716, %get3A_957 : vector<16xf32>
      %get3A_959 = arith.index_cast %scan3A_783 : i32 to index
      %get3A_960 = arith.constant 560 : index
      %get3A_961 = tpu.vector_load %arg5[%get3A_959, %get3A_960] {strides = array<i32>} : memref<32x768xf32, #tpu.memory_space<vmem>>, vector<1x16xf32>,
      %get3A_962 = vector.shape_cast %get3A_961 : vector<1x16xf32> to vector<16xf32>
      %add3A_963 = arith.addf %add3A_721, %get3A_962 : vector<16xf32>
      %get3A_964 = arith.index_cast %scan3A_783 : i32 to index
      %get3A_965 = arith.constant 576 : index
      %get3A_966 = tpu.vector_load %arg5[%get3A_964, %get3A_965] {strides = array<i32>} : memref<32x768xf32, #tpu.memory_space<vmem>>, vector<1x16xf32>,
      %get3A_967 = vector.shape_cast %get3A_966 : vector<1x16xf32> to vector<16xf32>
      %add3A_968 = arith.addf %add3A_726, %get3A_967 : vector<16xf32>
      %get3A_969 = arith.index_cast %scan3A_783 : i32 to index
      %get3A_970 = arith.constant 592 : index
      %get3A_971 = tpu.vector_load %arg5[%get3A_969, %get3A_970] {strides = array<i32>} : memref<32x768xf32, #tpu.memory_space<vmem>>, vector<1x16xf32>,
      %get3A_972 = vector.shape_cast %get3A_971 : vector<1x16xf32> to vector<16xf32>
      %add3A_973 = arith.addf %add3A_731, %get3A_972 : vector<16xf32>
      %get3A_974 = arith.index_cast %scan3A_783 : i32 to index
      %get3A_975 = arith.constant 608 : index
      %get3A_976 = tpu.vector_load %arg5[%get3A_974, %get3A_975] {strides = array<i32>} : memref<32x768xf32, #tpu.memory_space<vmem>>, vector<1x16xf32>,
      %get3A_977 = vector.shape_cast %get3A_976 : vector<1x16xf32> to vector<16xf32>
      %add3A_978 = arith.addf %add3A_736, %get3A_977 : vector<16xf32>
      %get3A_979 = arith.index_cast %scan3A_783 : i32 to index
      %get3A_980 = arith.constant 624 : index
      %get3A_981 = tpu.vector_load %arg5[%get3A_979, %get3A_980] {strides = array<i32>} : memref<32x768xf32, #tpu.memory_space<vmem>>, vector<1x16xf32>,
      %get3A_982 = vector.shape_cast %get3A_981 : vector<1x16xf32> to vector<16xf32>
      %add3A_983 = arith.addf %add3A_741, %get3A_982 : vector<16xf32>
      %get3A_984 = arith.index_cast %scan3A_783 : i32 to index
      %get3A_985 = arith.constant 640 : index
      %get3A_986 = tpu.vector_load %arg5[%get3A_984, %get3A_985] {strides = array<i32>} : memref<32x768xf32, #tpu.memory_space<vmem>>, vector<1x16xf32>,
      %get3A_987 = vector.shape_cast %get3A_986 : vector<1x16xf32> to vector<16xf32>
      %add3A_988 = arith.addf %add3A_746, %get3A_987 : vector<16xf32>
      %get3A_989 = arith.index_cast %scan3A_783 : i32 to index
      %get3A_990 = arith.constant 656 : index
      %get3A_991 = tpu.vector_load %arg5[%get3A_989, %get3A_990] {strides = array<i32>} : memref<32x768xf32, #tpu.memory_space<vmem>>, vector<1x16xf32>,
      %get3A_992 = vector.shape_cast %get3A_991 : vector<1x16xf32> to vector<16xf32>
      %add3A_993 = arith.addf %add3A_751, %get3A_992 : vector<16xf32>
      %get3A_994 = arith.index_cast %scan3A_783 : i32 to index
      %get3A_995 = arith.constant 672 : index
      %get3A_996 = tpu.vector_load %arg5[%get3A_994, %get3A_995] {strides = array<i32>} : memref<32x768xf32, #tpu.memory_space<vmem>>, vector<1x16xf32>,
      %get3A_997 = vector.shape_cast %get3A_996 : vector<1x16xf32> to vector<16xf32>
      %add3A_998 = arith.addf %add3A_756, %get3A_997 : vector<16xf32>
      %get3A_999 = arith.index_cast %scan3A_783 : i32 to index
      %get3A_1000 = arith.constant 688 : index
      %get3A_1001 = tpu.vector_load %arg5[%get3A_999, %get3A_1000] {strides = array<i32>} : memref<32x768xf32, #tpu.memory_space<vmem>>, vector<1x16xf32>,
      %get3A_1002 = vector.shape_cast %get3A_1001 : vector<1x16xf32> to vector<16xf32>
      %add3A_1003 = arith.addf %add3A_761, %get3A_1002 : vector<16xf32>
      %get3A_1004 = arith.index_cast %scan3A_783 : i32 to index
      %get3A_1005 = arith.constant 704 : index
      %get3A_1006 = tpu.vector_load %arg5[%get3A_1004, %get3A_1005] {strides = array<i32>} : memref<32x768xf32, #tpu.memory_space<vmem>>, vector<1x16xf32>,
      %get3A_1007 = vector.shape_cast %get3A_1006 : vector<1x16xf32> to vector<16xf32>
      %add3A_1008 = arith.addf %add3A_766, %get3A_1007 : vector<16xf32>
      %get3A_1009 = arith.index_cast %scan3A_783 : i32 to index
      %get3A_1010 = arith.constant 720 : index
      %get3A_1011 = tpu.vector_load %arg5[%get3A_1009, %get3A_1010] {strides = array<i32>} : memref<32x768xf32, #tpu.memory_space<vmem>>, vector<1x16xf32>,
      %get3A_1012 = vector.shape_cast %get3A_1011 : vector<1x16xf32> to vector<16xf32>
      %add3A_1013 = arith.addf %add3A_771, %get3A_1012 : vector<16xf32>
      %get3A_1014 = arith.index_cast %scan3A_783 : i32 to index
      %get3A_1015 = arith.constant 736 : index
      %get3A_1016 = tpu.vector_load %arg5[%get3A_1014, %get3A_1015] {strides = array<i32>} : memref<32x768xf32, #tpu.memory_space<vmem>>, vector<1x16xf32>,
      %get3A_1017 = vector.shape_cast %get3A_1016 : vector<1x16xf32> to vector<16xf32>
      %add3A_1018 = arith.addf %add3A_776, %get3A_1017 : vector<16xf32>
      %get3A_1019 = arith.index_cast %scan3A_783 : i32 to index
      %get3A_1020 = arith.constant 752 : index
      %get3A_1021 = tpu.vector_load %arg5[%get3A_1019, %get3A_1020] {strides = array<i32>} : memref<32x768xf32, #tpu.memory_space<vmem>>, vector<1x16xf32>,
      %get3A_1022 = vector.shape_cast %get3A_1021 : vector<1x16xf32> to vector<16xf32>
      %add3A_1023 = arith.addf %add3A_781, %get3A_1022 : vector<16xf32>
      scf.yield %add3A_788, %add3A_793, %add3A_798, %add3A_803, %add3A_808, %add3A_813, %add3A_818, %add3A_823, %add3A_828, %add3A_833, %add3A_838, %add3A_843, %add3A_848, %add3A_853, %add3A_858, %add3A_863, %add3A_868, %add3A_873, %add3A_878, %add3A_883, %add3A_888, %add3A_893, %add3A_898, %add3A_903, %add3A_908, %add3A_913, %add3A_918, %add3A_923, %add3A_928, %add3A_933, %add3A_938, %add3A_943, %add3A_948, %add3A_953, %add3A_958, %add3A_963, %add3A_968, %add3A_973, %add3A_978, %add3A_983, %add3A_988, %add3A_993, %add3A_998, %add3A_1003, %add3A_1008, %add3A_1013, %add3A_1018, %add3A_1023 : vector<16xf32>, vector<16xf32>, vector<16xf32>, vector<16xf32>, vector<16xf32>, vector<16xf32>, vector<16xf32>, vector<16xf32>, vector<16xf32>, vector<16xf32>, vector<16xf32>, vector<16xf32>, vector<16xf32>, vector<16xf32>, vector<16xf32>, vector<16xf32>, vector<16xf32>, vector<16xf32>, vector<16xf32>, vector<16xf32>, vector<16xf32>, vector<16xf32>, vector<16xf32>, vector<16xf32>, vector<16xf32>, vector<16xf32>, vector<16xf32>, vector<16xf32>, vector<16xf32>, vector<16xf32>, vector<16xf32>, vector<16xf32>, vector<16xf32>, vector<16xf32>, vector<16xf32>, vector<16xf32>, vector<16xf32>, vector<16xf32>, vector<16xf32>, vector<16xf32>, vector<16xf32>, vector<16xf32>, vector<16xf32>, vector<16xf32>, vector<16xf32>, vector<16xf32>, vector<16xf32>, vector<16xf32>
    }
    %scan3A_174 = arith.constant 32 : i32
    %add3A_175 = arith.constant 96 : i32
    %add3A_176 = arith.addi %mul3A_34, %add3A_175 : i32
    %dma_start3A_177 = arith.constant 0 : i32
    %dma_start3A_178 = tpu.memref_slice %arg2[%add3A_18, %add3A_176, %dma_start3A_177] : memref<4x2048x768xf32, #tpu.memory_space<hbm>> -> memref<1x32x768xf32, #tpu.memory_space<hbm>>
    %dma_start3A_179 = tpu.memref_squeeze %dma_start3A_178 : memref<1x32x768xf32, #tpu.memory_space<hbm>> -> memref<32x768xf32, #tpu.memory_space<hbm>>
    %dma_start3A_180 = arith.constant 0 : i32
    %dma_start3A_181 = tpu.memref_slice %arg2[%add3A_18, %add3A_176, %dma_start3A_180] : memref<4x2048x768xf32, #tpu.memory_space<hbm>> -> memref<1x32x768xf32, #tpu.memory_space<hbm>>
    %dma_start3A_182 = tpu.memref_squeeze %dma_start3A_181 : memref<1x32x768xf32, #tpu.memory_space<hbm>> -> memref<32x768xf32, #tpu.memory_space<hbm>>
    tpu.enqueue_dma source(%dma_start3A_182 : memref<32x768xf32, #tpu.memory_space<hbm>>) target(%arg5 : memref<32x768xf32, #tpu.memory_space<vmem>>) target_semaphore(%arg8 : memref<!tpu.dma_semaphore, #tpu.memory_space<semaphore_mem>>)
    %dma_wait3A_183 = arith.constant 0 : i32
    %dma_wait3A_184 = tpu.memref_slice %arg2[%add3A_18, %add3A_156, %dma_wait3A_183] : memref<4x2048x768xf32, #tpu.memory_space<hbm>> -> memref<1x32x768xf32, #tpu.memory_space<hbm>>
    %dma_wait3A_185 = tpu.memref_squeeze %dma_wait3A_184 : memref<1x32x768xf32, #tpu.memory_space<hbm>> -> memref<32x768xf32, #tpu.memory_space<hbm>>
    %dma_wait3A_186 = arith.constant 0 : i32
    %dma_wait3A_187 = tpu.memref_slice %arg2[%add3A_18, %add3A_156, %dma_wait3A_186] : memref<4x2048x768xf32, #tpu.memory_space<hbm>> -> memref<1x32x768xf32, #tpu.memory_space<hbm>>
    %dma_wait3A_188 = tpu.memref_squeeze %dma_wait3A_187 : memref<1x32x768xf32, #tpu.memory_space<hbm>> -> memref<32x768xf32, #tpu.memory_space<hbm>>
    tpu.wait_dma2 semaphore(%arg7 : memref<!tpu.dma_semaphore, #tpu.memory_space<semaphore_mem>>) src(%dma_wait3A_188 : memref<32x768xf32, #tpu.memory_space<hbm>>) dst(%arg4 : memref<32x768xf32, #tpu.memory_space<vmem>>)
    %scan3A_189 = arith.constant 0 : i32
    %scan3A_190 = arith.constant 32 : i32
    %scan3A_191 = arith.addi %scan3A_189, %scan3A_190 : i32
    %scan3A_192 = arith.constant 2 : i32
    %scan3A_193:48 = scf.for %scan3A_494 = %scan3A_189 to %scan3A_191 step %scan3A_192 iter_args(%scan3A_495 = %scan3A_173#0, %scan3A_496 = %scan3A_173#1, %scan3A_497 = %scan3A_173#2, %scan3A_498 = %scan3A_173#3, %scan3A_499 = %scan3A_173#4, %scan3A_500 = %scan3A_173#5, %scan3A_501 = %scan3A_173#6, %scan3A_502 = %scan3A_173#7, %scan3A_503 = %scan3A_173#8, %scan3A_504 = %scan3A_173#9, %scan3A_505 = %scan3A_173#10, %scan3A_506 = %scan3A_173#11, %scan3A_507 = %scan3A_173#12, %scan3A_508 = %scan3A_173#13, %scan3A_509 = %scan3A_173#14, %scan3A_510 = %scan3A_173#15, %scan3A_511 = %scan3A_173#16, %scan3A_512 = %scan3A_173#17, %scan3A_513 = %scan3A_173#18, %scan3A_514 = %scan3A_173#19, %scan3A_515 = %scan3A_173#20, %scan3A_516 = %scan3A_173#21, %scan3A_517 = %scan3A_173#22, %scan3A_518 = %scan3A_173#23, %scan3A_519 = %scan3A_173#24, %scan3A_520 = %scan3A_173#25, %scan3A_521 = %scan3A_173#26, %scan3A_522 = %scan3A_173#27, %scan3A_523 = %scan3A_173#28, %scan3A_524 = %scan3A_173#29, %scan3A_525 = %scan3A_173#30, %scan3A_526 = %scan3A_173#31, %scan3A_527 = %scan3A_173#32, %scan3A_528 = %scan3A_173#33, %scan3A_529 = %scan3A_173#34, %scan3A_530 = %scan3A_173#35, %scan3A_531 = %scan3A_173#36, %scan3A_532 = %scan3A_173#37, %scan3A_533 = %scan3A_173#38, %scan3A_534 = %scan3A_173#39, %scan3A_535 = %scan3A_173#40, %scan3A_536 = %scan3A_173#41, %scan3A_537 = %scan3A_173#42, %scan3A_538 = %scan3A_173#43, %scan3A_539 = %scan3A_173#44, %scan3A_540 = %scan3A_173#45, %scan3A_541 = %scan3A_173#46, %scan3A_542 = %scan3A_173#47) -> (vector<16xf32>, vector<16xf32>, vector<16xf32>, vector<16xf32>, vector<16xf32>, vector<16xf32>, vector<16xf32>, vector<16xf32>, vector<16xf32>, vector<16xf32>, vector<16xf32>, vector<16xf32>, vector<16xf32>, vector<16xf32>, vector<16xf32>, vector<16xf32>, vector<16xf32>, vector<16xf32>, vector<16xf32>, vector<16xf32>, vector<16xf32>, vector<16xf32>, vector<16xf32>, vector<16xf32>, vector<16xf32>, vector<16xf32>, vector<16xf32>, vector<16xf32>, vector<16xf32>, vector<16xf32>, vector<16xf32>, vector<16xf32>, vector<16xf32>, vector<16xf32>, vector<16xf32>, vector<16xf32>, vector<16xf32>, vector<16xf32>, vector<16xf32>, vector<16xf32>, vector<16xf32>, vector<16xf32>, vector<16xf32>, vector<16xf32>, vector<16xf32>, vector<16xf32>, vector<16xf32>, vector<16xf32>)  : i32 {
      %get3A = arith.index_cast %scan3A_494 : i32 to index
      %get3A_543 = arith.constant 0 : index
      %get3A_544 = tpu.vector_load %arg4[%get3A, %get3A_543] {strides = array<i32>} : memref<32x768xf32, #tpu.memory_space<vmem>>, vector<1x16xf32>,
      %get3A_545 = vector.shape_cast %get3A_544 : vector<1x16xf32> to vector<16xf32>
      %add3A_546 = arith.addf %scan3A_495, %get3A_545 : vector<16xf32>
      %get3A_547 = arith.index_cast %scan3A_494 : i32 to index
      %get3A_548 = arith.constant 16 : index
      %get3A_549 = tpu.vector_load %arg4[%get3A_547, %get3A_548] {strides = array<i32>} : memref<32x768xf32, #tpu.memory_space<vmem>>, vector<1x16xf32>,
      %get3A_550 = vector.shape_cast %get3A_549 : vector<1x16xf32> to vector<16xf32>
      %add3A_551 = arith.addf %scan3A_496, %get3A_550 : vector<16xf32>
      %get3A_552 = arith.index_cast %scan3A_494 : i32 to index
      %get3A_553 = arith.constant 32 : index
      %get3A_554 = tpu.vector_load %arg4[%get3A_552, %get3A_553] {strides = array<i32>} : memref<32x768xf32, #tpu.memory_space<vmem>>, vector<1x16xf32>,
      %get3A_555 = vector.shape_cast %get3A_554 : vector<1x16xf32> to vector<16xf32>
      %add3A_556 = arith.addf %scan3A_497, %get3A_555 : vector<16xf32>
      %get3A_557 = arith.index_cast %scan3A_494 : i32 to index
      %get3A_558 = arith.constant 48 : index
      %get3A_559 = tpu.vector_load %arg4[%get3A_557, %get3A_558] {strides = array<i32>} : memref<32x768xf32, #tpu.memory_space<vmem>>, vector<1x16xf32>,
      %get3A_560 = vector.shape_cast %get3A_559 : vector<1x16xf32> to vector<16xf32>
      %add3A_561 = arith.addf %scan3A_498, %get3A_560 : vector<16xf32>
      %get3A_562 = arith.index_cast %scan3A_494 : i32 to index
      %get3A_563 = arith.constant 64 : index
      %get3A_564 = tpu.vector_load %arg4[%get3A_562, %get3A_563] {strides = array<i32>} : memref<32x768xf32, #tpu.memory_space<vmem>>, vector<1x16xf32>,
      %get3A_565 = vector.shape_cast %get3A_564 : vector<1x16xf32> to vector<16xf32>
      %add3A_566 = arith.addf %scan3A_499, %get3A_565 : vector<16xf32>
      %get3A_567 = arith.index_cast %scan3A_494 : i32 to index
      %get3A_568 = arith.constant 80 : index
      %get3A_569 = tpu.vector_load %arg4[%get3A_567, %get3A_568] {strides = array<i32>} : memref<32x768xf32, #tpu.memory_space<vmem>>, vector<1x16xf32>,
      %get3A_570 = vector.shape_cast %get3A_569 : vector<1x16xf32> to vector<16xf32>
      %add3A_571 = arith.addf %scan3A_500, %get3A_570 : vector<16xf32>
      %get3A_572 = arith.index_cast %scan3A_494 : i32 to index
      %get3A_573 = arith.constant 96 : index
      %get3A_574 = tpu.vector_load %arg4[%get3A_572, %get3A_573] {strides = array<i32>} : memref<32x768xf32, #tpu.memory_space<vmem>>, vector<1x16xf32>,
      %get3A_575 = vector.shape_cast %get3A_574 : vector<1x16xf32> to vector<16xf32>
      %add3A_576 = arith.addf %scan3A_501, %get3A_575 : vector<16xf32>
      %get3A_577 = arith.index_cast %scan3A_494 : i32 to index
      %get3A_578 = arith.constant 112 : index
      %get3A_579 = tpu.vector_load %arg4[%get3A_577, %get3A_578] {strides = array<i32>} : memref<32x768xf32, #tpu.memory_space<vmem>>, vector<1x16xf32>,
      %get3A_580 = vector.shape_cast %get3A_579 : vector<1x16xf32> to vector<16xf32>
      %add3A_581 = arith.addf %scan3A_502, %get3A_580 : vector<16xf32>
      %get3A_582 = arith.index_cast %scan3A_494 : i32 to index
      %get3A_583 = arith.constant 128 : index
      %get3A_584 = tpu.vector_load %arg4[%get3A_582, %get3A_583] {strides = array<i32>} : memref<32x768xf32, #tpu.memory_space<vmem>>, vector<1x16xf32>,
      %get3A_585 = vector.shape_cast %get3A_584 : vector<1x16xf32> to vector<16xf32>
      %add3A_586 = arith.addf %scan3A_503, %get3A_585 : vector<16xf32>
      %get3A_587 = arith.index_cast %scan3A_494 : i32 to index
      %get3A_588 = arith.constant 144 : index
      %get3A_589 = tpu.vector_load %arg4[%get3A_587, %get3A_588] {strides = array<i32>} : memref<32x768xf32, #tpu.memory_space<vmem>>, vector<1x16xf32>,
      %get3A_590 = vector.shape_cast %get3A_589 : vector<1x16xf32> to vector<16xf32>
      %add3A_591 = arith.addf %scan3A_504, %get3A_590 : vector<16xf32>
      %get3A_592 = arith.index_cast %scan3A_494 : i32 to index
      %get3A_593 = arith.constant 160 : index
      %get3A_594 = tpu.vector_load %arg4[%get3A_592, %get3A_593] {strides = array<i32>} : memref<32x768xf32, #tpu.memory_space<vmem>>, vector<1x16xf32>,
      %get3A_595 = vector.shape_cast %get3A_594 : vector<1x16xf32> to vector<16xf32>
      %add3A_596 = arith.addf %scan3A_505, %get3A_595 : vector<16xf32>
      %get3A_597 = arith.index_cast %scan3A_494 : i32 to index
      %get3A_598 = arith.constant 176 : index
      %get3A_599 = tpu.vector_load %arg4[%get3A_597, %get3A_598] {strides = array<i32>} : memref<32x768xf32, #tpu.memory_space<vmem>>, vector<1x16xf32>,
      %get3A_600 = vector.shape_cast %get3A_599 : vector<1x16xf32> to vector<16xf32>
      %add3A_601 = arith.addf %scan3A_506, %get3A_600 : vector<16xf32>
      %get3A_602 = arith.index_cast %scan3A_494 : i32 to index
      %get3A_603 = arith.constant 192 : index
      %get3A_604 = tpu.vector_load %arg4[%get3A_602, %get3A_603] {strides = array<i32>} : memref<32x768xf32, #tpu.memory_space<vmem>>, vector<1x16xf32>,
      %get3A_605 = vector.shape_cast %get3A_604 : vector<1x16xf32> to vector<16xf32>
      %add3A_606 = arith.addf %scan3A_507, %get3A_605 : vector<16xf32>
      %get3A_607 = arith.index_cast %scan3A_494 : i32 to index
      %get3A_608 = arith.constant 208 : index
      %get3A_609 = tpu.vector_load %arg4[%get3A_607, %get3A_608] {strides = array<i32>} : memref<32x768xf32, #tpu.memory_space<vmem>>, vector<1x16xf32>,
      %get3A_610 = vector.shape_cast %get3A_609 : vector<1x16xf32> to vector<16xf32>
      %add3A_611 = arith.addf %scan3A_508, %get3A_610 : vector<16xf32>
      %get3A_612 = arith.index_cast %scan3A_494 : i32 to index
      %get3A_613 = arith.constant 224 : index
      %get3A_614 = tpu.vector_load %arg4[%get3A_612, %get3A_613] {strides = array<i32>} : memref<32x768xf32, #tpu.memory_space<vmem>>, vector<1x16xf32>,
      %get3A_615 = vector.shape_cast %get3A_614 : vector<1x16xf32> to vector<16xf32>
      %add3A_616 = arith.addf %scan3A_509, %get3A_615 : vector<16xf32>
      %get3A_617 = arith.index_cast %scan3A_494 : i32 to index
      %get3A_618 = arith.constant 240 : index
      %get3A_619 = tpu.vector_load %arg4[%get3A_617, %get3A_618] {strides = array<i32>} : memref<32x768xf32, #tpu.memory_space<vmem>>, vector<1x16xf32>,
      %get3A_620 = vector.shape_cast %get3A_619 : vector<1x16xf32> to vector<16xf32>
      %add3A_621 = arith.addf %scan3A_510, %get3A_620 : vector<16xf32>
      %get3A_622 = arith.index_cast %scan3A_494 : i32 to index
      %get3A_623 = arith.constant 256 : index
      %get3A_624 = tpu.vector_load %arg4[%get3A_622, %get3A_623] {strides = array<i32>} : memref<32x768xf32, #tpu.memory_space<vmem>>, vector<1x16xf32>,
      %get3A_625 = vector.shape_cast %get3A_624 : vector<1x16xf32> to vector<16xf32>
      %add3A_626 = arith.addf %scan3A_511, %get3A_625 : vector<16xf32>
      %get3A_627 = arith.index_cast %scan3A_494 : i32 to index
      %get3A_628 = arith.constant 272 : index
      %get3A_629 = tpu.vector_load %arg4[%get3A_627, %get3A_628] {strides = array<i32>} : memref<32x768xf32, #tpu.memory_space<vmem>>, vector<1x16xf32>,
      %get3A_630 = vector.shape_cast %get3A_629 : vector<1x16xf32> to vector<16xf32>
      %add3A_631 = arith.addf %scan3A_512, %get3A_630 : vector<16xf32>
      %get3A_632 = arith.index_cast %scan3A_494 : i32 to index
      %get3A_633 = arith.constant 288 : index
      %get3A_634 = tpu.vector_load %arg4[%get3A_632, %get3A_633] {strides = array<i32>} : memref<32x768xf32, #tpu.memory_space<vmem>>, vector<1x16xf32>,
      %get3A_635 = vector.shape_cast %get3A_634 : vector<1x16xf32> to vector<16xf32>
      %add3A_636 = arith.addf %scan3A_513, %get3A_635 : vector<16xf32>
      %get3A_637 = arith.index_cast %scan3A_494 : i32 to index
      %get3A_638 = arith.constant 304 : index
      %get3A_639 = tpu.vector_load %arg4[%get3A_637, %get3A_638] {strides = array<i32>} : memref<32x768xf32, #tpu.memory_space<vmem>>, vector<1x16xf32>,
      %get3A_640 = vector.shape_cast %get3A_639 : vector<1x16xf32> to vector<16xf32>
      %add3A_641 = arith.addf %scan3A_514, %get3A_640 : vector<16xf32>
      %get3A_642 = arith.index_cast %scan3A_494 : i32 to index
      %get3A_643 = arith.constant 320 : index
      %get3A_644 = tpu.vector_load %arg4[%get3A_642, %get3A_643] {strides = array<i32>} : memref<32x768xf32, #tpu.memory_space<vmem>>, vector<1x16xf32>,
      %get3A_645 = vector.shape_cast %get3A_644 : vector<1x16xf32> to vector<16xf32>
      %add3A_646 = arith.addf %scan3A_515, %get3A_645 : vector<16xf32>
      %get3A_647 = arith.index_cast %scan3A_494 : i32 to index
      %get3A_648 = arith.constant 336 : index
      %get3A_649 = tpu.vector_load %arg4[%get3A_647, %get3A_648] {strides = array<i32>} : memref<32x768xf32, #tpu.memory_space<vmem>>, vector<1x16xf32>,
      %get3A_650 = vector.shape_cast %get3A_649 : vector<1x16xf32> to vector<16xf32>
      %add3A_651 = arith.addf %scan3A_516, %get3A_650 : vector<16xf32>
      %get3A_652 = arith.index_cast %scan3A_494 : i32 to index
      %get3A_653 = arith.constant 352 : index
      %get3A_654 = tpu.vector_load %arg4[%get3A_652, %get3A_653] {strides = array<i32>} : memref<32x768xf32, #tpu.memory_space<vmem>>, vector<1x16xf32>,
      %get3A_655 = vector.shape_cast %get3A_654 : vector<1x16xf32> to vector<16xf32>
      %add3A_656 = arith.addf %scan3A_517, %get3A_655 : vector<16xf32>
      %get3A_657 = arith.index_cast %scan3A_494 : i32 to index
      %get3A_658 = arith.constant 368 : index
      %get3A_659 = tpu.vector_load %arg4[%get3A_657, %get3A_658] {strides = array<i32>} : memref<32x768xf32, #tpu.memory_space<vmem>>, vector<1x16xf32>,
      %get3A_660 = vector.shape_cast %get3A_659 : vector<1x16xf32> to vector<16xf32>
      %add3A_661 = arith.addf %scan3A_518, %get3A_660 : vector<16xf32>
      %get3A_662 = arith.index_cast %scan3A_494 : i32 to index
      %get3A_663 = arith.constant 384 : index
      %get3A_664 = tpu.vector_load %arg4[%get3A_662, %get3A_663] {strides = array<i32>} : memref<32x768xf32, #tpu.memory_space<vmem>>, vector<1x16xf32>,
      %get3A_665 = vector.shape_cast %get3A_664 : vector<1x16xf32> to vector<16xf32>
      %add3A_666 = arith.addf %scan3A_519, %get3A_665 : vector<16xf32>
      %get3A_667 = arith.index_cast %scan3A_494 : i32 to index
      %get3A_668 = arith.constant 400 : index
      %get3A_669 = tpu.vector_load %arg4[%get3A_667, %get3A_668] {strides = array<i32>} : memref<32x768xf32, #tpu.memory_space<vmem>>, vector<1x16xf32>,
      %get3A_670 = vector.shape_cast %get3A_669 : vector<1x16xf32> to vector<16xf32>
      %add3A_671 = arith.addf %scan3A_520, %get3A_670 : vector<16xf32>
      %get3A_672 = arith.index_cast %scan3A_494 : i32 to index
      %get3A_673 = arith.constant 416 : index
      %get3A_674 = tpu.vector_load %arg4[%get3A_672, %get3A_673] {strides = array<i32>} : memref<32x768xf32, #tpu.memory_space<vmem>>, vector<1x16xf32>,
      %get3A_675 = vector.shape_cast %get3A_674 : vector<1x16xf32> to vector<16xf32>
      %add3A_676 = arith.addf %scan3A_521, %get3A_675 : vector<16xf32>
      %get3A_677 = arith.index_cast %scan3A_494 : i32 to index
      %get3A_678 = arith.constant 432 : index
      %get3A_679 = tpu.vector_load %arg4[%get3A_677, %get3A_678] {strides = array<i32>} : memref<32x768xf32, #tpu.memory_space<vmem>>, vector<1x16xf32>,
      %get3A_680 = vector.shape_cast %get3A_679 : vector<1x16xf32> to vector<16xf32>
      %add3A_681 = arith.addf %scan3A_522, %get3A_680 : vector<16xf32>
      %get3A_682 = arith.index_cast %scan3A_494 : i32 to index
      %get3A_683 = arith.constant 448 : index
      %get3A_684 = tpu.vector_load %arg4[%get3A_682, %get3A_683] {strides = array<i32>} : memref<32x768xf32, #tpu.memory_space<vmem>>, vector<1x16xf32>,
      %get3A_685 = vector.shape_cast %get3A_684 : vector<1x16xf32> to vector<16xf32>
      %add3A_686 = arith.addf %scan3A_523, %get3A_685 : vector<16xf32>
      %get3A_687 = arith.index_cast %scan3A_494 : i32 to index
      %get3A_688 = arith.constant 464 : index
      %get3A_689 = tpu.vector_load %arg4[%get3A_687, %get3A_688] {strides = array<i32>} : memref<32x768xf32, #tpu.memory_space<vmem>>, vector<1x16xf32>,
      %get3A_690 = vector.shape_cast %get3A_689 : vector<1x16xf32> to vector<16xf32>
      %add3A_691 = arith.addf %scan3A_524, %get3A_690 : vector<16xf32>
      %get3A_692 = arith.index_cast %scan3A_494 : i32 to index
      %get3A_693 = arith.constant 480 : index
      %get3A_694 = tpu.vector_load %arg4[%get3A_692, %get3A_693] {strides = array<i32>} : memref<32x768xf32, #tpu.memory_space<vmem>>, vector<1x16xf32>,
      %get3A_695 = vector.shape_cast %get3A_694 : vector<1x16xf32> to vector<16xf32>
      %add3A_696 = arith.addf %scan3A_525, %get3A_695 : vector<16xf32>
      %get3A_697 = arith.index_cast %scan3A_494 : i32 to index
      %get3A_698 = arith.constant 496 : index
      %get3A_699 = tpu.vector_load %arg4[%get3A_697, %get3A_698] {strides = array<i32>} : memref<32x768xf32, #tpu.memory_space<vmem>>, vector<1x16xf32>,
      %get3A_700 = vector.shape_cast %get3A_699 : vector<1x16xf32> to vector<16xf32>
      %add3A_701 = arith.addf %scan3A_526, %get3A_700 : vector<16xf32>
      %get3A_702 = arith.index_cast %scan3A_494 : i32 to index
      %get3A_703 = arith.constant 512 : index
      %get3A_704 = tpu.vector_load %arg4[%get3A_702, %get3A_703] {strides = array<i32>} : memref<32x768xf32, #tpu.memory_space<vmem>>, vector<1x16xf32>,
      %get3A_705 = vector.shape_cast %get3A_704 : vector<1x16xf32> to vector<16xf32>
      %add3A_706 = arith.addf %scan3A_527, %get3A_705 : vector<16xf32>
      %get3A_707 = arith.index_cast %scan3A_494 : i32 to index
      %get3A_708 = arith.constant 528 : index
      %get3A_709 = tpu.vector_load %arg4[%get3A_707, %get3A_708] {strides = array<i32>} : memref<32x768xf32, #tpu.memory_space<vmem>>, vector<1x16xf32>,
      %get3A_710 = vector.shape_cast %get3A_709 : vector<1x16xf32> to vector<16xf32>
      %add3A_711 = arith.addf %scan3A_528, %get3A_710 : vector<16xf32>
      %get3A_712 = arith.index_cast %scan3A_494 : i32 to index
      %get3A_713 = arith.constant 544 : index
      %get3A_714 = tpu.vector_load %arg4[%get3A_712, %get3A_713] {strides = array<i32>} : memref<32x768xf32, #tpu.memory_space<vmem>>, vector<1x16xf32>,
      %get3A_715 = vector.shape_cast %get3A_714 : vector<1x16xf32> to vector<16xf32>
      %add3A_716 = arith.addf %scan3A_529, %get3A_715 : vector<16xf32>
      %get3A_717 = arith.index_cast %scan3A_494 : i32 to index
      %get3A_718 = arith.constant 560 : index
      %get3A_719 = tpu.vector_load %arg4[%get3A_717, %get3A_718] {strides = array<i32>} : memref<32x768xf32, #tpu.memory_space<vmem>>, vector<1x16xf32>,
      %get3A_720 = vector.shape_cast %get3A_719 : vector<1x16xf32> to vector<16xf32>
      %add3A_721 = arith.addf %scan3A_530, %get3A_720 : vector<16xf32>
      %get3A_722 = arith.index_cast %scan3A_494 : i32 to index
      %get3A_723 = arith.constant 576 : index
      %get3A_724 = tpu.vector_load %arg4[%get3A_722, %get3A_723] {strides = array<i32>} : memref<32x768xf32, #tpu.memory_space<vmem>>, vector<1x16xf32>,
      %get3A_725 = vector.shape_cast %get3A_724 : vector<1x16xf32> to vector<16xf32>
      %add3A_726 = arith.addf %scan3A_531, %get3A_725 : vector<16xf32>
      %get3A_727 = arith.index_cast %scan3A_494 : i32 to index
      %get3A_728 = arith.constant 592 : index
      %get3A_729 = tpu.vector_load %arg4[%get3A_727, %get3A_728] {strides = array<i32>} : memref<32x768xf32, #tpu.memory_space<vmem>>, vector<1x16xf32>,
      %get3A_730 = vector.shape_cast %get3A_729 : vector<1x16xf32> to vector<16xf32>
      %add3A_731 = arith.addf %scan3A_532, %get3A_730 : vector<16xf32>
      %get3A_732 = arith.index_cast %scan3A_494 : i32 to index
      %get3A_733 = arith.constant 608 : index
      %get3A_734 = tpu.vector_load %arg4[%get3A_732, %get3A_733] {strides = array<i32>} : memref<32x768xf32, #tpu.memory_space<vmem>>, vector<1x16xf32>,
      %get3A_735 = vector.shape_cast %get3A_734 : vector<1x16xf32> to vector<16xf32>
      %add3A_736 = arith.addf %scan3A_533, %get3A_735 : vector<16xf32>
      %get3A_737 = arith.index_cast %scan3A_494 : i32 to index
      %get3A_738 = arith.constant 624 : index
      %get3A_739 = tpu.vector_load %arg4[%get3A_737, %get3A_738] {strides = array<i32>} : memref<32x768xf32, #tpu.memory_space<vmem>>, vector<1x16xf32>,
      %get3A_740 = vector.shape_cast %get3A_739 : vector<1x16xf32> to vector<16xf32>
      %add3A_741 = arith.addf %scan3A_534, %get3A_740 : vector<16xf32>
      %get3A_742 = arith.index_cast %scan3A_494 : i32 to index
      %get3A_743 = arith.constant 640 : index
      %get3A_744 = tpu.vector_load %arg4[%get3A_742, %get3A_743] {strides = array<i32>} : memref<32x768xf32, #tpu.memory_space<vmem>>, vector<1x16xf32>,
      %get3A_745 = vector.shape_cast %get3A_744 : vector<1x16xf32> to vector<16xf32>
      %add3A_746 = arith.addf %scan3A_535, %get3A_745 : vector<16xf32>
      %get3A_747 = arith.index_cast %scan3A_494 : i32 to index
      %get3A_748 = arith.constant 656 : index
      %get3A_749 = tpu.vector_load %arg4[%get3A_747, %get3A_748] {strides = array<i32>} : memref<32x768xf32, #tpu.memory_space<vmem>>, vector<1x16xf32>,
      %get3A_750 = vector.shape_cast %get3A_749 : vector<1x16xf32> to vector<16xf32>
      %add3A_751 = arith.addf %scan3A_536, %get3A_750 : vector<16xf32>
      %get3A_752 = arith.index_cast %scan3A_494 : i32 to index
      %get3A_753 = arith.constant 672 : index
      %get3A_754 = tpu.vector_load %arg4[%get3A_752, %get3A_753] {strides = array<i32>} : memref<32x768xf32, #tpu.memory_space<vmem>>, vector<1x16xf32>,
      %get3A_755 = vector.shape_cast %get3A_754 : vector<1x16xf32> to vector<16xf32>
      %add3A_756 = arith.addf %scan3A_537, %get3A_755 : vector<16xf32>
      %get3A_757 = arith.index_cast %scan3A_494 : i32 to index
      %get3A_758 = arith.constant 688 : index
      %get3A_759 = tpu.vector_load %arg4[%get3A_757, %get3A_758] {strides = array<i32>} : memref<32x768xf32, #tpu.memory_space<vmem>>, vector<1x16xf32>,
      %get3A_760 = vector.shape_cast %get3A_759 : vector<1x16xf32> to vector<16xf32>
      %add3A_761 = arith.addf %scan3A_538, %get3A_760 : vector<16xf32>
      %get3A_762 = arith.index_cast %scan3A_494 : i32 to index
      %get3A_763 = arith.constant 704 : index
      %get3A_764 = tpu.vector_load %arg4[%get3A_762, %get3A_763] {strides = array<i32>} : memref<32x768xf32, #tpu.memory_space<vmem>>, vector<1x16xf32>,
      %get3A_765 = vector.shape_cast %get3A_764 : vector<1x16xf32> to vector<16xf32>
      %add3A_766 = arith.addf %scan3A_539, %get3A_765 : vector<16xf32>
      %get3A_767 = arith.index_cast %scan3A_494 : i32 to index
      %get3A_768 = arith.constant 720 : index
      %get3A_769 = tpu.vector_load %arg4[%get3A_767, %get3A_768] {strides = array<i32>} : memref<32x768xf32, #tpu.memory_space<vmem>>, vector<1x16xf32>,
      %get3A_770 = vector.shape_cast %get3A_769 : vector<1x16xf32> to vector<16xf32>
      %add3A_771 = arith.addf %scan3A_540, %get3A_770 : vector<16xf32>
      %get3A_772 = arith.index_cast %scan3A_494 : i32 to index
      %get3A_773 = arith.constant 736 : index
      %get3A_774 = tpu.vector_load %arg4[%get3A_772, %get3A_773] {strides = array<i32>} : memref<32x768xf32, #tpu.memory_space<vmem>>, vector<1x16xf32>,
      %get3A_775 = vector.shape_cast %get3A_774 : vector<1x16xf32> to vector<16xf32>
      %add3A_776 = arith.addf %scan3A_541, %get3A_775 : vector<16xf32>
      %get3A_777 = arith.index_cast %scan3A_494 : i32 to index
      %get3A_778 = arith.constant 752 : index
      %get3A_779 = tpu.vector_load %arg4[%get3A_777, %get3A_778] {strides = array<i32>} : memref<32x768xf32, #tpu.memory_space<vmem>>, vector<1x16xf32>,
      %get3A_780 = vector.shape_cast %get3A_779 : vector<1x16xf32> to vector<16xf32>
      %add3A_781 = arith.addf %scan3A_542, %get3A_780 : vector<16xf32>
      %scan3A_782 = arith.constant 1 : i32
      %scan3A_783 = arith.addi %scan3A_494, %scan3A_782 : i32
      %get3A_784 = arith.index_cast %scan3A_783 : i32 to index
      %get3A_785 = arith.constant 0 : index
      %get3A_786 = tpu.vector_load %arg4[%get3A_784, %get3A_785] {strides = array<i32>} : memref<32x768xf32, #tpu.memory_space<vmem>>, vector<1x16xf32>,
      %get3A_787 = vector.shape_cast %get3A_786 : vector<1x16xf32> to vector<16xf32>
      %add3A_788 = arith.addf %add3A_546, %get3A_787 : vector<16xf32>
      %get3A_789 = arith.index_cast %scan3A_783 : i32 to index
      %get3A_790 = arith.constant 16 : index
      %get3A_791 = tpu.vector_load %arg4[%get3A_789, %get3A_790] {strides = array<i32>} : memref<32x768xf32, #tpu.memory_space<vmem>>, vector<1x16xf32>,
      %get3A_792 = vector.shape_cast %get3A_791 : vector<1x16xf32> to vector<16xf32>
      %add3A_793 = arith.addf %add3A_551, %get3A_792 : vector<16xf32>
      %get3A_794 = arith.index_cast %scan3A_783 : i32 to index
      %get3A_795 = arith.constant 32 : index
      %get3A_796 = tpu.vector_load %arg4[%get3A_794, %get3A_795] {strides = array<i32>} : memref<32x768xf32, #tpu.memory_space<vmem>>, vector<1x16xf32>,
      %get3A_797 = vector.shape_cast %get3A_796 : vector<1x16xf32> to vector<16xf32>
      %add3A_798 = arith.addf %add3A_556, %get3A_797 : vector<16xf32>
      %get3A_799 = arith.index_cast %scan3A_783 : i32 to index
      %get3A_800 = arith.constant 48 : index
      %get3A_801 = tpu.vector_load %arg4[%get3A_799, %get3A_800] {strides = array<i32>} : memref<32x768xf32, #tpu.memory_space<vmem>>, vector<1x16xf32>,
      %get3A_802 = vector.shape_cast %get3A_801 : vector<1x16xf32> to vector<16xf32>
      %add3A_803 = arith.addf %add3A_561, %get3A_802 : vector<16xf32>
      %get3A_804 = arith.index_cast %scan3A_783 : i32 to index
      %get3A_805 = arith.constant 64 : index
      %get3A_806 = tpu.vector_load %arg4[%get3A_804, %get3A_805] {strides = array<i32>} : memref<32x768xf32, #tpu.memory_space<vmem>>, vector<1x16xf32>,
      %get3A_807 = vector.shape_cast %get3A_806 : vector<1x16xf32> to vector<16xf32>
      %add3A_808 = arith.addf %add3A_566, %get3A_807 : vector<16xf32>
      %get3A_809 = arith.index_cast %scan3A_783 : i32 to index
      %get3A_810 = arith.constant 80 : index
      %get3A_811 = tpu.vector_load %arg4[%get3A_809, %get3A_810] {strides = array<i32>} : memref<32x768xf32, #tpu.memory_space<vmem>>, vector<1x16xf32>,
      %get3A_812 = vector.shape_cast %get3A_811 : vector<1x16xf32> to vector<16xf32>
      %add3A_813 = arith.addf %add3A_571, %get3A_812 : vector<16xf32>
      %get3A_814 = arith.index_cast %scan3A_783 : i32 to index
      %get3A_815 = arith.constant 96 : index
      %get3A_816 = tpu.vector_load %arg4[%get3A_814, %get3A_815] {strides = array<i32>} : memref<32x768xf32, #tpu.memory_space<vmem>>, vector<1x16xf32>,
      %get3A_817 = vector.shape_cast %get3A_816 : vector<1x16xf32> to vector<16xf32>
      %add3A_818 = arith.addf %add3A_576, %get3A_817 : vector<16xf32>
      %get3A_819 = arith.index_cast %scan3A_783 : i32 to index
      %get3A_820 = arith.constant 112 : index
      %get3A_821 = tpu.vector_load %arg4[%get3A_819, %get3A_820] {strides = array<i32>} : memref<32x768xf32, #tpu.memory_space<vmem>>, vector<1x16xf32>,
      %get3A_822 = vector.shape_cast %get3A_821 : vector<1x16xf32> to vector<16xf32>
      %add3A_823 = arith.addf %add3A_581, %get3A_822 : vector<16xf32>
      %get3A_824 = arith.index_cast %scan3A_783 : i32 to index
      %get3A_825 = arith.constant 128 : index
      %get3A_826 = tpu.vector_load %arg4[%get3A_824, %get3A_825] {strides = array<i32>} : memref<32x768xf32, #tpu.memory_space<vmem>>, vector<1x16xf32>,
      %get3A_827 = vector.shape_cast %get3A_826 : vector<1x16xf32> to vector<16xf32>
      %add3A_828 = arith.addf %add3A_586, %get3A_827 : vector<16xf32>
      %get3A_829 = arith.index_cast %scan3A_783 : i32 to index
      %get3A_830 = arith.constant 144 : index
      %get3A_831 = tpu.vector_load %arg4[%get3A_829, %get3A_830] {strides = array<i32>} : memref<32x768xf32, #tpu.memory_space<vmem>>, vector<1x16xf32>,
      %get3A_832 = vector.shape_cast %get3A_831 : vector<1x16xf32> to vector<16xf32>
      %add3A_833 = arith.addf %add3A_591, %get3A_832 : vector<16xf32>
      %get3A_834 = arith.index_cast %scan3A_783 : i32 to index
      %get3A_835 = arith.constant 160 : index
      %get3A_836 = tpu.vector_load %arg4[%get3A_834, %get3A_835] {strides = array<i32>} : memref<32x768xf32, #tpu.memory_space<vmem>>, vector<1x16xf32>,
      %get3A_837 = vector.shape_cast %get3A_836 : vector<1x16xf32> to vector<16xf32>
      %add3A_838 = arith.addf %add3A_596, %get3A_837 : vector<16xf32>
      %get3A_839 = arith.index_cast %scan3A_783 : i32 to index
      %get3A_840 = arith.constant 176 : index
      %get3A_841 = tpu.vector_load %arg4[%get3A_839, %get3A_840] {strides = array<i32>} : memref<32x768xf32, #tpu.memory_space<vmem>>, vector<1x16xf32>,
      %get3A_842 = vector.shape_cast %get3A_841 : vector<1x16xf32> to vector<16xf32>
      %add3A_843 = arith.addf %add3A_601, %get3A_842 : vector<16xf32>
      %get3A_844 = arith.index_cast %scan3A_783 : i32 to index
      %get3A_845 = arith.constant 192 : index
      %get3A_846 = tpu.vector_load %arg4[%get3A_844, %get3A_845] {strides = array<i32>} : memref<32x768xf32, #tpu.memory_space<vmem>>, vector<1x16xf32>,
      %get3A_847 = vector.shape_cast %get3A_846 : vector<1x16xf32> to vector<16xf32>
      %add3A_848 = arith.addf %add3A_606, %get3A_847 : vector<16xf32>
      %get3A_849 = arith.index_cast %scan3A_783 : i32 to index
      %get3A_850 = arith.constant 208 : index
      %get3A_851 = tpu.vector_load %arg4[%get3A_849, %get3A_850] {strides = array<i32>} : memref<32x768xf32, #tpu.memory_space<vmem>>, vector<1x16xf32>,
      %get3A_852 = vector.shape_cast %get3A_851 : vector<1x16xf32> to vector<16xf32>
      %add3A_853 = arith.addf %add3A_611, %get3A_852 : vector<16xf32>
      %get3A_854 = arith.index_cast %scan3A_783 : i32 to index
      %get3A_855 = arith.constant 224 : index
      %get3A_856 = tpu.vector_load %arg4[%get3A_854, %get3A_855] {strides = array<i32>} : memref<32x768xf32, #tpu.memory_space<vmem>>, vector<1x16xf32>,
      %get3A_857 = vector.shape_cast %get3A_856 : vector<1x16xf32> to vector<16xf32>
      %add3A_858 = arith.addf %add3A_616, %get3A_857 : vector<16xf32>
      %get3A_859 = arith.index_cast %scan3A_783 : i32 to index
      %get3A_860 = arith.constant 240 : index
      %get3A_861 = tpu.vector_load %arg4[%get3A_859, %get3A_860] {strides = array<i32>} : memref<32x768xf32, #tpu.memory_space<vmem>>, vector<1x16xf32>,
      %get3A_862 = vector.shape_cast %get3A_861 : vector<1x16xf32> to vector<16xf32>
      %add3A_863 = arith.addf %add3A_621, %get3A_862 : vector<16xf32>
      %get3A_864 = arith.index_cast %scan3A_783 : i32 to index
      %get3A_865 = arith.constant 256 : index
      %get3A_866 = tpu.vector_load %arg4[%get3A_864, %get3A_865] {strides = array<i32>} : memref<32x768xf32, #tpu.memory_space<vmem>>, vector<1x16xf32>,
      %get3A_867 = vector.shape_cast %get3A_866 : vector<1x16xf32> to vector<16xf32>
      %add3A_868 = arith.addf %add3A_626, %get3A_867 : vector<16xf32>
      %get3A_869 = arith.index_cast %scan3A_783 : i32 to index
      %get3A_870 = arith.constant 272 : index
      %get3A_871 = tpu.vector_load %arg4[%get3A_869, %get3A_870] {strides = array<i32>} : memref<32x768xf32, #tpu.memory_space<vmem>>, vector<1x16xf32>,
      %get3A_872 = vector.shape_cast %get3A_871 : vector<1x16xf32> to vector<16xf32>
      %add3A_873 = arith.addf %add3A_631, %get3A_872 : vector<16xf32>
      %get3A_874 = arith.index_cast %scan3A_783 : i32 to index
      %get3A_875 = arith.constant 288 : index
      %get3A_876 = tpu.vector_load %arg4[%get3A_874, %get3A_875] {strides = array<i32>} : memref<32x768xf32, #tpu.memory_space<vmem>>, vector<1x16xf32>,
      %get3A_877 = vector.shape_cast %get3A_876 : vector<1x16xf32> to vector<16xf32>
      %add3A_878 = arith.addf %add3A_636, %get3A_877 : vector<16xf32>
      %get3A_879 = arith.index_cast %scan3A_783 : i32 to index
      %get3A_880 = arith.constant 304 : index
      %get3A_881 = tpu.vector_load %arg4[%get3A_879, %get3A_880] {strides = array<i32>} : memref<32x768xf32, #tpu.memory_space<vmem>>, vector<1x16xf32>,
      %get3A_882 = vector.shape_cast %get3A_881 : vector<1x16xf32> to vector<16xf32>
      %add3A_883 = arith.addf %add3A_641, %get3A_882 : vector<16xf32>
      %get3A_884 = arith.index_cast %scan3A_783 : i32 to index
      %get3A_885 = arith.constant 320 : index
      %get3A_886 = tpu.vector_load %arg4[%get3A_884, %get3A_885] {strides = array<i32>} : memref<32x768xf32, #tpu.memory_space<vmem>>, vector<1x16xf32>,
      %get3A_887 = vector.shape_cast %get3A_886 : vector<1x16xf32> to vector<16xf32>
      %add3A_888 = arith.addf %add3A_646, %get3A_887 : vector<16xf32>
      %get3A_889 = arith.index_cast %scan3A_783 : i32 to index
      %get3A_890 = arith.constant 336 : index
      %get3A_891 = tpu.vector_load %arg4[%get3A_889, %get3A_890] {strides = array<i32>} : memref<32x768xf32, #tpu.memory_space<vmem>>, vector<1x16xf32>,
      %get3A_892 = vector.shape_cast %get3A_891 : vector<1x16xf32> to vector<16xf32>
      %add3A_893 = arith.addf %add3A_651, %get3A_892 : vector<16xf32>
      %get3A_894 = arith.index_cast %scan3A_783 : i32 to index
      %get3A_895 = arith.constant 352 : index
      %get3A_896 = tpu.vector_load %arg4[%get3A_894, %get3A_895] {strides = array<i32>} : memref<32x768xf32, #tpu.memory_space<vmem>>, vector<1x16xf32>,
      %get3A_897 = vector.shape_cast %get3A_896 : vector<1x16xf32> to vector<16xf32>
      %add3A_898 = arith.addf %add3A_656, %get3A_897 : vector<16xf32>
      %get3A_899 = arith.index_cast %scan3A_783 : i32 to index
      %get3A_900 = arith.constant 368 : index
      %get3A_901 = tpu.vector_load %arg4[%get3A_899, %get3A_900] {strides = array<i32>} : memref<32x768xf32, #tpu.memory_space<vmem>>, vector<1x16xf32>,
      %get3A_902 = vector.shape_cast %get3A_901 : vector<1x16xf32> to vector<16xf32>
      %add3A_903 = arith.addf %add3A_661, %get3A_902 : vector<16xf32>
      %get3A_904 = arith.index_cast %scan3A_783 : i32 to index
      %get3A_905 = arith.constant 384 : index
      %get3A_906 = tpu.vector_load %arg4[%get3A_904, %get3A_905] {strides = array<i32>} : memref<32x768xf32, #tpu.memory_space<vmem>>, vector<1x16xf32>,
      %get3A_907 = vector.shape_cast %get3A_906 : vector<1x16xf32> to vector<16xf32>
      %add3A_908 = arith.addf %add3A_666, %get3A_907 : vector<16xf32>
      %get3A_909 = arith.index_cast %scan3A_783 : i32 to index
      %get3A_910 = arith.constant 400 : index
      %get3A_911 = tpu.vector_load %arg4[%get3A_909, %get3A_910] {strides = array<i32>} : memref<32x768xf32, #tpu.memory_space<vmem>>, vector<1x16xf32>,
      %get3A_912 = vector.shape_cast %get3A_911 : vector<1x16xf32> to vector<16xf32>
      %add3A_913 = arith.addf %add3A_671, %get3A_912 : vector<16xf32>
      %get3A_914 = arith.index_cast %scan3A_783 : i32 to index
      %get3A_915 = arith.constant 416 : index
      %get3A_916 = tpu.vector_load %arg4[%get3A_914, %get3A_915] {strides = array<i32>} : memref<32x768xf32, #tpu.memory_space<vmem>>, vector<1x16xf32>,
      %get3A_917 = vector.shape_cast %get3A_916 : vector<1x16xf32> to vector<16xf32>
      %add3A_918 = arith.addf %add3A_676, %get3A_917 : vector<16xf32>
      %get3A_919 = arith.index_cast %scan3A_783 : i32 to index
      %get3A_920 = arith.constant 432 : index
      %get3A_921 = tpu.vector_load %arg4[%get3A_919, %get3A_920] {strides = array<i32>} : memref<32x768xf32, #tpu.memory_space<vmem>>, vector<1x16xf32>,
      %get3A_922 = vector.shape_cast %get3A_921 : vector<1x16xf32> to vector<16xf32>
      %add3A_923 = arith.addf %add3A_681, %get3A_922 : vector<16xf32>
      %get3A_924 = arith.index_cast %scan3A_783 : i32 to index
      %get3A_925 = arith.constant 448 : index
      %get3A_926 = tpu.vector_load %arg4[%get3A_924, %get3A_925] {strides = array<i32>} : memref<32x768xf32, #tpu.memory_space<vmem>>, vector<1x16xf32>,
      %get3A_927 = vector.shape_cast %get3A_926 : vector<1x16xf32> to vector<16xf32>
      %add3A_928 = arith.addf %add3A_686, %get3A_927 : vector<16xf32>
      %get3A_929 = arith.index_cast %scan3A_783 : i32 to index
      %get3A_930 = arith.constant 464 : index
      %get3A_931 = tpu.vector_load %arg4[%get3A_929, %get3A_930] {strides = array<i32>} : memref<32x768xf32, #tpu.memory_space<vmem>>, vector<1x16xf32>,
      %get3A_932 = vector.shape_cast %get3A_931 : vector<1x16xf32> to vector<16xf32>
      %add3A_933 = arith.addf %add3A_691, %get3A_932 : vector<16xf32>
      %get3A_934 = arith.index_cast %scan3A_783 : i32 to index
      %get3A_935 = arith.constant 480 : index
      %get3A_936 = tpu.vector_load %arg4[%get3A_934, %get3A_935] {strides = array<i32>} : memref<32x768xf32, #tpu.memory_space<vmem>>, vector<1x16xf32>,
      %get3A_937 = vector.shape_cast %get3A_936 : vector<1x16xf32> to vector<16xf32>
      %add3A_938 = arith.addf %add3A_696, %get3A_937 : vector<16xf32>
      %get3A_939 = arith.index_cast %scan3A_783 : i32 to index
      %get3A_940 = arith.constant 496 : index
      %get3A_941 = tpu.vector_load %arg4[%get3A_939, %get3A_940] {strides = array<i32>} : memref<32x768xf32, #tpu.memory_space<vmem>>, vector<1x16xf32>,
      %get3A_942 = vector.shape_cast %get3A_941 : vector<1x16xf32> to vector<16xf32>
      %add3A_943 = arith.addf %add3A_701, %get3A_942 : vector<16xf32>
      %get3A_944 = arith.index_cast %scan3A_783 : i32 to index
      %get3A_945 = arith.constant 512 : index
      %get3A_946 = tpu.vector_load %arg4[%get3A_944, %get3A_945] {strides = array<i32>} : memref<32x768xf32, #tpu.memory_space<vmem>>, vector<1x16xf32>,
      %get3A_947 = vector.shape_cast %get3A_946 : vector<1x16xf32> to vector<16xf32>
      %add3A_948 = arith.addf %add3A_706, %get3A_947 : vector<16xf32>
      %get3A_949 = arith.index_cast %scan3A_783 : i32 to index
      %get3A_950 = arith.constant 528 : index
      %get3A_951 = tpu.vector_load %arg4[%get3A_949, %get3A_950] {strides = array<i32>} : memref<32x768xf32, #tpu.memory_space<vmem>>, vector<1x16xf32>,
      %get3A_952 = vector.shape_cast %get3A_951 : vector<1x16xf32> to vector<16xf32>
      %add3A_953 = arith.addf %add3A_711, %get3A_952 : vector<16xf32>
      %get3A_954 = arith.index_cast %scan3A_783 : i32 to index
      %get3A_955 = arith.constant 544 : index
      %get3A_956 = tpu.vector_load %arg4[%get3A_954, %get3A_955] {strides = array<i32>} : memref<32x768xf32, #tpu.memory_space<vmem>>, vector<1x16xf32>,
      %get3A_957 = vector.shape_cast %get3A_956 : vector<1x16xf32> to vector<16xf32>
      %add3A_958 = arith.addf %add3A_716, %get3A_957 : vector<16xf32>
      %get3A_959 = arith.index_cast %scan3A_783 : i32 to index
      %get3A_960 = arith.constant 560 : index
      %get3A_961 = tpu.vector_load %arg4[%get3A_959, %get3A_960] {strides = array<i32>} : memref<32x768xf32, #tpu.memory_space<vmem>>, vector<1x16xf32>,
      %get3A_962 = vector.shape_cast %get3A_961 : vector<1x16xf32> to vector<16xf32>
      %add3A_963 = arith.addf %add3A_721, %get3A_962 : vector<16xf32>
      %get3A_964 = arith.index_cast %scan3A_783 : i32 to index
      %get3A_965 = arith.constant 576 : index
      %get3A_966 = tpu.vector_load %arg4[%get3A_964, %get3A_965] {strides = array<i32>} : memref<32x768xf32, #tpu.memory_space<vmem>>, vector<1x16xf32>,
      %get3A_967 = vector.shape_cast %get3A_966 : vector<1x16xf32> to vector<16xf32>
      %add3A_968 = arith.addf %add3A_726, %get3A_967 : vector<16xf32>
      %get3A_969 = arith.index_cast %scan3A_783 : i32 to index
      %get3A_970 = arith.constant 592 : index
      %get3A_971 = tpu.vector_load %arg4[%get3A_969, %get3A_970] {strides = array<i32>} : memref<32x768xf32, #tpu.memory_space<vmem>>, vector<1x16xf32>,
      %get3A_972 = vector.shape_cast %get3A_971 : vector<1x16xf32> to vector<16xf32>
      %add3A_973 = arith.addf %add3A_731, %get3A_972 : vector<16xf32>
      %get3A_974 = arith.index_cast %scan3A_783 : i32 to index
      %get3A_975 = arith.constant 608 : index
      %get3A_976 = tpu.vector_load %arg4[%get3A_974, %get3A_975] {strides = array<i32>} : memref<32x768xf32, #tpu.memory_space<vmem>>, vector<1x16xf32>,
      %get3A_977 = vector.shape_cast %get3A_976 : vector<1x16xf32> to vector<16xf32>
      %add3A_978 = arith.addf %add3A_736, %get3A_977 : vector<16xf32>
      %get3A_979 = arith.index_cast %scan3A_783 : i32 to index
      %get3A_980 = arith.constant 624 : index
      %get3A_981 = tpu.vector_load %arg4[%get3A_979, %get3A_980] {strides = array<i32>} : memref<32x768xf32, #tpu.memory_space<vmem>>, vector<1x16xf32>,
      %get3A_982 = vector.shape_cast %get3A_981 : vector<1x16xf32> to vector<16xf32>
      %add3A_983 = arith.addf %add3A_741, %get3A_982 : vector<16xf32>
      %get3A_984 = arith.index_cast %scan3A_783 : i32 to index
      %get3A_985 = arith.constant 640 : index
      %get3A_986 = tpu.vector_load %arg4[%get3A_984, %get3A_985] {strides = array<i32>} : memref<32x768xf32, #tpu.memory_space<vmem>>, vector<1x16xf32>,
      %get3A_987 = vector.shape_cast %get3A_986 : vector<1x16xf32> to vector<16xf32>
      %add3A_988 = arith.addf %add3A_746, %get3A_987 : vector<16xf32>
      %get3A_989 = arith.index_cast %scan3A_783 : i32 to index
      %get3A_990 = arith.constant 656 : index
      %get3A_991 = tpu.vector_load %arg4[%get3A_989, %get3A_990] {strides = array<i32>} : memref<32x768xf32, #tpu.memory_space<vmem>>, vector<1x16xf32>,
      %get3A_992 = vector.shape_cast %get3A_991 : vector<1x16xf32> to vector<16xf32>
      %add3A_993 = arith.addf %add3A_751, %get3A_992 : vector<16xf32>
      %get3A_994 = arith.index_cast %scan3A_783 : i32 to index
      %get3A_995 = arith.constant 672 : index
      %get3A_996 = tpu.vector_load %arg4[%get3A_994, %get3A_995] {strides = array<i32>} : memref<32x768xf32, #tpu.memory_space<vmem>>, vector<1x16xf32>,
      %get3A_997 = vector.shape_cast %get3A_996 : vector<1x16xf32> to vector<16xf32>
      %add3A_998 = arith.addf %add3A_756, %get3A_997 : vector<16xf32>
      %get3A_999 = arith.index_cast %scan3A_783 : i32 to index
      %get3A_1000 = arith.constant 688 : index
      %get3A_1001 = tpu.vector_load %arg4[%get3A_999, %get3A_1000] {strides = array<i32>} : memref<32x768xf32, #tpu.memory_space<vmem>>, vector<1x16xf32>,
      %get3A_1002 = vector.shape_cast %get3A_1001 : vector<1x16xf32> to vector<16xf32>
      %add3A_1003 = arith.addf %add3A_761, %get3A_1002 : vector<16xf32>
      %get3A_1004 = arith.index_cast %scan3A_783 : i32 to index
      %get3A_1005 = arith.constant 704 : index
      %get3A_1006 = tpu.vector_load %arg4[%get3A_1004, %get3A_1005] {strides = array<i32>} : memref<32x768xf32, #tpu.memory_space<vmem>>, vector<1x16xf32>,
      %get3A_1007 = vector.shape_cast %get3A_1006 : vector<1x16xf32> to vector<16xf32>
      %add3A_1008 = arith.addf %add3A_766, %get3A_1007 : vector<16xf32>
      %get3A_1009 = arith.index_cast %scan3A_783 : i32 to index
      %get3A_1010 = arith.constant 720 : index
      %get3A_1011 = tpu.vector_load %arg4[%get3A_1009, %get3A_1010] {strides = array<i32>} : memref<32x768xf32, #tpu.memory_space<vmem>>, vector<1x16xf32>,
      %get3A_1012 = vector.shape_cast %get3A_1011 : vector<1x16xf32> to vector<16xf32>
      %add3A_1013 = arith.addf %add3A_771, %get3A_1012 : vector<16xf32>
      %get3A_1014 = arith.index_cast %scan3A_783 : i32 to index
      %get3A_1015 = arith.constant 736 : index
      %get3A_1016 = tpu.vector_load %arg4[%get3A_1014, %get3A_1015] {strides = array<i32>} : memref<32x768xf32, #tpu.memory_space<vmem>>, vector<1x16xf32>,
      %get3A_1017 = vector.shape_cast %get3A_1016 : vector<1x16xf32> to vector<16xf32>
      %add3A_1018 = arith.addf %add3A_776, %get3A_1017 : vector<16xf32>
      %get3A_1019 = arith.index_cast %scan3A_783 : i32 to index
      %get3A_1020 = arith.constant 752 : index
      %get3A_1021 = tpu.vector_load %arg4[%get3A_1019, %get3A_1020] {strides = array<i32>} : memref<32x768xf32, #tpu.memory_space<vmem>>, vector<1x16xf32>,
      %get3A_1022 = vector.shape_cast %get3A_1021 : vector<1x16xf32> to vector<16xf32>
      %add3A_1023 = arith.addf %add3A_781, %get3A_1022 : vector<16xf32>
      scf.yield %add3A_788, %add3A_793, %add3A_798, %add3A_803, %add3A_808, %add3A_813, %add3A_818, %add3A_823, %add3A_828, %add3A_833, %add3A_838, %add3A_843, %add3A_848, %add3A_853, %add3A_858, %add3A_863, %add3A_868, %add3A_873, %add3A_878, %add3A_883, %add3A_888, %add3A_893, %add3A_898, %add3A_903, %add3A_908, %add3A_913, %add3A_918, %add3A_923, %add3A_928, %add3A_933, %add3A_938, %add3A_943, %add3A_948, %add3A_953, %add3A_958, %add3A_963, %add3A_968, %add3A_973, %add3A_978, %add3A_983, %add3A_988, %add3A_993, %add3A_998, %add3A_1003, %add3A_1008, %add3A_1013, %add3A_1018, %add3A_1023 : vector<16xf32>, vector<16xf32>, vector<16xf32>, vector<16xf32>, vector<16xf32>, vector<16xf32>, vector<16xf32>, vector<16xf32>, vector<16xf32>, vector<16xf32>, vector<16xf32>, vector<16xf32>, vector<16xf32>, vector<16xf32>, vector<16xf32>, vector<16xf32>, vector<16xf32>, vector<16xf32>, vector<16xf32>, vector<16xf32>, vector<16xf32>, vector<16xf32>, vector<16xf32>, vector<16xf32>, vector<16xf32>, vector<16xf32>, vector<16xf32>, vector<16xf32>, vector<16xf32>, vector<16xf32>, vector<16xf32>, vector<16xf32>, vector<16xf32>, vector<16xf32>, vector<16xf32>, vector<16xf32>, vector<16xf32>, vector<16xf32>, vector<16xf32>, vector<16xf32>, vector<16xf32>, vector<16xf32>, vector<16xf32>, vector<16xf32>, vector<16xf32>, vector<16xf32>, vector<16xf32>, vector<16xf32>
    }
    %scan3A_194 = arith.constant 32 : i32
    %dma_wait3A_195 = arith.constant 0 : i32
    %dma_wait3A_196 = tpu.memref_slice %arg2[%add3A_18, %add3A_176, %dma_wait3A_195] : memref<4x2048x768xf32, #tpu.memory_space<hbm>> -> memref<1x32x768xf32, #tpu.memory_space<hbm>>
    %dma_wait3A_197 = tpu.memref_squeeze %dma_wait3A_196 : memref<1x32x768xf32, #tpu.memory_space<hbm>> -> memref<32x768xf32, #tpu.memory_space<hbm>>
    %dma_wait3A_198 = arith.constant 0 : i32
    %dma_wait3A_199 = tpu.memref_slice %arg2[%add3A_18, %add3A_176, %dma_wait3A_198] : memref<4x2048x768xf32, #tpu.memory_space<hbm>> -> memref<1x32x768xf32, #tpu.memory_space<hbm>>
    %dma_wait3A_200 = tpu.memref_squeeze %dma_wait3A_199 : memref<1x32x768xf32, #tpu.memory_space<hbm>> -> memref<32x768xf32, #tpu.memory_space<hbm>>
    tpu.wait_dma2 semaphore(%arg8 : memref<!tpu.dma_semaphore, #tpu.memory_space<semaphore_mem>>) src(%dma_wait3A_200 : memref<32x768xf32, #tpu.memory_space<hbm>>) dst(%arg5 : memref<32x768xf32, #tpu.memory_space<vmem>>)
    %scan3A_201 = arith.constant 0 : i32
    %scan3A_202 = arith.constant 32 : i32
    %scan3A_203 = arith.addi %scan3A_201, %scan3A_202 : i32
    %scan3A_204 = arith.constant 2 : i32
    %scan3A_205:48 = scf.for %scan3A_494 = %scan3A_201 to %scan3A_203 step %scan3A_204 iter_args(%scan3A_495 = %scan3A_193#0, %scan3A_496 = %scan3A_193#1, %scan3A_497 = %scan3A_193#2, %scan3A_498 = %scan3A_193#3, %scan3A_499 = %scan3A_193#4, %scan3A_500 = %scan3A_193#5, %scan3A_501 = %scan3A_193#6, %scan3A_502 = %scan3A_193#7, %scan3A_503 = %scan3A_193#8, %scan3A_504 = %scan3A_193#9, %scan3A_505 = %scan3A_193#10, %scan3A_506 = %scan3A_193#11, %scan3A_507 = %scan3A_193#12, %scan3A_508 = %scan3A_193#13, %scan3A_509 = %scan3A_193#14, %scan3A_510 = %scan3A_193#15, %scan3A_511 = %scan3A_193#16, %scan3A_512 = %scan3A_193#17, %scan3A_513 = %scan3A_193#18, %scan3A_514 = %scan3A_193#19, %scan3A_515 = %scan3A_193#20, %scan3A_516 = %scan3A_193#21, %scan3A_517 = %scan3A_193#22, %scan3A_518 = %scan3A_193#23, %scan3A_519 = %scan3A_193#24, %scan3A_520 = %scan3A_193#25, %scan3A_521 = %scan3A_193#26, %scan3A_522 = %scan3A_193#27, %scan3A_523 = %scan3A_193#28, %scan3A_524 = %scan3A_193#29, %scan3A_525 = %scan3A_193#30, %scan3A_526 = %scan3A_193#31, %scan3A_527 = %scan3A_193#32, %scan3A_528 = %scan3A_193#33, %scan3A_529 = %scan3A_193#34, %scan3A_530 = %scan3A_193#35, %scan3A_531 = %scan3A_193#36, %scan3A_532 = %scan3A_193#37, %scan3A_533 = %scan3A_193#38, %scan3A_534 = %scan3A_193#39, %scan3A_535 = %scan3A_193#40, %scan3A_536 = %scan3A_193#41, %scan3A_537 = %scan3A_193#42, %scan3A_538 = %scan3A_193#43, %scan3A_539 = %scan3A_193#44, %scan3A_540 = %scan3A_193#45, %scan3A_541 = %scan3A_193#46, %scan3A_542 = %scan3A_193#47) -> (vector<16xf32>, vector<16xf32>, vector<16xf32>, vector<16xf32>, vector<16xf32>, vector<16xf32>, vector<16xf32>, vector<16xf32>, vector<16xf32>, vector<16xf32>, vector<16xf32>, vector<16xf32>, vector<16xf32>, vector<16xf32>, vector<16xf32>, vector<16xf32>, vector<16xf32>, vector<16xf32>, vector<16xf32>, vector<16xf32>, vector<16xf32>, vector<16xf32>, vector<16xf32>, vector<16xf32>, vector<16xf32>, vector<16xf32>, vector<16xf32>, vector<16xf32>, vector<16xf32>, vector<16xf32>, vector<16xf32>, vector<16xf32>, vector<16xf32>, vector<16xf32>, vector<16xf32>, vector<16xf32>, vector<16xf32>, vector<16xf32>, vector<16xf32>, vector<16xf32>, vector<16xf32>, vector<16xf32>, vector<16xf32>, vector<16xf32>, vector<16xf32>, vector<16xf32>, vector<16xf32>, vector<16xf32>)  : i32 {
      %get3A = arith.index_cast %scan3A_494 : i32 to index
      %get3A_543 = arith.constant 0 : index
      %get3A_544 = tpu.vector_load %arg5[%get3A, %get3A_543] {strides = array<i32>} : memref<32x768xf32, #tpu.memory_space<vmem>>, vector<1x16xf32>,
      %get3A_545 = vector.shape_cast %get3A_544 : vector<1x16xf32> to vector<16xf32>
      %add3A_546 = arith.addf %scan3A_495, %get3A_545 : vector<16xf32>
      %get3A_547 = arith.index_cast %scan3A_494 : i32 to index
      %get3A_548 = arith.constant 16 : index
      %get3A_549 = tpu.vector_load %arg5[%get3A_547, %get3A_548] {strides = array<i32>} : memref<32x768xf32, #tpu.memory_space<vmem>>, vector<1x16xf32>,
      %get3A_550 = vector.shape_cast %get3A_549 : vector<1x16xf32> to vector<16xf32>
      %add3A_551 = arith.addf %scan3A_496, %get3A_550 : vector<16xf32>
      %get3A_552 = arith.index_cast %scan3A_494 : i32 to index
      %get3A_553 = arith.constant 32 : index
      %get3A_554 = tpu.vector_load %arg5[%get3A_552, %get3A_553] {strides = array<i32>} : memref<32x768xf32, #tpu.memory_space<vmem>>, vector<1x16xf32>,
      %get3A_555 = vector.shape_cast %get3A_554 : vector<1x16xf32> to vector<16xf32>
      %add3A_556 = arith.addf %scan3A_497, %get3A_555 : vector<16xf32>
      %get3A_557 = arith.index_cast %scan3A_494 : i32 to index
      %get3A_558 = arith.constant 48 : index
      %get3A_559 = tpu.vector_load %arg5[%get3A_557, %get3A_558] {strides = array<i32>} : memref<32x768xf32, #tpu.memory_space<vmem>>, vector<1x16xf32>,
      %get3A_560 = vector.shape_cast %get3A_559 : vector<1x16xf32> to vector<16xf32>
      %add3A_561 = arith.addf %scan3A_498, %get3A_560 : vector<16xf32>
      %get3A_562 = arith.index_cast %scan3A_494 : i32 to index
      %get3A_563 = arith.constant 64 : index
      %get3A_564 = tpu.vector_load %arg5[%get3A_562, %get3A_563] {strides = array<i32>} : memref<32x768xf32, #tpu.memory_space<vmem>>, vector<1x16xf32>,
      %get3A_565 = vector.shape_cast %get3A_564 : vector<1x16xf32> to vector<16xf32>
      %add3A_566 = arith.addf %scan3A_499, %get3A_565 : vector<16xf32>
      %get3A_567 = arith.index_cast %scan3A_494 : i32 to index
      %get3A_568 = arith.constant 80 : index
      %get3A_569 = tpu.vector_load %arg5[%get3A_567, %get3A_568] {strides = array<i32>} : memref<32x768xf32, #tpu.memory_space<vmem>>, vector<1x16xf32>,
      %get3A_570 = vector.shape_cast %get3A_569 : vector<1x16xf32> to vector<16xf32>
      %add3A_571 = arith.addf %scan3A_500, %get3A_570 : vector<16xf32>
      %get3A_572 = arith.index_cast %scan3A_494 : i32 to index
      %get3A_573 = arith.constant 96 : index
      %get3A_574 = tpu.vector_load %arg5[%get3A_572, %get3A_573] {strides = array<i32>} : memref<32x768xf32, #tpu.memory_space<vmem>>, vector<1x16xf32>,
      %get3A_575 = vector.shape_cast %get3A_574 : vector<1x16xf32> to vector<16xf32>
      %add3A_576 = arith.addf %scan3A_501, %get3A_575 : vector<16xf32>
      %get3A_577 = arith.index_cast %scan3A_494 : i32 to index
      %get3A_578 = arith.constant 112 : index
      %get3A_579 = tpu.vector_load %arg5[%get3A_577, %get3A_578] {strides = array<i32>} : memref<32x768xf32, #tpu.memory_space<vmem>>, vector<1x16xf32>,
      %get3A_580 = vector.shape_cast %get3A_579 : vector<1x16xf32> to vector<16xf32>
      %add3A_581 = arith.addf %scan3A_502, %get3A_580 : vector<16xf32>
      %get3A_582 = arith.index_cast %scan3A_494 : i32 to index
      %get3A_583 = arith.constant 128 : index
      %get3A_584 = tpu.vector_load %arg5[%get3A_582, %get3A_583] {strides = array<i32>} : memref<32x768xf32, #tpu.memory_space<vmem>>, vector<1x16xf32>,
      %get3A_585 = vector.shape_cast %get3A_584 : vector<1x16xf32> to vector<16xf32>
      %add3A_586 = arith.addf %scan3A_503, %get3A_585 : vector<16xf32>
      %get3A_587 = arith.index_cast %scan3A_494 : i32 to index
      %get3A_588 = arith.constant 144 : index
      %get3A_589 = tpu.vector_load %arg5[%get3A_587, %get3A_588] {strides = array<i32>} : memref<32x768xf32, #tpu.memory_space<vmem>>, vector<1x16xf32>,
      %get3A_590 = vector.shape_cast %get3A_589 : vector<1x16xf32> to vector<16xf32>
      %add3A_591 = arith.addf %scan3A_504, %get3A_590 : vector<16xf32>
      %get3A_592 = arith.index_cast %scan3A_494 : i32 to index
      %get3A_593 = arith.constant 160 : index
      %get3A_594 = tpu.vector_load %arg5[%get3A_592, %get3A_593] {strides = array<i32>} : memref<32x768xf32, #tpu.memory_space<vmem>>, vector<1x16xf32>,
      %get3A_595 = vector.shape_cast %get3A_594 : vector<1x16xf32> to vector<16xf32>
      %add3A_596 = arith.addf %scan3A_505, %get3A_595 : vector<16xf32>
      %get3A_597 = arith.index_cast %scan3A_494 : i32 to index
      %get3A_598 = arith.constant 176 : index
      %get3A_599 = tpu.vector_load %arg5[%get3A_597, %get3A_598] {strides = array<i32>} : memref<32x768xf32, #tpu.memory_space<vmem>>, vector<1x16xf32>,
      %get3A_600 = vector.shape_cast %get3A_599 : vector<1x16xf32> to vector<16xf32>
      %add3A_601 = arith.addf %scan3A_506, %get3A_600 : vector<16xf32>
      %get3A_602 = arith.index_cast %scan3A_494 : i32 to index
      %get3A_603 = arith.constant 192 : index
      %get3A_604 = tpu.vector_load %arg5[%get3A_602, %get3A_603] {strides = array<i32>} : memref<32x768xf32, #tpu.memory_space<vmem>>, vector<1x16xf32>,
      %get3A_605 = vector.shape_cast %get3A_604 : vector<1x16xf32> to vector<16xf32>
      %add3A_606 = arith.addf %scan3A_507, %get3A_605 : vector<16xf32>
      %get3A_607 = arith.index_cast %scan3A_494 : i32 to index
      %get3A_608 = arith.constant 208 : index
      %get3A_609 = tpu.vector_load %arg5[%get3A_607, %get3A_608] {strides = array<i32>} : memref<32x768xf32, #tpu.memory_space<vmem>>, vector<1x16xf32>,
      %get3A_610 = vector.shape_cast %get3A_609 : vector<1x16xf32> to vector<16xf32>
      %add3A_611 = arith.addf %scan3A_508, %get3A_610 : vector<16xf32>
      %get3A_612 = arith.index_cast %scan3A_494 : i32 to index
      %get3A_613 = arith.constant 224 : index
      %get3A_614 = tpu.vector_load %arg5[%get3A_612, %get3A_613] {strides = array<i32>} : memref<32x768xf32, #tpu.memory_space<vmem>>, vector<1x16xf32>,
      %get3A_615 = vector.shape_cast %get3A_614 : vector<1x16xf32> to vector<16xf32>
      %add3A_616 = arith.addf %scan3A_509, %get3A_615 : vector<16xf32>
      %get3A_617 = arith.index_cast %scan3A_494 : i32 to index
      %get3A_618 = arith.constant 240 : index
      %get3A_619 = tpu.vector_load %arg5[%get3A_617, %get3A_618] {strides = array<i32>} : memref<32x768xf32, #tpu.memory_space<vmem>>, vector<1x16xf32>,
      %get3A_620 = vector.shape_cast %get3A_619 : vector<1x16xf32> to vector<16xf32>
      %add3A_621 = arith.addf %scan3A_510, %get3A_620 : vector<16xf32>
      %get3A_622 = arith.index_cast %scan3A_494 : i32 to index
      %get3A_623 = arith.constant 256 : index
      %get3A_624 = tpu.vector_load %arg5[%get3A_622, %get3A_623] {strides = array<i32>} : memref<32x768xf32, #tpu.memory_space<vmem>>, vector<1x16xf32>,
      %get3A_625 = vector.shape_cast %get3A_624 : vector<1x16xf32> to vector<16xf32>
      %add3A_626 = arith.addf %scan3A_511, %get3A_625 : vector<16xf32>
      %get3A_627 = arith.index_cast %scan3A_494 : i32 to index
      %get3A_628 = arith.constant 272 : index
      %get3A_629 = tpu.vector_load %arg5[%get3A_627, %get3A_628] {strides = array<i32>} : memref<32x768xf32, #tpu.memory_space<vmem>>, vector<1x16xf32>,
      %get3A_630 = vector.shape_cast %get3A_629 : vector<1x16xf32> to vector<16xf32>
      %add3A_631 = arith.addf %scan3A_512, %get3A_630 : vector<16xf32>
      %get3A_632 = arith.index_cast %scan3A_494 : i32 to index
      %get3A_633 = arith.constant 288 : index
      %get3A_634 = tpu.vector_load %arg5[%get3A_632, %get3A_633] {strides = array<i32>} : memref<32x768xf32, #tpu.memory_space<vmem>>, vector<1x16xf32>,
      %get3A_635 = vector.shape_cast %get3A_634 : vector<1x16xf32> to vector<16xf32>
      %add3A_636 = arith.addf %scan3A_513, %get3A_635 : vector<16xf32>
      %get3A_637 = arith.index_cast %scan3A_494 : i32 to index
      %get3A_638 = arith.constant 304 : index
      %get3A_639 = tpu.vector_load %arg5[%get3A_637, %get3A_638] {strides = array<i32>} : memref<32x768xf32, #tpu.memory_space<vmem>>, vector<1x16xf32>,
      %get3A_640 = vector.shape_cast %get3A_639 : vector<1x16xf32> to vector<16xf32>
      %add3A_641 = arith.addf %scan3A_514, %get3A_640 : vector<16xf32>
      %get3A_642 = arith.index_cast %scan3A_494 : i32 to index
      %get3A_643 = arith.constant 320 : index
      %get3A_644 = tpu.vector_load %arg5[%get3A_642, %get3A_643] {strides = array<i32>} : memref<32x768xf32, #tpu.memory_space<vmem>>, vector<1x16xf32>,
      %get3A_645 = vector.shape_cast %get3A_644 : vector<1x16xf32> to vector<16xf32>
      %add3A_646 = arith.addf %scan3A_515, %get3A_645 : vector<16xf32>
      %get3A_647 = arith.index_cast %scan3A_494 : i32 to index
      %get3A_648 = arith.constant 336 : index
      %get3A_649 = tpu.vector_load %arg5[%get3A_647, %get3A_648] {strides = array<i32>} : memref<32x768xf32, #tpu.memory_space<vmem>>, vector<1x16xf32>,
      %get3A_650 = vector.shape_cast %get3A_649 : vector<1x16xf32> to vector<16xf32>
      %add3A_651 = arith.addf %scan3A_516, %get3A_650 : vector<16xf32>
      %get3A_652 = arith.index_cast %scan3A_494 : i32 to index
      %get3A_653 = arith.constant 352 : index
      %get3A_654 = tpu.vector_load %arg5[%get3A_652, %get3A_653] {strides = array<i32>} : memref<32x768xf32, #tpu.memory_space<vmem>>, vector<1x16xf32>,
      %get3A_655 = vector.shape_cast %get3A_654 : vector<1x16xf32> to vector<16xf32>
      %add3A_656 = arith.addf %scan3A_517, %get3A_655 : vector<16xf32>
      %get3A_657 = arith.index_cast %scan3A_494 : i32 to index
      %get3A_658 = arith.constant 368 : index
      %get3A_659 = tpu.vector_load %arg5[%get3A_657, %get3A_658] {strides = array<i32>} : memref<32x768xf32, #tpu.memory_space<vmem>>, vector<1x16xf32>,
      %get3A_660 = vector.shape_cast %get3A_659 : vector<1x16xf32> to vector<16xf32>
      %add3A_661 = arith.addf %scan3A_518, %get3A_660 : vector<16xf32>
      %get3A_662 = arith.index_cast %scan3A_494 : i32 to index
      %get3A_663 = arith.constant 384 : index
      %get3A_664 = tpu.vector_load %arg5[%get3A_662, %get3A_663] {strides = array<i32>} : memref<32x768xf32, #tpu.memory_space<vmem>>, vector<1x16xf32>,
      %get3A_665 = vector.shape_cast %get3A_664 : vector<1x16xf32> to vector<16xf32>
      %add3A_666 = arith.addf %scan3A_519, %get3A_665 : vector<16xf32>
      %get3A_667 = arith.index_cast %scan3A_494 : i32 to index
      %get3A_668 = arith.constant 400 : index
      %get3A_669 = tpu.vector_load %arg5[%get3A_667, %get3A_668] {strides = array<i32>} : memref<32x768xf32, #tpu.memory_space<vmem>>, vector<1x16xf32>,
      %get3A_670 = vector.shape_cast %get3A_669 : vector<1x16xf32> to vector<16xf32>
      %add3A_671 = arith.addf %scan3A_520, %get3A_670 : vector<16xf32>
      %get3A_672 = arith.index_cast %scan3A_494 : i32 to index
      %get3A_673 = arith.constant 416 : index
      %get3A_674 = tpu.vector_load %arg5[%get3A_672, %get3A_673] {strides = array<i32>} : memref<32x768xf32, #tpu.memory_space<vmem>>, vector<1x16xf32>,
      %get3A_675 = vector.shape_cast %get3A_674 : vector<1x16xf32> to vector<16xf32>
      %add3A_676 = arith.addf %scan3A_521, %get3A_675 : vector<16xf32>
      %get3A_677 = arith.index_cast %scan3A_494 : i32 to index
      %get3A_678 = arith.constant 432 : index
      %get3A_679 = tpu.vector_load %arg5[%get3A_677, %get3A_678] {strides = array<i32>} : memref<32x768xf32, #tpu.memory_space<vmem>>, vector<1x16xf32>,
      %get3A_680 = vector.shape_cast %get3A_679 : vector<1x16xf32> to vector<16xf32>
      %add3A_681 = arith.addf %scan3A_522, %get3A_680 : vector<16xf32>
      %get3A_682 = arith.index_cast %scan3A_494 : i32 to index
      %get3A_683 = arith.constant 448 : index
      %get3A_684 = tpu.vector_load %arg5[%get3A_682, %get3A_683] {strides = array<i32>} : memref<32x768xf32, #tpu.memory_space<vmem>>, vector<1x16xf32>,
      %get3A_685 = vector.shape_cast %get3A_684 : vector<1x16xf32> to vector<16xf32>
      %add3A_686 = arith.addf %scan3A_523, %get3A_685 : vector<16xf32>
      %get3A_687 = arith.index_cast %scan3A_494 : i32 to index
      %get3A_688 = arith.constant 464 : index
      %get3A_689 = tpu.vector_load %arg5[%get3A_687, %get3A_688] {strides = array<i32>} : memref<32x768xf32, #tpu.memory_space<vmem>>, vector<1x16xf32>,
      %get3A_690 = vector.shape_cast %get3A_689 : vector<1x16xf32> to vector<16xf32>
      %add3A_691 = arith.addf %scan3A_524, %get3A_690 : vector<16xf32>
      %get3A_692 = arith.index_cast %scan3A_494 : i32 to index
      %get3A_693 = arith.constant 480 : index
      %get3A_694 = tpu.vector_load %arg5[%get3A_692, %get3A_693] {strides = array<i32>} : memref<32x768xf32, #tpu.memory_space<vmem>>, vector<1x16xf32>,
      %get3A_695 = vector.shape_cast %get3A_694 : vector<1x16xf32> to vector<16xf32>
      %add3A_696 = arith.addf %scan3A_525, %get3A_695 : vector<16xf32>
      %get3A_697 = arith.index_cast %scan3A_494 : i32 to index
      %get3A_698 = arith.constant 496 : index
      %get3A_699 = tpu.vector_load %arg5[%get3A_697, %get3A_698] {strides = array<i32>} : memref<32x768xf32, #tpu.memory_space<vmem>>, vector<1x16xf32>,
      %get3A_700 = vector.shape_cast %get3A_699 : vector<1x16xf32> to vector<16xf32>
      %add3A_701 = arith.addf %scan3A_526, %get3A_700 : vector<16xf32>
      %get3A_702 = arith.index_cast %scan3A_494 : i32 to index
      %get3A_703 = arith.constant 512 : index
      %get3A_704 = tpu.vector_load %arg5[%get3A_702, %get3A_703] {strides = array<i32>} : memref<32x768xf32, #tpu.memory_space<vmem>>, vector<1x16xf32>,
      %get3A_705 = vector.shape_cast %get3A_704 : vector<1x16xf32> to vector<16xf32>
      %add3A_706 = arith.addf %scan3A_527, %get3A_705 : vector<16xf32>
      %get3A_707 = arith.index_cast %scan3A_494 : i32 to index
      %get3A_708 = arith.constant 528 : index
      %get3A_709 = tpu.vector_load %arg5[%get3A_707, %get3A_708] {strides = array<i32>} : memref<32x768xf32, #tpu.memory_space<vmem>>, vector<1x16xf32>,
      %get3A_710 = vector.shape_cast %get3A_709 : vector<1x16xf32> to vector<16xf32>
      %add3A_711 = arith.addf %scan3A_528, %get3A_710 : vector<16xf32>
      %get3A_712 = arith.index_cast %scan3A_494 : i32 to index
      %get3A_713 = arith.constant 544 : index
      %get3A_714 = tpu.vector_load %arg5[%get3A_712, %get3A_713] {strides = array<i32>} : memref<32x768xf32, #tpu.memory_space<vmem>>, vector<1x16xf32>,
      %get3A_715 = vector.shape_cast %get3A_714 : vector<1x16xf32> to vector<16xf32>
      %add3A_716 = arith.addf %scan3A_529, %get3A_715 : vector<16xf32>
      %get3A_717 = arith.index_cast %scan3A_494 : i32 to index
      %get3A_718 = arith.constant 560 : index
      %get3A_719 = tpu.vector_load %arg5[%get3A_717, %get3A_718] {strides = array<i32>} : memref<32x768xf32, #tpu.memory_space<vmem>>, vector<1x16xf32>,
      %get3A_720 = vector.shape_cast %get3A_719 : vector<1x16xf32> to vector<16xf32>
      %add3A_721 = arith.addf %scan3A_530, %get3A_720 : vector<16xf32>
      %get3A_722 = arith.index_cast %scan3A_494 : i32 to index
      %get3A_723 = arith.constant 576 : index
      %get3A_724 = tpu.vector_load %arg5[%get3A_722, %get3A_723] {strides = array<i32>} : memref<32x768xf32, #tpu.memory_space<vmem>>, vector<1x16xf32>,
      %get3A_725 = vector.shape_cast %get3A_724 : vector<1x16xf32> to vector<16xf32>
      %add3A_726 = arith.addf %scan3A_531, %get3A_725 : vector<16xf32>
      %get3A_727 = arith.index_cast %scan3A_494 : i32 to index
      %get3A_728 = arith.constant 592 : index
      %get3A_729 = tpu.vector_load %arg5[%get3A_727, %get3A_728] {strides = array<i32>} : memref<32x768xf32, #tpu.memory_space<vmem>>, vector<1x16xf32>,
      %get3A_730 = vector.shape_cast %get3A_729 : vector<1x16xf32> to vector<16xf32>
      %add3A_731 = arith.addf %scan3A_532, %get3A_730 : vector<16xf32>
      %get3A_732 = arith.index_cast %scan3A_494 : i32 to index
      %get3A_733 = arith.constant 608 : index
      %get3A_734 = tpu.vector_load %arg5[%get3A_732, %get3A_733] {strides = array<i32>} : memref<32x768xf32, #tpu.memory_space<vmem>>, vector<1x16xf32>,
      %get3A_735 = vector.shape_cast %get3A_734 : vector<1x16xf32> to vector<16xf32>
      %add3A_736 = arith.addf %scan3A_533, %get3A_735 : vector<16xf32>
      %get3A_737 = arith.index_cast %scan3A_494 : i32 to index
      %get3A_738 = arith.constant 624 : index
      %get3A_739 = tpu.vector_load %arg5[%get3A_737, %get3A_738] {strides = array<i32>} : memref<32x768xf32, #tpu.memory_space<vmem>>, vector<1x16xf32>,
      %get3A_740 = vector.shape_cast %get3A_739 : vector<1x16xf32> to vector<16xf32>
      %add3A_741 = arith.addf %scan3A_534, %get3A_740 : vector<16xf32>
      %get3A_742 = arith.index_cast %scan3A_494 : i32 to index
      %get3A_743 = arith.constant 640 : index
      %get3A_744 = tpu.vector_load %arg5[%get3A_742, %get3A_743] {strides = array<i32>} : memref<32x768xf32, #tpu.memory_space<vmem>>, vector<1x16xf32>,
      %get3A_745 = vector.shape_cast %get3A_744 : vector<1x16xf32> to vector<16xf32>
      %add3A_746 = arith.addf %scan3A_535, %get3A_745 : vector<16xf32>
      %get3A_747 = arith.index_cast %scan3A_494 : i32 to index
      %get3A_748 = arith.constant 656 : index
      %get3A_749 = tpu.vector_load %arg5[%get3A_747, %get3A_748] {strides = array<i32>} : memref<32x768xf32, #tpu.memory_space<vmem>>, vector<1x16xf32>,
      %get3A_750 = vector.shape_cast %get3A_749 : vector<1x16xf32> to vector<16xf32>
      %add3A_751 = arith.addf %scan3A_536, %get3A_750 : vector<16xf32>
      %get3A_752 = arith.index_cast %scan3A_494 : i32 to index
      %get3A_753 = arith.constant 672 : index
      %get3A_754 = tpu.vector_load %arg5[%get3A_752, %get3A_753] {strides = array<i32>} : memref<32x768xf32, #tpu.memory_space<vmem>>, vector<1x16xf32>,
      %get3A_755 = vector.shape_cast %get3A_754 : vector<1x16xf32> to vector<16xf32>
      %add3A_756 = arith.addf %scan3A_537, %get3A_755 : vector<16xf32>
      %get3A_757 = arith.index_cast %scan3A_494 : i32 to index
      %get3A_758 = arith.constant 688 : index
      %get3A_759 = tpu.vector_load %arg5[%get3A_757, %get3A_758] {strides = array<i32>} : memref<32x768xf32, #tpu.memory_space<vmem>>, vector<1x16xf32>,
      %get3A_760 = vector.shape_cast %get3A_759 : vector<1x16xf32> to vector<16xf32>
      %add3A_761 = arith.addf %scan3A_538, %get3A_760 : vector<16xf32>
      %get3A_762 = arith.index_cast %scan3A_494 : i32 to index
      %get3A_763 = arith.constant 704 : index
      %get3A_764 = tpu.vector_load %arg5[%get3A_762, %get3A_763] {strides = array<i32>} : memref<32x768xf32, #tpu.memory_space<vmem>>, vector<1x16xf32>,
      %get3A_765 = vector.shape_cast %get3A_764 : vector<1x16xf32> to vector<16xf32>
      %add3A_766 = arith.addf %scan3A_539, %get3A_765 : vector<16xf32>
      %get3A_767 = arith.index_cast %scan3A_494 : i32 to index
      %get3A_768 = arith.constant 720 : index
      %get3A_769 = tpu.vector_load %arg5[%get3A_767, %get3A_768] {strides = array<i32>} : memref<32x768xf32, #tpu.memory_space<vmem>>, vector<1x16xf32>,
      %get3A_770 = vector.shape_cast %get3A_769 : vector<1x16xf32> to vector<16xf32>
      %add3A_771 = arith.addf %scan3A_540, %get3A_770 : vector<16xf32>
      %get3A_772 = arith.index_cast %scan3A_494 : i32 to index
      %get3A_773 = arith.constant 736 : index
      %get3A_774 = tpu.vector_load %arg5[%get3A_772, %get3A_773] {strides = array<i32>} : memref<32x768xf32, #tpu.memory_space<vmem>>, vector<1x16xf32>,
      %get3A_775 = vector.shape_cast %get3A_774 : vector<1x16xf32> to vector<16xf32>
      %add3A_776 = arith.addf %scan3A_541, %get3A_775 : vector<16xf32>
      %get3A_777 = arith.index_cast %scan3A_494 : i32 to index
      %get3A_778 = arith.constant 752 : index
      %get3A_779 = tpu.vector_load %arg5[%get3A_777, %get3A_778] {strides = array<i32>} : memref<32x768xf32, #tpu.memory_space<vmem>>, vector<1x16xf32>,
      %get3A_780 = vector.shape_cast %get3A_779 : vector<1x16xf32> to vector<16xf32>
      %add3A_781 = arith.addf %scan3A_542, %get3A_780 : vector<16xf32>
      %scan3A_782 = arith.constant 1 : i32
      %scan3A_783 = arith.addi %scan3A_494, %scan3A_782 : i32
      %get3A_784 = arith.index_cast %scan3A_783 : i32 to index
      %get3A_785 = arith.constant 0 : index
      %get3A_786 = tpu.vector_load %arg5[%get3A_784, %get3A_785] {strides = array<i32>} : memref<32x768xf32, #tpu.memory_space<vmem>>, vector<1x16xf32>,
      %get3A_787 = vector.shape_cast %get3A_786 : vector<1x16xf32> to vector<16xf32>
      %add3A_788 = arith.addf %add3A_546, %get3A_787 : vector<16xf32>
      %get3A_789 = arith.index_cast %scan3A_783 : i32 to index
      %get3A_790 = arith.constant 16 : index
      %get3A_791 = tpu.vector_load %arg5[%get3A_789, %get3A_790] {strides = array<i32>} : memref<32x768xf32, #tpu.memory_space<vmem>>, vector<1x16xf32>,
      %get3A_792 = vector.shape_cast %get3A_791 : vector<1x16xf32> to vector<16xf32>
      %add3A_793 = arith.addf %add3A_551, %get3A_792 : vector<16xf32>
      %get3A_794 = arith.index_cast %scan3A_783 : i32 to index
      %get3A_795 = arith.constant 32 : index
      %get3A_796 = tpu.vector_load %arg5[%get3A_794, %get3A_795] {strides = array<i32>} : memref<32x768xf32, #tpu.memory_space<vmem>>, vector<1x16xf32>,
      %get3A_797 = vector.shape_cast %get3A_796 : vector<1x16xf32> to vector<16xf32>
      %add3A_798 = arith.addf %add3A_556, %get3A_797 : vector<16xf32>
      %get3A_799 = arith.index_cast %scan3A_783 : i32 to index
      %get3A_800 = arith.constant 48 : index
      %get3A_801 = tpu.vector_load %arg5[%get3A_799, %get3A_800] {strides = array<i32>} : memref<32x768xf32, #tpu.memory_space<vmem>>, vector<1x16xf32>,
      %get3A_802 = vector.shape_cast %get3A_801 : vector<1x16xf32> to vector<16xf32>
      %add3A_803 = arith.addf %add3A_561, %get3A_802 : vector<16xf32>
      %get3A_804 = arith.index_cast %scan3A_783 : i32 to index
      %get3A_805 = arith.constant 64 : index
      %get3A_806 = tpu.vector_load %arg5[%get3A_804, %get3A_805] {strides = array<i32>} : memref<32x768xf32, #tpu.memory_space<vmem>>, vector<1x16xf32>,
      %get3A_807 = vector.shape_cast %get3A_806 : vector<1x16xf32> to vector<16xf32>
      %add3A_808 = arith.addf %add3A_566, %get3A_807 : vector<16xf32>
      %get3A_809 = arith.index_cast %scan3A_783 : i32 to index
      %get3A_810 = arith.constant 80 : index
      %get3A_811 = tpu.vector_load %arg5[%get3A_809, %get3A_810] {strides = array<i32>} : memref<32x768xf32, #tpu.memory_space<vmem>>, vector<1x16xf32>,
      %get3A_812 = vector.shape_cast %get3A_811 : vector<1x16xf32> to vector<16xf32>
      %add3A_813 = arith.addf %add3A_571, %get3A_812 : vector<16xf32>
      %get3A_814 = arith.index_cast %scan3A_783 : i32 to index
      %get3A_815 = arith.constant 96 : index
      %get3A_816 = tpu.vector_load %arg5[%get3A_814, %get3A_815] {strides = array<i32>} : memref<32x768xf32, #tpu.memory_space<vmem>>, vector<1x16xf32>,
      %get3A_817 = vector.shape_cast %get3A_816 : vector<1x16xf32> to vector<16xf32>
      %add3A_818 = arith.addf %add3A_576, %get3A_817 : vector<16xf32>
      %get3A_819 = arith.index_cast %scan3A_783 : i32 to index
      %get3A_820 = arith.constant 112 : index
      %get3A_821 = tpu.vector_load %arg5[%get3A_819, %get3A_820] {strides = array<i32>} : memref<32x768xf32, #tpu.memory_space<vmem>>, vector<1x16xf32>,
      %get3A_822 = vector.shape_cast %get3A_821 : vector<1x16xf32> to vector<16xf32>
      %add3A_823 = arith.addf %add3A_581, %get3A_822 : vector<16xf32>
      %get3A_824 = arith.index_cast %scan3A_783 : i32 to index
      %get3A_825 = arith.constant 128 : index
      %get3A_826 = tpu.vector_load %arg5[%get3A_824, %get3A_825] {strides = array<i32>} : memref<32x768xf32, #tpu.memory_space<vmem>>, vector<1x16xf32>,
      %get3A_827 = vector.shape_cast %get3A_826 : vector<1x16xf32> to vector<16xf32>
      %add3A_828 = arith.addf %add3A_586, %get3A_827 : vector<16xf32>
      %get3A_829 = arith.index_cast %scan3A_783 : i32 to index
      %get3A_830 = arith.constant 144 : index
      %get3A_831 = tpu.vector_load %arg5[%get3A_829, %get3A_830] {strides = array<i32>} : memref<32x768xf32, #tpu.memory_space<vmem>>, vector<1x16xf32>,
      %get3A_832 = vector.shape_cast %get3A_831 : vector<1x16xf32> to vector<16xf32>
      %add3A_833 = arith.addf %add3A_591, %get3A_832 : vector<16xf32>
      %get3A_834 = arith.index_cast %scan3A_783 : i32 to index
      %get3A_835 = arith.constant 160 : index
      %get3A_836 = tpu.vector_load %arg5[%get3A_834, %get3A_835] {strides = array<i32>} : memref<32x768xf32, #tpu.memory_space<vmem>>, vector<1x16xf32>,
      %get3A_837 = vector.shape_cast %get3A_836 : vector<1x16xf32> to vector<16xf32>
      %add3A_838 = arith.addf %add3A_596, %get3A_837 : vector<16xf32>
      %get3A_839 = arith.index_cast %scan3A_783 : i32 to index
      %get3A_840 = arith.constant 176 : index
      %get3A_841 = tpu.vector_load %arg5[%get3A_839, %get3A_840] {strides = array<i32>} : memref<32x768xf32, #tpu.memory_space<vmem>>, vector<1x16xf32>,
      %get3A_842 = vector.shape_cast %get3A_841 : vector<1x16xf32> to vector<16xf32>
      %add3A_843 = arith.addf %add3A_601, %get3A_842 : vector<16xf32>
      %get3A_844 = arith.index_cast %scan3A_783 : i32 to index
      %get3A_845 = arith.constant 192 : index
      %get3A_846 = tpu.vector_load %arg5[%get3A_844, %get3A_845] {strides = array<i32>} : memref<32x768xf32, #tpu.memory_space<vmem>>, vector<1x16xf32>,
      %get3A_847 = vector.shape_cast %get3A_846 : vector<1x16xf32> to vector<16xf32>
      %add3A_848 = arith.addf %add3A_606, %get3A_847 : vector<16xf32>
      %get3A_849 = arith.index_cast %scan3A_783 : i32 to index
      %get3A_850 = arith.constant 208 : index
      %get3A_851 = tpu.vector_load %arg5[%get3A_849, %get3A_850] {strides = array<i32>} : memref<32x768xf32, #tpu.memory_space<vmem>>, vector<1x16xf32>,
      %get3A_852 = vector.shape_cast %get3A_851 : vector<1x16xf32> to vector<16xf32>
      %add3A_853 = arith.addf %add3A_611, %get3A_852 : vector<16xf32>
      %get3A_854 = arith.index_cast %scan3A_783 : i32 to index
      %get3A_855 = arith.constant 224 : index
      %get3A_856 = tpu.vector_load %arg5[%get3A_854, %get3A_855] {strides = array<i32>} : memref<32x768xf32, #tpu.memory_space<vmem>>, vector<1x16xf32>,
      %get3A_857 = vector.shape_cast %get3A_856 : vector<1x16xf32> to vector<16xf32>
      %add3A_858 = arith.addf %add3A_616, %get3A_857 : vector<16xf32>
      %get3A_859 = arith.index_cast %scan3A_783 : i32 to index
      %get3A_860 = arith.constant 240 : index
      %get3A_861 = tpu.vector_load %arg5[%get3A_859, %get3A_860] {strides = array<i32>} : memref<32x768xf32, #tpu.memory_space<vmem>>, vector<1x16xf32>,
      %get3A_862 = vector.shape_cast %get3A_861 : vector<1x16xf32> to vector<16xf32>
      %add3A_863 = arith.addf %add3A_621, %get3A_862 : vector<16xf32>
      %get3A_864 = arith.index_cast %scan3A_783 : i32 to index
      %get3A_865 = arith.constant 256 : index
      %get3A_866 = tpu.vector_load %arg5[%get3A_864, %get3A_865] {strides = array<i32>} : memref<32x768xf32, #tpu.memory_space<vmem>>, vector<1x16xf32>,
      %get3A_867 = vector.shape_cast %get3A_866 : vector<1x16xf32> to vector<16xf32>
      %add3A_868 = arith.addf %add3A_626, %get3A_867 : vector<16xf32>
      %get3A_869 = arith.index_cast %scan3A_783 : i32 to index
      %get3A_870 = arith.constant 272 : index
      %get3A_871 = tpu.vector_load %arg5[%get3A_869, %get3A_870] {strides = array<i32>} : memref<32x768xf32, #tpu.memory_space<vmem>>, vector<1x16xf32>,
      %get3A_872 = vector.shape_cast %get3A_871 : vector<1x16xf32> to vector<16xf32>
      %add3A_873 = arith.addf %add3A_631, %get3A_872 : vector<16xf32>
      %get3A_874 = arith.index_cast %scan3A_783 : i32 to index
      %get3A_875 = arith.constant 288 : index
      %get3A_876 = tpu.vector_load %arg5[%get3A_874, %get3A_875] {strides = array<i32>} : memref<32x768xf32, #tpu.memory_space<vmem>>, vector<1x16xf32>,
      %get3A_877 = vector.shape_cast %get3A_876 : vector<1x16xf32> to vector<16xf32>
      %add3A_878 = arith.addf %add3A_636, %get3A_877 : vector<16xf32>
      %get3A_879 = arith.index_cast %scan3A_783 : i32 to index
      %get3A_880 = arith.constant 304 : index
      %get3A_881 = tpu.vector_load %arg5[%get3A_879, %get3A_880] {strides = array<i32>} : memref<32x768xf32, #tpu.memory_space<vmem>>, vector<1x16xf32>,
      %get3A_882 = vector.shape_cast %get3A_881 : vector<1x16xf32> to vector<16xf32>
      %add3A_883 = arith.addf %add3A_641, %get3A_882 : vector<16xf32>
      %get3A_884 = arith.index_cast %scan3A_783 : i32 to index
      %get3A_885 = arith.constant 320 : index
      %get3A_886 = tpu.vector_load %arg5[%get3A_884, %get3A_885] {strides = array<i32>} : memref<32x768xf32, #tpu.memory_space<vmem>>, vector<1x16xf32>,
      %get3A_887 = vector.shape_cast %get3A_886 : vector<1x16xf32> to vector<16xf32>
      %add3A_888 = arith.addf %add3A_646, %get3A_887 : vector<16xf32>
      %get3A_889 = arith.index_cast %scan3A_783 : i32 to index
      %get3A_890 = arith.constant 336 : index
      %get3A_891 = tpu.vector_load %arg5[%get3A_889, %get3A_890] {strides = array<i32>} : memref<32x768xf32, #tpu.memory_space<vmem>>, vector<1x16xf32>,
      %get3A_892 = vector.shape_cast %get3A_891 : vector<1x16xf32> to vector<16xf32>
      %add3A_893 = arith.addf %add3A_651, %get3A_892 : vector<16xf32>
      %get3A_894 = arith.index_cast %scan3A_783 : i32 to index
      %get3A_895 = arith.constant 352 : index
      %get3A_896 = tpu.vector_load %arg5[%get3A_894, %get3A_895] {strides = array<i32>} : memref<32x768xf32, #tpu.memory_space<vmem>>, vector<1x16xf32>,
      %get3A_897 = vector.shape_cast %get3A_896 : vector<1x16xf32> to vector<16xf32>
      %add3A_898 = arith.addf %add3A_656, %get3A_897 : vector<16xf32>
      %get3A_899 = arith.index_cast %scan3A_783 : i32 to index
      %get3A_900 = arith.constant 368 : index
      %get3A_901 = tpu.vector_load %arg5[%get3A_899, %get3A_900] {strides = array<i32>} : memref<32x768xf32, #tpu.memory_space<vmem>>, vector<1x16xf32>,
      %get3A_902 = vector.shape_cast %get3A_901 : vector<1x16xf32> to vector<16xf32>
      %add3A_903 = arith.addf %add3A_661, %get3A_902 : vector<16xf32>
      %get3A_904 = arith.index_cast %scan3A_783 : i32 to index
      %get3A_905 = arith.constant 384 : index
      %get3A_906 = tpu.vector_load %arg5[%get3A_904, %get3A_905] {strides = array<i32>} : memref<32x768xf32, #tpu.memory_space<vmem>>, vector<1x16xf32>,
      %get3A_907 = vector.shape_cast %get3A_906 : vector<1x16xf32> to vector<16xf32>
      %add3A_908 = arith.addf %add3A_666, %get3A_907 : vector<16xf32>
      %get3A_909 = arith.index_cast %scan3A_783 : i32 to index
      %get3A_910 = arith.constant 400 : index
      %get3A_911 = tpu.vector_load %arg5[%get3A_909, %get3A_910] {strides = array<i32>} : memref<32x768xf32, #tpu.memory_space<vmem>>, vector<1x16xf32>,
      %get3A_912 = vector.shape_cast %get3A_911 : vector<1x16xf32> to vector<16xf32>
      %add3A_913 = arith.addf %add3A_671, %get3A_912 : vector<16xf32>
      %get3A_914 = arith.index_cast %scan3A_783 : i32 to index
      %get3A_915 = arith.constant 416 : index
      %get3A_916 = tpu.vector_load %arg5[%get3A_914, %get3A_915] {strides = array<i32>} : memref<32x768xf32, #tpu.memory_space<vmem>>, vector<1x16xf32>,
      %get3A_917 = vector.shape_cast %get3A_916 : vector<1x16xf32> to vector<16xf32>
      %add3A_918 = arith.addf %add3A_676, %get3A_917 : vector<16xf32>
      %get3A_919 = arith.index_cast %scan3A_783 : i32 to index
      %get3A_920 = arith.constant 432 : index
      %get3A_921 = tpu.vector_load %arg5[%get3A_919, %get3A_920] {strides = array<i32>} : memref<32x768xf32, #tpu.memory_space<vmem>>, vector<1x16xf32>,
      %get3A_922 = vector.shape_cast %get3A_921 : vector<1x16xf32> to vector<16xf32>
      %add3A_923 = arith.addf %add3A_681, %get3A_922 : vector<16xf32>
      %get3A_924 = arith.index_cast %scan3A_783 : i32 to index
      %get3A_925 = arith.constant 448 : index
      %get3A_926 = tpu.vector_load %arg5[%get3A_924, %get3A_925] {strides = array<i32>} : memref<32x768xf32, #tpu.memory_space<vmem>>, vector<1x16xf32>,
      %get3A_927 = vector.shape_cast %get3A_926 : vector<1x16xf32> to vector<16xf32>
      %add3A_928 = arith.addf %add3A_686, %get3A_927 : vector<16xf32>
      %get3A_929 = arith.index_cast %scan3A_783 : i32 to index
      %get3A_930 = arith.constant 464 : index
      %get3A_931 = tpu.vector_load %arg5[%get3A_929, %get3A_930] {strides = array<i32>} : memref<32x768xf32, #tpu.memory_space<vmem>>, vector<1x16xf32>,
      %get3A_932 = vector.shape_cast %get3A_931 : vector<1x16xf32> to vector<16xf32>
      %add3A_933 = arith.addf %add3A_691, %get3A_932 : vector<16xf32>
      %get3A_934 = arith.index_cast %scan3A_783 : i32 to index
      %get3A_935 = arith.constant 480 : index
      %get3A_936 = tpu.vector_load %arg5[%get3A_934, %get3A_935] {strides = array<i32>} : memref<32x768xf32, #tpu.memory_space<vmem>>, vector<1x16xf32>,
      %get3A_937 = vector.shape_cast %get3A_936 : vector<1x16xf32> to vector<16xf32>
      %add3A_938 = arith.addf %add3A_696, %get3A_937 : vector<16xf32>
      %get3A_939 = arith.index_cast %scan3A_783 : i32 to index
      %get3A_940 = arith.constant 496 : index
      %get3A_941 = tpu.vector_load %arg5[%get3A_939, %get3A_940] {strides = array<i32>} : memref<32x768xf32, #tpu.memory_space<vmem>>, vector<1x16xf32>,
      %get3A_942 = vector.shape_cast %get3A_941 : vector<1x16xf32> to vector<16xf32>
      %add3A_943 = arith.addf %add3A_701, %get3A_942 : vector<16xf32>
      %get3A_944 = arith.index_cast %scan3A_783 : i32 to index
      %get3A_945 = arith.constant 512 : index
      %get3A_946 = tpu.vector_load %arg5[%get3A_944, %get3A_945] {strides = array<i32>} : memref<32x768xf32, #tpu.memory_space<vmem>>, vector<1x16xf32>,
      %get3A_947 = vector.shape_cast %get3A_946 : vector<1x16xf32> to vector<16xf32>
      %add3A_948 = arith.addf %add3A_706, %get3A_947 : vector<16xf32>
      %get3A_949 = arith.index_cast %scan3A_783 : i32 to index
      %get3A_950 = arith.constant 528 : index
      %get3A_951 = tpu.vector_load %arg5[%get3A_949, %get3A_950] {strides = array<i32>} : memref<32x768xf32, #tpu.memory_space<vmem>>, vector<1x16xf32>,
      %get3A_952 = vector.shape_cast %get3A_951 : vector<1x16xf32> to vector<16xf32>
      %add3A_953 = arith.addf %add3A_711, %get3A_952 : vector<16xf32>
      %get3A_954 = arith.index_cast %scan3A_783 : i32 to index
      %get3A_955 = arith.constant 544 : index
      %get3A_956 = tpu.vector_load %arg5[%get3A_954, %get3A_955] {strides = array<i32>} : memref<32x768xf32, #tpu.memory_space<vmem>>, vector<1x16xf32>,
      %get3A_957 = vector.shape_cast %get3A_956 : vector<1x16xf32> to vector<16xf32>
      %add3A_958 = arith.addf %add3A_716, %get3A_957 : vector<16xf32>
      %get3A_959 = arith.index_cast %scan3A_783 : i32 to index
      %get3A_960 = arith.constant 560 : index
      %get3A_961 = tpu.vector_load %arg5[%get3A_959, %get3A_960] {strides = array<i32>} : memref<32x768xf32, #tpu.memory_space<vmem>>, vector<1x16xf32>,
      %get3A_962 = vector.shape_cast %get3A_961 : vector<1x16xf32> to vector<16xf32>
      %add3A_963 = arith.addf %add3A_721, %get3A_962 : vector<16xf32>
      %get3A_964 = arith.index_cast %scan3A_783 : i32 to index
      %get3A_965 = arith.constant 576 : index
      %get3A_966 = tpu.vector_load %arg5[%get3A_964, %get3A_965] {strides = array<i32>} : memref<32x768xf32, #tpu.memory_space<vmem>>, vector<1x16xf32>,
      %get3A_967 = vector.shape_cast %get3A_966 : vector<1x16xf32> to vector<16xf32>
      %add3A_968 = arith.addf %add3A_726, %get3A_967 : vector<16xf32>
      %get3A_969 = arith.index_cast %scan3A_783 : i32 to index
      %get3A_970 = arith.constant 592 : index
      %get3A_971 = tpu.vector_load %arg5[%get3A_969, %get3A_970] {strides = array<i32>} : memref<32x768xf32, #tpu.memory_space<vmem>>, vector<1x16xf32>,
      %get3A_972 = vector.shape_cast %get3A_971 : vector<1x16xf32> to vector<16xf32>
      %add3A_973 = arith.addf %add3A_731, %get3A_972 : vector<16xf32>
      %get3A_974 = arith.index_cast %scan3A_783 : i32 to index
      %get3A_975 = arith.constant 608 : index
      %get3A_976 = tpu.vector_load %arg5[%get3A_974, %get3A_975] {strides = array<i32>} : memref<32x768xf32, #tpu.memory_space<vmem>>, vector<1x16xf32>,
      %get3A_977 = vector.shape_cast %get3A_976 : vector<1x16xf32> to vector<16xf32>
      %add3A_978 = arith.addf %add3A_736, %get3A_977 : vector<16xf32>
      %get3A_979 = arith.index_cast %scan3A_783 : i32 to index
      %get3A_980 = arith.constant 624 : index
      %get3A_981 = tpu.vector_load %arg5[%get3A_979, %get3A_980] {strides = array<i32>} : memref<32x768xf32, #tpu.memory_space<vmem>>, vector<1x16xf32>,
      %get3A_982 = vector.shape_cast %get3A_981 : vector<1x16xf32> to vector<16xf32>
      %add3A_983 = arith.addf %add3A_741, %get3A_982 : vector<16xf32>
      %get3A_984 = arith.index_cast %scan3A_783 : i32 to index
      %get3A_985 = arith.constant 640 : index
      %get3A_986 = tpu.vector_load %arg5[%get3A_984, %get3A_985] {strides = array<i32>} : memref<32x768xf32, #tpu.memory_space<vmem>>, vector<1x16xf32>,
      %get3A_987 = vector.shape_cast %get3A_986 : vector<1x16xf32> to vector<16xf32>
      %add3A_988 = arith.addf %add3A_746, %get3A_987 : vector<16xf32>
      %get3A_989 = arith.index_cast %scan3A_783 : i32 to index
      %get3A_990 = arith.constant 656 : index
      %get3A_991 = tpu.vector_load %arg5[%get3A_989, %get3A_990] {strides = array<i32>} : memref<32x768xf32, #tpu.memory_space<vmem>>, vector<1x16xf32>,
      %get3A_992 = vector.shape_cast %get3A_991 : vector<1x16xf32> to vector<16xf32>
      %add3A_993 = arith.addf %add3A_751, %get3A_992 : vector<16xf32>
      %get3A_994 = arith.index_cast %scan3A_783 : i32 to index
      %get3A_995 = arith.constant 672 : index
      %get3A_996 = tpu.vector_load %arg5[%get3A_994, %get3A_995] {strides = array<i32>} : memref<32x768xf32, #tpu.memory_space<vmem>>, vector<1x16xf32>,
      %get3A_997 = vector.shape_cast %get3A_996 : vector<1x16xf32> to vector<16xf32>
      %add3A_998 = arith.addf %add3A_756, %get3A_997 : vector<16xf32>
      %get3A_999 = arith.index_cast %scan3A_783 : i32 to index
      %get3A_1000 = arith.constant 688 : index
      %get3A_1001 = tpu.vector_load %arg5[%get3A_999, %get3A_1000] {strides = array<i32>} : memref<32x768xf32, #tpu.memory_space<vmem>>, vector<1x16xf32>,
      %get3A_1002 = vector.shape_cast %get3A_1001 : vector<1x16xf32> to vector<16xf32>
      %add3A_1003 = arith.addf %add3A_761, %get3A_1002 : vector<16xf32>
      %get3A_1004 = arith.index_cast %scan3A_783 : i32 to index
      %get3A_1005 = arith.constant 704 : index
      %get3A_1006 = tpu.vector_load %arg5[%get3A_1004, %get3A_1005] {strides = array<i32>} : memref<32x768xf32, #tpu.memory_space<vmem>>, vector<1x16xf32>,
      %get3A_1007 = vector.shape_cast %get3A_1006 : vector<1x16xf32> to vector<16xf32>
      %add3A_1008 = arith.addf %add3A_766, %get3A_1007 : vector<16xf32>
      %get3A_1009 = arith.index_cast %scan3A_783 : i32 to index
      %get3A_1010 = arith.constant 720 : index
      %get3A_1011 = tpu.vector_load %arg5[%get3A_1009, %get3A_1010] {strides = array<i32>} : memref<32x768xf32, #tpu.memory_space<vmem>>, vector<1x16xf32>,
      %get3A_1012 = vector.shape_cast %get3A_1011 : vector<1x16xf32> to vector<16xf32>
      %add3A_1013 = arith.addf %add3A_771, %get3A_1012 : vector<16xf32>
      %get3A_1014 = arith.index_cast %scan3A_783 : i32 to index
      %get3A_1015 = arith.constant 736 : index
      %get3A_1016 = tpu.vector_load %arg5[%get3A_1014, %get3A_1015] {strides = array<i32>} : memref<32x768xf32, #tpu.memory_space<vmem>>, vector<1x16xf32>,
      %get3A_1017 = vector.shape_cast %get3A_1016 : vector<1x16xf32> to vector<16xf32>
      %add3A_1018 = arith.addf %add3A_776, %get3A_1017 : vector<16xf32>
      %get3A_1019 = arith.index_cast %scan3A_783 : i32 to index
      %get3A_1020 = arith.constant 752 : index
      %get3A_1021 = tpu.vector_load %arg5[%get3A_1019, %get3A_1020] {strides = array<i32>} : memref<32x768xf32, #tpu.memory_space<vmem>>, vector<1x16xf32>,
      %get3A_1022 = vector.shape_cast %get3A_1021 : vector<1x16xf32> to vector<16xf32>
      %add3A_1023 = arith.addf %add3A_781, %get3A_1022 : vector<16xf32>
      scf.yield %add3A_788, %add3A_793, %add3A_798, %add3A_803, %add3A_808, %add3A_813, %add3A_818, %add3A_823, %add3A_828, %add3A_833, %add3A_838, %add3A_843, %add3A_848, %add3A_853, %add3A_858, %add3A_863, %add3A_868, %add3A_873, %add3A_878, %add3A_883, %add3A_888, %add3A_893, %add3A_898, %add3A_903, %add3A_908, %add3A_913, %add3A_918, %add3A_923, %add3A_928, %add3A_933, %add3A_938, %add3A_943, %add3A_948, %add3A_953, %add3A_958, %add3A_963, %add3A_968, %add3A_973, %add3A_978, %add3A_983, %add3A_988, %add3A_993, %add3A_998, %add3A_1003, %add3A_1008, %add3A_1013, %add3A_1018, %add3A_1023 : vector<16xf32>, vector<16xf32>, vector<16xf32>, vector<16xf32>, vector<16xf32>, vector<16xf32>, vector<16xf32>, vector<16xf32>, vector<16xf32>, vector<16xf32>, vector<16xf32>, vector<16xf32>, vector<16xf32>, vector<16xf32>, vector<16xf32>, vector<16xf32>, vector<16xf32>, vector<16xf32>, vector<16xf32>, vector<16xf32>, vector<16xf32>, vector<16xf32>, vector<16xf32>, vector<16xf32>, vector<16xf32>, vector<16xf32>, vector<16xf32>, vector<16xf32>, vector<16xf32>, vector<16xf32>, vector<16xf32>, vector<16xf32>, vector<16xf32>, vector<16xf32>, vector<16xf32>, vector<16xf32>, vector<16xf32>, vector<16xf32>, vector<16xf32>, vector<16xf32>, vector<16xf32>, vector<16xf32>, vector<16xf32>, vector<16xf32>, vector<16xf32>, vector<16xf32>, vector<16xf32>, vector<16xf32>
    }
    %scan3A_206 = arith.constant 32 : i32
    %swap3A = arith.constant 0 : i32
    %swap3A_207 = arith.index_cast %swap3A : i32 to index
    %swap3A_208 = arith.constant 0 : index
    %swap3A_209 = tpu.vector_load %arg6[%swap3A_207, %swap3A_208] {strides = array<i32>} : memref<1x768xf32, #tpu.memory_space<vmem>>, vector<1x16xf32>,
    %swap3A_210 = vector.shape_cast %swap3A_209 : vector<1x16xf32> to vector<16xf32>
    %swap3A_211 = vector.shape_cast %scan3A_205#0 : vector<16xf32> to vector<1x16xf32>
    tpu.vector_store %arg6[%swap3A_207, %swap3A_208], %swap3A_211 {strides = array<i32>} : memref<1x768xf32, #tpu.memory_space<vmem>>, vector<1x16xf32>,
    %swap3A_212 = arith.constant 0 : i32
    %swap3A_213 = arith.index_cast %swap3A_212 : i32 to index
    %swap3A_214 = arith.constant 16 : index
    %swap3A_215 = tpu.vector_load %arg6[%swap3A_213, %swap3A_214] {strides = array<i32>} : memref<1x768xf32, #tpu.memory_space<vmem>>, vector<1x16xf32>,
    %swap3A_216 = vector.shape_cast %swap3A_215 : vector<1x16xf32> to vector<16xf32>
    %swap3A_217 = vector.shape_cast %scan3A_205#1 : vector<16xf32> to vector<1x16xf32>
    tpu.vector_store %arg6[%swap3A_213, %swap3A_214], %swap3A_217 {strides = array<i32>} : memref<1x768xf32, #tpu.memory_space<vmem>>, vector<1x16xf32>,
    %swap3A_218 = arith.constant 0 : i32
    %swap3A_219 = arith.index_cast %swap3A_218 : i32 to index
    %swap3A_220 = arith.constant 32 : index
    %swap3A_221 = tpu.vector_load %arg6[%swap3A_219, %swap3A_220] {strides = array<i32>} : memref<1x768xf32, #tpu.memory_space<vmem>>, vector<1x16xf32>,
    %swap3A_222 = vector.shape_cast %swap3A_221 : vector<1x16xf32> to vector<16xf32>
    %swap3A_223 = vector.shape_cast %scan3A_205#2 : vector<16xf32> to vector<1x16xf32>
    tpu.vector_store %arg6[%swap3A_219, %swap3A_220], %swap3A_223 {strides = array<i32>} : memref<1x768xf32, #tpu.memory_space<vmem>>, vector<1x16xf32>,
    %swap3A_224 = arith.constant 0 : i32
    %swap3A_225 = arith.index_cast %swap3A_224 : i32 to index
    %swap3A_226 = arith.constant 48 : index
    %swap3A_227 = tpu.vector_load %arg6[%swap3A_225, %swap3A_226] {strides = array<i32>} : memref<1x768xf32, #tpu.memory_space<vmem>>, vector<1x16xf32>,
    %swap3A_228 = vector.shape_cast %swap3A_227 : vector<1x16xf32> to vector<16xf32>
    %swap3A_229 = vector.shape_cast %scan3A_205#3 : vector<16xf32> to vector<1x16xf32>
    tpu.vector_store %arg6[%swap3A_225, %swap3A_226], %swap3A_229 {strides = array<i32>} : memref<1x768xf32, #tpu.memory_space<vmem>>, vector<1x16xf32>,
    %swap3A_230 = arith.constant 0 : i32
    %swap3A_231 = arith.index_cast %swap3A_230 : i32 to index
    %swap3A_232 = arith.constant 64 : index
    %swap3A_233 = tpu.vector_load %arg6[%swap3A_231, %swap3A_232] {strides = array<i32>} : memref<1x768xf32, #tpu.memory_space<vmem>>, vector<1x16xf32>,
    %swap3A_234 = vector.shape_cast %swap3A_233 : vector<1x16xf32> to vector<16xf32>
    %swap3A_235 = vector.shape_cast %scan3A_205#4 : vector<16xf32> to vector<1x16xf32>
    tpu.vector_store %arg6[%swap3A_231, %swap3A_232], %swap3A_235 {strides = array<i32>} : memref<1x768xf32, #tpu.memory_space<vmem>>, vector<1x16xf32>,
    %swap3A_236 = arith.constant 0 : i32
    %swap3A_237 = arith.index_cast %swap3A_236 : i32 to index
    %swap3A_238 = arith.constant 80 : index
    %swap3A_239 = tpu.vector_load %arg6[%swap3A_237, %swap3A_238] {strides = array<i32>} : memref<1x768xf32, #tpu.memory_space<vmem>>, vector<1x16xf32>,
    %swap3A_240 = vector.shape_cast %swap3A_239 : vector<1x16xf32> to vector<16xf32>
    %swap3A_241 = vector.shape_cast %scan3A_205#5 : vector<16xf32> to vector<1x16xf32>
    tpu.vector_store %arg6[%swap3A_237, %swap3A_238], %swap3A_241 {strides = array<i32>} : memref<1x768xf32, #tpu.memory_space<vmem>>, vector<1x16xf32>,
    %swap3A_242 = arith.constant 0 : i32
    %swap3A_243 = arith.index_cast %swap3A_242 : i32 to index
    %swap3A_244 = arith.constant 96 : index
    %swap3A_245 = tpu.vector_load %arg6[%swap3A_243, %swap3A_244] {strides = array<i32>} : memref<1x768xf32, #tpu.memory_space<vmem>>, vector<1x16xf32>,
    %swap3A_246 = vector.shape_cast %swap3A_245 : vector<1x16xf32> to vector<16xf32>
    %swap3A_247 = vector.shape_cast %scan3A_205#6 : vector<16xf32> to vector<1x16xf32>
    tpu.vector_store %arg6[%swap3A_243, %swap3A_244], %swap3A_247 {strides = array<i32>} : memref<1x768xf32, #tpu.memory_space<vmem>>, vector<1x16xf32>,
    %swap3A_248 = arith.constant 0 : i32
    %swap3A_249 = arith.index_cast %swap3A_248 : i32 to index
    %swap3A_250 = arith.constant 112 : index
    %swap3A_251 = tpu.vector_load %arg6[%swap3A_249, %swap3A_250] {strides = array<i32>} : memref<1x768xf32, #tpu.memory_space<vmem>>, vector<1x16xf32>,
    %swap3A_252 = vector.shape_cast %swap3A_251 : vector<1x16xf32> to vector<16xf32>
    %swap3A_253 = vector.shape_cast %scan3A_205#7 : vector<16xf32> to vector<1x16xf32>
    tpu.vector_store %arg6[%swap3A_249, %swap3A_250], %swap3A_253 {strides = array<i32>} : memref<1x768xf32, #tpu.memory_space<vmem>>, vector<1x16xf32>,
    %swap3A_254 = arith.constant 0 : i32
    %swap3A_255 = arith.index_cast %swap3A_254 : i32 to index
    %swap3A_256 = arith.constant 128 : index
    %swap3A_257 = tpu.vector_load %arg6[%swap3A_255, %swap3A_256] {strides = array<i32>} : memref<1x768xf32, #tpu.memory_space<vmem>>, vector<1x16xf32>,
    %swap3A_258 = vector.shape_cast %swap3A_257 : vector<1x16xf32> to vector<16xf32>
    %swap3A_259 = vector.shape_cast %scan3A_205#8 : vector<16xf32> to vector<1x16xf32>
    tpu.vector_store %arg6[%swap3A_255, %swap3A_256], %swap3A_259 {strides = array<i32>} : memref<1x768xf32, #tpu.memory_space<vmem>>, vector<1x16xf32>,
    %swap3A_260 = arith.constant 0 : i32
    %swap3A_261 = arith.index_cast %swap3A_260 : i32 to index
    %swap3A_262 = arith.constant 144 : index
    %swap3A_263 = tpu.vector_load %arg6[%swap3A_261, %swap3A_262] {strides = array<i32>} : memref<1x768xf32, #tpu.memory_space<vmem>>, vector<1x16xf32>,
    %swap3A_264 = vector.shape_cast %swap3A_263 : vector<1x16xf32> to vector<16xf32>
    %swap3A_265 = vector.shape_cast %scan3A_205#9 : vector<16xf32> to vector<1x16xf32>
    tpu.vector_store %arg6[%swap3A_261, %swap3A_262], %swap3A_265 {strides = array<i32>} : memref<1x768xf32, #tpu.memory_space<vmem>>, vector<1x16xf32>,
    %swap3A_266 = arith.constant 0 : i32
    %swap3A_267 = arith.index_cast %swap3A_266 : i32 to index
    %swap3A_268 = arith.constant 160 : index
    %swap3A_269 = tpu.vector_load %arg6[%swap3A_267, %swap3A_268] {strides = array<i32>} : memref<1x768xf32, #tpu.memory_space<vmem>>, vector<1x16xf32>,
    %swap3A_270 = vector.shape_cast %swap3A_269 : vector<1x16xf32> to vector<16xf32>
    %swap3A_271 = vector.shape_cast %scan3A_205#10 : vector<16xf32> to vector<1x16xf32>
    tpu.vector_store %arg6[%swap3A_267, %swap3A_268], %swap3A_271 {strides = array<i32>} : memref<1x768xf32, #tpu.memory_space<vmem>>, vector<1x16xf32>,
    %swap3A_272 = arith.constant 0 : i32
    %swap3A_273 = arith.index_cast %swap3A_272 : i32 to index
    %swap3A_274 = arith.constant 176 : index
    %swap3A_275 = tpu.vector_load %arg6[%swap3A_273, %swap3A_274] {strides = array<i32>} : memref<1x768xf32, #tpu.memory_space<vmem>>, vector<1x16xf32>,
    %swap3A_276 = vector.shape_cast %swap3A_275 : vector<1x16xf32> to vector<16xf32>
    %swap3A_277 = vector.shape_cast %scan3A_205#11 : vector<16xf32> to vector<1x16xf32>
    tpu.vector_store %arg6[%swap3A_273, %swap3A_274], %swap3A_277 {strides = array<i32>} : memref<1x768xf32, #tpu.memory_space<vmem>>, vector<1x16xf32>,
    %swap3A_278 = arith.constant 0 : i32
    %swap3A_279 = arith.index_cast %swap3A_278 : i32 to index
    %swap3A_280 = arith.constant 192 : index
    %swap3A_281 = tpu.vector_load %arg6[%swap3A_279, %swap3A_280] {strides = array<i32>} : memref<1x768xf32, #tpu.memory_space<vmem>>, vector<1x16xf32>,
    %swap3A_282 = vector.shape_cast %swap3A_281 : vector<1x16xf32> to vector<16xf32>
    %swap3A_283 = vector.shape_cast %scan3A_205#12 : vector<16xf32> to vector<1x16xf32>
    tpu.vector_store %arg6[%swap3A_279, %swap3A_280], %swap3A_283 {strides = array<i32>} : memref<1x768xf32, #tpu.memory_space<vmem>>, vector<1x16xf32>,
    %swap3A_284 = arith.constant 0 : i32
    %swap3A_285 = arith.index_cast %swap3A_284 : i32 to index
    %swap3A_286 = arith.constant 208 : index
    %swap3A_287 = tpu.vector_load %arg6[%swap3A_285, %swap3A_286] {strides = array<i32>} : memref<1x768xf32, #tpu.memory_space<vmem>>, vector<1x16xf32>,
    %swap3A_288 = vector.shape_cast %swap3A_287 : vector<1x16xf32> to vector<16xf32>
    %swap3A_289 = vector.shape_cast %scan3A_205#13 : vector<16xf32> to vector<1x16xf32>
    tpu.vector_store %arg6[%swap3A_285, %swap3A_286], %swap3A_289 {strides = array<i32>} : memref<1x768xf32, #tpu.memory_space<vmem>>, vector<1x16xf32>,
    %swap3A_290 = arith.constant 0 : i32
    %swap3A_291 = arith.index_cast %swap3A_290 : i32 to index
    %swap3A_292 = arith.constant 224 : index
    %swap3A_293 = tpu.vector_load %arg6[%swap3A_291, %swap3A_292] {strides = array<i32>} : memref<1x768xf32, #tpu.memory_space<vmem>>, vector<1x16xf32>,
    %swap3A_294 = vector.shape_cast %swap3A_293 : vector<1x16xf32> to vector<16xf32>
    %swap3A_295 = vector.shape_cast %scan3A_205#14 : vector<16xf32> to vector<1x16xf32>
    tpu.vector_store %arg6[%swap3A_291, %swap3A_292], %swap3A_295 {strides = array<i32>} : memref<1x768xf32, #tpu.memory_space<vmem>>, vector<1x16xf32>,
    %swap3A_296 = arith.constant 0 : i32
    %swap3A_297 = arith.index_cast %swap3A_296 : i32 to index
    %swap3A_298 = arith.constant 240 : index
    %swap3A_299 = tpu.vector_load %arg6[%swap3A_297, %swap3A_298] {strides = array<i32>} : memref<1x768xf32, #tpu.memory_space<vmem>>, vector<1x16xf32>,
    %swap3A_300 = vector.shape_cast %swap3A_299 : vector<1x16xf32> to vector<16xf32>
    %swap3A_301 = vector.shape_cast %scan3A_205#15 : vector<16xf32> to vector<1x16xf32>
    tpu.vector_store %arg6[%swap3A_297, %swap3A_298], %swap3A_301 {strides = array<i32>} : memref<1x768xf32, #tpu.memory_space<vmem>>, vector<1x16xf32>,
    %swap3A_302 = arith.constant 0 : i32
    %swap3A_303 = arith.index_cast %swap3A_302 : i32 to index
    %swap3A_304 = arith.constant 256 : index
    %swap3A_305 = tpu.vector_load %arg6[%swap3A_303, %swap3A_304] {strides = array<i32>} : memref<1x768xf32, #tpu.memory_space<vmem>>, vector<1x16xf32>,
    %swap3A_306 = vector.shape_cast %swap3A_305 : vector<1x16xf32> to vector<16xf32>
    %swap3A_307 = vector.shape_cast %scan3A_205#16 : vector<16xf32> to vector<1x16xf32>
    tpu.vector_store %arg6[%swap3A_303, %swap3A_304], %swap3A_307 {strides = array<i32>} : memref<1x768xf32, #tpu.memory_space<vmem>>, vector<1x16xf32>,
    %swap3A_308 = arith.constant 0 : i32
    %swap3A_309 = arith.index_cast %swap3A_308 : i32 to index
    %swap3A_310 = arith.constant 272 : index
    %swap3A_311 = tpu.vector_load %arg6[%swap3A_309, %swap3A_310] {strides = array<i32>} : memref<1x768xf32, #tpu.memory_space<vmem>>, vector<1x16xf32>,
    %swap3A_312 = vector.shape_cast %swap3A_311 : vector<1x16xf32> to vector<16xf32>
    %swap3A_313 = vector.shape_cast %scan3A_205#17 : vector<16xf32> to vector<1x16xf32>
    tpu.vector_store %arg6[%swap3A_309, %swap3A_310], %swap3A_313 {strides = array<i32>} : memref<1x768xf32, #tpu.memory_space<vmem>>, vector<1x16xf32>,
    %swap3A_314 = arith.constant 0 : i32
    %swap3A_315 = arith.index_cast %swap3A_314 : i32 to index
    %swap3A_316 = arith.constant 288 : index
    %swap3A_317 = tpu.vector_load %arg6[%swap3A_315, %swap3A_316] {strides = array<i32>} : memref<1x768xf32, #tpu.memory_space<vmem>>, vector<1x16xf32>,
    %swap3A_318 = vector.shape_cast %swap3A_317 : vector<1x16xf32> to vector<16xf32>
    %swap3A_319 = vector.shape_cast %scan3A_205#18 : vector<16xf32> to vector<1x16xf32>
    tpu.vector_store %arg6[%swap3A_315, %swap3A_316], %swap3A_319 {strides = array<i32>} : memref<1x768xf32, #tpu.memory_space<vmem>>, vector<1x16xf32>,
    %swap3A_320 = arith.constant 0 : i32
    %swap3A_321 = arith.index_cast %swap3A_320 : i32 to index
    %swap3A_322 = arith.constant 304 : index
    %swap3A_323 = tpu.vector_load %arg6[%swap3A_321, %swap3A_322] {strides = array<i32>} : memref<1x768xf32, #tpu.memory_space<vmem>>, vector<1x16xf32>,
    %swap3A_324 = vector.shape_cast %swap3A_323 : vector<1x16xf32> to vector<16xf32>
    %swap3A_325 = vector.shape_cast %scan3A_205#19 : vector<16xf32> to vector<1x16xf32>
    tpu.vector_store %arg6[%swap3A_321, %swap3A_322], %swap3A_325 {strides = array<i32>} : memref<1x768xf32, #tpu.memory_space<vmem>>, vector<1x16xf32>,
    %swap3A_326 = arith.constant 0 : i32
    %swap3A_327 = arith.index_cast %swap3A_326 : i32 to index
    %swap3A_328 = arith.constant 320 : index
    %swap3A_329 = tpu.vector_load %arg6[%swap3A_327, %swap3A_328] {strides = array<i32>} : memref<1x768xf32, #tpu.memory_space<vmem>>, vector<1x16xf32>,
    %swap3A_330 = vector.shape_cast %swap3A_329 : vector<1x16xf32> to vector<16xf32>
    %swap3A_331 = vector.shape_cast %scan3A_205#20 : vector<16xf32> to vector<1x16xf32>
    tpu.vector_store %arg6[%swap3A_327, %swap3A_328], %swap3A_331 {strides = array<i32>} : memref<1x768xf32, #tpu.memory_space<vmem>>, vector<1x16xf32>,
    %swap3A_332 = arith.constant 0 : i32
    %swap3A_333 = arith.index_cast %swap3A_332 : i32 to index
    %swap3A_334 = arith.constant 336 : index
    %swap3A_335 = tpu.vector_load %arg6[%swap3A_333, %swap3A_334] {strides = array<i32>} : memref<1x768xf32, #tpu.memory_space<vmem>>, vector<1x16xf32>,
    %swap3A_336 = vector.shape_cast %swap3A_335 : vector<1x16xf32> to vector<16xf32>
    %swap3A_337 = vector.shape_cast %scan3A_205#21 : vector<16xf32> to vector<1x16xf32>
    tpu.vector_store %arg6[%swap3A_333, %swap3A_334], %swap3A_337 {strides = array<i32>} : memref<1x768xf32, #tpu.memory_space<vmem>>, vector<1x16xf32>,
    %swap3A_338 = arith.constant 0 : i32
    %swap3A_339 = arith.index_cast %swap3A_338 : i32 to index
    %swap3A_340 = arith.constant 352 : index
    %swap3A_341 = tpu.vector_load %arg6[%swap3A_339, %swap3A_340] {strides = array<i32>} : memref<1x768xf32, #tpu.memory_space<vmem>>, vector<1x16xf32>,
    %swap3A_342 = vector.shape_cast %swap3A_341 : vector<1x16xf32> to vector<16xf32>
    %swap3A_343 = vector.shape_cast %scan3A_205#22 : vector<16xf32> to vector<1x16xf32>
    tpu.vector_store %arg6[%swap3A_339, %swap3A_340], %swap3A_343 {strides = array<i32>} : memref<1x768xf32, #tpu.memory_space<vmem>>, vector<1x16xf32>,
    %swap3A_344 = arith.constant 0 : i32
    %swap3A_345 = arith.index_cast %swap3A_344 : i32 to index
    %swap3A_346 = arith.constant 368 : index
    %swap3A_347 = tpu.vector_load %arg6[%swap3A_345, %swap3A_346] {strides = array<i32>} : memref<1x768xf32, #tpu.memory_space<vmem>>, vector<1x16xf32>,
    %swap3A_348 = vector.shape_cast %swap3A_347 : vector<1x16xf32> to vector<16xf32>
    %swap3A_349 = vector.shape_cast %scan3A_205#23 : vector<16xf32> to vector<1x16xf32>
    tpu.vector_store %arg6[%swap3A_345, %swap3A_346], %swap3A_349 {strides = array<i32>} : memref<1x768xf32, #tpu.memory_space<vmem>>, vector<1x16xf32>,
    %swap3A_350 = arith.constant 0 : i32
    %swap3A_351 = arith.index_cast %swap3A_350 : i32 to index
    %swap3A_352 = arith.constant 384 : index
    %swap3A_353 = tpu.vector_load %arg6[%swap3A_351, %swap3A_352] {strides = array<i32>} : memref<1x768xf32, #tpu.memory_space<vmem>>, vector<1x16xf32>,
    %swap3A_354 = vector.shape_cast %swap3A_353 : vector<1x16xf32> to vector<16xf32>
    %swap3A_355 = vector.shape_cast %scan3A_205#24 : vector<16xf32> to vector<1x16xf32>
    tpu.vector_store %arg6[%swap3A_351, %swap3A_352], %swap3A_355 {strides = array<i32>} : memref<1x768xf32, #tpu.memory_space<vmem>>, vector<1x16xf32>,
    %swap3A_356 = arith.constant 0 : i32
    %swap3A_357 = arith.index_cast %swap3A_356 : i32 to index
    %swap3A_358 = arith.constant 400 : index
    %swap3A_359 = tpu.vector_load %arg6[%swap3A_357, %swap3A_358] {strides = array<i32>} : memref<1x768xf32, #tpu.memory_space<vmem>>, vector<1x16xf32>,
    %swap3A_360 = vector.shape_cast %swap3A_359 : vector<1x16xf32> to vector<16xf32>
    %swap3A_361 = vector.shape_cast %scan3A_205#25 : vector<16xf32> to vector<1x16xf32>
    tpu.vector_store %arg6[%swap3A_357, %swap3A_358], %swap3A_361 {strides = array<i32>} : memref<1x768xf32, #tpu.memory_space<vmem>>, vector<1x16xf32>,
    %swap3A_362 = arith.constant 0 : i32
    %swap3A_363 = arith.index_cast %swap3A_362 : i32 to index
    %swap3A_364 = arith.constant 416 : index
    %swap3A_365 = tpu.vector_load %arg6[%swap3A_363, %swap3A_364] {strides = array<i32>} : memref<1x768xf32, #tpu.memory_space<vmem>>, vector<1x16xf32>,
    %swap3A_366 = vector.shape_cast %swap3A_365 : vector<1x16xf32> to vector<16xf32>
    %swap3A_367 = vector.shape_cast %scan3A_205#26 : vector<16xf32> to vector<1x16xf32>
    tpu.vector_store %arg6[%swap3A_363, %swap3A_364], %swap3A_367 {strides = array<i32>} : memref<1x768xf32, #tpu.memory_space<vmem>>, vector<1x16xf32>,
    %swap3A_368 = arith.constant 0 : i32
    %swap3A_369 = arith.index_cast %swap3A_368 : i32 to index
    %swap3A_370 = arith.constant 432 : index
    %swap3A_371 = tpu.vector_load %arg6[%swap3A_369, %swap3A_370] {strides = array<i32>} : memref<1x768xf32, #tpu.memory_space<vmem>>, vector<1x16xf32>,
    %swap3A_372 = vector.shape_cast %swap3A_371 : vector<1x16xf32> to vector<16xf32>
    %swap3A_373 = vector.shape_cast %scan3A_205#27 : vector<16xf32> to vector<1x16xf32>
    tpu.vector_store %arg6[%swap3A_369, %swap3A_370], %swap3A_373 {strides = array<i32>} : memref<1x768xf32, #tpu.memory_space<vmem>>, vector<1x16xf32>,
    %swap3A_374 = arith.constant 0 : i32
    %swap3A_375 = arith.index_cast %swap3A_374 : i32 to index
    %swap3A_376 = arith.constant 448 : index
    %swap3A_377 = tpu.vector_load %arg6[%swap3A_375, %swap3A_376] {strides = array<i32>} : memref<1x768xf32, #tpu.memory_space<vmem>>, vector<1x16xf32>,
    %swap3A_378 = vector.shape_cast %swap3A_377 : vector<1x16xf32> to vector<16xf32>
    %swap3A_379 = vector.shape_cast %scan3A_205#28 : vector<16xf32> to vector<1x16xf32>
    tpu.vector_store %arg6[%swap3A_375, %swap3A_376], %swap3A_379 {strides = array<i32>} : memref<1x768xf32, #tpu.memory_space<vmem>>, vector<1x16xf32>,
    %swap3A_380 = arith.constant 0 : i32
    %swap3A_381 = arith.index_cast %swap3A_380 : i32 to index
    %swap3A_382 = arith.constant 464 : index
    %swap3A_383 = tpu.vector_load %arg6[%swap3A_381, %swap3A_382] {strides = array<i32>} : memref<1x768xf32, #tpu.memory_space<vmem>>, vector<1x16xf32>,
    %swap3A_384 = vector.shape_cast %swap3A_383 : vector<1x16xf32> to vector<16xf32>
    %swap3A_385 = vector.shape_cast %scan3A_205#29 : vector<16xf32> to vector<1x16xf32>
    tpu.vector_store %arg6[%swap3A_381, %swap3A_382], %swap3A_385 {strides = array<i32>} : memref<1x768xf32, #tpu.memory_space<vmem>>, vector<1x16xf32>,
    %swap3A_386 = arith.constant 0 : i32
    %swap3A_387 = arith.index_cast %swap3A_386 : i32 to index
    %swap3A_388 = arith.constant 480 : index
    %swap3A_389 = tpu.vector_load %arg6[%swap3A_387, %swap3A_388] {strides = array<i32>} : memref<1x768xf32, #tpu.memory_space<vmem>>, vector<1x16xf32>,
    %swap3A_390 = vector.shape_cast %swap3A_389 : vector<1x16xf32> to vector<16xf32>
    %swap3A_391 = vector.shape_cast %scan3A_205#30 : vector<16xf32> to vector<1x16xf32>
    tpu.vector_store %arg6[%swap3A_387, %swap3A_388], %swap3A_391 {strides = array<i32>} : memref<1x768xf32, #tpu.memory_space<vmem>>, vector<1x16xf32>,
    %swap3A_392 = arith.constant 0 : i32
    %swap3A_393 = arith.index_cast %swap3A_392 : i32 to index
    %swap3A_394 = arith.constant 496 : index
    %swap3A_395 = tpu.vector_load %arg6[%swap3A_393, %swap3A_394] {strides = array<i32>} : memref<1x768xf32, #tpu.memory_space<vmem>>, vector<1x16xf32>,
    %swap3A_396 = vector.shape_cast %swap3A_395 : vector<1x16xf32> to vector<16xf32>
    %swap3A_397 = vector.shape_cast %scan3A_205#31 : vector<16xf32> to vector<1x16xf32>
    tpu.vector_store %arg6[%swap3A_393, %swap3A_394], %swap3A_397 {strides = array<i32>} : memref<1x768xf32, #tpu.memory_space<vmem>>, vector<1x16xf32>,
    %swap3A_398 = arith.constant 0 : i32
    %swap3A_399 = arith.index_cast %swap3A_398 : i32 to index
    %swap3A_400 = arith.constant 512 : index
    %swap3A_401 = tpu.vector_load %arg6[%swap3A_399, %swap3A_400] {strides = array<i32>} : memref<1x768xf32, #tpu.memory_space<vmem>>, vector<1x16xf32>,
    %swap3A_402 = vector.shape_cast %swap3A_401 : vector<1x16xf32> to vector<16xf32>
    %swap3A_403 = vector.shape_cast %scan3A_205#32 : vector<16xf32> to vector<1x16xf32>
    tpu.vector_store %arg6[%swap3A_399, %swap3A_400], %swap3A_403 {strides = array<i32>} : memref<1x768xf32, #tpu.memory_space<vmem>>, vector<1x16xf32>,
    %swap3A_404 = arith.constant 0 : i32
    %swap3A_405 = arith.index_cast %swap3A_404 : i32 to index
    %swap3A_406 = arith.constant 528 : index
    %swap3A_407 = tpu.vector_load %arg6[%swap3A_405, %swap3A_406] {strides = array<i32>} : memref<1x768xf32, #tpu.memory_space<vmem>>, vector<1x16xf32>,
    %swap3A_408 = vector.shape_cast %swap3A_407 : vector<1x16xf32> to vector<16xf32>
    %swap3A_409 = vector.shape_cast %scan3A_205#33 : vector<16xf32> to vector<1x16xf32>
    tpu.vector_store %arg6[%swap3A_405, %swap3A_406], %swap3A_409 {strides = array<i32>} : memref<1x768xf32, #tpu.memory_space<vmem>>, vector<1x16xf32>,
    %swap3A_410 = arith.constant 0 : i32
    %swap3A_411 = arith.index_cast %swap3A_410 : i32 to index
    %swap3A_412 = arith.constant 544 : index
    %swap3A_413 = tpu.vector_load %arg6[%swap3A_411, %swap3A_412] {strides = array<i32>} : memref<1x768xf32, #tpu.memory_space<vmem>>, vector<1x16xf32>,
    %swap3A_414 = vector.shape_cast %swap3A_413 : vector<1x16xf32> to vector<16xf32>
    %swap3A_415 = vector.shape_cast %scan3A_205#34 : vector<16xf32> to vector<1x16xf32>
    tpu.vector_store %arg6[%swap3A_411, %swap3A_412], %swap3A_415 {strides = array<i32>} : memref<1x768xf32, #tpu.memory_space<vmem>>, vector<1x16xf32>,
    %swap3A_416 = arith.constant 0 : i32
    %swap3A_417 = arith.index_cast %swap3A_416 : i32 to index
    %swap3A_418 = arith.constant 560 : index
    %swap3A_419 = tpu.vector_load %arg6[%swap3A_417, %swap3A_418] {strides = array<i32>} : memref<1x768xf32, #tpu.memory_space<vmem>>, vector<1x16xf32>,
    %swap3A_420 = vector.shape_cast %swap3A_419 : vector<1x16xf32> to vector<16xf32>
    %swap3A_421 = vector.shape_cast %scan3A_205#35 : vector<16xf32> to vector<1x16xf32>
    tpu.vector_store %arg6[%swap3A_417, %swap3A_418], %swap3A_421 {strides = array<i32>} : memref<1x768xf32, #tpu.memory_space<vmem>>, vector<1x16xf32>,
    %swap3A_422 = arith.constant 0 : i32
    %swap3A_423 = arith.index_cast %swap3A_422 : i32 to index
    %swap3A_424 = arith.constant 576 : index
    %swap3A_425 = tpu.vector_load %arg6[%swap3A_423, %swap3A_424] {strides = array<i32>} : memref<1x768xf32, #tpu.memory_space<vmem>>, vector<1x16xf32>,
    %swap3A_426 = vector.shape_cast %swap3A_425 : vector<1x16xf32> to vector<16xf32>
    %swap3A_427 = vector.shape_cast %scan3A_205#36 : vector<16xf32> to vector<1x16xf32>
    tpu.vector_store %arg6[%swap3A_423, %swap3A_424], %swap3A_427 {strides = array<i32>} : memref<1x768xf32, #tpu.memory_space<vmem>>, vector<1x16xf32>,
    %swap3A_428 = arith.constant 0 : i32
    %swap3A_429 = arith.index_cast %swap3A_428 : i32 to index
    %swap3A_430 = arith.constant 592 : index
    %swap3A_431 = tpu.vector_load %arg6[%swap3A_429, %swap3A_430] {strides = array<i32>} : memref<1x768xf32, #tpu.memory_space<vmem>>, vector<1x16xf32>,
    %swap3A_432 = vector.shape_cast %swap3A_431 : vector<1x16xf32> to vector<16xf32>
    %swap3A_433 = vector.shape_cast %scan3A_205#37 : vector<16xf32> to vector<1x16xf32>
    tpu.vector_store %arg6[%swap3A_429, %swap3A_430], %swap3A_433 {strides = array<i32>} : memref<1x768xf32, #tpu.memory_space<vmem>>, vector<1x16xf32>,
    %swap3A_434 = arith.constant 0 : i32
    %swap3A_435 = arith.index_cast %swap3A_434 : i32 to index
    %swap3A_436 = arith.constant 608 : index
    %swap3A_437 = tpu.vector_load %arg6[%swap3A_435, %swap3A_436] {strides = array<i32>} : memref<1x768xf32, #tpu.memory_space<vmem>>, vector<1x16xf32>,
    %swap3A_438 = vector.shape_cast %swap3A_437 : vector<1x16xf32> to vector<16xf32>
    %swap3A_439 = vector.shape_cast %scan3A_205#38 : vector<16xf32> to vector<1x16xf32>
    tpu.vector_store %arg6[%swap3A_435, %swap3A_436], %swap3A_439 {strides = array<i32>} : memref<1x768xf32, #tpu.memory_space<vmem>>, vector<1x16xf32>,
    %swap3A_440 = arith.constant 0 : i32
    %swap3A_441 = arith.index_cast %swap3A_440 : i32 to index
    %swap3A_442 = arith.constant 624 : index
    %swap3A_443 = tpu.vector_load %arg6[%swap3A_441, %swap3A_442] {strides = array<i32>} : memref<1x768xf32, #tpu.memory_space<vmem>>, vector<1x16xf32>,
    %swap3A_444 = vector.shape_cast %swap3A_443 : vector<1x16xf32> to vector<16xf32>
    %swap3A_445 = vector.shape_cast %scan3A_205#39 : vector<16xf32> to vector<1x16xf32>
    tpu.vector_store %arg6[%swap3A_441, %swap3A_442], %swap3A_445 {strides = array<i32>} : memref<1x768xf32, #tpu.memory_space<vmem>>, vector<1x16xf32>,
    %swap3A_446 = arith.constant 0 : i32
    %swap3A_447 = arith.index_cast %swap3A_446 : i32 to index
    %swap3A_448 = arith.constant 640 : index
    %swap3A_449 = tpu.vector_load %arg6[%swap3A_447, %swap3A_448] {strides = array<i32>} : memref<1x768xf32, #tpu.memory_space<vmem>>, vector<1x16xf32>,
    %swap3A_450 = vector.shape_cast %swap3A_449 : vector<1x16xf32> to vector<16xf32>
    %swap3A_451 = vector.shape_cast %scan3A_205#40 : vector<16xf32> to vector<1x16xf32>
    tpu.vector_store %arg6[%swap3A_447, %swap3A_448], %swap3A_451 {strides = array<i32>} : memref<1x768xf32, #tpu.memory_space<vmem>>, vector<1x16xf32>,
    %swap3A_452 = arith.constant 0 : i32
    %swap3A_453 = arith.index_cast %swap3A_452 : i32 to index
    %swap3A_454 = arith.constant 656 : index
    %swap3A_455 = tpu.vector_load %arg6[%swap3A_453, %swap3A_454] {strides = array<i32>} : memref<1x768xf32, #tpu.memory_space<vmem>>, vector<1x16xf32>,
    %swap3A_456 = vector.shape_cast %swap3A_455 : vector<1x16xf32> to vector<16xf32>
    %swap3A_457 = vector.shape_cast %scan3A_205#41 : vector<16xf32> to vector<1x16xf32>
    tpu.vector_store %arg6[%swap3A_453, %swap3A_454], %swap3A_457 {strides = array<i32>} : memref<1x768xf32, #tpu.memory_space<vmem>>, vector<1x16xf32>,
    %swap3A_458 = arith.constant 0 : i32
    %swap3A_459 = arith.index_cast %swap3A_458 : i32 to index
    %swap3A_460 = arith.constant 672 : index
    %swap3A_461 = tpu.vector_load %arg6[%swap3A_459, %swap3A_460] {strides = array<i32>} : memref<1x768xf32, #tpu.memory_space<vmem>>, vector<1x16xf32>,
    %swap3A_462 = vector.shape_cast %swap3A_461 : vector<1x16xf32> to vector<16xf32>
    %swap3A_463 = vector.shape_cast %scan3A_205#42 : vector<16xf32> to vector<1x16xf32>
    tpu.vector_store %arg6[%swap3A_459, %swap3A_460], %swap3A_463 {strides = array<i32>} : memref<1x768xf32, #tpu.memory_space<vmem>>, vector<1x16xf32>,
    %swap3A_464 = arith.constant 0 : i32
    %swap3A_465 = arith.index_cast %swap3A_464 : i32 to index
    %swap3A_466 = arith.constant 688 : index
    %swap3A_467 = tpu.vector_load %arg6[%swap3A_465, %swap3A_466] {strides = array<i32>} : memref<1x768xf32, #tpu.memory_space<vmem>>, vector<1x16xf32>,
    %swap3A_468 = vector.shape_cast %swap3A_467 : vector<1x16xf32> to vector<16xf32>
    %swap3A_469 = vector.shape_cast %scan3A_205#43 : vector<16xf32> to vector<1x16xf32>
    tpu.vector_store %arg6[%swap3A_465, %swap3A_466], %swap3A_469 {strides = array<i32>} : memref<1x768xf32, #tpu.memory_space<vmem>>, vector<1x16xf32>,
    %swap3A_470 = arith.constant 0 : i32
    %swap3A_471 = arith.index_cast %swap3A_470 : i32 to index
    %swap3A_472 = arith.constant 704 : index
    %swap3A_473 = tpu.vector_load %arg6[%swap3A_471, %swap3A_472] {strides = array<i32>} : memref<1x768xf32, #tpu.memory_space<vmem>>, vector<1x16xf32>,
    %swap3A_474 = vector.shape_cast %swap3A_473 : vector<1x16xf32> to vector<16xf32>
    %swap3A_475 = vector.shape_cast %scan3A_205#44 : vector<16xf32> to vector<1x16xf32>
    tpu.vector_store %arg6[%swap3A_471, %swap3A_472], %swap3A_475 {strides = array<i32>} : memref<1x768xf32, #tpu.memory_space<vmem>>, vector<1x16xf32>,
    %swap3A_476 = arith.constant 0 : i32
    %swap3A_477 = arith.index_cast %swap3A_476 : i32 to index
    %swap3A_478 = arith.constant 720 : index
    %swap3A_479 = tpu.vector_load %arg6[%swap3A_477, %swap3A_478] {strides = array<i32>} : memref<1x768xf32, #tpu.memory_space<vmem>>, vector<1x16xf32>,
    %swap3A_480 = vector.shape_cast %swap3A_479 : vector<1x16xf32> to vector<16xf32>
    %swap3A_481 = vector.shape_cast %scan3A_205#45 : vector<16xf32> to vector<1x16xf32>
    tpu.vector_store %arg6[%swap3A_477, %swap3A_478], %swap3A_481 {strides = array<i32>} : memref<1x768xf32, #tpu.memory_space<vmem>>, vector<1x16xf32>,
    %swap3A_482 = arith.constant 0 : i32
    %swap3A_483 = arith.index_cast %swap3A_482 : i32 to index
    %swap3A_484 = arith.constant 736 : index
    %swap3A_485 = tpu.vector_load %arg6[%swap3A_483, %swap3A_484] {strides = array<i32>} : memref<1x768xf32, #tpu.memory_space<vmem>>, vector<1x16xf32>,
    %swap3A_486 = vector.shape_cast %swap3A_485 : vector<1x16xf32> to vector<16xf32>
    %swap3A_487 = vector.shape_cast %scan3A_205#46 : vector<16xf32> to vector<1x16xf32>
    tpu.vector_store %arg6[%swap3A_483, %swap3A_484], %swap3A_487 {strides = array<i32>} : memref<1x768xf32, #tpu.memory_space<vmem>>, vector<1x16xf32>,
    %swap3A_488 = arith.constant 0 : i32
    %swap3A_489 = arith.index_cast %swap3A_488 : i32 to index
    %swap3A_490 = arith.constant 752 : index
    %swap3A_491 = tpu.vector_load %arg6[%swap3A_489, %swap3A_490] {strides = array<i32>} : memref<1x768xf32, #tpu.memory_space<vmem>>, vector<1x16xf32>,
    %swap3A_492 = vector.shape_cast %swap3A_491 : vector<1x16xf32> to vector<16xf32>
    %swap3A_493 = vector.shape_cast %scan3A_205#47 : vector<16xf32> to vector<1x16xf32>
    tpu.vector_store %arg6[%swap3A_489, %swap3A_490], %swap3A_493 {strides = array<i32>} : memref<1x768xf32, #tpu.memory_space<vmem>>, vector<1x16xf32>,
    "tpu.region"() ({
      %run_scoped3A = tpu.sem_alloc : memref<!tpu.dma_semaphore, #tpu.memory_space<semaphore_mem>>
      %dma_start3A_494 = arith.constant 0 : i32
      %dma_start3A_495 = tpu.memref_slice %arg3[%add3A, %dma_start3A_494] : memref<32x768xf32, #tpu.memory_space<hbm>> -> memref<1x768xf32, #tpu.memory_space<hbm>>
      %dma_start3A_496 = arith.constant 0 : i32
      %dma_start3A_497 = tpu.memref_slice %arg3[%add3A, %dma_start3A_496] : memref<32x768xf32, #tpu.memory_space<hbm>> -> memref<1x768xf32, #tpu.memory_space<hbm>>
      tpu.enqueue_dma source(%arg6 : memref<1x768xf32, #tpu.memory_space<vmem>>) target(%dma_start3A_497 : memref<1x768xf32, #tpu.memory_space<hbm>>) target_semaphore(%run_scoped3A : memref<!tpu.dma_semaphore, #tpu.memory_space<semaphore_mem>>)
      %dma_wait3A_498 = arith.constant 0 : i32
      %dma_wait3A_499 = tpu.memref_slice %arg3[%add3A, %dma_wait3A_498] : memref<32x768xf32, #tpu.memory_space<hbm>> -> memref<1x768xf32, #tpu.memory_space<hbm>>
      %dma_wait3A_500 = arith.constant 0 : i32
      %dma_wait3A_501 = tpu.memref_slice %arg3[%add3A, %dma_wait3A_500] : memref<32x768xf32, #tpu.memory_space<hbm>> -> memref<1x768xf32, #tpu.memory_space<hbm>>
      tpu.wait_dma2 semaphore(%run_scoped3A : memref<!tpu.dma_semaphore, #tpu.memory_space<semaphore_mem>>) src(%arg6 : memref<1x768xf32, #tpu.memory_space<vmem>>) dst(%dma_wait3A_501 : memref<1x768xf32, #tpu.memory_space<hbm>>)
      tpu.yield
    }) : () -> ()
    return
  }
}

module attributes {stable_mosaic.version = 14 : i64} {
  func.func @_tc_main_body(%arg0: i32, %arg1: memref<1x2048x768xf32, #tpu.memory_space<vmem>>, %arg2: memref<5x768xf32, #tpu.memory_space<vmem>>, %arg3: memref<768x768xf32, #tpu.memory_space<vmem>>, %arg4: memref<8x768xf32, #tpu.memory_space<vmem>>, %arg5: memref<8x768xf32, #tpu.memory_space<vmem>>) attributes {dimension_semantics = [#tpu.dimension_semantics<arbitrary>], iteration_bounds = array<i64: 2>, scalar_prefetch = 0 : i64, scratch_operands = 0 : i64, tpu.core_type = #tpu.core_type<tc>, window_params = [{transform_indices = @transform_0, window_bounds = array<i64: 1, 2048, 768>}, {pipeline_mode = #tpu.pipeline_mode<synchronous>, transform_indices = @transform_1, window_bounds = array<i64: 5, 768>}, {pipeline_mode = #tpu.pipeline_mode<synchronous>, transform_indices = @transform_2, window_bounds = array<i64: 768, 768>}, {pipeline_mode = #tpu.pipeline_mode<synchronous>, transform_indices = @transform_3, window_bounds = array<i64: 8, 768>}, {pipeline_mode = #tpu.pipeline_mode<synchronous>, transform_indices = @transform_4, window_bounds = array<i64: 8, 768>}]} {
    %get3A = arith.constant 0 : index
    %get3A_0 = arith.constant 0 : index
    %get3A_1 = arith.constant 0 : index
    %get3A_2 = vector.load %arg1[%get3A, %get3A_0, %get3A_1] : memref<1x2048x768xf32, #tpu.memory_space<vmem>>, vector<1x2048x768xf32>
    %get3A_3 = vector.shape_cast %get3A_2 : vector<1x2048x768xf32> to vector<2048x768xf32>
    %reduce_sum3A = arith.constant dense<0.000000e+00> : vector<768xf32>
    %reduce_sum3A_4 = vector.multi_reduction <add>, %get3A_3, %reduce_sum3A [0] : vector<2048x768xf32> to vector<768xf32>
    %broadcast_in_dim3A = vector.shape_cast %reduce_sum3A_4 : vector<768xf32> to vector<1x768xf32>
    %swap3A = arith.index_cast %arg0 : i32 to index
    %swap3A_5 = arith.constant 0 : index
    %swap3A_6 = vector.load %arg4[%swap3A, %swap3A_5] : memref<8x768xf32, #tpu.memory_space<vmem>>, vector<1x768xf32>
    tpu.vector_store %arg4[%swap3A, %swap3A_5], %broadcast_in_dim3A {strides = array<i32>} : memref<8x768xf32, #tpu.memory_space<vmem>>, vector<1x768xf32>,
    %eq3A = arith.constant 0 : i32
    %eq3A_7 = arith.cmpi eq, %arg0, %eq3A : i32
    %convert_element_type3A = arith.extui %eq3A_7 : i1 to i32
    %cond3A = arith.constant 0 : i32
    %cond3A_8 = arith.cmpi ne, %convert_element_type3A, %cond3A : i32
    scf.if %cond3A_8 {
      %get3A_9 = arith.constant 0 : index
      %get3A_10 = arith.constant 0 : index
      %get3A_11 = vector.load %arg2[%get3A_9, %get3A_10] : memref<5x768xf32, #tpu.memory_space<vmem>>, vector<5x768xf32>
      %get3A_12 = arith.constant 0 : index
      %get3A_13 = arith.constant 0 : index
      %get3A_14 = vector.load %arg3[%get3A_12, %get3A_13] : memref<768x768xf32, #tpu.memory_space<vmem>>, vector<768x768xf32>
      %dot_general3A = arith.constant dense<0.000000e+00> : vector<5x768xf32>
      %dot_general3A_15 = tpu.matmul %get3A_11, %get3A_14, %dot_general3A {dimension_numbers = #tpu.dot_dimension_numbers<[1], [1], [0], [0], [0, 0, 1, 0], [], []>, transpose_lhs_hint = false} : vector<5x768xf32>, vector<768x768xf32>, vector<5x768xf32> -> vector<5x768xf32>
      %swap3A_16 = arith.constant 0 : index
      %swap3A_17 = arith.constant 0 : index
      %swap3A_18 = vector.load %arg5[%swap3A_16, %swap3A_17] : memref<8x768xf32, #tpu.memory_space<vmem>>, vector<5x768xf32>
      tpu.vector_store %arg5[%swap3A_16, %swap3A_17], %dot_general3A_15 {strides = array<i32>} : memref<8x768xf32, #tpu.memory_space<vmem>>, vector<5x768xf32>,
    } else {
    }
    return
  }
  func.func @transform_0(%arg0: i32) -> (i32, i32, i32) {
    %c0_i32 = arith.constant 0 : i32
    %c0_i32_0 = arith.constant 0 : i32
    %c0_i32_1 = arith.constant 0 : i32
    return %arg0, %c0_i32, %c0_i32_0 : i32, i32, i32
  }
  func.func @transform_1(%arg0: i32) -> (i32, i32) {
    %c0_i32 = arith.constant 0 : i32
    %c0_i32_0 = arith.constant 0 : i32
    %c0_i32_1 = arith.constant 0 : i32
    return %c0_i32, %c0_i32_0 : i32, i32
  }
  func.func @transform_2(%arg0: i32) -> (i32, i32) {
    %c0_i32 = arith.constant 0 : i32
    %c0_i32_0 = arith.constant 0 : i32
    %c0_i32_1 = arith.constant 0 : i32
    return %c0_i32, %c0_i32_0 : i32, i32
  }
  func.func @transform_3(%arg0: i32) -> (i32, i32) {
    %c0_i32 = arith.constant 0 : i32
    %c0_i32_0 = arith.constant 0 : i32
    %c0_i32_1 = arith.constant 0 : i32
    return %c0_i32, %c0_i32_0 : i32, i32
  }
  func.func @transform_4(%arg0: i32) -> (i32, i32) {
    %c0_i32 = arith.constant 0 : i32
    %c0_i32_0 = arith.constant 0 : i32
    %c0_i32_1 = arith.constant 0 : i32
    return %c0_i32, %c0_i32_0 : i32, i32
  }
}

module attributes {stable_mosaic.version = 14 : i64} {
  func.func @_tc_tail_body(%arg0: memref<8x768xf32, #tpu.memory_space<vmem>>, %arg1: memref<32x768xf32, #tpu.memory_space<vmem>>, %arg2: memref<8x768xf32, #tpu.memory_space<vmem>>, %arg3: memref<100x768xf32, #tpu.memory_space<vmem>>, %arg4: memref<768xf32, #tpu.memory_space<vmem>>, %arg5: memref<768xf32, #tpu.memory_space<vmem>>, %arg6: memref<1xf32, #tpu.memory_space<smem>>, %arg7: memref<4x1x768xf32, #tpu.memory_space<vmem>>) attributes {dimension_semantics = [], scalar_prefetch = 0 : i64, scratch_operands = 0 : i64, tpu.core_type = #tpu.core_type<tc>} {
    %get3A = arith.constant 0 : index
    %get3A_0 = arith.constant 0 : index
    %get3A_1 = vector.load %arg0[%get3A, %get3A_0] : memref<8x768xf32, #tpu.memory_space<vmem>>, vector<2x768xf32>
    %get3A_2 = arith.constant 0 : index
    %get3A_3 = arith.constant 0 : index
    %get3A_4 = vector.load %arg1[%get3A_2, %get3A_3] : memref<32x768xf32, #tpu.memory_space<vmem>>, vector<16x768xf32>
    %reduce_sum3A = arith.constant dense<0.000000e+00> : vector<768xf32>
    %reduce_sum3A_5 = vector.multi_reduction <add>, %get3A_4, %reduce_sum3A [0] : vector<16x768xf32> to vector<768xf32>
    %broadcast_in_dim3A = vector.shape_cast %reduce_sum3A_5 : vector<768xf32> to vector<1x768xf32>
    %get3A_6 = arith.constant 16 : index
    %get3A_7 = arith.constant 0 : index
    %get3A_8 = vector.load %arg1[%get3A_6, %get3A_7] : memref<32x768xf32, #tpu.memory_space<vmem>>, vector<16x768xf32>
    %reduce_sum3A_9 = arith.constant dense<0.000000e+00> : vector<768xf32>
    %reduce_sum3A_10 = vector.multi_reduction <add>, %get3A_8, %reduce_sum3A_9 [0] : vector<16x768xf32> to vector<768xf32>
    %broadcast_in_dim3A_11 = vector.shape_cast %reduce_sum3A_10 : vector<768xf32> to vector<1x768xf32>
    %concatenate3A = tpu.concatenate %get3A_1, %broadcast_in_dim3A, %broadcast_in_dim3A_11 in 0 : vector<2x768xf32>, vector<1x768xf32>, vector<1x768xf32> -> vector<4x768xf32>
    %mul3A = arith.constant 4.8828125E-4 : f32
    %mul3A_12 = vector.broadcast %mul3A : f32 to vector<4x768xf32>
    %mul3A_13 = arith.mulf %concatenate3A, %mul3A_12 : vector<4x768xf32>
    %mul3A_14 = arith.mulf %mul3A_13, %mul3A_13 : vector<4x768xf32>
    %reduce_sum3A_15 = arith.constant dense<0.000000e+00> : vector<4xf32>
    %reduce_sum3A_16 = vector.multi_reduction <add>, %mul3A_14, %reduce_sum3A_15 [1] : vector<4x768xf32> to vector<4xf32>
    %broadcast_in_dim3A_17 = vector.shape_cast %reduce_sum3A_16 : vector<4xf32> to vector<4x1xf32>
    %sqrt3A = math.sqrt %broadcast_in_dim3A_17 : vector<4x1xf32>
    %max3A = arith.constant 9.99999993E-9 : f32
    %max3A_18 = vector.broadcast %max3A : f32 to vector<4x1xf32>
    %max3A_19 = arith.maximumf %sqrt3A, %max3A_18 : vector<4x1xf32>
    %div3A = vector.broadcast %max3A_19 : vector<4x1xf32> to vector<4x768xf32>
    %div3A_20 = arith.divf %mul3A_13, %div3A : vector<4x768xf32>
    %get3A_21 = arith.constant 0 : index
    %get3A_22 = arith.constant 0 : index
    %get3A_23 = vector.load %arg3[%get3A_21, %get3A_22] : memref<100x768xf32, #tpu.memory_space<vmem>>, vector<10x768xf32>
    %mul3A_24 = arith.mulf %get3A_23, %get3A_23 : vector<10x768xf32>
    %reduce_sum3A_25 = arith.constant dense<0.000000e+00> : vector<10xf32>
    %reduce_sum3A_26 = vector.multi_reduction <add>, %mul3A_24, %reduce_sum3A_25 [1] : vector<10x768xf32> to vector<10xf32>
    %broadcast_in_dim3A_27 = vector.shape_cast %reduce_sum3A_26 : vector<10xf32> to vector<10x1xf32>
    %sqrt3A_28 = math.sqrt %broadcast_in_dim3A_27 : vector<10x1xf32>
    %max3A_29 = arith.constant 9.99999993E-9 : f32
    %max3A_30 = vector.broadcast %max3A_29 : f32 to vector<10x1xf32>
    %max3A_31 = arith.maximumf %sqrt3A_28, %max3A_30 : vector<10x1xf32>
    %div3A_32 = vector.broadcast %max3A_31 : vector<10x1xf32> to vector<10x768xf32>
    %div3A_33 = arith.divf %get3A_23, %div3A_32 : vector<10x768xf32>
    %dot_general3A = arith.constant dense<0.000000e+00> : vector<4x10xf32>
    %dot_general3A_34 = tpu.matmul %div3A_20, %div3A_33, %dot_general3A {dimension_numbers = #tpu.dot_dimension_numbers<[1], [1], [0], [0], [0, 0, 1, 0], [], []>, transpose_lhs_hint = false} : vector<4x768xf32>, vector<10x768xf32>, vector<4x10xf32> -> vector<4x10xf32>
    %get3A_35 = arith.constant 0 : index
    %get3A_36 = memref.load %arg6[%get3A_35] : memref<1xf32, #tpu.memory_space<smem>>
    %iota3A = tpu.iota {dimensions = array<i32: 1>} : vector<4x10xi32>
    %reduce_max3A = arith.constant dense<0xFF800000> : vector<4xf32>
    %reduce_max3A_37 = vector.multi_reduction <maximumf>, %dot_general3A_34, %reduce_max3A [1] : vector<4x10xf32> to vector<4xf32>
    %broadcast_in_dim3A_38 = vector.shape_cast %reduce_max3A_37 : vector<4xf32> to vector<4x1xf32>
    %ge3A = vector.broadcast %broadcast_in_dim3A_38 : vector<4x1xf32> to vector<4x10xf32>
    %ge3A_39 = arith.cmpf oge, %dot_general3A_34, %ge3A : vector<4x10xf32>
    %jit3A = arith.constant 11 : i32
    %broadcast_in_dim3A_40 = vector.broadcast %jit3A : i32 to vector<4x10xi32>
    %select_n3A = arith.select %ge3A_39, %iota3A, %broadcast_in_dim3A_40 : vector<4x10xi1>, vector<4x10xi32>
    %reduce_min3A = arith.constant dense<2147483647> : vector<4xi32>
    %reduce_min3A_41 = vector.multi_reduction <minsi>, %select_n3A, %reduce_min3A [1] : vector<4x10xi32> to vector<4xi32>
    %broadcast_in_dim3A_42 = vector.shape_cast %reduce_min3A_41 : vector<4xi32> to vector<4x1xi32>
    %eq3A = vector.broadcast %broadcast_in_dim3A_42 : vector<4x1xi32> to vector<4x10xi32>
    %eq3A_43 = arith.cmpi eq, %iota3A, %eq3A : vector<4x10xi32>
    %jit3A_44 = arith.constant 0xFF800000 : f32
    %broadcast_in_dim3A_45 = vector.broadcast %jit3A_44 : f32 to vector<4x10xf32>
    %select_n3A_46 = arith.select %eq3A_43, %broadcast_in_dim3A_45, %dot_general3A_34 : vector<4x10xi1>, vector<4x10xf32>
    %reduce_max3A_47 = arith.constant dense<0xFF800000> : vector<4xf32>
    %reduce_max3A_48 = vector.multi_reduction <maximumf>, %select_n3A_46, %reduce_max3A_47 [1] : vector<4x10xf32> to vector<4xf32>
    %broadcast_in_dim3A_49 = vector.shape_cast %reduce_max3A_48 : vector<4xf32> to vector<4x1xf32>
    %ge3A_50 = vector.broadcast %broadcast_in_dim3A_49 : vector<4x1xf32> to vector<4x10xf32>
    %ge3A_51 = arith.cmpf oge, %select_n3A_46, %ge3A_50 : vector<4x10xf32>
    %jit3A_52 = arith.constant 11 : i32
    %broadcast_in_dim3A_53 = vector.broadcast %jit3A_52 : i32 to vector<4x10xi32>
    %select_n3A_54 = arith.select %ge3A_51, %iota3A, %broadcast_in_dim3A_53 : vector<4x10xi1>, vector<4x10xi32>
    %reduce_min3A_55 = arith.constant dense<2147483647> : vector<4xi32>
    %reduce_min3A_56 = vector.multi_reduction <minsi>, %select_n3A_54, %reduce_min3A_55 [1] : vector<4x10xi32> to vector<4xi32>
    %broadcast_in_dim3A_57 = vector.shape_cast %reduce_min3A_56 : vector<4xi32> to vector<4x1xi32>
    %eq3A_58 = vector.broadcast %broadcast_in_dim3A_57 : vector<4x1xi32> to vector<4x10xi32>
    %eq3A_59 = arith.cmpi eq, %iota3A, %eq3A_58 : vector<4x10xi32>
    %jit3A_60 = arith.constant 0xFF800000 : f32
    %broadcast_in_dim3A_61 = vector.broadcast %jit3A_60 : f32 to vector<4x10xf32>
    %select_n3A_62 = arith.select %eq3A_59, %broadcast_in_dim3A_61, %select_n3A_46 : vector<4x10xi1>, vector<4x10xf32>
    %reduce_max3A_63 = arith.constant dense<0xFF800000> : vector<4xf32>
    %reduce_max3A_64 = vector.multi_reduction <maximumf>, %select_n3A_62, %reduce_max3A_63 [1] : vector<4x10xf32> to vector<4xf32>
    %broadcast_in_dim3A_65 = vector.shape_cast %reduce_max3A_64 : vector<4xf32> to vector<4x1xf32>
    %ge3A_66 = vector.broadcast %broadcast_in_dim3A_65 : vector<4x1xf32> to vector<4x10xf32>
    %ge3A_67 = arith.cmpf oge, %select_n3A_62, %ge3A_66 : vector<4x10xf32>
    %jit3A_68 = arith.constant 11 : i32
    %broadcast_in_dim3A_69 = vector.broadcast %jit3A_68 : i32 to vector<4x10xi32>
    %select_n3A_70 = arith.select %ge3A_67, %iota3A, %broadcast_in_dim3A_69 : vector<4x10xi1>, vector<4x10xi32>
    %reduce_min3A_71 = arith.constant dense<2147483647> : vector<4xi32>
    %reduce_min3A_72 = vector.multi_reduction <minsi>, %select_n3A_70, %reduce_min3A_71 [1] : vector<4x10xi32> to vector<4xi32>
    %broadcast_in_dim3A_73 = vector.shape_cast %reduce_min3A_72 : vector<4xi32> to vector<4x1xi32>
    %sub3A = arith.subf %broadcast_in_dim3A_38, %broadcast_in_dim3A_38 : vector<4x1xf32>
    %mul3A_74 = vector.broadcast %get3A_36 : f32 to vector<4x1xf32>
    %mul3A_75 = arith.mulf %sub3A, %mul3A_74 : vector<4x1xf32>
    %exp3A = math.exp %mul3A_75 : vector<4x1xf32>
    %sub3A_76 = arith.subf %broadcast_in_dim3A_49, %broadcast_in_dim3A_38 : vector<4x1xf32>
    %mul3A_77 = vector.broadcast %get3A_36 : f32 to vector<4x1xf32>
    %mul3A_78 = arith.mulf %sub3A_76, %mul3A_77 : vector<4x1xf32>
    %exp3A_79 = math.exp %mul3A_78 : vector<4x1xf32>
    %sub3A_80 = arith.subf %broadcast_in_dim3A_65, %broadcast_in_dim3A_38 : vector<4x1xf32>
    %mul3A_81 = vector.broadcast %get3A_36 : f32 to vector<4x1xf32>
    %mul3A_82 = arith.mulf %sub3A_80, %mul3A_81 : vector<4x1xf32>
    %exp3A_83 = math.exp %mul3A_82 : vector<4x1xf32>
    %add3A = arith.addf %exp3A, %exp3A_79 : vector<4x1xf32>
    %add3A_84 = arith.addf %add3A, %exp3A_83 : vector<4x1xf32>
    %div3A_85 = arith.divf %exp3A, %add3A_84 : vector<4x1xf32>
    %div3A_86 = arith.divf %exp3A_79, %add3A_84 : vector<4x1xf32>
    %div3A_87 = arith.divf %exp3A_83, %add3A_84 : vector<4x1xf32>
    %iota3A_88 = tpu.iota {dimensions = array<i32: 1>} : vector<4x5xi32>
    %broadcast_in_dim3A_89 = arith.constant 0.000000e+00 : f32
    %broadcast_in_dim3A_90 = vector.broadcast %broadcast_in_dim3A_89 : f32 to vector<4x5xf32>
    %rem3A = arith.constant 5 : i32
    %rem3A_91 = vector.broadcast %rem3A : i32 to vector<4x1xi32>
    %rem3A_92 = arith.remsi %broadcast_in_dim3A_42, %rem3A_91 : vector<4x1xi32>
    %eq3A_93 = vector.broadcast %rem3A_92 : vector<4x1xi32> to vector<4x5xi32>
    %eq3A_94 = arith.cmpi eq, %iota3A_88, %eq3A_93 : vector<4x5xi32>
    %jit3A_95 = arith.constant 0.000000e+00 : f32
    %broadcast_in_dim3A_96 = vector.shape_cast %div3A_85 : vector<4x1xf32> to vector<4x1xf32>
    %broadcast_in_dim3A_97 = vector.broadcast %broadcast_in_dim3A_96 : vector<4x1xf32> to vector<4x5xf32>
    %broadcast_in_dim3A_98 = vector.broadcast %jit3A_95 : f32 to vector<4x5xf32>
    %select_n3A_99 = arith.select %eq3A_94, %broadcast_in_dim3A_97, %broadcast_in_dim3A_98 : vector<4x5xi1>, vector<4x5xf32>
    %add3A_100 = arith.addf %broadcast_in_dim3A_90, %select_n3A_99 : vector<4x5xf32>
    %rem3A_101 = arith.constant 5 : i32
    %rem3A_102 = vector.broadcast %rem3A_101 : i32 to vector<4x1xi32>
    %rem3A_103 = arith.remsi %broadcast_in_dim3A_57, %rem3A_102 : vector<4x1xi32>
    %eq3A_104 = vector.broadcast %rem3A_103 : vector<4x1xi32> to vector<4x5xi32>
    %eq3A_105 = arith.cmpi eq, %iota3A_88, %eq3A_104 : vector<4x5xi32>
    %jit3A_106 = arith.constant 0.000000e+00 : f32
    %broadcast_in_dim3A_107 = vector.shape_cast %div3A_86 : vector<4x1xf32> to vector<4x1xf32>
    %broadcast_in_dim3A_108 = vector.broadcast %broadcast_in_dim3A_107 : vector<4x1xf32> to vector<4x5xf32>
    %broadcast_in_dim3A_109 = vector.broadcast %jit3A_106 : f32 to vector<4x5xf32>
    %select_n3A_110 = arith.select %eq3A_105, %broadcast_in_dim3A_108, %broadcast_in_dim3A_109 : vector<4x5xi1>, vector<4x5xf32>
    %add3A_111 = arith.addf %add3A_100, %select_n3A_110 : vector<4x5xf32>
    %rem3A_112 = arith.constant 5 : i32
    %rem3A_113 = vector.broadcast %rem3A_112 : i32 to vector<4x1xi32>
    %rem3A_114 = arith.remsi %broadcast_in_dim3A_73, %rem3A_113 : vector<4x1xi32>
    %eq3A_115 = vector.broadcast %rem3A_114 : vector<4x1xi32> to vector<4x5xi32>
    %eq3A_116 = arith.cmpi eq, %iota3A_88, %eq3A_115 : vector<4x5xi32>
    %jit3A_117 = arith.constant 0.000000e+00 : f32
    %broadcast_in_dim3A_118 = vector.shape_cast %div3A_87 : vector<4x1xf32> to vector<4x1xf32>
    %broadcast_in_dim3A_119 = vector.broadcast %broadcast_in_dim3A_118 : vector<4x1xf32> to vector<4x5xf32>
    %broadcast_in_dim3A_120 = vector.broadcast %jit3A_117 : f32 to vector<4x5xf32>
    %select_n3A_121 = arith.select %eq3A_116, %broadcast_in_dim3A_119, %broadcast_in_dim3A_120 : vector<4x5xi1>, vector<4x5xf32>
    %add3A_122 = arith.addf %add3A_111, %select_n3A_121 : vector<4x5xf32>
    %get3A_123 = arith.constant 0 : index
    %get3A_124 = arith.constant 0 : index
    %get3A_125 = vector.load %arg2[%get3A_123, %get3A_124] : memref<8x768xf32, #tpu.memory_space<vmem>>, vector<5x768xf32>
    %dot_general3A_126 = arith.constant dense<0.000000e+00> : vector<4x768xf32>
    %dot_general3A_127 = tpu.matmul %add3A_122, %get3A_125, %dot_general3A_126 {dimension_numbers = #tpu.dot_dimension_numbers<[1], [0], [0], [1], [0, 0, 1, 1], [], []>, transpose_lhs_hint = false} : vector<4x5xf32>, vector<5x768xf32>, vector<4x768xf32> -> vector<4x768xf32>
    %reduce_sum3A_128 = arith.constant dense<0.000000e+00> : vector<4xf32>
    %reduce_sum3A_129 = vector.multi_reduction <add>, %dot_general3A_127, %reduce_sum3A_128 [1] : vector<4x768xf32> to vector<4xf32>
    %broadcast_in_dim3A_130 = vector.shape_cast %reduce_sum3A_129 : vector<4xf32> to vector<4x1xf32>
    %div3A_131 = arith.constant 7.680000e+02 : f32
    %div3A_132 = vector.broadcast %div3A_131 : f32 to vector<4x1xf32>
    %div3A_133 = arith.divf %broadcast_in_dim3A_130, %div3A_132 : vector<4x1xf32>
    %sub3A_134 = vector.broadcast %div3A_133 : vector<4x1xf32> to vector<4x768xf32>
    %sub3A_135 = arith.subf %dot_general3A_127, %sub3A_134 : vector<4x768xf32>
    %mul3A_136 = arith.mulf %sub3A_135, %sub3A_135 : vector<4x768xf32>
    %reduce_sum3A_137 = arith.constant dense<0.000000e+00> : vector<4xf32>
    %reduce_sum3A_138 = vector.multi_reduction <add>, %mul3A_136, %reduce_sum3A_137 [1] : vector<4x768xf32> to vector<4xf32>
    %broadcast_in_dim3A_139 = vector.shape_cast %reduce_sum3A_138 : vector<4xf32> to vector<4x1xf32>
    %div3A_140 = arith.constant 7.680000e+02 : f32
    %div3A_141 = vector.broadcast %div3A_140 : f32 to vector<4x1xf32>
    %div3A_142 = arith.divf %broadcast_in_dim3A_139, %div3A_141 : vector<4x1xf32>
    %add3A_143 = arith.constant 9.99999974E-6 : f32
    %add3A_144 = vector.broadcast %add3A_143 : f32 to vector<4x1xf32>
    %add3A_145 = arith.addf %div3A_142, %add3A_144 : vector<4x1xf32>
    %rsqrt3A = math.rsqrt %add3A_145 : vector<4x1xf32>
    %mul3A_146 = vector.broadcast %rsqrt3A : vector<4x1xf32> to vector<4x768xf32>
    %mul3A_147 = arith.mulf %sub3A_135, %mul3A_146 : vector<4x768xf32>
    %get3A_148 = arith.constant 0 : index
    %get3A_149 = vector.load %arg4[%get3A_148] : memref<768xf32, #tpu.memory_space<vmem>>, vector<768xf32>
    %reshape3A = vector.shape_cast %get3A_149 : vector<768xf32> to vector<1x768xf32>
    %mul3A_150 = vector.broadcast %reshape3A : vector<1x768xf32> to vector<4x768xf32>
    %mul3A_151 = arith.mulf %mul3A_147, %mul3A_150 : vector<4x768xf32>
    %get3A_152 = arith.constant 0 : index
    %get3A_153 = vector.load %arg5[%get3A_152] : memref<768xf32, #tpu.memory_space<vmem>>, vector<768xf32>
    %reshape3A_154 = vector.shape_cast %get3A_153 : vector<768xf32> to vector<1x768xf32>
    %add3A_155 = vector.broadcast %reshape3A_154 : vector<1x768xf32> to vector<4x768xf32>
    %add3A_156 = arith.addf %mul3A_151, %add3A_155 : vector<4x768xf32>
    %swap3A = arith.constant 0 : index
    %swap3A_157 = arith.constant 0 : index
    %swap3A_158 = arith.constant 0 : index
    %swap3A_159 = vector.load %arg7[%swap3A, %swap3A_157, %swap3A_158] : memref<4x1x768xf32, #tpu.memory_space<vmem>>, vector<4x1x768xf32>
    %swap3A_160 = vector.shape_cast %swap3A_159 : vector<4x1x768xf32> to vector<4x768xf32>
    %swap3A_161 = vector.shape_cast %add3A_156 : vector<4x768xf32> to vector<4x1x768xf32>
    tpu.vector_store %arg7[%swap3A, %swap3A_157, %swap3A_158], %swap3A_161 {strides = array<i32>} : memref<4x1x768xf32, #tpu.memory_space<vmem>>, vector<4x1x768xf32>,
    return
  }
}

</mosaic_0001>

<sc_bundles>
// kernel: kernel.5.cloned.1.call-start
scs
__scs_entry_jumppad:
0x0: {  	(pc) =	sbr.rel $0x88, $3  }
0x1: {  	(tag) =	ssettag $0x0;
	lr =	simm.s32 $0x1  }
0x2: {  	[smem:$0x3F9A] =	sst lr;
	_ =	strace $0xD0000000  }
0x3: {  	_ = 	snop  }
0x4: {  	_ = 	snop  }
0x5: {  	_ = 	snop  }
0x6: {  	_ = 	snop  }
0x7: {  	_ = 	snop  }
__scs_overlays_trampoline_lowered:
0x8: {  	[smem:$0x3FA9] =	sst s0  }
0x9: {  	[smem:$0x3FAA] =	sst s1  }
0xa: {  	[smem:$0x3FAB] =	sst s2  }
0xb: {  	[smem:$0x3FAC] =	sst s3  }
0xc: {  	[smem:$0x3FAD] =	sst s4  }
0xd: {  	[smem:$0x3FAE] =	sst s5  }
0xe: {  	[smem:$0x3FAF] =	sst s6  }
0xf: {  	[smem:$0x3FB0] =	sst s7  }
0x10: {  	[smem:$0x3FB1] =	sst s8  }
0x11: {  	[smem:$0x3FB2] =	sst s9;
	s0 =	simm.s32 @!p0 $0x0  }
0x12: {  	s1 =	sld [smem:$0x3F98];
	s0 =	simm.s32 @p0 $0x1  }
0x13: {  	[smem:$0x3FB3] =	sst s0;
	s0 =	simm.s32 @!p1 $0x0  }
0x14: {  	s2 =	sld [smem:$0x3F97];
	s0 =	simm.s32 @p1 $0x1  }
0x15: {  	[smem:$0x3FB4] =	sst s0;
	s0 =	simm.s32 @!p2 $0x0  }
0x16: {  	s3 =	sld [smem:$0x3FDB];
	s0 =	simm.s32 @p2 $0x1  }
0x17: {  	s4 =	simm.s32 $0x1BF5;
	[smem:$0x3FB6] =	sst s0  }
0x18: {  	s0 =	sld [smem:$0x3F99];
	_ =	swait.ge [sflag:s4], $0x0  }
0x19: {  	s7 =	sld [smem:$0x3F9A]  }
0x1a: {  	s8 =	sadd.s32 $0xFFFFE003, lr  }
0x1b: {  	s9 =	sadd.s32 $0xFFFFFEF7, lr;
	s5 =	simm.s32 $0xFFFFFFFF;
	p2 =	slt.u32 s8, $0xFFFFF086  }
0x1c: {  	p1 =	slt.u32 s9, $0xF7A;
	s5 =	simm.s32 @!p2 $0x0  }
0x1d: {  	s5 =	simm.s32 @p1 $0x1;
	p0 =	seq.s32 s7, s2  }
0x1e: {  	s7 =	smul.u32 @!p0 $0xF7A, s2;
	p2 =	seq.s32 @!p0 s5, $0x0  }
0x1f: {  	s9 =	smul.u32 $0xF7A, s1;
	s8 =	simm.s32 @!p0 $0x1BF5;
	p2 =	por !p2, p0  }
0x20: {  	[sflag:s8] =	ssyncset.s32 @!p0 $0xFFFFF086;
	s6 =	sadd.s32 @!p0 s3, s7;
	s7 =	simm.s32 @!p0 $0x108  }
0x21: {  	s3 =	sadd.s32 s3, s9;
	s6 =	sadd.s32 @!p0 $0x88, s6;
	s7 =	simm.s32 @p2 $0x1082  }
0x22: {  	[simem:s7], [sflag:s8] =	dma.local @!p0 [hbm:s6], $0xF7A  }
0x23: {  	s9 =	sor.u32 $0xD0000000, s2;
	s6 =	simm.s32 $0x108;
	_ =	swait.ge @!p0 [sflag:s8], $0x0  }
0x24: {  	s3 =	sadd.s32 $0x88, s3;
	s6 =	simm.s32 @!p1 $0x1082;
	[sflag:s4] =	ssyncset.s32 $0xFFFFF086  }
0x25: {  	[simem:s6], [sflag:s4] =	dma.local [hbm:s3], $0xF7A  }
0x26: {  	[smem:$0x3F9A] =	sst s1;
	(tag) =	ssettag s2;
	_ =	strace s9  }
0x27: {  	s1 =	sld [smem:$0x3FAA]  }
0x28: {  	s2 =	sld [smem:$0x3FAB]  }
0x29: {  	s4 =	sld [smem:$0x3FAD]  }
0x2a: {  	p0 =	seq.s32 s5, $0x0;
	s5 =	sld [smem:$0x3FAE]  }
0x2b: {  	s6 =	sld [smem:$0x3FAF]  }
0x2c: {  	s7 =	sld [smem:$0x3FB0]  }
0x2d: {  	s3 =	simm.s32 $0x108;
	s8 =	sld [smem:$0x3FB1]  }
0x2e: {  	s3 =	simm.s32 @!p0 $0x1082;
	s9 =	sld [smem:$0x3FB2]  }
0x2f: {  	lr =	sadd.s32 s0, s3;
	s0 =	sld [smem:$0x3FA9]  }
0x30: {  	s3 =	sld [smem:$0x3FAC]  }
0x31: {  	[smem:$0x3FB5] =	sst s10  }
0x32: {  	s10 =	sld [smem:$0x3FB3];
	_ =	sdelay $0x3  }
0x33: {  	p0 =	seq.s32 s10, $0x1;
	s10 =	sld [smem:$0x3FB5];
	_ =	sdelay $0x3  }
0x34: {  	[smem:$0x3FB5] =	sst s10  }
0x35: {  	s10 =	sld [smem:$0x3FB4];
	_ =	sdelay $0x3  }
0x36: {  	p1 =	seq.s32 s10, $0x1;
	s10 =	sld [smem:$0x3FB5];
	_ =	sdelay $0x3  }
0x37: {  	[smem:$0x3FB5] =	sst s10  }
0x38: {  	s10 =	sld [smem:$0x3FB6]  }
0x39: {  	_ = 	snop;
	(pc) =	sbr.ind lr, $3  }
0x3a: {  	_ = 	snop  }
0x3b: {  	_ = 	snop  }
0x3c: {  	p2 =	seq.s32 s10, $0x1;
	s10 =	sld [smem:$0x3FB5]  }
0x3d: {  	_ =	shalt  }
0x3e: {  	_ =	shalt  }
0x3f: {  	_ =	shalt  }
0x40: {  	_ =	shalt  }
0x41: {  	_ =	shalt  }
0x42: {  	_ =	shalt  }
0x43: {  	_ =	shalt  }
0x44: {  	_ =	shalt  }
0x45: {  	_ =	shalt  }
0x46: {  	_ =	shalt  }
0x47: {  	_ =	shalt  }
0x48: {  	_ =	shalt  }
0x49: {  	_ =	shalt  }
0x4a: {  	_ =	shalt  }
0x4b: {  	_ =	shalt  }
0x4c: {  	_ =	shalt  }
0x4d: {  	_ =	shalt  }
0x4e: {  	_ =	shalt  }
0x4f: {  	_ =	shalt  }
0x50: {  	_ =	shalt  }
0x51: {  	_ =	shalt  }
0x52: {  	_ =	shalt  }
0x53: {  	_ =	shalt  }
0x54: {  	_ =	shalt  }
0x55: {  	_ =	shalt  }
0x56: {  	_ =	shalt  }
0x57: {  	_ =	shalt  }
0x58: {  	_ =	shalt  }
0x59: {  	_ =	shalt  }
0x5a: {  	_ =	shalt  }
0x5b: {  	_ =	shalt  }
0x5c: {  	_ =	shalt  }
0x5d: {  	_ =	shalt  }
0x5e: {  	_ =	shalt  }
0x5f: {  	_ =	shalt  }
0x60: {  	_ =	shalt  }
0x61: {  	_ =	shalt  }
0x62: {  	_ =	shalt  }
0x63: {  	_ =	shalt  }
0x64: {  	_ =	shalt  }
0x65: {  	_ =	shalt  }
0x66: {  	_ =	shalt  }
0x67: {  	_ =	shalt  }
0x68: {  	_ =	shalt  }
0x69: {  	_ =	shalt  }
0x6a: {  	_ =	shalt  }
0x6b: {  	_ =	shalt  }
0x6c: {  	_ =	shalt  }
0x6d: {  	_ =	shalt  }
0x6e: {  	_ =	shalt  }
0x6f: {  	_ =	shalt  }
0x70: {  	_ =	shalt  }
0x71: {  	_ =	shalt  }
0x72: {  	_ =	shalt  }
0x73: {  	_ =	shalt  }
0x74: {  	_ =	shalt  }
0x75: {  	_ =	shalt  }
0x76: {  	_ =	shalt  }
0x77: {  	_ =	shalt  }
0x78: {  	_ =	shalt  }
0x79: {  	_ =	shalt  }
0x7a: {  	_ =	shalt  }
0x7b: {  	_ =	shalt  }
0x7c: {  	_ =	shalt  }
0x7d: {  	_ =	shalt  }
0x7e: {  	_ =	shalt  }
0x7f: {  	_ =	shalt  }
0x80: {  	_ =	shalt  }
0x81: {  	_ =	shalt  }
0x82: {  	_ =	shalt  }
0x83: {  	_ =	shalt  }
0x84: {  	_ =	shalt  }
0x85: {  	_ =	shalt  }
0x86: {  	_ =	shalt  }
0x87: {  	_ =	shalt  }
.Lfunc_end0:
.L_simem_size_0:
called_computation_lowered:
.L_overlay_start_0:
0x88: {  	s2 =	sld [smem:$0x3FD9]  }
0x89: {  	s3 =	sld [smem:$0x3FFE];
	_ =	sdelay $0x1  }
0x8a: {  	s1 =	srdreg.scid  }
0x8b: {  	s0 =	sand.u32 $0x1, s1  }
0x8c: {  	s17 =	sshll.u32 s0, $0xA;
	s2 =	sadd.s32 s3, s2  }
0x8d: {  	s2 =	sadd.s32 s2, s17  }
0x8e: {  	[smem:$0x3FC1] =	sst s2  }
0x8f: {  	_ = 	snop  }
0x90: {  	s2 =	sld [smem:$0x3FC9];
	(tm) =	ssettm $0x1  }
0x91: {  	s18 =	sld [smem:$0x3FFB];
	_ =	sdelay $0x3  }
0x92: {  	_ =	strace s18  }
0x93: {  	s3 =	sld [smem:$0x3FFC];
	_ =	sdelay $0x3  }
0x94: {  	_ =	strace s3  }
0x95: {  	s3 =	sld [smem:$0x3FFD];
	_ =	sdelay $0x3  }
0x96: {  	_ =	strace s3  }
0x97: {  	_ =	strace $0x8FFFFFFF  }
0x98: {  	s19 =	sld [smem:$0x3FDB];
	_ =	sdelay $0x1  }
0x99: {  	s4 =	simm.s32 $_scs_section_size  }
0x9a: {  	s5 =	simm.s32 $_size__tile_overlayer_lowered;
	s6 =	simm.s32 $_tile_overlayer_lowered  }
0x9b: {  	s22 =	simm.s32 $0x1BFF;
	s21 =	sshll.u32 s6, $0x1;
	s3 =	sadd.s32 s4, s19  }
0x9c: {  	s7 =	simm.s32 $0x0;
	s20 =	sshll.u32 s5, $0x1;
	s5 =	sadd.s32 s21, s3  }
0x9d: {  	[timem:s7], [sflag:s22] =	dma.local [hbm:s5], s20  }
0x9e: {  	_ =	swait.ge [sflag:s22], s20  }
0x9f: {  	s4 =	ssub.s32 $0x0, s20;
	[sflag:s22] =	ssyncset.done $0x0  }
0xa0: {  	[sflag:s22] =	ssyncadd.s32 s4;
	_ =	sdelay $0x1  }
0xa1: {  	s23 =	simm.s32 $0x1B8B  }
0xa2: {  	_ =	swait.ge [sflag:s23], $0x1  }
0xa3: {  	[sflag:s23] =	ssyncset.done $0x0  }
0xa4: {  	s25 =	simm.s32 $0x1B8E;
	s24 =	sld [smem:$0x3FFE];
	[sflag:s23] =	ssyncadd.s32 $0xFFFFFFFF  }
0xa5: {  	s26 =	simm.s32 $execute0_lowered;
	[smem:$0x3FD2] =	sst s25  }
0xa6: {  	s5 =	sshll.u32 s26, $0x1;
	_ =	strace $0x80000046;
	[dreg:$0x1] =	wrdreg $0xFFFFFFFF  }
0xa7: {  	s28 =	simm.s32 $_size_execute0_lowered;
	s3 =	sadd.s32 s3, s5;
	[dreg:$0x0] =	wrdreg $0x0  }
0xa8: {  	s5 =	sshll.u32 s28, $0x1;
	[dreg:$0x2] =	wrdreg s3  }
0xa9: {  	[dreg:$0x3] =	wrdreg s5  }
0xaa: {  	[dreg:$0x4] =	wrdreg $0xC0  }
0xab: {  	_ =	task [dreg:s7], $0x5FFFF  }
0xac: {  	[dreg:$0x1] =	wrdreg $0xFFFFFFFF  }
0xad: {  	[dreg:$0x0] =	wrdreg $0x60  }
0xae: {  	[dreg:$0x2] =	wrdreg s2  }
0xaf: {  	[dreg:$0x3] =	wrdreg s24  }
0xb0: {  	[dreg:$0x4] =	wrdreg $0x9  }
0xb1: {  	_ =	task.clear_ibuf [dreg:s7], $0x5FFFF;
	_ =	strace $0x90000046  }
0xb2: {  	s29 =	simm.s32 $0x9;
	_ =	strace $0x80000048  }
0xb3: {  	_ =	swait.ge [sflag:s29], $0x1  }
0xb4: {  	[sflag:s29] =	ssyncadd.s32 $0xFFFFFFFF  }
0xb5: {  	_ =	strace $0x90000048  }
0xb6: {  	_ =	sfence  }
0xb7: {  	s30 =	sld [smem:$0x0];
	_ =	sdelay $0x2  }
0xb8: {  	s31 =	sshll.u32 s1, $0xD;
	s1 =	sshrl.u32 s1, $0x2  }
0xb9: {  	s3 =	sand.u32 $0x4000, s31;
	s1 =	sadd.s32 s1, s30  }
0xba: {  	s0 =	sor.u32 s3, s0;
	s1 =	sshll.u32 s1, $0x11  }
0xbb: {  	s0 =	sor.u32 s1, s0  }
0xbc: {  	s0 =	sadd.s32 $0x8F2B, s0  }
0xbd: {  	[sflag:s0] =	ssyncadd.remote.s32 $0x1  }
0xbe: {  	_ =	sfence.sel $0xFFFF  }
0xbf: {  	[dreg:$0x0] =	wrdreg $0xFFFFFFFF;
	(pc) =	sbr.abs _section_cstart, $3  }
0xc0: {  	[dreg:$0x1] =	wrdreg $0xFFFFFFFF  }
0xc1: {  	_ =	task.clear_ibuf [dreg:s7], $0x2FFFF;
	_ =	strace $0x9FFFFFFF  }
0xc2: {  	(tm) =	ssettm $0x7FFFFFFF  }
0xc3: {  	_ =	shalt  }
tec
execute0_lowered:
.L_overlay_start_1:
0x0: {  	(tag) =	ssettag $0x1  }
0x1: {  	s3 =	rddreg [dreg:$0x0]  }
0x2: {  	s4 =	rddreg [dreg:$0x1];
	s1 =	srdreg.scid  }
0x3: {  	s0 =	stileid.u32;
	s10 =	simm.s32 $0x1;
	s11 =	simm.s32 $0x2  }
0x4: {  	s12 =	simm.s32 $0x80;
	s13 =	simm.s32 $0x400;
	s14 =	simm.s32 $0xC000  }
0x5: {  	s15 =	simm.s32 $0x3;
	s16 =	simm.s32 $0x0;
	s5 =	sand.u32 $0x1, s1  }
0x6: {  	s24 =	sshll.u32 s0, $0x1;
	s2 =	sshrl.u32 s0, $0x2;
	s25 =	sshrl.u32 s0, $0x3  }
0x7: {  	s1 =	rddreg [dreg:$0x2];
	s6 =	sor.u32 s5, s24;
	s7 =	smul.u32 $0x1800, s2  }
0x8: {  	s9 =	smul.u32 $0x180000, s25;
	s2 =	simm.s32 $0x0;
	s8 =	sand.u32 $0xF, s6  }
0x9: {  	s5 =	ssub.s32 $0x2, s5;
	s6 =	sshll.u32 s6, $0x7;
	s8 =	smul.u32 $0x18000, s8  }
0xa: {  	[smem:$0x7FF] =	sst s2;
	s29 =	sshrl.u32 s5, $0x1;
	s6 =	sand.u32 $0x380, s6  }
0xb: {  	_ =	strace $0x80000047;
	s6 =	sor.u32 s7, s6;
	s26 =	sadd.s32 s8, s9  }
0xc: {  	s31 =	ssub.s32 s5, s29;
	s6 =	sshrl.u32 s6, $0x3;
	s7 =	sshrl.u32 s26, $0x3  }
0xd: {  	s8 =	smax.u32 s31, $0x1;
	s28 =	sadd.s32 s6, s4;
	s30 =	sadd.s32 s3, s7  }
0xe: {  	s9 =	simm.s32 $0x6000;
	s7 =	sadd.s32 $0x1200, s28;
	s3 =	sadd.s32 $0x60000, s30  }
0xf: {  	s4 =	sadd.s32 $0x60C00, s30;
	s5 =	sadd.s32 $0x61800, s30;
	s6 =	sadd.s32 $0x62400, s30  }
.LBB2_1:
0x10: {  	[tilespmem:s2], [sflag:$0x1] =	stream.linear.gather [hbm4b:s3+s2], $0x6000, $0x38;
	[tilespmem:$0xC300] =	vst v63  }
0x11: {  	s17 =	simm.s32 $0x0  }
0x12: {  	s18 =	smul.u32 $0x6000, s17  }
0x13: {  	[tilespmem:s9], [sflag:$0x2] =	stream.linear.gather [hbm4b:s4+s2], $0x6000, $0x38;
	[tilespmem:$0xC300] =	vst v63  }
0x14: {  	s26 =	sand.u32 $0x300, s2;
	_ =	swait.ge [sflag:s10], $0x6000  }
0x15: {  	s19 =	sor.u32 $0x80, s26;
	s18 =	sshra.s32 s18, $0x2;
	[sflag:s10] =	ssyncset.done $0x0  }
0x16: {  	s20 =	sor.u32 s19, s18;
	[sflag:s10] =	ssyncadd.s32 $0xFFFFA000  }
0x17: {  	v0 =	vld [tilespmem:s20+$0x0]  }
0x18: {  	v1 =	vld [tilespmem:s20+$0x10]  }
0x19: {  	v2 =	vld [tilespmem:s20+$0x20]  }
0x1a: {  	v3 =	vld [tilespmem:s20+$0x30]  }
0x1b: {  	v4 =	vld [tilespmem:s20+$0x40]  }
0x1c: {  	v5 =	vld [tilespmem:s20+$0x50]  }
0x1d: {  	v6 =	vld [tilespmem:s20+$0x60]  }
0x1e: {  	v7 =	vld [tilespmem:s20+$0x70]  }
0x1f: {  	v8 =	vld [tilespmem:s20+$0x400]  }
0x20: {  	v9 =	vld [tilespmem:s20+$0x410]  }
0x21: {  	v10 =	vld [tilespmem:s20+$0x420]  }
0x22: {  	v11 =	vld [tilespmem:s20+$0x430]  }
0x23: {  	v12 =	vld [tilespmem:s20+$0x440]  }
0x24: {  	v13 =	vld [tilespmem:s20+$0x450]  }
0x25: {  	v14 =	vld [tilespmem:s20+$0x460]  }
0x26: {  	s21 =	sor.u32 s26, s18;
	v15 =	vld [tilespmem:s20+$0x470]  }
0x27: {  	v16 =	vld [tilespmem:s21+$0x0]  }
0x28: {  	v17 =	vld [tilespmem:s21+$0x10]  }
0x29: {  	v18 =	vld [tilespmem:s21+$0x20]  }
0x2a: {  	v19 =	vld [tilespmem:s21+$0x30]  }
0x2b: {  	v20 =	vld [tilespmem:s21+$0x40]  }
0x2c: {  	v21 =	vld [tilespmem:s21+$0x50]  }
0x2d: {  	v22 =	vld [tilespmem:s21+$0x60]  }
0x2e: {  	v23 =	vld [tilespmem:s21+$0x70]  }
0x2f: {  	v24 =	vld [tilespmem:s21+$0x400]  }
0x30: {  	v62 =	vimm.f32 $0.0e+00;
	v25 =	vld [tilespmem:s21+$0x410]  }
0x31: {  	v26 =	vld [tilespmem:s21+$0x420];
	v16 =	vadd.f32 v16, v62;
	v18 =	vadd.f32 v18, v62  }
0x32: {  	v27 =	vld [tilespmem:s21+$0x430];
	v19 =	vadd.f32 v19, v62  }
0x33: {  	v28 =	vld [tilespmem:s21+$0x440];
	v36 =	vadd.f32 v0, v16;
	v0 =	vadd.f32 v2, v18  }
0x34: {  	v29 =	vld [tilespmem:s21+$0x450]  }
0x35: {  	s22 =	sadd.s32 $0x800, s18;
	v32 =	vld [tilespmem:s21+$0x460];
	[tilespmem:$0x1FDD0] =	vst v0;
	v0 =	vadd.f32 v3, v19  }
0x36: {  	s28 =	sor.u32 s19, s22;
	v33 =	vld [tilespmem:s21+$0x470];
	v17 =	vadd.f32 v17, v62  }
0x37: {  	v34 =	vld [tilespmem:s28+$0x0];
	[tilespmem:$0x1FDE0] =	vst v0;
	v0 =	vadd.f32 v20, v62  }
0x38: {  	v35 =	vld [tilespmem:s28+$0x10];
	v16 =	vadd.f32 v1, v17  }
0x39: {  	v37 =	vld [tilespmem:s28+$0x20];
	v1 =	vadd.f32 v21, v62;
	v0 =	vadd.f32 v4, v0  }
0x3a: {  	v38 =	vld [tilespmem:s28+$0x30]  }
0x3b: {  	v39 =	vld [tilespmem:s28+$0x40];
	v2 =	vadd.f32 v22, v62;
	[tilespmem:$0x1FDF0] =	vst v0;
	v0 =	vadd.f32 v5, v1  }
0x3c: {  	v40 =	vld [tilespmem:s28+$0x50]  }
0x3d: {  	s29 =	sadd.s32 $0xC00, s18;
	v41 =	vld [tilespmem:s28+$0x60];
	v3 =	vadd.f32 v23, v62;
	[tilespmem:$0x1FE00] =	vst v0;
	v0 =	vadd.f32 v6, v2  }
0x3e: {  	s23 =	sor.u32 s19, s29;
	v42 =	vld [tilespmem:s28+$0x70]  }
0x3f: {  	v43 =	vld [tilespmem:s23+$0x0];
	[tilespmem:$0x1FE10] =	vst v0;
	v0 =	vadd.f32 v7, v3  }
0x40: {  	v44 =	vld [tilespmem:s23+$0x10]  }
0x41: {  	v45 =	vld [tilespmem:s23+$0x20];
	[tilespmem:$0x1FE20] =	vst v0;
	v0 =	vadd.f32 v24, v62  }
0x42: {  	v46 =	vld [tilespmem:s23+$0x30];
	v1 =	vadd.f32 v25, v62  }
0x43: {  	v47 =	vld [tilespmem:s23+$0x40];
	v2 =	vadd.f32 v26, v62;
	v0 =	vadd.f32 v8, v0  }
0x44: {  	v48 =	vld [tilespmem:s23+$0x50];
	v3 =	vadd.f32 v27, v62  }
0x45: {  	s30 =	sadd.s32 $0x1000, s18;
	v50 =	vld [tilespmem:s23+$0x60];
	[tilespmem:$0x1FE30] =	vst v0;
	v0 =	vadd.f32 v9, v1;
	v1 =	vadd.f32 v10, v2  }
0x46: {  	s31 =	sor.u32 s19, s30;
	v51 =	vld [tilespmem:s23+$0x70]  }
0x47: {  	v56 =	vld [tilespmem:s31+$0x0];
	[tilespmem:$0x1FE50] =	vst v1;
	v1 =	vadd.f32 v11, v3  }
0x48: {  	s22 =	sor.u32 s26, s22;
	v57 =	vld [tilespmem:s31+$0x10];
	[tilespmem:$0x1FE40] =	vst v0  }
0x49: {  	v0 =	vld [tilespmem:s22+$0x20];
	[tilespmem:$0x1FE60] =	vst v1;
	v1 =	vadd.f32 v28, v62  }
0x4a: {  	v60 =	vld [tilespmem:s31+$0x20];
	v6 =	vadd.f32 v32, v62  }
0x4b: {  	v2 =	vadd.f32 v29, v62;
	v3 =	vld [tilespmem:s22+$0x30];
	v1 =	vadd.f32 v12, v1  }
0x4c: {  	v4 =	vld [tilespmem:s22+$0x0];
	v7 =	vadd.f32 v33, v62  }
0x4d: {  	v61 =	vld [tilespmem:s31+$0x30];
	[tilespmem:$0x1FE70] =	vst v1;
	v1 =	vadd.f32 v13, v2;
	v2 =	vadd.f32 v14, v6  }
0x4e: {  	v5 =	vld [tilespmem:s22+$0x10];
	v0 =	vadd.f32 v0, v62  }
0x4f: {  	v32 =	vld [tilespmem:s22+$0x40];
	[tilespmem:$0x1FE90] =	vst v2;
	v2 =	vadd.f32 v15, v7  }
0x50: {  	v52 =	vld [tilespmem:s31+$0x40];
	v3 =	vadd.f32 v3, v62;
	v0 =	vadd.f32 v37, v0;
	[tilespmem:$0x1FE80] =	vst v1  }
0x51: {  	v33 =	vld [tilespmem:s22+$0x50];
	[tilespmem:$0x1FEA0] =	vst v2;
	v2 =	vadd.f32 v4, v62  }
0x52: {  	v1 =	vld [tilespmem:s22+$0x60];
	[tilespmem:$0x1FED0] =	vst v0;
	v0 =	vadd.f32 v38, v3  }
0x53: {  	v53 =	vld [tilespmem:s31+$0x50];
	v4 =	vadd.f32 v5, v62;
	v2 =	vadd.f32 v34, v2  }
0x54: {  	v5 =	vld [tilespmem:s22+$0x70];
	[tilespmem:$0x1FEE0] =	vst v0;
	v0 =	vadd.f32 v32, v62  }
0x55: {  	v58 =	vld [tilespmem:s31+$0x60];
	[tilespmem:$0x1FEB0] =	vst v2;
	v2 =	vadd.f32 v35, v4  }
0x56: {  	v59 =	vld [tilespmem:s31+$0x70];
	s21 =	sor.u32 s26, s29;
	v3 =	vadd.f32 v33, v62;
	v0 =	vadd.f32 v39, v0  }
0x57: {  	v1 =	vadd.f32 v1, v62;
	[tilespmem:$0x1FEC0] =	vst v2;
	v2 =	vld [tilespmem:s21+$0x20]  }
0x58: {  	v6 =	vld [tilespmem:s21+$0x0];
	[tilespmem:$0x1FEF0] =	vst v0;
	v0 =	vadd.f32 v40, v3  }
0x59: {  	v4 =	vld [tilespmem:s21+$0x30];
	v5 =	vadd.f32 v5, v62;
	v1 =	vadd.f32 v41, v1  }
0x5a: {  	[tilespmem:$0x1FF00] =	vst v0;
	v0 =	vld [tilespmem:s21+$0x60]  }
0x5b: {  	v7 =	vld [tilespmem:s21+$0x10];
	[tilespmem:$0x1FF10] =	vst v1;
	v1 =	vadd.f32 v42, v5  }
0x5c: {  	s18 =	sadd.s32 $0x1400, s18;
	v5 =	vld [tilespmem:s21+$0x70];
	v2 =	vadd.f32 v2, v62  }
0x5d: {  	s19 =	sor.u32 s19, s18;
	v35 =	vld [tilespmem:s21+$0x40];
	[tilespmem:$0x1FF20] =	vst v1;
	v1 =	vadd.f32 v6, v62  }
0x5e: {  	v49 =	vld [tilespmem:s19+$0x0];
	v4 =	vadd.f32 v4, v62;
	v2 =	vadd.f32 v45, v2  }
0x5f: {  	s20 =	sor.u32 s26, s30;
	v38 =	vld [tilespmem:s21+$0x50];
	v1 =	vadd.f32 v43, v1;
	v0 =	vadd.f32 v0, v62  }
0x60: {  	v3 =	vadd.f32 v7, v62;
	v6 =	vld [tilespmem:s20+$0x0];
	[tilespmem:$0x1FF50] =	vst v2;
	v2 =	vadd.f32 v46, v4  }
0x61: {  	v54 =	vld [tilespmem:s19+$0x10];
	[tilespmem:$0x1FF30] =	vst v1;
	v0 =	vadd.f32 v50, v0;
	v4 =	vadd.f32 v5, v62  }
0x62: {  	v7 =	vld [tilespmem:s20+$0x10];
	v1 =	vadd.f32 v44, v3;
	[tilespmem:$0x1FF60] =	vst v2;
	v2 =	vadd.f32 v35, v62  }
0x63: {  	v55 =	vld [tilespmem:s19+$0x20];
	[tilespmem:$0x1FF90] =	vst v0;
	v0 =	vadd.f32 v51, v4  }
0x64: {  	v3 =	vadd.f32 v38, v62;
	[tilespmem:$0x1FF40] =	vst v1;
	v1 =	vld [tilespmem:s20+$0x20];
	v2 =	vadd.f32 v47, v2  }
0x65: {  	v63 =	vld [tilespmem:s20+$0x30];
	[tilespmem:$0x1FFA0] =	vst v0;
	v0 =	vadd.f32 v6, v62  }
0x66: {  	v41 =	vld [tilespmem:s19+$0x30];
	[tilespmem:$0x1FF70] =	vst v2;
	v2 =	vadd.f32 v48, v3  }
0x67: {  	v40 =	vld [tilespmem:s19+$0x40];
	v3 =	vadd.f32 v7, v62;
	v0 =	vadd.f32 v56, v0  }
0x68: {  	v42 =	vld [tilespmem:s20+$0x60];
	s21 =	sor.u32 s26, s18  }
0x69: {  	v14 =	vld [tilespmem:s21+$0x0];
	v1 =	vadd.f32 v1, v62;
	[tilespmem:$0x1FFB0] =	vst v0;
	v0 =	vadd.f32 v57, v3  }
0x6a: {  	v5 =	vld [tilespmem:s20+$0x40];
	[tilespmem:$0x1FF80] =	vst v2  }
0x6b: {  	v6 =	vadd.f32 v63, v62;
	v2 =	vld [tilespmem:s20+$0x50];
	[tilespmem:$0x1FFC0] =	vst v0;
	v0 =	vadd.f32 v60, v1  }
0x6c: {  	v37 =	vmov v16;
	v16 =	vld [tilespmem:s21+$0x10]  }
0x6d: {  	v39 =	vimm.f32 $0.0e+00;
	v17 =	vld [tilespmem:s21+$0x20];
	v45 =	vimm.f32 $0.0e+00;
	[tilespmem:$0x1FFD0] =	vst v0;
	v0 =	vadd.f32 v61, v6  }
0x6e: {  	v43 =	vld [tilespmem:s21+$0x30];
	v44 =	vimm.f32 $0.0e+00;
	v38 =	vimm.f32 $0.0e+00;
	v46 =	vimm.f32 $0.0e+00  }
0x6f: {  	v4 =	vld [tilespmem:s19+$0x50];
	v47 =	vimm.f32 $0.0e+00;
	v56 =	vadd.f32 v5, v62;
	[tilespmem:$0x1FFE0] =	vst v0;
	v0 =	vimm.f32 $0.0e+00  }
0x70: {  	s17 =	simm.s32 $0x0;
	s18 =	simm.s32 $0x0;
	v48 =	vimm.f32 $0.0e+00;
	v57 =	vld [tilespmem:s20+$0x70];
	v1 =	vimm.f32 $0.0e+00;
	v60 =	vadd.f32 v2, v62;
	[tilespmem:$0x1FFF0] =	vst v0  }
.LBB2_2:
0x71: {  	s17 =	sadd.s32 $0x2, s17  }
0x72: {  	v3 =	vld [tilespmem:s21+$0x40];
	s20 =	sshrl.u32 s17, $0x3  }
0x73: {  	v5 =	vld [tilespmem:s21+$0x50];
	s18 =	sadd.s32 $0x100, s18;
	s22 =	smul.u32 $0x6000, s20  }
0x74: {  	v6 =	vld [tilespmem:s21+$0x60];
	s20 =	sand.u32 $0x300, s18  }
0x75: {  	v8 =	vld [tilespmem:s21+$0x70];
	s29 =	sor.u32 $0x80, s20;
	v7 =	vadd.f32 v16, v48;
	s22 =	sshra.s32 s22, $0x2  }
0x76: {  	v11 =	vld [tilespmem:s19+$0x60];
	v9 =	vadd.f32 v17, v45;
	s23 =	sor.u32 s29, s22  }
0x77: {  	v48 =	vadd.f32 v54, v7;
	v54 =	vld [tilespmem:s23+$0x10]  }
0x78: {  	v10 =	vadd.f32 v43, v46;
	v45 =	vadd.f32 v55, v9;
	v55 =	vld [tilespmem:s23+$0x20]  }
0x79: {  	v18 =	vld [tilespmem:s23+$0x30]  }
0x7a: {  	v46 =	vadd.f32 v41, v10;
	v41 =	vld [tilespmem:s23+$0x50]  }
0x7b: {  	v43 =	vld [tilespmem:s23+$0x410]  }
0x7c: {  	v0 =	vadd.f32 v42, v62;
	v42 =	vld [tilespmem:s23+$0x420]  }
0x7d: {  	v7 =	vadd.f32 v8, v39;
	v8 =	vld [tilespmem:s23+$0x430]  }
0x7e: {  	v1 =	vadd.f32 v57, v1;
	v2 =	vadd.f32 v52, v56;
	v57 =	vld [tilespmem:s23+$0x440]  }
0x7f: {  	v61 =	vld [tilespmem:s23+$0x450]  }
0x80: {  	[tilespmem:$0x1FDB0] =	vst v2;
	v2 =	vadd.f32 v53, v60;
	v60 =	vld [tilespmem:s23+$0x460]  }
0x81: {  	s30 =	sor.u32 s20, s22;
	v62 =	vld [tilespmem:s23+$0x470]  }
0x82: {  	v53 =	vld [tilespmem:s30+$0x0]  }
0x83: {  	v0 =	vadd.f32 v58, v0;
	v58 =	vld [tilespmem:s30+$0x10]  }
0x84: {  	v1 =	vadd.f32 v59, v1;
	v59 =	vld [tilespmem:s30+$0x20]  }
0x85: {  	v19 =	vld [tilespmem:s30+$0x30]  }
0x86: {  	[tilespmem:$0x1FDC0] =	vst v2;
	v2 =	vld [tilespmem:$0x1FFF0]  }
0x87: {  	v20 =	vld [tilespmem:s30+$0x40]  }
0x88: {  	v21 =	vld [tilespmem:s30+$0x50]  }
0x89: {  	v22 =	vld [tilespmem:s30+$0x60]  }
0x8a: {  	v23 =	vld [tilespmem:s30+$0x70]  }
0x8b: {  	v24 =	vld [tilespmem:s30+$0x400];
	v3 =	vadd.f32 v3, v2  }
0x8c: {  	v25 =	vld [tilespmem:s30+$0x410]  }
0x8d: {  	v26 =	vld [tilespmem:s30+$0x420];
	v2 =	vadd.f32 v40, v3  }
0x8e: {  	v27 =	vld [tilespmem:s30+$0x430]  }
0x8f: {  	[tilespmem:$0x1FFF0] =	vst v2;
	v2 =	vld [tilespmem:$0x1FDD0]  }
0x90: {  	v50 =	vld [tilespmem:s30+$0x440]  }
0x91: {  	v37 =	vadd.f32 v58, v37;
	v58 =	vld [tilespmem:$0x1FDE0]  }
0x92: {  	v51 =	vld [tilespmem:s30+$0x450]  }
0x93: {  	v5 =	vadd.f32 v5, v44;
	v30 =	vld [tilespmem:s30+$0x460]  }
0x94: {  	s25 =	sadd.s32 $0x800, s22;
	v31 =	vld [tilespmem:s30+$0x470];
	v2 =	vadd.f32 v59, v2  }
0x95: {  	s31 =	sor.u32 s29, s25;
	v44 =	vadd.f32 v4, v5;
	v4 =	vld [tilespmem:s23+$0x40]  }
0x96: {  	v32 =	vld [tilespmem:s31+$0x0];
	v19 =	vadd.f32 v19, v58;
	v2 =	vadd.f32 v55, v2  }
0x97: {  	v33 =	vld [tilespmem:s31+$0x10]  }
0x98: {  	v34 =	vld [tilespmem:s31+$0x20];
	[tilespmem:$0x1FDD0] =	vst v2;
	v2 =	vadd.f32 v18, v19  }
0x99: {  	v35 =	vld [tilespmem:s31+$0x30]  }
0x9a: {  	[tilespmem:$0x1FDE0] =	vst v2;
	v2 =	vld [tilespmem:$0x1FDF0]  }
0x9b: {  	v13 =	vld [tilespmem:s31+$0x40]  }
0x9c: {  	v18 =	vld [tilespmem:$0x1FE00]  }
0x9d: {  	v15 =	vld [tilespmem:s31+$0x50]  }
0x9e: {  	v19 =	vld [tilespmem:$0x1FE10]  }
0x9f: {  	v40 =	vld [tilespmem:s23+$0x60];
	v2 =	vadd.f32 v20, v2  }
0xa0: {  	v55 =	vld [tilespmem:$0x1FE20]  }
0xa1: {  	v16 =	vld [tilespmem:s31+$0x60];
	v18 =	vadd.f32 v21, v18;
	v2 =	vadd.f32 v4, v2  }
0xa2: {  	s26 =	sadd.s32 $0x1000, s22;
	[tilespmem:$0x1FDA0] =	vst v0;
	v0 =	vadd.f32 v14, v47;
	v14 =	vld [tilespmem:s23+$0x70]  }
0xa3: {  	s28 =	sor.u32 s29, s26;
	v17 =	vld [tilespmem:s31+$0x70];
	v19 =	vadd.f32 v22, v19;
	[tilespmem:$0x1FDF0] =	vst v2;
	v2 =	vadd.f32 v41, v18  }
0xa4: {  	v29 =	vld [tilespmem:s28+$0x10]  }
0xa5: {  	v28 =	vld [tilespmem:s28+$0x20];
	v20 =	vadd.f32 v23, v55;
	[tilespmem:$0x1FE00] =	vst v2;
	v2 =	vadd.f32 v40, v19  }
0xa6: {  	v47 =	vadd.f32 v49, v0;
	v0 =	vld [tilespmem:s19+$0x70]  }
0xa7: {  	v56 =	vld [tilespmem:s28+$0x30];
	[tilespmem:$0x1FE10] =	vst v2;
	v2 =	vadd.f32 v14, v20  }
0xa8: {  	v18 =	vld [tilespmem:$0x1FE50]  }
0xa9: {  	[tilespmem:$0x1FE20] =	vst v2;
	v2 =	vld [tilespmem:$0x1FE30]  }
0xaa: {  	v19 =	vld [tilespmem:$0x1FE60]  }
0xab: {  	v39 =	vadd.f32 v0, v7;
	v7 =	vld [tilespmem:s23+$0x400]  }
0xac: {  	v52 =	vld [tilespmem:s28+$0x40]  }
0xad: {  	s24 =	sadd.s32 $0xC00, s22;
	s22 =	sadd.s32 $0x1400, s22;
	v49 =	vld [tilespmem:s23+$0x0];
	v36 =	vadd.f32 v53, v36  }
0xae: {  	s19 =	sor.u32 s29, s22;
	v53 =	vld [tilespmem:s28+$0x50];
	v18 =	vadd.f32 v26, v18;
	v2 =	vadd.f32 v24, v2  }
0xaf: {  	v37 =	vadd.f32 v54, v37;
	v54 =	vld [tilespmem:s19+$0x10];
	v19 =	vadd.f32 v27, v19  }
0xb0: {  	v4 =	vld [tilespmem:$0x1FE40];
	v2 =	vadd.f32 v7, v2;
	v7 =	vadd.f32 v42, v18  }
0xb1: {  	v3 =	vld [tilespmem:s28+$0x0]  }
0xb2: {  	s23 =	sor.u32 s29, s24;
	v36 =	vadd.f32 v49, v36;
	v49 =	vld [tilespmem:s19+$0x0];
	[tilespmem:$0x1FE50] =	vst v7;
	v7 =	vadd.f32 v8, v19  }
0xb3: {  	v9 =	vld [tilespmem:s23+$0x0]  }
0xb4: {  	[tilespmem:$0x1FE60] =	vst v7;
	v7 =	vld [tilespmem:$0x1FE70]  }
0xb5: {  	v14 =	vadd.f32 v25, v4;
	v25 =	vld [tilespmem:$0x1FEE0]  }
0xb6: {  	s29 =	sor.u32 s20, s25;
	v42 =	vld [tilespmem:$0x1FE80]  }
0xb7: {  	v26 =	vld [tilespmem:s29+$0x0]  }
0xb8: {  	v18 =	vld [tilespmem:$0x1FE90]  }
0xb9: {  	v27 =	vld [tilespmem:s29+$0x10];
	v7 =	vadd.f32 v50, v7  }
0xba: {  	v24 =	vld [tilespmem:$0x1FED0];
	[tilespmem:$0x1FE30] =	vst v2;
	v2 =	vadd.f32 v43, v14  }
0xbb: {  	v19 =	vld [tilespmem:$0x1FEA0];
	v8 =	vadd.f32 v51, v42;
	v7 =	vadd.f32 v57, v7  }
0xbc: {  	[tilespmem:$0x1FE40] =	vst v2;
	v2 =	vld [tilespmem:s29+$0x20]  }
0xbd: {  	v18 =	vadd.f32 v30, v18;
	[tilespmem:$0x1FE70] =	vst v7;
	v7 =	vadd.f32 v61, v8;
	v61 =	vld [tilespmem:$0x1FEB0]  }
0xbe: {  	v6 =	vadd.f32 v6, v38;
	v14 =	vld [tilespmem:s29+$0x30]  }
0xbf: {  	v51 =	vadd.f32 v60, v18;
	v18 =	vld [tilespmem:$0x1FEC0]  }
0xc0: {  	v38 =	vadd.f32 v11, v6;
	v11 =	vld [tilespmem:s23+$0x10]  }
0xc1: {  	v10 =	vld [tilespmem:s23+$0x20];
	v2 =	vadd.f32 v2, v24  }
0xc2: {  	v0 =	vld [tilespmem:s23+$0x50];
	v19 =	vadd.f32 v31, v19;
	v8 =	vadd.f32 v26, v61  }
0xc3: {  	v14 =	vadd.f32 v14, v25;
	v2 =	vadd.f32 v34, v2;
	[tilespmem:$0x1FE80] =	vst v7;
	v7 =	vld [tilespmem:s29+$0x60]  }
0xc4: {  	v18 =	vadd.f32 v27, v18;
	v8 =	vadd.f32 v32, v8;
	v32 =	vld [tilespmem:$0x1FF10]  }
0xc5: {  	v57 =	vadd.f32 v62, v19;
	v19 =	vld [tilespmem:s29+$0x70]  }
0xc6: {  	[tilespmem:$0x1FED0] =	vst v2;
	v2 =	vadd.f32 v35, v14;
	v30 =	vadd.f32 v33, v18;
	v33 =	vld [tilespmem:$0x1FF20]  }
0xc7: {  	v43 =	vld [tilespmem:s29+$0x40]  }
0xc8: {  	[tilespmem:$0x1FEE0] =	vst v2;
	v2 =	vld [tilespmem:$0x1FEF0]  }
0xc9: {  	v50 =	vld [tilespmem:s29+$0x50];
	v7 =	vadd.f32 v7, v32  }
0xca: {  	v14 =	vld [tilespmem:$0x1FF00]  }
0xcb: {  	v5 =	vld [tilespmem:s23+$0x60];
	v19 =	vadd.f32 v19, v33;
	v7 =	vadd.f32 v16, v7  }
0xcc: {  	s30 =	sor.u32 s20, s24;
	v60 =	vld [tilespmem:$0x1FF90]  }
0xcd: {  	v27 =	vld [tilespmem:s30+$0x10];
	v2 =	vadd.f32 v43, v2;
	[tilespmem:$0x1FF10] =	vst v7;
	v7 =	vadd.f32 v17, v19  }
0xce: {  	v26 =	vld [tilespmem:s30+$0x0]  }
0xcf: {  	v14 =	vadd.f32 v50, v14;
	v2 =	vadd.f32 v13, v2;
	[tilespmem:$0x1FF20] =	vst v7;
	v7 =	vld [tilespmem:$0x1FF30]  }
0xd0: {  	v35 =	vld [tilespmem:s30+$0x50]  }
0xd1: {  	v50 =	vld [tilespmem:$0x1FF80];
	[tilespmem:$0x1FEF0] =	vst v2;
	v2 =	vadd.f32 v15, v14  }
0xd2: {  	v13 =	vld [tilespmem:$0x1FF40]  }
0xd3: {  	[tilespmem:$0x1FF00] =	vst v2;
	v2 =	vld [tilespmem:s30+$0x60]  }
0xd4: {  	v61 =	vld [tilespmem:$0x1FFA0];
	v7 =	vadd.f32 v26, v7  }
0xd5: {  	v14 =	vld [tilespmem:s30+$0x70]  }
0xd6: {  	v12 =	vld [tilespmem:s23+$0x30];
	v7 =	vadd.f32 v9, v7;
	v9 =	vadd.f32 v35, v50  }
0xd7: {  	v6 =	vld [tilespmem:s23+$0x70];
	v13 =	vadd.f32 v27, v13  }
0xd8: {  	v63 =	vld [tilespmem:s23+$0x40];
	v2 =	vadd.f32 v2, v60;
	v0 =	vadd.f32 v0, v9  }
0xd9: {  	v58 =	vld [tilespmem:s28+$0x60];
	[tilespmem:$0x1FF30] =	vst v7;
	v7 =	vadd.f32 v11, v13  }
0xda: {  	s31 =	sor.u32 s20, s26;
	v31 =	vld [tilespmem:s30+$0x20];
	v11 =	vadd.f32 v14, v61;
	[tilespmem:$0x1FF80] =	vst v0;
	v0 =	vadd.f32 v5, v2  }
0xdb: {  	[tilespmem:$0x1FE90] =	vst v51;
	v51 =	vld [tilespmem:s31+$0x30]  }
0xdc: {  	v15 =	vld [tilespmem:$0x1FF50];
	[tilespmem:$0x1FF90] =	vst v0;
	v0 =	vadd.f32 v6, v11  }
0xdd: {  	v16 =	vld [tilespmem:s31+$0x0]  }
0xde: {  	[tilespmem:$0x1FFA0] =	vst v0;
	v0 =	vld [tilespmem:$0x1FFB0]  }
0xdf: {  	v17 =	vld [tilespmem:s31+$0x10]  }
0xe0: {  	v2 =	vld [tilespmem:$0x1FFC0]  }
0xe1: {  	[tilespmem:$0x1FF40] =	vst v7;
	v7 =	vld [tilespmem:s31+$0x20]  }
0xe2: {  	v5 =	vld [tilespmem:$0x1FFD0]  }
0xe3: {  	v18 =	vld [tilespmem:s30+$0x30];
	v0 =	vadd.f32 v16, v0  }
0xe4: {  	[tilespmem:$0x1FEB0] =	vst v8;
	v8 =	vadd.f32 v31, v15;
	v6 =	vld [tilespmem:$0x1FFE0]  }
0xe5: {  	v15 =	vld [tilespmem:$0x1FF60];
	v2 =	vadd.f32 v17, v2;
	v0 =	vadd.f32 v3, v0  }
0xe6: {  	v59 =	vld [tilespmem:s28+$0x70]  }
0xe7: {  	v55 =	vld [tilespmem:s19+$0x20];
	v5 =	vadd.f32 v7, v5;
	[tilespmem:$0x1FFB0] =	vst v0;
	v0 =	vadd.f32 v29, v2  }
0xe8: {  	v41 =	vld [tilespmem:s19+$0x30]  }
0xe9: {  	v40 =	vld [tilespmem:s19+$0x40];
	v6 =	vadd.f32 v51, v6;
	[tilespmem:$0x1FFC0] =	vst v0;
	v0 =	vadd.f32 v28, v5  }
0xea: {  	v4 =	vld [tilespmem:s19+$0x50];
	v15 =	vadd.f32 v18, v15  }
0xeb: {  	v34 =	vld [tilespmem:s30+$0x40];
	[tilespmem:$0x1FFD0] =	vst v0;
	v0 =	vadd.f32 v56, v6  }
0xec: {  	v42 =	vadd.f32 v12, v15;
	v12 =	vld [tilespmem:s31+$0x40]  }
0xed: {  	[tilespmem:$0x1FFE0] =	vst v0;
	v0 =	vld [tilespmem:$0x1FDB0]  }
0xee: {  	v43 =	vld [tilespmem:$0x1FF70]  }
0xef: {  	v62 =	vld [tilespmem:$0x1FDA0]  }
0xf0: {  	[tilespmem:$0x1FEA0] =	vst v57;
	v57 =	vld [tilespmem:s31+$0x70]  }
0xf1: {  	v8 =	vadd.f32 v10, v8;
	v13 =	vld [tilespmem:s31+$0x50]  }
0xf2: {  	p0 =	slt.u32 s17, $0x1E;
	s21 =	sor.u32 s20, s22;
	v56 =	vadd.f32 v12, v0;
	v0 =	vld [tilespmem:$0x1FDC0]  }
.Ltmp0:
0xf3: {  	[tilespmem:$0x1FF50] =	vst v8;
	v8 =	vadd.f32 v34, v43;
	v43 =	vld [tilespmem:s21+$0x30];
	(pc) =	sbr.rel @p0 .LBB2_2-.Ltmp0, $4  }
0xf4: {  	[tilespmem:$0x1FF60] =	vst v42;
	v42 =	vld [tilespmem:s31+$0x60]  }
0xf5: {  	v8 =	vadd.f32 v63, v8;
	v14 =	vld [tilespmem:s21+$0x0]  }
0xf6: {  	[tilespmem:$0x1FEC0] =	vst v30;
	v17 =	vld [tilespmem:s21+$0x20]  }
0xf7: {  	[tilespmem:$0x1FF70] =	vst v8;
	v16 =	vld [tilespmem:s21+$0x10];
	v60 =	vadd.f32 v13, v0  }
0xf8: {  	v2 =	vld [tilespmem:s21+$0x40]  }
0xf9: {  	v18 =	vld [tilespmem:s21+$0x50]  }
0xfa: {  	v19 =	vld [tilespmem:s21+$0x60]  }
0xfb: {  	v20 =	vld [tilespmem:s21+$0x70];
	s18 =	simm.s32 $0x0  }
0xfc: {  	v21 =	vld [tilespmem:s19+$0x60];
	s17 =	simm.s32 $0x0;
	s18 =	smul.u32 $0x6000, s18  }
0xfd: {  	v22 =	vld [tilespmem:s19+$0x70];
	v61 =	vadd.f32 v57, v1;
	v1 =	vadd.f32 v52, v56;
	[tilespmem:s17], [sflag:$0x1] =	stream.linear.gather [hbm4b:s5+s17], $0x6000, $0x38  }
0xfe: {  	v52 =	vadd.f32 v43, v46;
	v42 =	vadd.f32 v42, v62;
	_ =	swait.ge [sflag:s11], $0x6000  }
0xff: {  	s19 =	sand.u32 $0x300, s17;
	v57 =	vadd.f32 v53, v60;
	s18 =	sshra.s32 s18, $0x2;
	v46 =	vld [tilespmem:$0x1FFF0]  }
0x100: {  	s25 =	sor.u32 $0x80, s19;
	[sflag:s11] =	ssyncset.done $0x0;
	v53 =	vadd.f32 v58, v42;
	v42 =	vadd.f32 v41, v52;
	v41 =	vld [tilespmem:$0x1FDE0];
	s24 =	sadd.s32 $0x6000, s18  }
0x101: {  	[sflag:s11] =	ssyncadd.s32 $0xFFFFA000;
	s20 =	sor.u32 s25, s24;
	v19 =	vadd.f32 v19, v38;
	v38 =	vld [tilespmem:$0x1FE60]  }
0x102: {  	v23 =	vld [tilespmem:s20+$0x0]  }
0x103: {  	v24 =	vld [tilespmem:s20+$0x10]  }
0x104: {  	v25 =	vld [tilespmem:s20+$0x20]  }
0x105: {  	v26 =	vld [tilespmem:s20+$0x30]  }
0x106: {  	v27 =	vld [tilespmem:s20+$0x40]  }
0x107: {  	v30 =	vld [tilespmem:s20+$0x50]  }
0x108: {  	v31 =	vld [tilespmem:s20+$0x60]  }
0x109: {  	v32 =	vld [tilespmem:s20+$0x70]  }
0x10a: {  	v35 =	vld [tilespmem:s20+$0x420]  }
0x10b: {  	v14 =	vadd.f32 v14, v47;
	s24 =	sor.u32 s19, s24;
	v5 =	vld [tilespmem:s20+$0x430]  }
0x10c: {  	v43 =	vld [tilespmem:s24+$0x0]  }
0x10d: {  	v58 =	vadd.f32 v49, v14;
	v14 =	vld [tilespmem:s24+$0x10]  }
0x10e: {  	v17 =	vadd.f32 v17, v45;
	v45 =	vld [tilespmem:s24+$0x20]  }
0x10f: {  	v16 =	vadd.f32 v16, v48;
	v48 =	vld [tilespmem:s24+$0x30]  }
0x110: {  	v49 =	vld [tilespmem:s24+$0x40]  }
0x111: {  	v47 =	vadd.f32 v18, v44;
	v20 =	vadd.f32 v20, v39;
	v39 =	vld [tilespmem:s24+$0x70]  }
0x112: {  	v56 =	vadd.f32 v59, v61;
	[tilespmem:$0x1FAA0] =	vst v42;
	v59 =	vadd.f32 v54, v16;
	v42 =	vld [tilespmem:s24+$0x400]  }
0x113: {  	v54 =	vadd.f32 v4, v47;
	v47 =	vld [tilespmem:$0x1FE00];
	v2 =	vadd.f32 v2, v46  }
0x114: {  	v18 =	vadd.f32 v48, v41;
	v48 =	vld [tilespmem:s24+$0x430]  }
0x115: {  	v4 =	vadd.f32 v22, v20;
	v52 =	vadd.f32 v40, v2;
	v40 =	vld [tilespmem:$0x1FDD0]  }
0x116: {  	v46 =	vld [tilespmem:$0x1FDF0];
	v36 =	vadd.f32 v43, v36;
	v14 =	vadd.f32 v14, v37  }
0x117: {  	v55 =	vadd.f32 v55, v17;
	[tilespmem:$0x1FAB0] =	vst v4;
	v4 =	vld [tilespmem:s24+$0x60]  }
0x118: {  	v2 =	vld [tilespmem:s24+$0x50];
	v17 =	vadd.f32 v23, v36;
	v14 =	vadd.f32 v24, v14  }
0x119: {  	v44 =	vadd.f32 v26, v18;
	v24 =	vld [tilespmem:$0x1FE20];
	v18 =	vadd.f32 v48, v38  }
0x11a: {  	v26 =	vld [tilespmem:$0x1FE30];
	v16 =	vadd.f32 v45, v40  }
0x11b: {  	[tilespmem:$0x1FAC0] =	vst v17;
	v17 =	vadd.f32 v49, v46;
	v49 =	vld [tilespmem:$0x1FE10];
	v5 =	vadd.f32 v5, v18  }
0x11c: {  	v16 =	vadd.f32 v25, v16;
	v25 =	vld [tilespmem:s24+$0x440]  }
0x11d: {  	v2 =	vadd.f32 v2, v47;
	[tilespmem:$0x1FB70] =	vst v5;
	v5 =	vld [tilespmem:$0x1FE70]  }
0x11e: {  	v8 =	vld [tilespmem:s20+$0x440];
	v17 =	vadd.f32 v27, v17  }
0x11f: {  	v51 =	vld [tilespmem:s20+$0x450];
	[tilespmem:$0x1FA90] =	vst v55;
	v2 =	vadd.f32 v30, v2  }
0x120: {  	v7 =	vld [tilespmem:s20+$0x460];
	v55 =	vadd.f32 v21, v19;
	[tilespmem:$0x1FB00] =	vst v17;
	v4 =	vadd.f32 v4, v49  }
0x121: {  	v19 =	vadd.f32 v39, v24;
	[tilespmem:$0x1FB10] =	vst v2;
	v2 =	vld [tilespmem:s24+$0x450];
	v17 =	vadd.f32 v42, v26  }
0x122: {  	s23 =	sadd.s32 $0x6800, s18;
	v4 =	vadd.f32 v31, v4;
	v42 =	vadd.f32 v25, v5;
	v5 =	vld [tilespmem:$0x1FE80]  }
0x123: {  	s28 =	sor.u32 s25, s23;
	v6 =	vld [tilespmem:s20+$0x470]  }
0x124: {  	v9 =	vld [tilespmem:s28+$0x0];
	[tilespmem:$0x1FB20] =	vst v4;
	v4 =	vadd.f32 v32, v19  }
0x125: {  	v0 =	vld [tilespmem:s28+$0x40]  }
0x126: {  	[tilespmem:$0x1FB30] =	vst v4;
	v4 =	vld [tilespmem:s24+$0x460]  }
0x127: {  	v2 =	vadd.f32 v2, v5;
	v5 =	vld [tilespmem:$0x1FE90]  }
0x128: {  	v43 =	vld [tilespmem:s24+$0x410]  }
0x129: {  	v37 =	vld [tilespmem:$0x1FE50]  }
0x12a: {  	v36 =	vld [tilespmem:s24+$0x470]  }
0x12b: {  	v45 =	vld [tilespmem:s24+$0x420]  }
0x12c: {  	v4 =	vadd.f32 v4, v5;
	v5 =	vld [tilespmem:$0x1FEA0]  }
0x12d: {  	s23 =	sor.u32 s19, s23;
	v32 =	vld [tilespmem:$0x1FE40]  }
0x12e: {  	v41 =	vld [tilespmem:s23+$0x20]  }
0x12f: {  	v40 =	vld [tilespmem:s23+$0x10]  }
0x130: {  	[tilespmem:$0x1FAE0] =	vst v16;
	v16 =	vadd.f32 v45, v37;
	v4 =	vadd.f32 v7, v4;
	v7 =	vld [tilespmem:$0x1FED0]  }
0x131: {  	v39 =	vld [tilespmem:s23+$0x0];
	v19 =	vadd.f32 v36, v5;
	v5 =	vadd.f32 v8, v42  }
0x132: {  	[tilespmem:$0x1FAD0] =	vst v14;
	v14 =	vadd.f32 v43, v32;
	v43 =	vld [tilespmem:s23+$0x30]  }
0x133: {  	v16 =	vadd.f32 v35, v16;
	[tilespmem:$0x1FB80] =	vst v5;
	v5 =	vld [tilespmem:$0x1FEB0]  }
0x134: {  	[tilespmem:$0x1FBA0] =	vst v4;
	v4 =	vadd.f32 v6, v19;
	v6 =	vld [tilespmem:$0x1FEC0]  }
0x135: {  	[tilespmem:$0x1FB60] =	vst v16;
	v16 =	vadd.f32 v41, v7;
	v7 =	vld [tilespmem:$0x1FEE0]  }
0x136: {  	v10 =	vld [tilespmem:s28+$0x10]  }
0x137: {  	v11 =	vld [tilespmem:s28+$0x20]  }
0x138: {  	[tilespmem:$0x1FC00] =	vst v0;
	v0 =	vld [tilespmem:s28+$0x50];
	v5 =	vadd.f32 v39, v5  }
0x139: {  	[tilespmem:$0x1FAF0] =	vst v44;
	v44 =	vld [tilespmem:s23+$0x40];
	v6 =	vadd.f32 v40, v6  }
0x13a: {  	v46 =	vadd.f32 v43, v7;
	v7 =	vld [tilespmem:$0x1FEF0];
	v5 =	vadd.f32 v9, v5;
	_ =	sdelay $0x1  }
0x13b: {  	s22 =	sadd.s32 $0x6C00, s18;
	[tilespmem:$0x1FBC0] =	vst v5;
	v5 =	vadd.f32 v10, v6;
	v6 =	vadd.f32 v11, v16;
	v11 =	vld [tilespmem:$0x1FC00]  }
0x13c: {  	s29 =	sor.u32 s25, s22;
	v13 =	vld [tilespmem:s28+$0x60];
	v2 =	vadd.f32 v51, v2  }
0x13d: {  	[tilespmem:$0x1FC20] =	vst v0;
	v0 =	vld [tilespmem:s29+$0x0]  }
0x13e: {  	[tilespmem:$0x1FB90] =	vst v2;
	v2 =	vld [tilespmem:s23+$0x50];
	v7 =	vadd.f32 v44, v7  }
0x13f: {  	v8 =	vld [tilespmem:$0x1FF00]  }
0x140: {  	[tilespmem:$0x1FBB0] =	vst v4;
	v4 =	vld [tilespmem:s23+$0x60];
	v7 =	vadd.f32 v11, v7  }
0x141: {  	v9 =	vld [tilespmem:$0x1FF10]  }
0x142: {  	s22 =	sor.u32 s19, s22;
	[tilespmem:$0x1FC10] =	vst v7;
	v7 =	vld [tilespmem:$0x1FC20]  }
0x143: {  	v47 =	vld [tilespmem:s22+$0x0]  }
0x144: {  	v45 =	vld [tilespmem:s23+$0x70]  }
0x145: {  	[tilespmem:$0x1FC60] =	vst v0;
	v0 =	vld [tilespmem:s29+$0x10];
	v2 =	vadd.f32 v2, v8  }
0x146: {  	v4 =	vadd.f32 v4, v9;
	v9 =	vld [tilespmem:$0x1FF20]  }
0x147: {  	v2 =	vadd.f32 v7, v2;
	v7 =	vld [tilespmem:$0x1FF30]  }
0x148: {  	v15 =	vld [tilespmem:s28+$0x70]  }
0x149: {  	v48 =	vld [tilespmem:$0x1FC60];
	_ =	sdelay $0x1  }
0x14a: {  	v12 =	vld [tilespmem:s28+$0x30];
	v4 =	vadd.f32 v13, v4  }
0x14b: {  	[tilespmem:$0x1FC80] =	vst v0;
	v0 =	vld [tilespmem:s29+$0x20];
	v9 =	vadd.f32 v45, v9;
	v7 =	vadd.f32 v47, v7  }
0x14c: {  	[tilespmem:$0x1FBD0] =	vst v5;
	v5 =	vld [tilespmem:s22+$0x10]  }
0x14d: {  	[tilespmem:$0x1FC40] =	vst v4;
	v4 =	vadd.f32 v15, v9;
	v9 =	vld [tilespmem:$0x1FF40];
	v7 =	vadd.f32 v48, v7  }
0x14e: {  	[tilespmem:$0x1FBE0] =	vst v6  }
0x14f: {  	v6 =	vadd.f32 v12, v46;
	[tilespmem:$0x1FC70] =	vst v7;
	v7 =	vld [tilespmem:$0x1FC80]  }
0x150: {  	[tilespmem:$0x1FCA0] =	vst v0;
	v0 =	vld [tilespmem:s29+$0x30]  }
0x151: {  	[tilespmem:$0x1FBF0] =	vst v6;
	v6 =	vld [tilespmem:s22+$0x20]  }
0x152: {  	v11 =	vld [tilespmem:$0x1FF50];
	v5 =	vadd.f32 v5, v9;
	_ =	sdelay $0x1  }
0x153: {  	v5 =	vadd.f32 v7, v5;
	v7 =	vld [tilespmem:$0x1FCA0];
	_ =	sdelay $0x1  }
0x154: {  	[tilespmem:$0x1FCC0] =	vst v0;
	v0 =	vld [tilespmem:s29+$0x40]  }
0x155: {  	v8 =	vld [tilespmem:s22+$0x30];
	v6 =	vadd.f32 v6, v11  }
0x156: {  	v10 =	vld [tilespmem:s22+$0x40]  }
0x157: {  	v11 =	vld [tilespmem:$0x1FF60];
	v6 =	vadd.f32 v7, v6  }
0x158: {  	v7 =	vld [tilespmem:$0x1FF70]  }
0x159: {  	[tilespmem:$0x1FCB0] =	vst v6;
	v6 =	vld [tilespmem:$0x1FCC0];
	_ =	sdelay $0x2  }
0x15a: {  	v34 =	vld [tilespmem:s20+$0x410];
	v8 =	vadd.f32 v8, v11  }
0x15b: {  	[tilespmem:$0x1FCE0] =	vst v0;
	v0 =	vld [tilespmem:s29+$0x50]  }
0x15c: {  	v6 =	vadd.f32 v6, v8;
	v8 =	vadd.f32 v10, v7;
	v10 =	vld [tilespmem:$0x1FCE0];
	_ =	sdelay $0x1  }
0x15d: {  	[tilespmem:$0x1FC30] =	vst v2;
	v2 =	vld [tilespmem:s22+$0x50]  }
0x15e: {  	v7 =	vld [tilespmem:$0x1FF80]  }
0x15f: {  	[tilespmem:$0x1FCF0] =	vst v0;
	v0 =	vld [tilespmem:s29+$0x60]  }
0x160: {  	v14 =	vadd.f32 v34, v14;
	v34 =	vadd.f32 v10, v8;
	v8 =	vld [tilespmem:$0x1FCF0];
	_ =	sdelay $0x1  }
0x161: {  	[tilespmem:$0x1FC50] =	vst v4;
	v4 =	vld [tilespmem:s22+$0x60]  }
0x162: {  	v2 =	vadd.f32 v2, v7;
	v7 =	vld [tilespmem:$0x1FF90]  }
0x163: {  	[tilespmem:$0x1FD00] =	vst v0  }
0x164: {  	v35 =	vadd.f32 v8, v2;
	v2 =	vld [tilespmem:$0x1FD00]  }
0x165: {  	v0 =	vld [tilespmem:s29+$0x70];
	_ =	sdelay $0x1  }
0x166: {  	v4 =	vadd.f32 v4, v7  }
0x167: {  	s30 =	sadd.s32 $0x7000, s18;
	v9 =	vld [tilespmem:s22+$0x70]  }
0x168: {  	s26 =	sor.u32 s25, s30;
	v7 =	vld [tilespmem:$0x1FFA0];
	v2 =	vadd.f32 v2, v4  }
0x169: {  	[tilespmem:$0x1FD20] =	vst v0;
	v0 =	vld [tilespmem:s26+$0x0]  }
0x16a: {  	[tilespmem:$0x1FD10] =	vst v2;
	v2 =	vld [tilespmem:$0x1FD20]  }
0x16b: {  	v33 =	vld [tilespmem:s20+$0x400]  }
0x16c: {  	v50 =	vld [tilespmem:s26+$0x40]  }
0x16d: {  	v3 =	vld [tilespmem:s26+$0x50];
	v9 =	vadd.f32 v9, v7  }
0x16e: {  	v28 =	vld [tilespmem:s26+$0x60]  }
0x16f: {  	s21 =	sor.u32 s19, s30;
	[tilespmem:$0x1FD40] =	vst v0;
	v0 =	vld [tilespmem:s26+$0x10];
	v2 =	vadd.f32 v2, v9  }
0x170: {  	v11 =	vld [tilespmem:s21+$0x0]  }
0x171: {  	[tilespmem:$0x1FD30] =	vst v2;
	v2 =	vld [tilespmem:$0x1FFB0]  }
0x172: {  	s31 =	sadd.s32 $0x7400, s18;
	v29 =	vld [tilespmem:s26+$0x70]  }
0x173: {  	s18 =	sor.u32 s25, s31;
	v51 =	vld [tilespmem:$0x1FD40]  }
0x174: {  	v63 =	vld [tilespmem:s18+$0x0]  }
0x175: {  	v62 =	vld [tilespmem:s18+$0x20]  }
0x176: {  	[tilespmem:$0x1FD60] =	vst v0;
	v0 =	vld [tilespmem:s26+$0x20];
	v2 =	vadd.f32 v11, v2  }
0x177: {  	[tilespmem:$0x1FC90] =	vst v5;
	v5 =	vld [tilespmem:s21+$0x10]  }
0x178: {  	v4 =	vld [tilespmem:$0x1FFC0];
	v2 =	vadd.f32 v51, v2  }
0x179: {  	[tilespmem:$0x1FA80] =	vst v1;
	v1 =	vld [tilespmem:s18+$0x30]  }
0x17a: {  	[tilespmem:$0x1FD50] =	vst v2;
	v2 =	vld [tilespmem:$0x1FD60]  }
0x17b: {  	v60 =	vld [tilespmem:s18+$0x40]  }
0x17c: {  	v61 =	vld [tilespmem:s18+$0x50]  }
0x17d: {  	[tilespmem:$0x1FD80] =	vst v0;
	v0 =	vld [tilespmem:s26+$0x30];
	v5 =	vadd.f32 v5, v4  }
0x17e: {  	[tilespmem:$0x1FCD0] =	vst v6;
	v6 =	vld [tilespmem:s21+$0x20]  }
0x17f: {  	v4 =	vld [tilespmem:$0x1FFD0];
	v2 =	vadd.f32 v2, v5  }
0x180: {  	v49 =	vld [tilespmem:s21+$0x30]  }
0x181: {  	[tilespmem:$0x1FD70] =	vst v2;
	v2 =	vld [tilespmem:$0x1FD80]  }
0x182: {  	[tilespmem:$0x1FD90] =	vst v0;
	v0 =	vld [tilespmem:s18+$0x10]  }
0x183: {  	v10 =	vld [tilespmem:s21+$0x70]  }
0x184: {  	v6 =	vadd.f32 v6, v4;
	v4 =	vld [tilespmem:$0x1FFE0]  }
0x185: {  	v8 =	vld [tilespmem:s21+$0x50]  }
0x186: {  	v32 =	vadd.f32 v2, v6;
	v2 =	vld [tilespmem:$0x1FD90]  }
0x187: {  	v7 =	vld [tilespmem:s21+$0x40]  }
0x188: {  	v17 =	vadd.f32 v33, v17;
	s22 =	sor.u32 s19, s31;
	v9 =	vld [tilespmem:s21+$0x60]  }
0x189: {  	v11 =	vadd.f32 v49, v4;
	v4 =	vld [tilespmem:s22+$0x0]  }
0x18a: {  	[tilespmem:$0x1FB40] =	vst v17;
	v5 =	vld [tilespmem:s22+$0x10]  }
0x18b: {  	[tilespmem:$0x1FB50] =	vst v14;
	s19 =	simm.s32 $0x0;
	v6 =	vld [tilespmem:s22+$0x20];
	v33 =	vadd.f32 v2, v11  }
.LBB2_4:
0x18c: {  	v2 =	vld [tilespmem:$0x1FA80]  }
0x18d: {  	s19 =	sadd.s32 $0x2, s19  }
0x18e: {  	v11 =	vld [tilespmem:s22+$0x40];
	s20 =	sshrl.u32 s19, $0x3  }
0x18f: {  	v12 =	vld [tilespmem:s22+$0x50];
	s21 =	smul.u32 $0x6000, s20  }
0x190: {  	s17 =	sadd.s32 $0x100, s17;
	v48 =	vld [tilespmem:$0x1FAC0]  }
0x191: {  	v49 =	vld [tilespmem:$0x1FAE0];
	s20 =	sand.u32 $0x300, s17;
	s21 =	sshra.s32 s21, $0x2;
	v2 =	vadd.f32 v7, v2;
	v7 =	vadd.f32 v8, v57  }
0x192: {  	s26 =	sor.u32 $0x80, s20;
	v8 =	vld [tilespmem:s22+$0x30];
	s25 =	sadd.s32 $0x6000, s21  }
0x193: {  	s23 =	sor.u32 s26, s25;
	v57 =	vadd.f32 v3, v7;
	v7 =	vld [tilespmem:$0x1FA90]  }
0x194: {  	v26 =	vld [tilespmem:s23+$0x0]  }
0x195: {  	v37 =	vld [tilespmem:s23+$0x10]  }
0x196: {  	v40 =	vld [tilespmem:s23+$0x20]  }
0x197: {  	v9 =	vadd.f32 v9, v53;
	v41 =	vld [tilespmem:s23+$0x30]  }
0x198: {  	v10 =	vadd.f32 v10, v56;
	v27 =	vld [tilespmem:s23+$0x40]  }
0x199: {  	v3 =	vadd.f32 v28, v9;
	v6 =	vadd.f32 v6, v7;
	v7 =	vld [tilespmem:$0x1FAA0]  }
0x19a: {  	v38 =	vld [tilespmem:s23+$0x50]  }
0x19b: {  	v36 =	vld [tilespmem:s23+$0x60];
	[tilespmem:$0x1FA50] =	vst v3;
	v3 =	vadd.f32 v29, v10  }
0x19c: {  	v2 =	vadd.f32 v50, v2;
	v39 =	vld [tilespmem:s23+$0x70]  }
0x19d: {  	v22 =	vld [tilespmem:s23+$0x400];
	[tilespmem:$0x1FA40] =	vst v3;
	v3 =	vadd.f32 v4, v58  }
0x19e: {  	[tilespmem:$0x1FA80] =	vst v2;
	v2 =	vld [tilespmem:s22+$0x60];
	v7 =	vadd.f32 v8, v7  }
0x19f: {  	v24 =	vld [tilespmem:s23+$0x410];
	v58 =	vadd.f32 v63, v3;
	v3 =	vadd.f32 v62, v6  }
0x1a0: {  	v23 =	vld [tilespmem:s23+$0x420];
	v1 =	vadd.f32 v1, v7  }
0x1a1: {  	[tilespmem:$0x1FA90] =	vst v3;
	v8 =	vld [tilespmem:s18+$0x60]  }
0x1a2: {  	v25 =	vld [tilespmem:s23+$0x430];
	v3 =	vadd.f32 v12, v54;
	[tilespmem:$0x1FAA0] =	vst v1;
	v1 =	vadd.f32 v11, v52  }
0x1a3: {  	v18 =	vld [tilespmem:s23+$0x440];
	v2 =	vadd.f32 v2, v55  }
0x1a4: {  	v19 =	vld [tilespmem:s23+$0x450];
	v56 =	vadd.f32 v60, v1;
	v1 =	vadd.f32 v61, v3  }
0x1a5: {  	s25 =	sor.u32 s20, s25;
	v20 =	vld [tilespmem:s23+$0x460]  }
0x1a6: {  	[tilespmem:$0x1FA60] =	vst v1;
	v1 =	vadd.f32 v8, v2;
	v2 =	vld [tilespmem:s25+$0x0]  }
0x1a7: {  	v43 =	vld [tilespmem:s25+$0x20]  }
0x1a8: {  	v21 =	vld [tilespmem:s23+$0x470]  }
0x1a9: {  	v42 =	vld [tilespmem:s25+$0x10]  }
0x1aa: {  	v44 =	vld [tilespmem:s25+$0x30]  }
0x1ab: {  	s24 =	sadd.s32 $0x6800, s21;
	v2 =	vadd.f32 v2, v48;
	v48 =	vld [tilespmem:$0x1FAD0]  }
0x1ac: {  	s28 =	sor.u32 s26, s24;
	v43 =	vadd.f32 v43, v49;
	v49 =	vld [tilespmem:$0x1FAF0]  }
0x1ad: {  	v14 =	vld [tilespmem:s28+$0x0]  }
0x1ae: {  	v16 =	vld [tilespmem:s28+$0x10]  }
0x1af: {  	v15 =	vld [tilespmem:s28+$0x20]  }
0x1b0: {  	v17 =	vld [tilespmem:s28+$0x30];
	v2 =	vadd.f32 v26, v2;
	v42 =	vadd.f32 v42, v48  }
0x1b1: {  	v13 =	vld [tilespmem:s28+$0x70];
	v44 =	vadd.f32 v44, v49  }
0x1b2: {  	s30 =	sadd.s32 $0x7000, s21;
	v45 =	vld [tilespmem:s25+$0x40];
	[tilespmem:$0x1FAC0] =	vst v2;
	v2 =	vadd.f32 v37, v42  }
0x1b3: {  	s31 =	sor.u32 s26, s30;
	v42 =	vadd.f32 v40, v43;
	v43 =	vadd.f32 v41, v44;
	v44 =	vld [tilespmem:$0x1FB00]  }
0x1b4: {  	v30 =	vld [tilespmem:s31+$0x0]  }
0x1b5: {  	v31 =	vld [tilespmem:s31+$0x20]  }
0x1b6: {  	v50 =	vld [tilespmem:s31+$0x40]  }
0x1b7: {  	v46 =	vld [tilespmem:s25+$0x50]  }
0x1b8: {  	v26 =	vadd.f32 v45, v44;
	v45 =	vld [tilespmem:$0x1FB10]  }
0x1b9: {  	v28 =	vld [tilespmem:s31+$0x60]  }
0x1ba: {  	v47 =	vld [tilespmem:s25+$0x60]  }
0x1bb: {  	v51 =	vld [tilespmem:s25+$0x410]  }
0x1bc: {  	s23 =	sadd.s32 $0x6C00, s21;
	v10 =	vld [tilespmem:s28+$0x40]  }
0x1bd: {  	s29 =	sor.u32 s26, s23;
	v37 =	vadd.f32 v46, v45;
	v46 =	vld [tilespmem:$0x1FB20]  }
0x1be: {  	v9 =	vld [tilespmem:s29+$0x30]  }
0x1bf: {  	v53 =	vld [tilespmem:s29+$0x50]  }
0x1c0: {  	v29 =	vld [tilespmem:s31+$0x70]  }
0x1c1: {  	v48 =	vld [tilespmem:s25+$0x70]  }
0x1c2: {  	v4 =	vadd.f32 v5, v59;
	v41 =	vadd.f32 v47, v46;
	v47 =	vld [tilespmem:$0x1FB30]  }
0x1c3: {  	v5 =	vld [tilespmem:s22+$0x70]  }
0x1c4: {  	v59 =	vadd.f32 v0, v4;
	v0 =	vld [tilespmem:s18+$0x70]  }
0x1c5: {  	v4 =	vld [tilespmem:$0x1FAB0]  }
0x1c6: {  	v6 =	vld [tilespmem:s29+$0x0];
	v26 =	vadd.f32 v27, v26  }
0x1c7: {  	v55 =	vld [tilespmem:s31+$0x30];
	[tilespmem:$0x1FAE0] =	vst v42;
	v27 =	vadd.f32 v36, v41;
	v42 =	vadd.f32 v48, v47  }
0x1c8: {  	v12 =	vld [tilespmem:s28+$0x60]  }
0x1c9: {  	v54 =	vld [tilespmem:s31+$0x10];
	[tilespmem:$0x1FB20] =	vst v27;
	v27 =	vadd.f32 v39, v42  }
0x1ca: {  	v49 =	vld [tilespmem:s25+$0x400]  }
0x1cb: {  	[tilespmem:$0x1FB30] =	vst v27;
	v27 =	vld [tilespmem:$0x1FB40]  }
0x1cc: {  	[tilespmem:$0x1FAD0] =	vst v2;
	v2 =	vld [tilespmem:s25+$0x420]  }
0x1cd: {  	v41 =	vld [tilespmem:$0x1FB60]  }
0x1ce: {  	v40 =	vld [tilespmem:s25+$0x430]  }
0x1cf: {  	v42 =	vld [tilespmem:$0x1FB70]  }
0x1d0: {  	s21 =	sadd.s32 $0x7400, s21;
	v27 =	vadd.f32 v49, v27;
	v49 =	vld [tilespmem:$0x1FB50]  }
0x1d1: {  	s18 =	sor.u32 s26, s21;
	v4 =	vadd.f32 v5, v4;
	v5 =	vld [tilespmem:s29+$0x70]  }
0x1d2: {  	v63 =	vld [tilespmem:s18+$0x0];
	v2 =	vadd.f32 v2, v41  }
0x1d3: {  	v62 =	vld [tilespmem:s18+$0x20];
	v48 =	vadd.f32 v38, v37  }
0x1d4: {  	v44 =	vld [tilespmem:s25+$0x450];
	v2 =	vadd.f32 v23, v2;
	v38 =	vadd.f32 v40, v42  }
0x1d5: {  	v36 =	vadd.f32 v51, v49;
	v49 =	vld [tilespmem:$0x1FB90]  }
0x1d6: {  	v7 =	vld [tilespmem:s29+$0x20];
	[tilespmem:$0x1FB60] =	vst v2;
	v2 =	vadd.f32 v25, v38  }
0x1d7: {  	[tilespmem:$0x1FAF0] =	vst v43;
	v43 =	vld [tilespmem:s25+$0x440]  }
0x1d8: {  	s24 =	sor.u32 s20, s24;
	[tilespmem:$0x1FB70] =	vst v2;
	v2 =	vld [tilespmem:$0x1FB80]  }
0x1d9: {  	v45 =	vld [tilespmem:s24+$0x0]  }
0x1da: {  	v23 =	vadd.f32 v44, v49;
	v44 =	vld [tilespmem:$0x1FBC0]  }
0x1db: {  	[tilespmem:$0x1FB00] =	vst v26;
	v26 =	vld [tilespmem:s25+$0x460]  }
0x1dc: {  	v46 =	vld [tilespmem:s24+$0x10]  }
0x1dd: {  	v37 =	vld [tilespmem:s25+$0x470];
	v2 =	vadd.f32 v43, v2  }
0x1de: {  	v47 =	vadd.f32 v24, v36;
	v36 =	vld [tilespmem:$0x1FBA0]  }
0x1df: {  	v2 =	vadd.f32 v18, v2;
	v18 =	vadd.f32 v45, v44;
	v45 =	vld [tilespmem:$0x1FBD0]  }
0x1e0: {  	v41 =	vld [tilespmem:s24+$0x50]  }
0x1e1: {  	v39 =	vld [tilespmem:$0x1FC30]  }
0x1e2: {  	[tilespmem:$0x1FB10] =	vst v48;
	v48 =	vld [tilespmem:s24+$0x20]  }
0x1e3: {  	v38 =	vld [tilespmem:$0x1FBB0];
	[tilespmem:$0x1FB80] =	vst v2;
	v25 =	vadd.f32 v26, v36;
	v2 =	vadd.f32 v19, v23  }
0x1e4: {  	[tilespmem:$0x1FB50] =	vst v47;
	v47 =	vld [tilespmem:$0x1FBE0];
	v19 =	vadd.f32 v46, v45  }
0x1e5: {  	[tilespmem:$0x1FB90] =	vst v2;
	v2 =	vld [tilespmem:s24+$0x60];
	v42 =	vadd.f32 v20, v25  }
0x1e6: {  	v25 =	vadd.f32 v16, v19;
	v16 =	vadd.f32 v41, v39;
	v41 =	vld [tilespmem:$0x1FC40]  }
0x1e7: {  	[tilespmem:$0x1FBA0] =	vst v42;
	v42 =	vld [tilespmem:$0x1FC50]  }
0x1e8: {  	v46 =	vld [tilespmem:s24+$0x70]  }
0x1e9: {  	v0 =	vadd.f32 v0, v4;
	v4 =	vld [tilespmem:s29+$0x60];
	v26 =	vadd.f32 v37, v38  }
0x1ea: {  	v11 =	vld [tilespmem:s28+$0x50];
	v22 =	vadd.f32 v22, v27  }
0x1eb: {  	v27 =	vld [tilespmem:s24+$0x40];
	v43 =	vadd.f32 v21, v26;
	v2 =	vadd.f32 v2, v41  }
0x1ec: {  	v38 =	vld [tilespmem:$0x1FC10];
	v21 =	vadd.f32 v48, v47;
	v14 =	vadd.f32 v14, v18  }
0x1ed: {  	s23 =	sor.u32 s20, s23;
	v52 =	vld [tilespmem:s29+$0x40];
	v18 =	vadd.f32 v46, v42;
	v2 =	vadd.f32 v12, v2  }
0x1ee: {  	v49 =	vld [tilespmem:s23+$0x0];
	v15 =	vadd.f32 v15, v21  }
0x1ef: {  	v26 =	vld [tilespmem:s23+$0x20];
	[tilespmem:$0x1FC40] =	vst v2;
	v2 =	vadd.f32 v13, v18  }
0x1f0: {  	[tilespmem:$0x1FBE0] =	vst v15;
	v46 =	vld [tilespmem:$0x1FCB0]  }
0x1f1: {  	v15 =	vadd.f32 v27, v38;
	[tilespmem:$0x1FC50] =	vst v2;
	v2 =	vld [tilespmem:$0x1FC70]  }
0x1f2: {  	[tilespmem:$0x1FAB0] =	vst v0;
	v0 =	vld [tilespmem:s18+$0x10]  }
0x1f3: {  	v3 =	vld [tilespmem:s31+$0x50];
	v10 =	vadd.f32 v10, v15  }
0x1f4: {  	v60 =	vld [tilespmem:s18+$0x40]  }
0x1f5: {  	v61 =	vld [tilespmem:s18+$0x50];
	[tilespmem:$0x1FC10] =	vst v10;
	v10 =	vadd.f32 v11, v16  }
0x1f6: {  	v51 =	vld [tilespmem:s24+$0x30];
	v13 =	vadd.f32 v26, v46;
	v2 =	vadd.f32 v49, v2  }
0x1f7: {  	[tilespmem:$0x1FC30] =	vst v10;
	v10 =	vld [tilespmem:s23+$0x60]  }
0x1f8: {  	v2 =	vadd.f32 v6, v2;
	v6 =	vadd.f32 v7, v13;
	v7 =	vld [tilespmem:$0x1FD10]  }
0x1f9: {  	v48 =	vld [tilespmem:$0x1FBF0]  }
0x1fa: {  	v8 =	vld [tilespmem:s29+$0x10]  }
0x1fb: {  	v40 =	vld [tilespmem:s23+$0x30]  }
0x1fc: {  	v45 =	vld [tilespmem:s23+$0x70]  }
0x1fd: {  	v10 =	vadd.f32 v10, v7;
	v7 =	vld [tilespmem:$0x1FD30]  }
0x1fe: {  	[tilespmem:$0x1FB40] =	vst v22;
	v22 =	vadd.f32 v51, v48;
	v51 =	vld [tilespmem:s23+$0x10]  }
0x1ff: {  	v11 =	vld [tilespmem:$0x1FC90]  }
0x200: {  	v47 =	vld [tilespmem:$0x1FCD0]  }
0x201: {  	[tilespmem:$0x1FA70] =	vst v1;
	v1 =	vld [tilespmem:s18+$0x30]  }
0x202: {  	v44 =	vld [tilespmem:s23+$0x50];
	[tilespmem:$0x1FBB0] =	vst v43;
	v4 =	vadd.f32 v4, v10;
	v12 =	vadd.f32 v45, v7  }
0x203: {  	s22 =	sor.u32 s20, s30;
	v43 =	vld [tilespmem:s23+$0x40];
	[tilespmem:$0x1FBC0] =	vst v14  }
0x204: {  	v48 =	vld [tilespmem:s22+$0x0];
	v11 =	vadd.f32 v51, v11;
	[tilespmem:$0x1FD10] =	vst v4;
	v4 =	vadd.f32 v5, v12  }
0x205: {  	v14 =	vadd.f32 v40, v47;
	v49 =	vld [tilespmem:s22+$0x10];
	[tilespmem:$0x1FC70] =	vst v2  }
0x206: {  	v2 =	vadd.f32 v8, v11;
	[tilespmem:$0x1FD30] =	vst v4;
	v4 =	vld [tilespmem:$0x1FD50]  }
0x207: {  	[tilespmem:$0x1FCB0] =	vst v6;
	v6 =	vadd.f32 v9, v14;
	v11 =	vld [tilespmem:s22+$0x30]  }
0x208: {  	v9 =	vadd.f32 v44, v35;
	v8 =	vld [tilespmem:s22+$0x50];
	[tilespmem:$0x1FC90] =	vst v2  }
0x209: {  	v2 =	vld [tilespmem:s22+$0x20];
	[tilespmem:$0x1FCD0] =	vst v6;
	v6 =	vadd.f32 v43, v34  }
0x20a: {  	v35 =	vadd.f32 v53, v9;
	v53 =	vld [tilespmem:$0x1FA50]  }
0x20b: {  	v34 =	vadd.f32 v52, v6;
	v6 =	vadd.f32 v48, v4;
	v4 =	vld [tilespmem:$0x1FD70]  }
0x20c: {  	v9 =	vld [tilespmem:s22+$0x60]  }
0x20d: {  	v52 =	vmov v56;
	v56 =	vld [tilespmem:$0x1FA40];
	v11 =	vadd.f32 v11, v33  }
0x20e: {  	v10 =	vld [tilespmem:s22+$0x70]  }
0x20f: {  	p0 =	slt.u32 s19, $0x1E;
	v37 =	vadd.f32 v17, v22;
	v33 =	vadd.f32 v55, v11;
	v55 =	vld [tilespmem:$0x1FA70]  }
.Ltmp1:
0x210: {  	v7 =	vld [tilespmem:s22+$0x40];
	s22 =	sor.u32 s20, s21;
	v6 =	vadd.f32 v30, v6;
	v51 =	vadd.f32 v49, v4;
	(pc) =	sbr.rel @p0 .LBB2_4-.Ltmp1, $4  }
0x211: {  	[tilespmem:$0x1FBF0] =	vst v37;
	v5 =	vld [tilespmem:s22+$0x10]  }
0x212: {  	v2 =	vadd.f32 v2, v32;
	[tilespmem:$0x1FD50] =	vst v6;
	v4 =	vld [tilespmem:s22+$0x0];
	v6 =	vadd.f32 v54, v51  }
0x213: {  	[tilespmem:$0x1FBD0] =	vst v25;
	v54 =	vld [tilespmem:$0x1FA60]  }
0x214: {  	v32 =	vadd.f32 v31, v2;
	[tilespmem:$0x1FD70] =	vst v6;
	v6 =	vld [tilespmem:s22+$0x20]  }
0x215: {  	v2 =	vld [tilespmem:s22+$0x30]  }
0x216: {  	v11 =	vld [tilespmem:s22+$0x40]  }
0x217: {  	v12 =	vld [tilespmem:s22+$0x50]  }
0x218: {  	v13 =	vld [tilespmem:s22+$0x60]  }
0x219: {  	v14 =	vld [tilespmem:s22+$0x70];
	v8 =	vadd.f32 v8, v57;
	v9 =	vadd.f32 v9, v53  }
0x21a: {  	v24 =	vld [tilespmem:s18+$0x60];
	s17 =	simm.s32 $0x0;
	v10 =	vadd.f32 v10, v56  }
0x21b: {  	v16 =	vld [tilespmem:s18+$0x70];
	[tilespmem:s9], [sflag:$0x2] =	stream.linear.gather [hbm4b:s6+s17], $0x6000, $0x38;
	v3 =	vadd.f32 v3, v8;
	v8 =	vadd.f32 v28, v9  }
0x21c: {  	_ =	swait.ge [sflag:s10], $0x6000  }
0x21d: {  	s25 =	simm.s32 $0x0;
	[tilespmem:$0x1F730] =	vst v8;
	v8 =	vadd.f32 v29, v10;
	v10 =	vld [tilespmem:$0x1FA90]  }
0x21e: {  	s19 =	smul.u32 $0x6000, s25;
	_ =	sdelay $0x1  }
0x21f: {  	s18 =	sand.u32 $0x300, s17;
	s21 =	sshra.s32 s19, $0x2  }
0x220: {  	s26 =	sor.u32 $0x80, s18;
	[sflag:s10] =	ssyncset.done $0x0;
	s23 =	sadd.s32 $0x800, s21  }
0x221: {  	[sflag:s10] =	ssyncadd.s32 $0xFFFFA000;
	s29 =	sor.u32 s26, s23;
	v6 =	vadd.f32 v6, v10;
	v10 =	vld [tilespmem:$0x1FAA0]  }
0x222: {  	v5 =	vadd.f32 v5, v59;
	v40 =	vld [tilespmem:s29+$0x30];
	_ =	sdelay $0x1  }
0x223: {  	v0 =	vadd.f32 v0, v5;
	_ =	sdelay $0x1  }
0x224: {  	[tilespmem:$0x1F760] =	vst v0;
	v0 =	vadd.f32 v62, v6;
	v2 =	vadd.f32 v2, v10  }
0x225: {  	[tilespmem:$0x1F930] =	vst v40  }
0x226: {  	v40 =	vld [tilespmem:s29+$0x40];
	[tilespmem:$0x1F770] =	vst v0;
	v0 =	vadd.f32 v1, v2;
	_ =	sdelay $0x1  }
0x227: {  	[tilespmem:$0x1F780] =	vst v0;
	v0 =	vadd.f32 v11, v52;
	v11 =	vld [tilespmem:$0x1FAB0];
	_ =	sdelay $0x2  }
0x228: {  	[tilespmem:$0x1F950] =	vst v40;
	v40 =	vld [tilespmem:s29+$0x50];
	v2 =	vadd.f32 v13, v55  }
0x229: {  	v1 =	vadd.f32 v12, v54;
	v54 =	vadd.f32 v60, v0  }
0x22a: {  	v0 =	vadd.f32 v24, v2;
	v11 =	vadd.f32 v14, v11  }
0x22b: {  	s28 =	sor.u32 s18, s21  }
0x22c: {  	v36 =	vld [tilespmem:s28+$0x0];
	[tilespmem:$0x1F790] =	vst v0;
	v0 =	vadd.f32 v16, v11  }
0x22d: {  	[tilespmem:$0x1F970] =	vst v40;
	v40 =	vld [tilespmem:s29+$0x60]  }
0x22e: {  	s20 =	sor.u32 s26, s21;
	[tilespmem:$0x1F7A0] =	vst v0;
	v0 =	vld [tilespmem:$0x1FAC0]  }
0x22f: {  	v17 =	vld [tilespmem:s20+$0x0]  }
0x230: {  	v15 =	vld [tilespmem:s20+$0x400]  }
0x231: {  	v37 =	vld [tilespmem:s28+$0x10]  }
0x232: {  	[tilespmem:$0x1F990] =	vst v40;
	v40 =	vld [tilespmem:s29+$0x70]  }
0x233: {  	v55 =	vadd.f32 v61, v1;
	v1 =	vadd.f32 v36, v0;
	v0 =	vld [tilespmem:$0x1FAD0]  }
0x234: {  	v19 =	vld [tilespmem:s20+$0x20]  }
0x235: {  	s30 =	sadd.s32 $0xC00, s21;
	v38 =	vld [tilespmem:s28+$0x20]  }
0x236: {  	s24 =	sor.u32 s26, s30;
	[tilespmem:$0x1F810] =	vst v15;
	v15 =	vld [tilespmem:s20+$0x410]  }
0x237: {  	[tilespmem:$0x1F9B0] =	vst v40;
	v40 =	vld [tilespmem:s24+$0x0]  }
0x238: {  	v2 =	vadd.f32 v37, v0;
	v0 =	vld [tilespmem:$0x1FAE0]  }
0x239: {  	v20 =	vld [tilespmem:s20+$0x30]  }
0x23a: {  	v39 =	vld [tilespmem:s28+$0x30]  }
0x23b: {  	[tilespmem:$0x1F830] =	vst v15;
	v15 =	vld [tilespmem:s20+$0x420]  }
0x23c: {  	[tilespmem:$0x1F9D0] =	vst v40;
	v40 =	vld [tilespmem:$0x1FA80]  }
0x23d: {  	v11 =	vadd.f32 v38, v0;
	v0 =	vld [tilespmem:$0x1FAF0]  }
0x23e: {  	v25 =	vld [tilespmem:s20+$0x40]  }
0x23f: {  	v26 =	vld [tilespmem:s20+$0x50]  }
0x240: {  	[tilespmem:$0x1F850] =	vst v15;
	v15 =	vld [tilespmem:s20+$0x430]  }
0x241: {  	v43 =	vld [tilespmem:s28+$0x40];
	v7 =	vadd.f32 v7, v40;
	v40 =	vadd.f32 v17, v1  }
0x242: {  	v44 =	vld [tilespmem:s28+$0x50];
	v1 =	vadd.f32 v19, v11;
	v12 =	vadd.f32 v39, v0  }
0x243: {  	v45 =	vld [tilespmem:s28+$0x60]  }
0x244: {  	v46 =	vld [tilespmem:s28+$0x70];
	[tilespmem:$0x1F7B0] =	vst v1;
	v1 =	vadd.f32 v20, v12  }
0x245: {  	[tilespmem:$0x1F870] =	vst v15;
	v15 =	vld [tilespmem:s20+$0x440]  }
0x246: {  	[tilespmem:$0x1F7C0] =	vst v1;
	v1 =	vld [tilespmem:$0x1FB00]  }
0x247: {  	v11 =	vld [tilespmem:$0x1FB10]  }
0x248: {  	v12 =	vld [tilespmem:$0x1FB20]  }
0x249: {  	v14 =	vld [tilespmem:$0x1FB30]  }
0x24a: {  	v27 =	vld [tilespmem:s20+$0x60]  }
0x24b: {  	v1 =	vadd.f32 v43, v1  }
0x24c: {  	v30 =	vld [tilespmem:s20+$0x70];
	v11 =	vadd.f32 v44, v11  }
0x24d: {  	[tilespmem:$0x1F890] =	vst v15;
	v15 =	vld [tilespmem:s20+$0x450];
	v12 =	vadd.f32 v45, v12;
	v1 =	vadd.f32 v25, v1  }
0x24e: {  	v14 =	vadd.f32 v46, v14  }
0x24f: {  	[tilespmem:$0x1F7D0] =	vst v1;
	v1 =	vadd.f32 v26, v11;
	v11 =	vadd.f32 v27, v12  }
0x250: {  	v49 =	vld [tilespmem:s28+$0x420]  }
0x251: {  	[tilespmem:$0x1F7F0] =	vst v11;
	v11 =	vadd.f32 v30, v14;
	v14 =	vld [tilespmem:$0x1FB60]  }
0x252: {  	[tilespmem:$0x1F8B0] =	vst v15;
	v15 =	vld [tilespmem:s20+$0x460]  }
0x253: {  	v47 =	vld [tilespmem:s28+$0x400]  }
0x254: {  	[tilespmem:$0x1F800] =	vst v11;
	v11 =	vld [tilespmem:$0x1FB40];
	_ =	sdelay $0x1  }
0x255: {  	v14 =	vadd.f32 v49, v14;
	v49 =	vld [tilespmem:$0x1F810]  }
0x256: {  	[tilespmem:$0x1F8D0] =	vst v15;
	v15 =	vld [tilespmem:s20+$0x470];
	_ =	sdelay $0x1  }
0x257: {  	v48 =	vld [tilespmem:s28+$0x410];
	v11 =	vadd.f32 v47, v11  }
0x258: {  	v24 =	vld [tilespmem:$0x1FBB0]  }
0x259: {  	v12 =	vld [tilespmem:$0x1FB50];
	v11 =	vadd.f32 v49, v11  }
0x25a: {  	[tilespmem:$0x1F8F0] =	vst v15;
	v15 =	vld [tilespmem:s28+$0x470]  }
0x25b: {  	[tilespmem:$0x1F820] =	vst v11;
	v11 =	vld [tilespmem:$0x1F830];
	_ =	sdelay $0x1  }
0x25c: {  	v29 =	vld [tilespmem:$0x1F8F0]  }
0x25d: {  	v12 =	vadd.f32 v48, v12;
	_ =	sdelay $0x1  }
0x25e: {  	v15 =	vadd.f32 v15, v24;
	v11 =	vadd.f32 v11, v12;
	v12 =	vld [tilespmem:$0x1F850];
	_ =	sdelay $0x1  }
0x25f: {  	v51 =	vld [tilespmem:s28+$0x430];
	v15 =	vadd.f32 v29, v15  }
0x260: {  	v21 =	vld [tilespmem:s28+$0x440]  }
0x261: {  	[tilespmem:$0x1F900] =	vst v15;
	v15 =	vld [tilespmem:$0x1FBC0]  }
0x262: {  	s23 =	sor.u32 s18, s23;
	v12 =	vadd.f32 v12, v14;
	v14 =	vld [tilespmem:$0x1FB80]  }
0x263: {  	v48 =	vld [tilespmem:s23+$0x0]  }
0x264: {  	v26 =	vld [tilespmem:$0x1F890]  }
0x265: {  	v31 =	vld [tilespmem:s29+$0x0]  }
0x266: {  	v22 =	vld [tilespmem:s28+$0x450]  }
0x267: {  	v46 =	vld [tilespmem:$0x1FB70];
	v14 =	vadd.f32 v21, v14  }
0x268: {  	v56 =	vadd.f32 v50, v7;
	v50 =	vld [tilespmem:$0x1FB90];
	v15 =	vadd.f32 v48, v15  }
0x269: {  	[tilespmem:$0x1F860] =	vst v12;
	v12 =	vld [tilespmem:$0x1F870];
	v14 =	vadd.f32 v26, v14  }
0x26a: {  	v25 =	vld [tilespmem:s23+$0x40];
	v15 =	vadd.f32 v31, v15  }
0x26b: {  	[tilespmem:$0x1F8A0] =	vst v14;
	v14 =	vld [tilespmem:$0x1F8B0]  }
0x26c: {  	v16 =	vadd.f32 v51, v46;
	[tilespmem:$0x1F910] =	vst v15;
	v15 =	vld [tilespmem:$0x1FC10];
	_ =	sdelay $0x1  }
0x26d: {  	v12 =	vadd.f32 v12, v16;
	v16 =	vadd.f32 v22, v50;
	_ =	sdelay $0x1  }
0x26e: {  	v14 =	vadd.f32 v14, v16  }
0x26f: {  	v45 =	vadd.f32 v25, v15;
	v15 =	vld [tilespmem:$0x1FC30]  }
0x270: {  	[tilespmem:$0x1F8C0] =	vst v14;
	v14 =	vld [tilespmem:s23+$0x50];
	_ =	sdelay $0x3  }
0x271: {  	v30 =	vld [tilespmem:s23+$0x60]  }
0x272: {  	v14 =	vadd.f32 v14, v15;
	v15 =	vld [tilespmem:$0x1FC40];
	_ =	sdelay $0x3  }
0x273: {  	v38 =	vld [tilespmem:s23+$0x70]  }
0x274: {  	v48 =	vadd.f32 v30, v15;
	v15 =	vld [tilespmem:$0x1FC50];
	_ =	sdelay $0x4  }
0x275: {  	v49 =	vadd.f32 v38, v15;
	v15 =	vld [tilespmem:$0x1F950];
	_ =	sdelay $0x1  }
0x276: {  	v18 =	vld [tilespmem:s20+$0x10]  }
0x277: {  	v23 =	vld [tilespmem:s28+$0x460]  }
0x278: {  	v41 =	vld [tilespmem:s29+$0x10]  }
0x279: {  	v42 =	vld [tilespmem:s29+$0x20];
	v15 =	vadd.f32 v15, v45  }
0x27a: {  	v57 =	vld [tilespmem:s24+$0x10]  }
0x27b: {  	v4 =	vadd.f32 v4, v58;
	[tilespmem:$0x1F960] =	vst v15;
	v15 =	vld [tilespmem:$0x1F970]  }
0x27c: {  	v53 =	vld [tilespmem:s24+$0x20]  }
0x27d: {  	v4 =	vadd.f32 v63, v4;
	[tilespmem:$0x1F740] =	vst v8;
	v8 =	vld [tilespmem:s24+$0x40]  }
0x27e: {  	v9 =	vld [tilespmem:s24+$0x50]  }
0x27f: {  	s31 =	sadd.s32 $0x1000, s21;
	[tilespmem:$0x1F750] =	vst v4;
	v4 =	vld [tilespmem:s24+$0x70]  }
0x280: {  	s25 =	sor.u32 s26, s31;
	v14 =	vadd.f32 v15, v14;
	v15 =	vld [tilespmem:$0x1F990]  }
0x281: {  	v5 =	vld [tilespmem:s25+$0x0]  }
0x282: {  	s21 =	sadd.s32 $0x1400, s21;
	v28 =	vld [tilespmem:s25+$0x30]  }
0x283: {  	s19 =	sor.u32 s26, s21;
	v63 =	vld [tilespmem:s25+$0x50]  }
0x284: {  	v59 =	vld [tilespmem:s19+$0x0]  }
0x285: {  	v47 =	vmov v40;
	v40 =	vld [tilespmem:$0x1FBE0];
	v15 =	vadd.f32 v15, v48  }
0x286: {  	[tilespmem:$0x1F880] =	vst v12;
	v12 =	vld [tilespmem:s23+$0x20]  }
0x287: {  	[tilespmem:$0x1F9A0] =	vst v15;
	v15 =	vld [tilespmem:$0x1F9B0]  }
0x288: {  	v58 =	vld [tilespmem:s19+$0x40]  }
0x289: {  	v51 =	vld [tilespmem:s23+$0x30]  }
0x28a: {  	v37 =	vld [tilespmem:$0x1FBD0]  }
0x28b: {  	s22 =	sor.u32 s18, s30;
	[tilespmem:$0x1F840] =	vst v11;
	v11 =	vld [tilespmem:s23+$0x10]  }
0x28c: {  	v44 =	vld [tilespmem:s22+$0x0];
	v12 =	vadd.f32 v12, v40;
	v15 =	vadd.f32 v15, v49  }
0x28d: {  	v43 =	vld [tilespmem:$0x1FBF0]  }
0x28e: {  	v12 =	vadd.f32 v42, v12;
	[tilespmem:$0x1F9C0] =	vst v15;
	v15 =	vld [tilespmem:$0x1FC70]  }
0x28f: {  	v6 =	vld [tilespmem:s25+$0x10]  }
0x290: {  	v11 =	vadd.f32 v11, v37;
	[tilespmem:$0x1F920] =	vst v12;
	v12 =	vld [tilespmem:$0x1F930]  }
0x291: {  	v62 =	vld [tilespmem:s19+$0x50]  }
0x292: {  	v36 =	vadd.f32 v18, v2;
	v41 =	vadd.f32 v41, v11;
	v11 =	vld [tilespmem:s22+$0x10]  }
0x293: {  	v18 =	vadd.f32 v51, v43;
	v21 =	vadd.f32 v44, v15;
	v15 =	vld [tilespmem:$0x1FC90]  }
0x294: {  	v10 =	vld [tilespmem:s24+$0x60]  }
0x295: {  	v13 =	vld [tilespmem:s25+$0x20];
	v12 =	vadd.f32 v12, v18  }
0x296: {  	v52 =	vld [tilespmem:s25+$0x40]  }
0x297: {  	[tilespmem:$0x1F940] =	vst v12;
	v12 =	vld [tilespmem:s22+$0x20]  }
0x298: {  	v11 =	vadd.f32 v11, v15;
	v15 =	vld [tilespmem:$0x1FCB0]  }
0x299: {  	v61 =	vld [tilespmem:s19+$0x20]  }
0x29a: {  	v46 =	vld [tilespmem:s22+$0x30]  }
0x29b: {  	v22 =	vld [tilespmem:$0x1FBA0]  }
0x29c: {  	v27 =	vld [tilespmem:$0x1F8D0]  }
0x29d: {  	v12 =	vadd.f32 v12, v15;
	v15 =	vld [tilespmem:$0x1FCD0]  }
0x29e: {  	v60 =	vld [tilespmem:s19+$0x10]  }
0x29f: {  	v2 =	vld [tilespmem:s25+$0x70]  }
0x2a0: {  	v7 =	vld [tilespmem:s24+$0x30];
	v19 =	vadd.f32 v23, v22  }
0x2a1: {  	v0 =	vld [tilespmem:s25+$0x60]  }
0x2a2: {  	s20 =	sor.u32 s18, s31;
	v16 =	vadd.f32 v27, v19;
	v19 =	vadd.f32 v46, v15;
	v15 =	vld [tilespmem:$0x1F9D0]  }
0x2a3: {  	v20 =	vld [tilespmem:s20+$0x0]  }
0x2a4: {  	v51 =	vld [tilespmem:s22+$0x60]  }
0x2a5: {  	[tilespmem:$0x1F7E0] =	vst v1;
	v1 =	vld [tilespmem:s19+$0x30]  }
0x2a6: {  	[tilespmem:$0x1F980] =	vst v14;
	v14 =	vld [tilespmem:s22+$0x50]  }
0x2a7: {  	v42 =	vadd.f32 v15, v21;
	v15 =	vld [tilespmem:$0x1FD10]  }
0x2a8: {  	v50 =	vld [tilespmem:s22+$0x40]  }
0x2a9: {  	v18 =	vld [tilespmem:s22+$0x70]  }
0x2aa: {  	v45 =	vld [tilespmem:s20+$0x30]  }
0x2ab: {  	v14 =	vadd.f32 v14, v35;
	v49 =	vld [tilespmem:s20+$0x40]  }
0x2ac: {  	v46 =	vadd.f32 v51, v15;
	v15 =	vld [tilespmem:$0x1FD30]  }
0x2ad: {  	v39 =	vadd.f32 v9, v14;
	v44 =	vld [tilespmem:s20+$0x20];
	v12 =	vadd.f32 v53, v12  }
0x2ae: {  	v43 =	vadd.f32 v57, v11;
	v11 =	vld [tilespmem:s20+$0x10];
	v9 =	vadd.f32 v10, v46  }
0x2af: {  	[tilespmem:$0x1F9E0] =	vst v12;
	v12 =	vadd.f32 v50, v34;
	v50 =	vld [tilespmem:$0x1FD50]  }
0x2b0: {  	v27 =	vadd.f32 v45, v33;
	v7 =	vadd.f32 v7, v19;
	[tilespmem:$0x1FA00] =	vst v9;
	v9 =	vld [tilespmem:$0x1FD70]  }
0x2b1: {  	v57 =	vadd.f32 v8, v12;
	v8 =	vld [tilespmem:s20+$0x50];
	v48 =	vadd.f32 v18, v15  }
0x2b2: {  	v14 =	vld [tilespmem:s20+$0x70];
	v53 =	vadd.f32 v28, v27;
	[tilespmem:$0x1F9F0] =	vst v7;
	v7 =	vadd.f32 v44, v32  }
0x2b3: {  	s21 =	sor.u32 s18, s21;
	v12 =	vld [tilespmem:s20+$0x60];
	v4 =	vadd.f32 v4, v48  }
0x2b4: {  	[tilespmem:$0x1FA30] =	vst v53;
	v51 =	vadd.f32 v13, v7;
	v13 =	vld [tilespmem:s21+$0x30]  }
0x2b5: {  	[tilespmem:$0x1FA10] =	vst v4;
	v4 =	vadd.f32 v20, v50;
	v10 =	vadd.f32 v11, v9;
	v9 =	vld [tilespmem:s21+$0x0]  }
0x2b6: {  	v53 =	vadd.f32 v8, v3;
	[tilespmem:$0x1FA20] =	vst v51;
	v51 =	vadd.f32 v49, v56;
	v11 =	vld [tilespmem:s21+$0x10]  }
0x2b7: {  	s18 =	simm.s32 $0x0;
	[tilespmem:$0x1F8E0] =	vst v16;
	v44 =	vadd.f32 v5, v4;
	v45 =	vadd.f32 v6, v10;
	v10 =	vld [tilespmem:s21+$0x20]  }
.LBB2_6:
0x2b8: {  	v3 =	vld [tilespmem:$0x1F730];
	_ =	sdelay $0x1  }
0x2b9: {  	v4 =	vld [tilespmem:$0x1F740]  }
0x2ba: {  	s18 =	sadd.s32 $0x2, s18;
	v5 =	vld [tilespmem:s21+$0x40]  }
0x2bb: {  	v6 =	vld [tilespmem:s21+$0x50];
	s20 =	sshrl.u32 s18, $0x3  }
0x2bc: {  	s17 =	sadd.s32 $0x100, s17;
	v8 =	vld [tilespmem:$0x1F780];
	s22 =	smul.u32 $0x6000, s20;
	v3 =	vadd.f32 v12, v3  }
0x2bd: {  	v56 =	vld [tilespmem:$0x1F7A0];
	s20 =	sand.u32 $0x300, s17;
	v7 =	vadd.f32 v52, v51  }
0x2be: {  	s29 =	sor.u32 $0x80, s20;
	v52 =	vld [tilespmem:s21+$0x60];
	s22 =	sshra.s32 s22, $0x2;
	v4 =	vadd.f32 v14, v4;
	v0 =	vadd.f32 v0, v3  }
0x2bf: {  	v51 =	vadd.f32 v63, v53;
	v53 =	vld [tilespmem:$0x1F770];
	s23 =	sor.u32 s29, s22  }
0x2c0: {  	v28 =	vld [tilespmem:s23+$0x410];
	[tilespmem:$0x1F730] =	vst v0;
	v0 =	vadd.f32 v2, v4  }
0x2c1: {  	[tilespmem:$0x1F710] =	vst v7;
	v7 =	vld [tilespmem:s23+$0x420]  }
0x2c2: {  	[tilespmem:$0x1F740] =	vst v0;
	v0 =	vld [tilespmem:$0x1F750]  }
0x2c3: {  	v29 =	vld [tilespmem:s23+$0x430]  }
0x2c4: {  	s30 =	sor.u32 s20, s22;
	v2 =	vld [tilespmem:$0x1F760]  }
0x2c5: {  	v63 =	vld [tilespmem:s30+$0x10]  }
0x2c6: {  	v15 =	vld [tilespmem:s30+$0x20]  }
0x2c7: {  	v16 =	vld [tilespmem:s30+$0x30];
	v0 =	vadd.f32 v9, v0  }
0x2c8: {  	v17 =	vld [tilespmem:s30+$0x40]  }
0x2c9: {  	v18 =	vld [tilespmem:s30+$0x50];
	v2 =	vadd.f32 v11, v2;
	v0 =	vadd.f32 v59, v0  }
0x2ca: {  	v19 =	vld [tilespmem:s30+$0x60]  }
0x2cb: {  	v3 =	vld [tilespmem:s21+$0x70];
	[tilespmem:$0x1F750] =	vst v0;
	v0 =	vadd.f32 v60, v2  }
0x2cc: {  	v20 =	vld [tilespmem:s30+$0x70]  }
0x2cd: {  	[tilespmem:$0x1F760] =	vst v0;
	v0 =	vld [tilespmem:s19+$0x70]  }
0x2ce: {  	v21 =	vld [tilespmem:s30+$0x400]  }
0x2cf: {  	v22 =	vld [tilespmem:s30+$0x410]  }
0x2d0: {  	v23 =	vld [tilespmem:s30+$0x420];
	v3 =	vadd.f32 v3, v56  }
0x2d1: {  	v24 =	vld [tilespmem:s30+$0x430]  }
0x2d2: {  	v25 =	vld [tilespmem:s30+$0x440];
	v0 =	vadd.f32 v0, v3  }
0x2d3: {  	v26 =	vld [tilespmem:s30+$0x450]  }
0x2d4: {  	[tilespmem:$0x1F7A0] =	vst v0;
	v0 =	vld [tilespmem:s30+$0x0]  }
0x2d5: {  	s25 =	sadd.s32 $0x800, s22;
	v27 =	vld [tilespmem:s30+$0x460]  }
0x2d6: {  	v32 =	vld [tilespmem:s30+$0x470];
	s31 =	sor.u32 s29, s25  }
0x2d7: {  	v33 =	vld [tilespmem:s31+$0x0]  }
0x2d8: {  	v34 =	vld [tilespmem:s31+$0x10]  }
0x2d9: {  	v47 =	vadd.f32 v0, v47;
	v0 =	vld [tilespmem:$0x1F7B0]  }
0x2da: {  	v35 =	vld [tilespmem:s31+$0x20]  }
0x2db: {  	v8 =	vadd.f32 v13, v8;
	v46 =	vld [tilespmem:s31+$0x30]  }
0x2dc: {  	v12 =	vld [tilespmem:s31+$0x50]  }
0x2dd: {  	v1 =	vadd.f32 v1, v8;
	v60 =	vld [tilespmem:s23+$0x20]  }
0x2de: {  	v4 =	vadd.f32 v10, v53;
	v15 =	vadd.f32 v15, v0;
	v0 =	vld [tilespmem:$0x1F7C0]  }
0x2df: {  	[tilespmem:$0x1F780] =	vst v1;
	v1 =	vadd.f32 v5, v54;
	v54 =	vadd.f32 v6, v55;
	v55 =	vld [tilespmem:$0x1F790]  }
0x2e0: {  	v4 =	vadd.f32 v61, v4;
	v61 =	vld [tilespmem:s23+$0x30]  }
0x2e1: {  	v13 =	vld [tilespmem:s31+$0x60]  }
0x2e2: {  	s26 =	sadd.s32 $0x1000, s22;
	v9 =	vld [tilespmem:s19+$0x60]  }
0x2e3: {  	s28 =	sor.u32 s29, s26;
	v14 =	vld [tilespmem:s31+$0x70];
	v15 =	vadd.f32 v60, v15;
	v16 =	vadd.f32 v16, v0  }
0x2e4: {  	v48 =	vld [tilespmem:s28+$0x0]  }
0x2e5: {  	v50 =	vld [tilespmem:s28+$0x10];
	v5 =	vadd.f32 v52, v55;
	[tilespmem:$0x1F7B0] =	vst v15;
	v15 =	vadd.f32 v61, v16  }
0x2e6: {  	v61 =	vld [tilespmem:$0x1F7F0]  }
0x2e7: {  	v37 =	vadd.f32 v58, v1;
	v58 =	vadd.f32 v9, v5;
	[tilespmem:$0x1F7C0] =	vst v15;
	v15 =	vld [tilespmem:$0x1F7D0]  }
0x2e8: {  	v1 =	vld [tilespmem:s23+$0x40]  }
0x2e9: {  	[tilespmem:$0x1F790] =	vst v58;
	v58 =	vld [tilespmem:s23+$0x60]  }
0x2ea: {  	v49 =	vld [tilespmem:s28+$0x20]  }
0x2eb: {  	[tilespmem:$0x1F720] =	vst v51;
	v51 =	vld [tilespmem:s28+$0x30]  }
0x2ec: {  	v6 =	vld [tilespmem:s23+$0x400];
	v15 =	vadd.f32 v17, v15;
	v17 =	vadd.f32 v19, v61  }
0x2ed: {  	v53 =	vld [tilespmem:s23+$0x440]  }
0x2ee: {  	v60 =	vld [tilespmem:$0x1F7E0];
	v1 =	vadd.f32 v1, v15;
	v15 =	vadd.f32 v58, v17  }
0x2ef: {  	v61 =	vld [tilespmem:$0x1F800]  }
0x2f0: {  	[tilespmem:$0x1F7F0] =	vst v15;
	v15 =	vld [tilespmem:$0x1F840]  }
0x2f1: {  	v10 =	vld [tilespmem:s31+$0x40]  }
0x2f2: {  	v11 =	vld [tilespmem:s23+$0x70]  }
0x2f3: {  	v38 =	vadd.f32 v62, v54;
	v62 =	vld [tilespmem:s23+$0x50]  }
0x2f4: {  	v54 =	vld [tilespmem:s23+$0x460];
	v16 =	vadd.f32 v18, v60  }
0x2f5: {  	v18 =	vadd.f32 v20, v61;
	v15 =	vadd.f32 v22, v15;
	v22 =	vld [tilespmem:$0x1F860]  }
0x2f6: {  	v36 =	vadd.f32 v63, v36;
	v63 =	vld [tilespmem:s28+$0x50]  }
0x2f7: {  	v56 =	vld [tilespmem:s23+$0x470];
	v11 =	vadd.f32 v11, v18  }
0x2f8: {  	v59 =	vld [tilespmem:s23+$0x10]  }
0x2f9: {  	[tilespmem:$0x1F800] =	vst v11;
	v11 =	vld [tilespmem:$0x1F820]  }
0x2fa: {  	[tilespmem:$0x1F7D0] =	vst v1;
	v1 =	vadd.f32 v62, v16;
	v16 =	vadd.f32 v23, v22;
	v23 =	vld [tilespmem:$0x1F880]  }
0x2fb: {  	v55 =	vld [tilespmem:s23+$0x450]  }
0x2fc: {  	s24 =	sadd.s32 $0xC00, s22;
	s22 =	sadd.s32 $0x1400, s22;
	v52 =	vld [tilespmem:s28+$0x40]  }
0x2fd: {  	v2 =	vld [tilespmem:s23+$0x0];
	s19 =	sor.u32 s29, s22  }
0x2fe: {  	v36 =	vadd.f32 v59, v36;
	v59 =	vld [tilespmem:s19+$0x0]  }
0x2ff: {  	s23 =	sor.u32 s29, s24;
	s29 =	sor.u32 s20, s25;
	v11 =	vadd.f32 v21, v11;
	v17 =	vadd.f32 v24, v23;
	v23 =	vld [tilespmem:$0x1F900]  }
0x300: {  	v28 =	vadd.f32 v28, v15;
	v15 =	vld [tilespmem:s29+$0x30]  }
0x301: {  	v6 =	vadd.f32 v6, v11;
	v11 =	vld [tilespmem:$0x1F8C0]  }
0x302: {  	v22 =	vld [tilespmem:$0x1F8E0]  }
0x303: {  	v21 =	vld [tilespmem:$0x1F8A0]  }
0x304: {  	v20 =	vadd.f32 v29, v17;
	v17 =	vadd.f32 v32, v23;
	v32 =	vld [tilespmem:$0x1F940]  }
0x305: {  	v30 =	vld [tilespmem:s23+$0x0]  }
0x306: {  	v8 =	vld [tilespmem:s23+$0x10];
	v7 =	vadd.f32 v7, v16;
	v11 =	vadd.f32 v26, v11  }
0x307: {  	v31 =	vld [tilespmem:s23+$0x20];
	v16 =	vadd.f32 v27, v22  }
0x308: {  	v9 =	vld [tilespmem:s23+$0x30];
	[tilespmem:$0x1F860] =	vst v7;
	v7 =	vadd.f32 v25, v21;
	v25 =	vadd.f32 v55, v11  }
0x309: {  	v18 =	vld [tilespmem:s29+$0x0];
	v11 =	vadd.f32 v54, v16;
	v15 =	vadd.f32 v15, v32  }
0x30a: {  	v24 =	vld [tilespmem:s29+$0x50]  }
0x30b: {  	[tilespmem:$0x1F8E0] =	vst v11;
	v11 =	vadd.f32 v56, v17;
	v46 =	vadd.f32 v46, v15;
	v15 =	vld [tilespmem:$0x1F980]  }
0x30c: {  	[tilespmem:$0x1F820] =	vst v6;
	v6 =	vld [tilespmem:s29+$0x20]  }
0x30d: {  	[tilespmem:$0x1F900] =	vst v11;
	v11 =	vld [tilespmem:$0x1F910]  }
0x30e: {  	v26 =	vld [tilespmem:s29+$0x60]  }
0x30f: {  	v29 =	vld [tilespmem:$0x1F920]  }
0x310: {  	v15 =	vadd.f32 v24, v15;
	v24 =	vld [tilespmem:$0x1F9A0]  }
0x311: {  	v40 =	vld [tilespmem:s23+$0x40]  }
0x312: {  	[tilespmem:$0x1F770] =	vst v4;
	v4 =	vld [tilespmem:s23+$0x60];
	v11 =	vadd.f32 v18, v11  }
0x313: {  	v7 =	vadd.f32 v53, v7;
	v53 =	vld [tilespmem:$0x1F960]  }
0x314: {  	s30 =	sor.u32 s20, s24;
	[tilespmem:$0x1F880] =	vst v20;
	v20 =	vld [tilespmem:s29+$0x40];
	v11 =	vadd.f32 v33, v11  }
0x315: {  	[tilespmem:$0x1F8A0] =	vst v7;
	v55 =	vmov v38;
	v38 =	vld [tilespmem:s30+$0x10];
	v6 =	vadd.f32 v6, v29;
	v7 =	vadd.f32 v26, v24  }
0x316: {  	[tilespmem:$0x1F910] =	vst v11;
	v11 =	vld [tilespmem:s30+$0x20]  }
0x317: {  	v6 =	vadd.f32 v35, v6;
	v7 =	vadd.f32 v13, v7;
	v13 =	vld [tilespmem:$0x1F9E0]  }
0x318: {  	v19 =	vld [tilespmem:s29+$0x10];
	[tilespmem:$0x1F840] =	vst v28  }
0x319: {  	v28 =	vld [tilespmem:s29+$0x70];
	[tilespmem:$0x1F920] =	vst v6;
	v6 =	vadd.f32 v20, v53  }
0x31a: {  	[tilespmem:$0x1F8C0] =	vst v25;
	v25 =	vld [tilespmem:$0x1F9C0]  }
0x31b: {  	v56 =	vld [tilespmem:s30+$0x30];
	v6 =	vadd.f32 v10, v6  }
0x31c: {  	v29 =	vld [tilespmem:s30+$0x60];
	v10 =	vadd.f32 v38, v43;
	v11 =	vadd.f32 v11, v13  }
0x31d: {  	v27 =	vadd.f32 v19, v41;
	v13 =	vld [tilespmem:$0x1F9F0]  }
0x31e: {  	v43 =	vadd.f32 v8, v10;
	v8 =	vadd.f32 v31, v11;
	v11 =	vld [tilespmem:$0x1FA00]  }
0x31f: {  	v5 =	vld [tilespmem:s23+$0x70]  }
0x320: {  	v41 =	vadd.f32 v34, v27;
	v27 =	vld [tilespmem:s30+$0x50]  }
0x321: {  	v3 =	vld [tilespmem:s23+$0x50]  }
0x322: {  	v17 =	vadd.f32 v28, v25;
	v28 =	vadd.f32 v12, v15;
	v12 =	vld [tilespmem:s30+$0x70]  }
0x323: {  	s31 =	sor.u32 s20, s26;
	[tilespmem:$0x1F960] =	vst v6;
	v13 =	vadd.f32 v56, v13;
	v6 =	vadd.f32 v29, v11;
	v11 =	vld [tilespmem:$0x1FA10]  }
0x324: {  	v34 =	vld [tilespmem:s31+$0x20]  }
0x325: {  	v53 =	vld [tilespmem:$0x1FA20];
	[tilespmem:$0x1F9E0] =	vst v8;
	v8 =	vadd.f32 v9, v13;
	v9 =	vadd.f32 v27, v39  }
0x326: {  	v32 =	vadd.f32 v14, v17;
	v14 =	vld [tilespmem:s31+$0x0]  }
0x327: {  	v10 =	vld [tilespmem:s31+$0x30];
	v39 =	vadd.f32 v3, v9  }
0x328: {  	v56 =	vld [tilespmem:$0x1FA30];
	v3 =	vadd.f32 v4, v6;
	v11 =	vadd.f32 v12, v11  }
0x329: {  	v47 =	vadd.f32 v2, v47;
	v2 =	vld [tilespmem:s28+$0x70]  }
0x32a: {  	v0 =	vld [tilespmem:s28+$0x60];
	[tilespmem:$0x1FA00] =	vst v3;
	v3 =	vadd.f32 v5, v11  }
0x32b: {  	v60 =	vld [tilespmem:s19+$0x10]  }
0x32c: {  	v58 =	vld [tilespmem:s19+$0x40];
	v5 =	vadd.f32 v34, v53;
	[tilespmem:$0x1FA10] =	vst v3;
	v3 =	vadd.f32 v14, v44  }
0x32d: {  	v62 =	vld [tilespmem:s19+$0x50];
	v6 =	vadd.f32 v10, v56  }
0x32e: {  	v61 =	vld [tilespmem:s19+$0x20];
	v44 =	vadd.f32 v48, v3;
	v3 =	vadd.f32 v49, v5  }
0x32f: {  	[tilespmem:$0x1F7E0] =	vst v1;
	v1 =	vld [tilespmem:s19+$0x30]  }
0x330: {  	v54 =	vmov v37;
	v37 =	vld [tilespmem:s30+$0x0];
	[tilespmem:$0x1FA20] =	vst v3;
	v3 =	vadd.f32 v51, v6  }
0x331: {  	v13 =	vld [tilespmem:s31+$0x40]  }
0x332: {  	[tilespmem:$0x1FA30] =	vst v3;
	v3 =	vld [tilespmem:$0x1F710]  }
0x333: {  	v26 =	vld [tilespmem:s30+$0x40]  }
0x334: {  	v35 =	vld [tilespmem:s31+$0x50]  }
0x335: {  	s21 =	sor.u32 s20, s22;
	v15 =	vld [tilespmem:s31+$0x10]  }
0x336: {  	v9 =	vld [tilespmem:s21+$0x0]  }
0x337: {  	p0 =	slt.u32 s18, $0x1E;
	v51 =	vadd.f32 v13, v3;
	v3 =	vld [tilespmem:$0x1F720]  }
.Ltmp2:
0x338: {  	[tilespmem:$0x1F9F0] =	vst v8;
	v8 =	vadd.f32 v26, v57;
	v10 =	vld [tilespmem:s21+$0x20];
	(pc) =	sbr.rel @p0 .LBB2_6-.Ltmp2, $4  }
0x339: {  	[tilespmem:$0x1F940] =	vst v46;
	v33 =	vadd.f32 v37, v42;
	v12 =	vld [tilespmem:s31+$0x60]  }
0x33a: {  	[tilespmem:$0x1F9C0] =	vst v32;
	v57 =	vadd.f32 v40, v8;
	v40 =	vadd.f32 v15, v45;
	v11 =	vld [tilespmem:s21+$0x10]  }
0x33b: {  	v42 =	vadd.f32 v30, v33;
	[tilespmem:$0x1F980] =	vst v28;
	v14 =	vld [tilespmem:s31+$0x70]  }
0x33c: {  	[tilespmem:$0x1F9A0] =	vst v7;
	v45 =	vadd.f32 v50, v40;
	v13 =	vld [tilespmem:s21+$0x30];
	v53 =	vadd.f32 v35, v3  }
0x33d: {  	v15 =	vld [tilespmem:s21+$0x40]  }
0x33e: {  	v16 =	vld [tilespmem:s21+$0x50]  }
0x33f: {  	v17 =	vld [tilespmem:s21+$0x60];
	s17 =	simm.s32 $0x0  }
0x340: {  	v18 =	vld [tilespmem:s21+$0x70];
	s18 =	smul.u32 $0x6000, s17  }
0x341: {  	v19 =	vld [tilespmem:s19+$0x60];
	s17 =	simm.s32 $0x0  }
0x342: {  	v20 =	vld [tilespmem:s19+$0x70];
	_ =	swait.ge [sflag:s11], $0x6000;
	s19 =	sand.u32 $0x300, s17;
	s18 =	sshra.s32 s18, $0x2  }
0x343: {  	[sflag:s11] =	ssyncset.done $0x0;
	s25 =	sor.u32 $0x80, s19;
	s22 =	sadd.s32 $0x6C00, s18  }
0x344: {  	[sflag:s11] =	ssyncadd.s32 $0xFFFFA000;
	s29 =	sor.u32 s25, s22  }
0x345: {  	v56 =	vld [tilespmem:s29+$0x40];
	_ =	sdelay $0x4  }
0x346: {  	[tilespmem:$0x1F690] =	vst v56;
	v56 =	vld [tilespmem:s29+$0x50];
	_ =	sdelay $0x4  }
0x347: {  	[tilespmem:$0x1F6A0] =	vst v56;
	v56 =	vld [tilespmem:s29+$0x60];
	_ =	sdelay $0x4  }
0x348: {  	[tilespmem:$0x1F6B0] =	vst v56;
	v56 =	vld [tilespmem:s29+$0x70];
	_ =	sdelay $0x2  }
0x349: {  	s30 =	sadd.s32 $0x7000, s18  }
0x34a: {  	s26 =	sor.u32 s25, s30  }
0x34b: {  	[tilespmem:$0x1F6C0] =	vst v56;
	v56 =	vld [tilespmem:s26+$0x0];
	_ =	sdelay $0x4  }
0x34c: {  	[tilespmem:$0x1F6D0] =	vst v56;
	v56 =	vld [tilespmem:s26+$0x10];
	_ =	sdelay $0x4  }
0x34d: {  	[tilespmem:$0x1F6E0] =	vst v56;
	v56 =	vld [tilespmem:s26+$0x20];
	_ =	sdelay $0x4  }
0x34e: {  	[tilespmem:$0x1F6F0] =	vst v56;
	v56 =	vld [tilespmem:s26+$0x30];
	_ =	sdelay $0x4  }
0x34f: {  	[tilespmem:$0x1F700] =	vst v56;
	v56 =	vld [tilespmem:s26+$0x40];
	_ =	sdelay $0x4  }
0x350: {  	[tilespmem:$0x1F530] =	vst v56;
	v56 =	vld [tilespmem:s26+$0x50];
	_ =	sdelay $0x4  }
0x351: {  	[tilespmem:$0x1F540] =	vst v56;
	v56 =	vld [tilespmem:s26+$0x60];
	_ =	sdelay $0x4  }
0x352: {  	[tilespmem:$0x1F550] =	vst v56;
	v56 =	vld [tilespmem:s26+$0x70];
	_ =	sdelay $0x2  }
0x353: {  	s31 =	sadd.s32 $0x7400, s18  }
0x354: {  	s24 =	sadd.s32 $0x6000, s18;
	s23 =	sadd.s32 $0x6800, s18;
	s18 =	sor.u32 s25, s31  }
0x355: {  	[tilespmem:$0x1F560] =	vst v56;
	v56 =	vld [tilespmem:s18+$0x0];
	_ =	sdelay $0x4  }
0x356: {  	[tilespmem:$0x1F570] =	vst v56;
	v56 =	vld [tilespmem:s18+$0x10];
	_ =	sdelay $0x4  }
0x357: {  	[tilespmem:$0x1F580] =	vst v56;
	v56 =	vld [tilespmem:$0x1F730];
	_ =	sdelay $0x4  }
0x358: {  	v12 =	vadd.f32 v12, v56;
	v56 =	vld [tilespmem:s18+$0x20];
	_ =	sdelay $0x4  }
0x359: {  	[tilespmem:$0x1F590] =	vst v56;
	v56 =	vld [tilespmem:s18+$0x30]  }
0x35a: {  	v40 =	vld [tilespmem:s29+$0x30];
	_ =	sdelay $0x1  }
0x35b: {  	v52 =	vadd.f32 v52, v51;
	v51 =	vld [tilespmem:$0x1F770];
	s20 =	sor.u32 s25, s24  }
0x35c: {  	v21 =	vld [tilespmem:s20+$0x0]  }
0x35d: {  	[tilespmem:$0x1F5B0] =	vst v56;
	v56 =	vadd.f32 v0, v12;
	v0 =	vld [tilespmem:s18+$0x40]  }
0x35e: {  	[tilespmem:$0x1F680] =	vst v40;
	v40 =	vld [tilespmem:$0x1F740]  }
0x35f: {  	v22 =	vld [tilespmem:s20+$0x10]  }
0x360: {  	v23 =	vld [tilespmem:s20+$0x20]  }
0x361: {  	v24 =	vld [tilespmem:s20+$0x30]  }
0x362: {  	[tilespmem:$0x1F5C0] =	vst v0;
	v0 =	vld [tilespmem:$0x1F750]  }
0x363: {  	v14 =	vadd.f32 v14, v40;
	v40 =	vadd.f32 v63, v53;
	v53 =	vld [tilespmem:$0x1F780]  }
0x364: {  	v25 =	vld [tilespmem:s20+$0x40]  }
0x365: {  	v26 =	vld [tilespmem:s20+$0x50]  }
0x366: {  	v27 =	vld [tilespmem:s20+$0x60]  }
0x367: {  	v32 =	vld [tilespmem:s20+$0x70];
	v0 =	vadd.f32 v9, v0  }
0x368: {  	v9 =	vadd.f32 v10, v51;
	v10 =	vadd.f32 v13, v53;
	v13 =	vld [tilespmem:$0x1F7A0]  }
0x369: {  	v33 =	vld [tilespmem:s20+$0x400]  }
0x36a: {  	v34 =	vld [tilespmem:s20+$0x410]  }
0x36b: {  	v35 =	vld [tilespmem:s20+$0x420]  }
0x36c: {  	v38 =	vmov v36;
	v36 =	vld [tilespmem:s20+$0x430]  }
0x36d: {  	s24 =	sor.u32 s19, s24;
	v63 =	vld [tilespmem:s18+$0x50];
	v13 =	vadd.f32 v18, v13  }
0x36e: {  	v53 =	vadd.f32 v1, v10;
	v1 =	vld [tilespmem:s24+$0x20]  }
0x36f: {  	v0 =	vadd.f32 v59, v0;
	v51 =	vadd.f32 v20, v13;
	v13 =	vld [tilespmem:$0x1F7B0]  }
0x370: {  	v46 =	vld [tilespmem:s20+$0x440]  }
0x371: {  	[tilespmem:$0x1F5E0] =	vst v0;
	v0 =	vld [tilespmem:s24+$0x10]  }
0x372: {  	v37 =	vmov v47;
	v47 =	vld [tilespmem:s20+$0x450]  }
0x373: {  	[tilespmem:$0x1F5D0] =	vst v63;
	v63 =	vld [tilespmem:s24+$0x30]  }
0x374: {  	v1 =	vadd.f32 v1, v13;
	v13 =	vld [tilespmem:$0x1F7C0]  }
0x375: {  	[tilespmem:$0x1F5A0] =	vst v52;
	v52 =	vadd.f32 v2, v14;
	v14 =	vld [tilespmem:s24+$0x40]  }
0x376: {  	v0 =	vadd.f32 v0, v38;
	v38 =	vld [tilespmem:$0x1F7D0]  }
0x377: {  	v4 =	vld [tilespmem:s20+$0x460]  }
0x378: {  	v12 =	vld [tilespmem:$0x1F790]  }
0x379: {  	v3 =	vld [tilespmem:s20+$0x470];
	v1 =	vadd.f32 v23, v1;
	v10 =	vadd.f32 v63, v13  }
0x37a: {  	v59 =	vadd.f32 v61, v9;
	v9 =	vld [tilespmem:s24+$0x60]  }
0x37b: {  	s28 =	sor.u32 s25, s23;
	[tilespmem:$0x1F600] =	vst v1;
	v1 =	vadd.f32 v24, v10;
	v10 =	vadd.f32 v14, v38;
	v14 =	vld [tilespmem:$0x1F7F0]  }
0x37c: {  	v5 =	vld [tilespmem:s28+$0x0]  }
0x37d: {  	v2 =	vld [tilespmem:$0x1F760];
	v12 =	vadd.f32 v17, v12  }
0x37e: {  	v6 =	vld [tilespmem:s28+$0x10]  }
0x37f: {  	v61 =	vadd.f32 v16, v55;
	v55 =	vadd.f32 v19, v12;
	v12 =	vld [tilespmem:s24+$0x70]  }
0x380: {  	v9 =	vadd.f32 v9, v14;
	v14 =	vld [tilespmem:$0x1F800]  }
0x381: {  	v7 =	vld [tilespmem:s28+$0x20]  }
0x382: {  	v2 =	vadd.f32 v11, v2;
	v11 =	vld [tilespmem:s24+$0x0]  }
0x383: {  	v8 =	vld [tilespmem:s28+$0x30]  }
0x384: {  	v30 =	vld [tilespmem:s28+$0x40]  }
0x385: {  	v31 =	vld [tilespmem:s28+$0x50];
	v12 =	vadd.f32 v12, v14  }
0x386: {  	v13 =	vld [tilespmem:s24+$0x400]  }
0x387: {  	v11 =	vadd.f32 v11, v37;
	v37 =	vadd.f32 v32, v12;
	v32 =	vld [tilespmem:$0x1F820]  }
0x388: {  	v29 =	vld [tilespmem:s28+$0x60];
	v60 =	vadd.f32 v60, v2;
	v2 =	vadd.f32 v15, v54  }
0x389: {  	v28 =	vld [tilespmem:s28+$0x70]  }
0x38a: {  	v58 =	vadd.f32 v58, v2;
	v2 =	vld [tilespmem:s24+$0x50];
	v10 =	vadd.f32 v25, v10  }
0x38b: {  	[tilespmem:$0x1F610] =	vst v1;
	v1 =	vld [tilespmem:s24+$0x420]  }
0x38c: {  	[tilespmem:$0x1F620] =	vst v10;
	v10 =	vadd.f32 v13, v32;
	v13 =	vld [tilespmem:$0x1F860]  }
0x38d: {  	v54 =	vadd.f32 v62, v61;
	v62 =	vld [tilespmem:$0x1F7E0]  }
0x38e: {  	v48 =	vld [tilespmem:s29+$0x0]  }
0x38f: {  	v63 =	vld [tilespmem:s24+$0x430]  }
0x390: {  	v38 =	vld [tilespmem:s24+$0x460]  }
0x391: {  	v1 =	vadd.f32 v1, v13;
	v13 =	vld [tilespmem:$0x1F880]  }
0x392: {  	v2 =	vadd.f32 v2, v62;
	[tilespmem:$0x1F650] =	vst v37;
	v37 =	vld [tilespmem:$0x1F8E0]  }
0x393: {  	s23 =	sor.u32 s19, s23;
	v50 =	vld [tilespmem:s29+$0x20]  }
0x394: {  	v15 =	vld [tilespmem:s23+$0x0];
	v2 =	vadd.f32 v26, v2  }
0x395: {  	v61 =	vadd.f32 v21, v11;
	v9 =	vadd.f32 v27, v9;
	v14 =	vld [tilespmem:s24+$0x440]  }
0x396: {  	[tilespmem:$0x1F630] =	vst v2;
	v11 =	vadd.f32 v63, v13;
	v63 =	vadd.f32 v35, v1;
	v35 =	vld [tilespmem:$0x1F8A0]  }
0x397: {  	v0 =	vadd.f32 v22, v0;
	v2 =	vld [tilespmem:s24+$0x450];
	[tilespmem:$0x1F640] =	vst v9;
	v9 =	vadd.f32 v38, v37  }
0x398: {  	v18 =	vadd.f32 v36, v11;
	v36 =	vld [tilespmem:$0x1F8C0]  }
0x399: {  	[tilespmem:$0x1F5F0] =	vst v0;
	v0 =	vld [tilespmem:s24+$0x410];
	v4 =	vadd.f32 v4, v9  }
0x39a: {  	v12 =	vld [tilespmem:$0x1F840]  }
0x39b: {  	v62 =	vadd.f32 v33, v10;
	[tilespmem:$0x1F670] =	vst v4;
	v4 =	vld [tilespmem:$0x1F910];
	v10 =	vadd.f32 v14, v35  }
0x39c: {  	v1 =	vld [tilespmem:s23+$0x20]  }
0x39d: {  	v2 =	vadd.f32 v2, v36;
	v19 =	vadd.f32 v46, v10;
	v46 =	vld [tilespmem:$0x1F920]  }
0x39e: {  	v14 =	vld [tilespmem:s23+$0x30]  }
0x39f: {  	v0 =	vadd.f32 v0, v12;
	v2 =	vadd.f32 v47, v2;
	v47 =	vld [tilespmem:$0x1F940]  }
0x3a0: {  	v12 =	vld [tilespmem:s24+$0x470]  }
0x3a1: {  	v32 =	vadd.f32 v34, v0;
	v0 =	vld [tilespmem:s23+$0x10]  }
0x3a2: {  	v38 =	vld [tilespmem:$0x1F900];
	v1 =	vadd.f32 v1, v46  }
0x3a3: {  	s22 =	sor.u32 s19, s22;
	v4 =	vadd.f32 v15, v4;
	[tilespmem:$0x1F660] =	vst v2;
	v2 =	vld [tilespmem:s23+$0x50]  }
0x3a4: {  	v17 =	vadd.f32 v14, v47;
	v35 =	vadd.f32 v7, v1;
	v1 =	vld [tilespmem:s22+$0x20]  }
0x3a5: {  	v14 =	vadd.f32 v5, v4;
	v5 =	vld [tilespmem:$0x1F980]  }
0x3a6: {  	v0 =	vadd.f32 v0, v41;
	v17 =	vadd.f32 v8, v17;
	v8 =	vld [tilespmem:$0x1F9E0]  }
0x3a7: {  	v16 =	vld [tilespmem:s23+$0x40];
	v13 =	vadd.f32 v12, v38  }
0x3a8: {  	v15 =	vadd.f32 v6, v0;
	v6 =	vld [tilespmem:$0x1F9A0]  }
0x3a9: {  	v13 =	vadd.f32 v3, v13;
	v3 =	vld [tilespmem:s23+$0x60]  }
0x3aa: {  	v2 =	vadd.f32 v2, v5;
	v5 =	vld [tilespmem:s22+$0x30]  }
0x3ab: {  	v1 =	vadd.f32 v1, v8;
	v8 =	vld [tilespmem:$0x1F9F0]  }
0x3ac: {  	v7 =	vld [tilespmem:s22+$0x40]  }
0x3ad: {  	v38 =	vadd.f32 v50, v1;
	v1 =	vld [tilespmem:$0x1F680]  }
0x3ae: {  	v4 =	vld [tilespmem:$0x1F960]  }
0x3af: {  	v50 =	vld [tilespmem:$0x1F690]  }
0x3b0: {  	v20 =	vld [tilespmem:s22+$0x0];
	v5 =	vadd.f32 v5, v8  }
0x3b1: {  	v41 =	vld [tilespmem:s23+$0x70];
	v36 =	vadd.f32 v31, v2  }
0x3b2: {  	v2 =	vld [tilespmem:s22+$0x50];
	v33 =	vadd.f32 v1, v5;
	v5 =	vadd.f32 v7, v57  }
0x3b3: {  	v3 =	vadd.f32 v3, v6;
	v6 =	vld [tilespmem:$0x1F9C0];
	v4 =	vadd.f32 v16, v4  }
0x3b4: {  	v22 =	vadd.f32 v50, v5;
	v5 =	vld [tilespmem:$0x1F6A0]  }
0x3b5: {  	v0 =	vld [tilespmem:s22+$0x10];
	v16 =	vadd.f32 v30, v4;
	v4 =	vadd.f32 v20, v42  }
0x3b6: {  	v21 =	vadd.f32 v29, v3;
	v3 =	vld [tilespmem:s22+$0x60]  }
0x3b7: {  	v20 =	vadd.f32 v48, v4;
	v4 =	vld [tilespmem:$0x1FA00];
	v2 =	vadd.f32 v2, v39  }
0x3b8: {  	v49 =	vld [tilespmem:s29+$0x10]  }
0x3b9: {  	v6 =	vadd.f32 v41, v6;
	v23 =	vadd.f32 v5, v2;
	v2 =	vld [tilespmem:$0x1F6B0];
	_ =	sdelay $0x1  }
0x3ba: {  	v0 =	vadd.f32 v0, v43;
	v34 =	vadd.f32 v28, v6;
	v6 =	vld [tilespmem:s22+$0x70]  }
0x3bb: {  	s21 =	sor.u32 s19, s30;
	v3 =	vadd.f32 v3, v4;
	v4 =	vld [tilespmem:$0x1FA10]  }
0x3bc: {  	v37 =	vadd.f32 v49, v0;
	v0 =	vld [tilespmem:s21+$0x10]  }
0x3bd: {  	v24 =	vadd.f32 v2, v3;
	v2 =	vld [tilespmem:$0x1F6C0]  }
0x3be: {  	v8 =	vld [tilespmem:s21+$0x0];
	_ =	sdelay $0x1  }
0x3bf: {  	v6 =	vadd.f32 v6, v4;
	_ =	sdelay $0x1  }
0x3c0: {  	v1 =	vld [tilespmem:s21+$0x20];
	v25 =	vadd.f32 v2, v6  }
0x3c1: {  	v2 =	vadd.f32 v8, v44;
	v8 =	vadd.f32 v0, v45;
	v0 =	vld [tilespmem:$0x1FA20];
	_ =	sdelay $0x4  }
0x3c2: {  	v57 =	vadd.f32 v1, v0;
	v1 =	vld [tilespmem:$0x1F6D0];
	_ =	sdelay $0x3  }
0x3c3: {  	v7 =	vld [tilespmem:s21+$0x30]  }
0x3c4: {  	v45 =	vadd.f32 v1, v2;
	v2 =	vld [tilespmem:$0x1F6F0]  }
0x3c5: {  	v4 =	vld [tilespmem:s21+$0x40]  }
0x3c6: {  	v5 =	vld [tilespmem:s21+$0x50]  }
0x3c7: {  	v0 =	vld [tilespmem:$0x1FA30]  }
0x3c8: {  	v1 =	vld [tilespmem:$0x1F6E0]  }
0x3c9: {  	v27 =	vadd.f32 v2, v57;
	v2 =	vld [tilespmem:$0x1F700]  }
0x3ca: {  	v3 =	vld [tilespmem:s21+$0x60]  }
0x3cb: {  	s22 =	sor.u32 s19, s31;
	v6 =	vld [tilespmem:s21+$0x70]  }
0x3cc: {  	v7 =	vadd.f32 v7, v0;
	v0 =	vld [tilespmem:s22+$0x0]  }
0x3cd: {  	v44 =	vadd.f32 v1, v8;
	v1 =	vld [tilespmem:s22+$0x10]  }
0x3ce: {  	s19 =	simm.s32 $0x0;
	v26 =	vadd.f32 v2, v7;
	v2 =	vld [tilespmem:s22+$0x20]  }
.LBB2_8:
0x3cf: {  	v7 =	vld [tilespmem:$0x1F5A0];
	_ =	sdelay $0x1  }
0x3d0: {  	v10 =	vld [tilespmem:$0x1F530];
	_ =	sdelay $0x2  }
0x3d1: {  	v4 =	vadd.f32 v4, v7;
	_ =	sdelay $0x1  }
0x3d2: {  	v4 =	vadd.f32 v10, v4;
	_ =	sdelay $0x1  }
0x3d3: {  	[tilespmem:$0x1F5A0] =	vst v4;
	v4 =	vld [tilespmem:$0x1F540];
	_ =	sdelay $0x2  }
0x3d4: {  	v5 =	vadd.f32 v5, v40;
	_ =	sdelay $0x1  }
0x3d5: {  	[tilespmem:$0x1F450] =	vst v17;
	v17 =	vadd.f32 v4, v5;
	v4 =	vld [tilespmem:$0x1F550];
	_ =	sdelay $0x2  }
0x3d6: {  	v3 =	vadd.f32 v3, v56;
	_ =	sdelay $0x1  }
0x3d7: {  	v40 =	vadd.f32 v4, v3;
	v3 =	vld [tilespmem:$0x1F560];
	_ =	sdelay $0x2  }
0x3d8: {  	v6 =	vadd.f32 v6, v52;
	_ =	sdelay $0x1  }
0x3d9: {  	v3 =	vadd.f32 v3, v6;
	_ =	sdelay $0x1  }
0x3da: {  	s19 =	sadd.s32 $0x2, s19;
	[tilespmem:$0x1F400] =	vst v3;
	v3 =	vld [tilespmem:$0x1F5E0]  }
0x3db: {  	s20 =	sshrl.u32 s19, $0x3  }
0x3dc: {  	s21 =	smul.u32 $0x6000, s20;
	v4 =	vld [tilespmem:$0x1F570]  }
0x3dd: {  	v8 =	vld [tilespmem:s22+$0x40];
	s17 =	sadd.s32 $0x100, s17  }
0x3de: {  	v9 =	vld [tilespmem:s22+$0x50];
	s20 =	sand.u32 $0x300, s17;
	s21 =	sshra.s32 s21, $0x2  }
0x3df: {  	v28 =	vld [tilespmem:s18+$0x60];
	s26 =	sor.u32 $0x80, s20;
	s25 =	sadd.s32 $0x6000, s21;
	v0 =	vadd.f32 v0, v3  }
0x3e0: {  	v7 =	vld [tilespmem:s22+$0x30];
	s23 =	sor.u32 s26, s25  }
0x3e1: {  	[tilespmem:$0x1F490] =	vst v38;
	v38 =	vld [tilespmem:s23+$0x20];
	v0 =	vadd.f32 v4, v0  }
0x3e2: {  	v39 =	vld [tilespmem:s23+$0x30]  }
0x3e3: {  	[tilespmem:$0x1F5E0] =	vst v0;
	v0 =	vld [tilespmem:$0x1F580]  }
0x3e4: {  	[tilespmem:$0x1F480] =	vst v37;
	v37 =	vld [tilespmem:s23+$0x400]  }
0x3e5: {  	v52 =	vld [tilespmem:s23+$0x410]  }
0x3e6: {  	v1 =	vadd.f32 v1, v60;
	v30 =	vld [tilespmem:s23+$0x440]  }
0x3e7: {  	v31 =	vld [tilespmem:s23+$0x450]  }
0x3e8: {  	[tilespmem:$0x1F410] =	vst v19;
	v19 =	vmovc v18;
	v18 =	vmov v63;
	v63 =	vmov v32;
	v32 =	vadd.f32 v0, v1;
	v1 =	vld [tilespmem:$0x1F590]  }
0x3e9: {  	v50 =	vld [tilespmem:s23+$0x460]  }
0x3ea: {  	v42 =	vmov v21;
	v21 =	vmov v36;
	v36 =	vld [tilespmem:s23+$0x470]  }
0x3eb: {  	v2 =	vadd.f32 v2, v59;
	v5 =	vld [tilespmem:s22+$0x60]  }
0x3ec: {  	v3 =	vld [tilespmem:s22+$0x70]  }
0x3ed: {  	v41 =	vadd.f32 v1, v2;
	v1 =	vld [tilespmem:$0x1F5B0]  }
0x3ee: {  	v6 =	vadd.f32 v7, v53;
	v7 =	vld [tilespmem:s23+$0x10]  }
0x3ef: {  	v53 =	vld [tilespmem:s23+$0x430]  }
0x3f0: {  	v4 =	vld [tilespmem:s23+$0x0]  }
0x3f1: {  	v3 =	vadd.f32 v3, v51;
	v51 =	vld [tilespmem:s23+$0x420]  }
0x3f2: {  	[tilespmem:$0x1F420] =	vst v13;
	v13 =	vadd.f32 v1, v6;
	v6 =	vadd.f32 v5, v55;
	v5 =	vld [tilespmem:$0x1F5C0]  }
0x3f3: {  	v0 =	vld [tilespmem:s18+$0x70]  }
0x3f4: {  	v2 =	vadd.f32 v9, v54;
	v9 =	vld [tilespmem:s23+$0x70]  }
0x3f5: {  	v1 =	vadd.f32 v8, v58;
	v8 =	vld [tilespmem:s23+$0x50]  }
0x3f6: {  	[tilespmem:$0x1F440] =	vst v15;
	v15 =	vadd.f32 v28, v6;
	v6 =	vld [tilespmem:s23+$0x60]  }
0x3f7: {  	[tilespmem:$0x1F460] =	vst v16;
	v16 =	vadd.f32 v5, v1;
	v5 =	vld [tilespmem:s23+$0x40];
	s23 =	sadd.s32 $0x6C00, s21  }
0x3f8: {  	s29 =	sor.u32 s26, s23  }
0x3f9: {  	v12 =	vadd.f32 v0, v3;
	v0 =	vld [tilespmem:s29+$0x20];
	_ =	sdelay $0x4  }
0x3fa: {  	[tilespmem:$0x1F4A0] =	vst v0;
	v0 =	vld [tilespmem:s29+$0x40];
	_ =	sdelay $0x4  }
0x3fb: {  	[tilespmem:$0x1F4B0] =	vst v0;
	v0 =	vld [tilespmem:s29+$0x50];
	_ =	sdelay $0x4  }
0x3fc: {  	[tilespmem:$0x1F4C0] =	vst v0;
	v0 =	vld [tilespmem:s29+$0x60];
	_ =	sdelay $0x4  }
0x3fd: {  	[tilespmem:$0x1F4D0] =	vst v0;
	v0 =	vld [tilespmem:s29+$0x70];
	_ =	sdelay $0x2  }
0x3fe: {  	s30 =	sadd.s32 $0x7000, s21  }
0x3ff: {  	s31 =	sor.u32 s26, s30  }
0x400: {  	[tilespmem:$0x1F4E0] =	vst v0;
	v0 =	vld [tilespmem:s31+$0x0];
	_ =	sdelay $0x4  }
0x401: {  	[tilespmem:$0x1F4F0] =	vst v0;
	v0 =	vld [tilespmem:s31+$0x10];
	_ =	sdelay $0x4  }
0x402: {  	[tilespmem:$0x1F500] =	vst v0;
	v0 =	vld [tilespmem:s31+$0x20];
	_ =	sdelay $0x4  }
0x403: {  	[tilespmem:$0x1F510] =	vst v0;
	v0 =	vld [tilespmem:s31+$0x30];
	_ =	sdelay $0x4  }
0x404: {  	[tilespmem:$0x1F520] =	vst v0;
	v0 =	vld [tilespmem:s31+$0x40];
	_ =	sdelay $0x4  }
0x405: {  	[tilespmem:$0x1F530] =	vst v0;
	v0 =	vld [tilespmem:s31+$0x50];
	_ =	sdelay $0x4  }
0x406: {  	[tilespmem:$0x1F540] =	vst v0;
	v0 =	vld [tilespmem:s31+$0x60];
	_ =	sdelay $0x4  }
0x407: {  	[tilespmem:$0x1F550] =	vst v0;
	v0 =	vld [tilespmem:s31+$0x70];
	_ =	sdelay $0x2  }
0x408: {  	s24 =	sadd.s32 $0x6800, s21;
	s21 =	sadd.s32 $0x7400, s21  }
0x409: {  	s18 =	sor.u32 s26, s21  }
0x40a: {  	[tilespmem:$0x1F560] =	vst v0;
	v0 =	vld [tilespmem:s18+$0x0];
	_ =	sdelay $0x4  }
0x40b: {  	[tilespmem:$0x1F570] =	vst v0;
	v0 =	vld [tilespmem:s18+$0x10];
	_ =	sdelay $0x4  }
0x40c: {  	[tilespmem:$0x1F580] =	vst v0;
	v0 =	vld [tilespmem:s18+$0x30];
	_ =	sdelay $0x2  }
0x40d: {  	s25 =	sor.u32 s20, s25  }
0x40e: {  	v55 =	vld [tilespmem:s25+$0x10]  }
0x40f: {  	[tilespmem:$0x1F5B0] =	vst v0;
	v0 =	vld [tilespmem:$0x1F5F0];
	_ =	sdelay $0x2  }
0x410: {  	v60 =	vld [tilespmem:s25+$0x20]  }
0x411: {  	v57 =	vld [tilespmem:s18+$0x20]  }
0x412: {  	v55 =	vadd.f32 v55, v0;
	v0 =	vld [tilespmem:$0x1F600];
	_ =	sdelay $0x1  }
0x413: {  	v54 =	vld [tilespmem:s25+$0x0];
	_ =	sdelay $0x1  }
0x414: {  	[tilespmem:$0x1F590] =	vst v57;
	v57 =	vld [tilespmem:s25+$0x30]  }
0x415: {  	v56 =	vadd.f32 v60, v0;
	v0 =	vld [tilespmem:$0x1F610];
	_ =	sdelay $0x1  }
0x416: {  	v10 =	vld [tilespmem:s25+$0x40];
	v54 =	vadd.f32 v54, v61  }
0x417: {  	v58 =	vld [tilespmem:s18+$0x40]  }
0x418: {  	v11 =	vld [tilespmem:s25+$0x50];
	v61 =	vadd.f32 v4, v54;
	v4 =	vadd.f32 v7, v55  }
0x419: {  	v54 =	vld [tilespmem:s25+$0x440];
	v7 =	vadd.f32 v38, v56;
	v57 =	vadd.f32 v57, v0  }
0x41a: {  	v1 =	vld [tilespmem:$0x1F5D0]  }
0x41b: {  	v59 =	vld [tilespmem:s18+$0x50];
	[tilespmem:$0x1F600] =	vst v7;
	v7 =	vadd.f32 v39, v57  }
0x41c: {  	[tilespmem:$0x1F5C0] =	vst v58;
	v58 =	vld [tilespmem:s25+$0x60]  }
0x41d: {  	[tilespmem:$0x1F610] =	vst v7;
	v7 =	vld [tilespmem:$0x1F620]  }
0x41e: {  	v56 =	vmov v40;
	v40 =	vmov v17;
	v17 =	vld [tilespmem:$0x1F640]  }
0x41f: {  	v0 =	vld [tilespmem:s25+$0x410]  }
0x420: {  	[tilespmem:$0x1F5D0] =	vst v59;
	v59 =	vld [tilespmem:s25+$0x70]  }
0x421: {  	v55 =	vld [tilespmem:$0x1F630]  }
0x422: {  	[tilespmem:$0x1F5F0] =	vst v4;
	v4 =	vld [tilespmem:s25+$0x420];
	v7 =	vadd.f32 v10, v7  }
0x423: {  	v38 =	vadd.f32 v58, v17;
	v58 =	vmov v16;
	v16 =	vld [tilespmem:$0x1F650]  }
0x424: {  	v5 =	vadd.f32 v5, v7;
	v7 =	vadd.f32 v0, v63;
	v0 =	vld [tilespmem:$0x1F410];
	_ =	sdelay $0x2  }
0x425: {  	v60 =	vld [tilespmem:s25+$0x400];
	v4 =	vadd.f32 v4, v18;
	v6 =	vadd.f32 v6, v38  }
0x426: {  	v57 =	vld [tilespmem:s25+$0x450];
	v10 =	vadd.f32 v11, v55;
	v39 =	vadd.f32 v59, v16  }
0x427: {  	v63 =	vadd.f32 v51, v4;
	v4 =	vadd.f32 v54, v0;
	v0 =	vld [tilespmem:$0x1F660]  }
0x428: {  	[tilespmem:$0x1F640] =	vst v6;
	v6 =	vadd.f32 v9, v39  }
0x429: {  	[tilespmem:$0x1F620] =	vst v5;
	v5 =	vadd.f32 v8, v10  }
0x42a: {  	[tilespmem:$0x1F650] =	vst v6  }
0x42b: {  	v6 =	vadd.f32 v60, v62;
	[tilespmem:$0x1F630] =	vst v5;
	v5 =	vld [tilespmem:s25+$0x460]  }
0x42c: {  	v60 =	vmov v32;
	v32 =	vadd.f32 v52, v7;
	v7 =	vadd.f32 v57, v0;
	v0 =	vld [tilespmem:$0x1F670];
	_ =	sdelay $0x3  }
0x42d: {  	v8 =	vld [tilespmem:s25+$0x470]  }
0x42e: {  	v5 =	vadd.f32 v5, v0;
	v0 =	vld [tilespmem:$0x1F420];
	_ =	sdelay $0x4  }
0x42f: {  	v8 =	vadd.f32 v8, v0;
	v0 =	vadd.f32 v31, v7;
	_ =	sdelay $0x1  }
0x430: {  	s28 =	sor.u32 s26, s24;
	s24 =	sor.u32 s20, s24;
	v11 =	vld [tilespmem:s25+$0x430];
	[tilespmem:$0x1F660] =	vst v0;
	v0 =	vadd.f32 v50, v5  }
0x431: {  	[tilespmem:$0x1F430] =	vst v14;
	v10 =	vld [tilespmem:s24+$0x0]  }
0x432: {  	[tilespmem:$0x1F670] =	vst v0;
	v0 =	vld [tilespmem:$0x1F430];
	_ =	sdelay $0x3  }
0x433: {  	v59 =	vmov v41;
	v41 =	vadd.f32 v11, v19;
	v11 =	vld [tilespmem:s24+$0x10]  }
0x434: {  	v5 =	vadd.f32 v10, v0;
	v0 =	vld [tilespmem:$0x1F440];
	_ =	sdelay $0x3  }
0x435: {  	v9 =	vld [tilespmem:s24+$0x30]  }
0x436: {  	v7 =	vadd.f32 v11, v0;
	v0 =	vld [tilespmem:$0x1F450]  }
0x437: {  	v48 =	vld [tilespmem:s28+$0x10]  }
0x438: {  	[tilespmem:$0x1F470] =	vst v20;
	v20 =	vld [tilespmem:s28+$0x20]  }
0x439: {  	v62 =	vadd.f32 v37, v6;
	v6 =	vld [tilespmem:s24+$0x20]  }
0x43a: {  	v57 =	vld [tilespmem:s24+$0x40]  }
0x43b: {  	v9 =	vadd.f32 v9, v0;
	v0 =	vld [tilespmem:$0x1F460]  }
0x43c: {  	v43 =	vld [tilespmem:s28+$0x60]  }
0x43d: {  	v18 =	vadd.f32 v53, v41;
	v41 =	vld [tilespmem:s24+$0x50]  }
0x43e: {  	s23 =	sor.u32 s20, s23;
	v19 =	vadd.f32 v30, v4;
	v4 =	vld [tilespmem:s24+$0x60];
	v6 =	vadd.f32 v6, v35  }
0x43f: {  	v10 =	vld [tilespmem:s23+$0x0]  }
0x440: {  	v35 =	vadd.f32 v20, v6;
	v6 =	vadd.f32 v57, v0;
	v0 =	vld [tilespmem:$0x1F470];
	_ =	sdelay $0x1  }
0x441: {  	v47 =	vld [tilespmem:s28+$0x0]  }
0x442: {  	v3 =	vld [tilespmem:s28+$0x40];
	v4 =	vadd.f32 v4, v42  }
0x443: {  	v55 =	vmov v15;
	v50 =	vld [tilespmem:s23+$0x10];
	v15 =	vadd.f32 v48, v7;
	v7 =	vadd.f32 v41, v21  }
0x444: {  	v21 =	vadd.f32 v43, v4;
	v4 =	vadd.f32 v10, v0;
	v0 =	vld [tilespmem:$0x1F480];
	_ =	sdelay $0x1  }
0x445: {  	v14 =	vadd.f32 v1, v2;
	_ =	sdelay $0x1  }
0x446: {  	v54 =	vmov v14;
	v14 =	vadd.f32 v47, v5;
	v5 =	vld [tilespmem:s23+$0x20]  }
0x447: {  	v16 =	vadd.f32 v3, v6;
	v6 =	vadd.f32 v50, v0;
	v0 =	vld [tilespmem:$0x1F490];
	_ =	sdelay $0x2  }
0x448: {  	v46 =	vld [tilespmem:s28+$0x70]  }
0x449: {  	v53 =	vmov v13;
	v13 =	vadd.f32 v36, v8;
	v8 =	vld [tilespmem:s24+$0x70]  }
0x44a: {  	v5 =	vadd.f32 v5, v0;
	v0 =	vld [tilespmem:$0x1F4A0]  }
0x44b: {  	v57 =	vld [tilespmem:s23+$0x30]  }
0x44c: {  	v2 =	vld [tilespmem:s29+$0x30]  }
0x44d: {  	v41 =	vld [tilespmem:s23+$0x40]  }
0x44e: {  	v8 =	vadd.f32 v8, v34  }
0x44f: {  	v38 =	vadd.f32 v0, v5;
	v0 =	vld [tilespmem:$0x1F4B0]  }
0x450: {  	v34 =	vadd.f32 v46, v8;
	v8 =	vadd.f32 v57, v33  }
0x451: {  	v28 =	vld [tilespmem:s29+$0x10]  }
0x452: {  	v42 =	vld [tilespmem:s23+$0x50];
	v33 =	vadd.f32 v2, v8;
	v2 =	vadd.f32 v41, v22;
	_ =	sdelay $0x1  }
0x453: {  	v22 =	vadd.f32 v0, v2;
	v0 =	vld [tilespmem:$0x1F4C0]  }
0x454: {  	v49 =	vld [tilespmem:s28+$0x30]  }
0x455: {  	v29 =	vld [tilespmem:s28+$0x50]  }
0x456: {  	s22 =	sor.u32 s20, s30;
	v3 =	vld [tilespmem:s23+$0x60];
	v37 =	vadd.f32 v28, v6;
	v6 =	vadd.f32 v42, v23  }
0x457: {  	v47 =	vld [tilespmem:s22+$0x0]  }
0x458: {  	v23 =	vadd.f32 v0, v6;
	v0 =	vld [tilespmem:$0x1F4D0]  }
0x459: {  	v1 =	vld [tilespmem:s29+$0x0]  }
0x45a: {  	v36 =	vadd.f32 v29, v7;
	v57 =	vld [tilespmem:$0x1F4F0]  }
0x45b: {  	v7 =	vld [tilespmem:s23+$0x70];
	v17 =	vadd.f32 v49, v9;
	v49 =	vadd.f32 v3, v24  }
0x45c: {  	v48 =	vld [tilespmem:s22+$0x10]  }
0x45d: {  	v2 =	vadd.f32 v47, v45;
	v24 =	vadd.f32 v0, v49;
	v0 =	vld [tilespmem:$0x1F4E0];
	_ =	sdelay $0x1  }
0x45e: {  	v45 =	vadd.f32 v57, v2;
	v2 =	vld [tilespmem:$0x1F500]  }
0x45f: {  	v7 =	vadd.f32 v7, v25  }
0x460: {  	v20 =	vadd.f32 v1, v4  }
0x461: {  	v1 =	vld [tilespmem:s22+$0x20];
	v25 =	vadd.f32 v0, v7;
	v7 =	vadd.f32 v48, v44;
	_ =	sdelay $0x1  }
0x462: {  	v44 =	vadd.f32 v2, v7;
	v7 =	vld [tilespmem:$0x1F510]  }
0x463: {  	v52 =	vld [tilespmem:$0x1F400]  }
0x464: {  	v8 =	vld [tilespmem:s22+$0x30]  }
0x465: {  	v4 =	vld [tilespmem:s22+$0x40];
	v50 =	vadd.f32 v1, v27  }
0x466: {  	v3 =	vld [tilespmem:s22+$0x60]  }
0x467: {  	p0 =	slt.u32 s19, $0x1E;
	v27 =	vadd.f32 v7, v50;
	v7 =	vld [tilespmem:$0x1F520]  }
.Ltmp3:
0x468: {  	v5 =	vld [tilespmem:s22+$0x50];
	(pc) =	sbr.rel @p0 .LBB2_8-.Ltmp3, $4  }
0x469: {  	v6 =	vld [tilespmem:s22+$0x70];
	s22 =	sor.u32 s20, s21  }
0x46a: {  	v8 =	vadd.f32 v8, v26;
	v1 =	vld [tilespmem:s22+$0x10]  }
0x46b: {  	v0 =	vld [tilespmem:s22+$0x0]  }
0x46c: {  	v51 =	vmov v12;
	v2 =	vld [tilespmem:s22+$0x20];
	v26 =	vadd.f32 v7, v8  }
0x46d: {  	v7 =	vld [tilespmem:s22+$0x30]  }
0x46e: {  	v8 =	vld [tilespmem:s22+$0x40]  }
0x46f: {  	v9 =	vld [tilespmem:s22+$0x50]  }
0x470: {  	v10 =	vld [tilespmem:s22+$0x60]  }
0x471: {  	v11 =	vld [tilespmem:s22+$0x70]  }
0x472: {  	v28 =	vld [tilespmem:s18+$0x60]  }
0x473: {  	v29 =	vld [tilespmem:s18+$0x70];
	[tilespmem:$0xC000] =	vst v61  }
0x474: {  	[tilespmem:$0xC080] =	vst v62  }
0x475: {  	[tilespmem:$0xC090] =	vst v32  }
0x476: {  	[tilespmem:$0xC0A0] =	vst v63  }
0x477: {  	[tilespmem:$0xC0B0] =	vst v18  }
0x478: {  	[tilespmem:$0xC0C0] =	vst v19  }
0x479: {  	[tilespmem:$0xC0F0] =	vst v13  }
0x47a: {  	[tilespmem:$0xC100] =	vst v14  }
0x47b: {  	[tilespmem:$0xC110] =	vst v15  }
0x47c: {  	[tilespmem:$0xC120] =	vst v35  }
0x47d: {  	[tilespmem:$0xC130] =	vst v17  }
0x47e: {  	[tilespmem:$0xC140] =	vst v16  }
0x47f: {  	[tilespmem:$0xC150] =	vst v36  }
0x480: {  	[tilespmem:$0xC160] =	vst v21  }
0x481: {  	[tilespmem:$0xC170] =	vst v34  }
0x482: {  	[tilespmem:$0xC180] =	vst v20  }
0x483: {  	[tilespmem:$0xC190] =	vst v37  }
0x484: {  	[tilespmem:$0xC1A0] =	vst v38  }
0x485: {  	v12 =	vld [tilespmem:$0x1F5F0];
	[tilespmem:$0xC1B0] =	vst v33  }
0x486: {  	v49 =	vld [tilespmem:$0x1F600];
	[tilespmem:$0xC1C0] =	vst v22  }
0x487: {  	v50 =	vld [tilespmem:$0x1F610];
	[tilespmem:$0xC1D0] =	vst v23  }
0x488: {  	v57 =	vld [tilespmem:$0x1F620];
	[tilespmem:$0xC1E0] =	vst v24  }
0x489: {  	v61 =	vld [tilespmem:$0x1F630];
	[tilespmem:$0xC1F0] =	vst v25  }
0x48a: {  	v30 =	vld [tilespmem:$0x1F640];
	[tilespmem:$0xC200] =	vst v45  }
0x48b: {  	v31 =	vld [tilespmem:$0x1F650];
	[tilespmem:$0xC210] =	vst v44  }
0x48c: {  	v39 =	vld [tilespmem:$0x1F660];
	[tilespmem:$0xC220] =	vst v27  }
0x48d: {  	v41 =	vld [tilespmem:$0x1F670];
	[tilespmem:$0xC230] =	vst v26  }
0x48e: {  	v42 =	vld [tilespmem:$0x1F5A0];
	[tilespmem:$0xC010] =	vst v12  }
0x48f: {  	v44 =	vld [tilespmem:$0x1F540];
	[tilespmem:$0xC020] =	vst v49  }
0x490: {  	v45 =	vld [tilespmem:$0x1F550];
	[tilespmem:$0xC030] =	vst v50  }
0x491: {  	v46 =	vld [tilespmem:$0x1F5E0];
	[tilespmem:$0xC040] =	vst v57  }
0x492: {  	v5 =	vadd.f32 v5, v40;
	v6 =	vadd.f32 v6, v52;
	v52 =	vld [tilespmem:$0x1F590];
	[tilespmem:$0xC050] =	vst v61  }
0x493: {  	v3 =	vadd.f32 v3, v56;
	v43 =	vld [tilespmem:$0x1F530];
	v1 =	vadd.f32 v1, v60;
	[tilespmem:$0xC060] =	vst v30  }
0x494: {  	v48 =	vld [tilespmem:$0x1F570];
	v2 =	vadd.f32 v2, v59;
	[tilespmem:$0xC070] =	vst v31;
	v4 =	vadd.f32 v4, v42  }
0x495: {  	[tilespmem:$0xC0D0] =	vst v39;
	v5 =	vadd.f32 v44, v5;
	v3 =	vadd.f32 v45, v3  }
0x496: {  	[tilespmem:$0xC0E0] =	vst v41;
	v0 =	vadd.f32 v0, v46;
	v49 =	vadd.f32 v7, v53  }
0x497: {  	v47 =	vld [tilespmem:$0x1F560];
	v53 =	vadd.f32 v8, v58;
	v2 =	vadd.f32 v52, v2;
	[tilespmem:$0xC250] =	vst v5  }
0x498: {  	v56 =	vld [tilespmem:$0x1F5B0];
	v58 =	vadd.f32 v10, v55;
	v4 =	vadd.f32 v43, v4;
	[tilespmem:$0xC260] =	vst v3  }
0x499: {  	v50 =	vld [tilespmem:$0x1F580];
	v60 =	vadd.f32 v11, v51;
	v0 =	vadd.f32 v48, v0;
	[tilespmem:$0xC2A0] =	vst v2  }
0x49a: {  	v61 =	vld [tilespmem:$0x1F5D0];
	v62 =	vadd.f32 v28, v58;
	[tilespmem:$0xC240] =	vst v4  }
0x49b: {  	v59 =	vld [tilespmem:$0x1F5C0];
	v63 =	vadd.f32 v29, v60;
	[tilespmem:$0xC280] =	vst v0  }
0x49c: {  	v4 =	vadd.f32 v47, v6;
	[tilespmem:$0xC2E0] =	vst v62  }
0x49d: {  	v57 =	vadd.f32 v9, v54;
	v0 =	vadd.f32 v56, v49;
	[tilespmem:$0xC2F0] =	vst v63  }
0x49e: {  	v1 =	vadd.f32 v50, v1;
	[tilespmem:$0xC270] =	vst v4  }
0x49f: {  	v3 =	vadd.f32 v61, v57;
	[tilespmem:$0xC2B0] =	vst v0  }
0x4a0: {  	s16 =	sadd.s32 $0x1, s16;
	v4 =	vadd.f32 v59, v53;
	[tilespmem:$0xC290] =	vst v1  }
0x4a1: {  	p0 =	sne.s32 s16, s8;
	[tilespmem:$0xC2D0] =	vst v3  }
.Ltmp4:
0x4a2: {  	[tilespmem:$0xC2C0] =	vst v4;
	(pc) =	sbr.rel @p0 .LBB2_1-.Ltmp4, $4  }
0x4a3: {  	[hbm4b:s7+s12] =	stream.strided.scatter [tilespmem:s14], [sflag:$0x3], $0x300, s13, s12, $0x38;
	[tilespmem:$0xC300] =	vst v63  }
0x4a4: {  	_ =	swait.ge [sflag:s15], $0x300  }
0x4a5: {  	[sflag:s15] =	ssyncset.done $0x0  }
0x4a6: {  	[sflag:s15] =	ssyncadd.s32 $0xFFFFFD00  }
0x4a7: {  	_ =	sfence.sel $0x180000  }
0x4a8: {  	[bflag:$0x0] =	sbarrier.arrive $0xFFFF  }
0x4a9: {  	p0 =	sne.s32 s0, $0x0;
	_ =	strace $0x90000047  }
0x4aa: {  	s0 =	sadd.s32 @!p0 $0x100000, s1;
	[bflag:$0x2] =	sbarrier.arrive $0xFFFF  }
0x4ab: {  	[sflag:s0] =	ssyncadd.tile.s32 @!p0 $0x1;
	_ =	shalt  }
.Lfunc_end2:
_tile_overlayer_lowered:
.L_overlay_start_2:
0x4ac: {  	(tag) =	ssettag $0x2  }
0x4ad: {  	s0 =	rddreg [dreg:$0x0];
	s2 =	stileid.u32  }
0x4ae: {  	s1 =	rddreg [dreg:$0x1];
	p0 =	sne.s32 s2, $0x0  }
0x4af: {  	s3 =	rddreg [dreg:$0x2];
	[bflag:$0x3] =	sbarrier.arrive $0xFFFF;
	s2 =	simm.s32 @!p0 $0x1C03  }
0x4b0: {  	[timem:s3], [sflag:s2] =	dma.local @!p0 [hbm:s0], s1  }
0x4b1: {  	s0 =	simm.s32 @!p0 $0x3  }
0x4b2: {  	_ =	swait.ge @!p0 [sflag:s0], s1  }
0x4b3: {  	s1 =	ssub.s32 @!p0 $0x0, s1;
	[sflag:s0] =	ssyncset.done @!p0 $0x0  }
0x4b4: {  	[sflag:s0] =	ssyncadd.s32 @!p0 s1  }
0x4b5: {  	[bflag:$0x3] =	sbarrier.arrive $0xFFFF  }
0x4b6: {  	_ =	shalt  }

</sc_bundles>
